<compile_context>
chip_gen: v7x
topology: tpu7x:2x2x1
jax: 0.10.2.dev20260603
libtpu: 0.0.44.dev20260713+nightly
codegen_flags: <defaults>
</compile_context>

<pallas_src>
import functools

import jax
import jax.numpy as jnp
from jax import lax
from jax.experimental import pallas as pl
from jax.experimental.pallas import tpu as pltpu
from jax.experimental.pallas import tpu_sc as plsc

NC = 2
NS = 16
LN = 16
CH = 128
NH = 2


def _ceil_to(a, m):
    return -(-a // m) * m


def _row_chunks(total, mx):
    out = []
    while total > 0:
        sz = min(mx, total)
        out.append(sz)
        total -= sz
    return out




def _deg_body(N_pad, NCH, src_hbm, dst_hbm, deg_hbm,
              idx_v, ones_v, zero_v, hist_sh):
    c = lax.axis_index("c")
    s = lax.axis_index("s")
    rpt = N_pad // NS
    base = s * rpt

    for j in range(CH // LN):
        ones_v[pl.ds(j * LN, LN)] = jnp.ones((LN,), jnp.float32)
        zero_v[pl.ds(j * LN, LN)] = jnp.zeros((LN,), jnp.float32)

    off = 0
    for sz in _row_chunks(rpt, CH):
        pltpu.sync_copy(zero_v.at[pl.ds(0, sz)], hist_sh.at[pl.ds(base + off, sz)])
        off += sz

    row_base = s * NCH

    @pl.when(c == 0)
    def _():
        pltpu.sync_copy(src_hbm.at[pl.ds(row_base, NCH)], idx_v)

    @pl.when(c == 1)
    def _():
        pltpu.sync_copy(dst_hbm.at[pl.ds(row_base, NCH)], idx_v)

    plsc.subcore_barrier()

    def chunk(j, carry):
        pltpu.sync_copy(ones_v, hist_sh.at[idx_v.at[j]], add=True)
        return carry

    lax.fori_loop(0, NCH, chunk, 0)
    plsc.subcore_barrier()

    off = 0
    for sz in _row_chunks(rpt, CH):
        pltpu.sync_copy(hist_sh.at[pl.ds(base + off, sz)], zero_v.at[pl.ds(0, sz)])
        pltpu.sync_copy(zero_v.at[pl.ds(0, sz)],
                        deg_hbm.at[c, pl.ds(base + off, sz)])
        off += sz


def _mp_body(N_pad, DH, NCH, f0_hbm, f1_hbm, src_hbm, dst_hbm, nin_hbm,
             out_hbm, idx_s, idx_d, b0, b1, b2, b3, b4, zb, nin_v,
             g0, g1, g2, g3, g4, t0, t1, t2, t3, t4, agg_sh):
    c = lax.axis_index("c")
    s = lax.axis_index("s")
    rpt = N_pad // NS
    base = s * rpt
    bufs = [b0, b1, b2, b3, b4]
    gsem = [g0, g1, g2, g3, g4]
    tsem = [t0, t1, t2, t3, t4]
    NB = 5
    LA = 4

    row_base = s * NCH
    pltpu.sync_copy(src_hbm.at[pl.ds(row_base, NCH)], idx_s)
    pltpu.sync_copy(dst_hbm.at[pl.ds(row_base, NCH)], idx_d)
    pltpu.sync_copy(nin_hbm.at[pl.ds(base, rpt)], nin_v.at[pl.ds(0, rpt)])

    def pro(feat):
        for k in range(LA):
            pltpu.async_copy(feat.at[idx_s.at[k]], bufs[k], gsem[k])

    @pl.when(c == 0)
    def _():
        pro(f0_hbm)

    @pl.when(c == 1)
    def _():
        pro(f1_hbm)

    def zrow(i, carry):
        for j in range(DH // LN):
            zb[i, pl.ds(j * LN, LN)] = jnp.zeros((LN,), jnp.float32)
        return carry

    lax.fori_loop(0, CH, zrow, 0)
    off = 0
    for sz in _row_chunks(rpt, CH):
        pltpu.sync_copy(zb.at[pl.ds(0, sz)], agg_sh.at[pl.ds(base + off, sz)])
        off += sz
    plsc.subcore_barrier()

    def pipeline(feat):
        def group(g, carry):
            for k in range(NB):
                j = g * NB + k

                @pl.when(j < NCH)
                def _():
                    kn = (k + LA) % NB

                    @pl.when(j + LA < NCH)
                    def _():
                        @pl.when(j + LA - NB >= 0)
                        def _():
                            pltpu.make_async_copy(
                                bufs[kn], agg_sh.at[idx_d.at[0]], tsem[kn]
                            ).wait()

                        pltpu.async_copy(feat.at[idx_s.at[j + LA]],
                                         bufs[kn], gsem[kn])

                    pltpu.make_async_copy(feat.at[idx_s.at[j]],
                                          bufs[k], gsem[k]).wait()
                    pltpu.async_copy(bufs[k], agg_sh.at[idx_d.at[j]],
                                     tsem[k], add=True)

            return carry

        lax.fori_loop(0, -(-NCH // NB), group, 0)
        for k in range(NB):
            pltpu.make_async_copy(bufs[k], agg_sh.at[idx_d.at[0]],
                                  tsem[k]).wait()

    @pl.when(c == 0)
    def _():
        pipeline(f0_hbm)

    @pl.when(c == 1)
    def _():
        pipeline(f1_hbm)

    plsc.subcore_barrier()

    off = 0
    for sz in _row_chunks(rpt, CH):
        pltpu.sync_copy(agg_sh.at[pl.ds(base + off, sz)], zb.at[pl.ds(0, sz)])

        def scale(r, carry):
            v = nin_v[pl.ds(off + r, LN)][0]
            for j in range(DH // LN):
                zb[r, pl.ds(j * LN, LN)] = zb[r, pl.ds(j * LN, LN)] * v
            return carry

        lax.fori_loop(0, sz, scale, 0)
        pltpu.sync_copy(zb.at[pl.ds(0, sz)],
                        out_hbm.at[c, pl.ds(base + off, sz)])
        off += sz




def _pre_body(DH, x_ref, do_col, di_row, xn0_ref, xn1_ref, nin_ref):
    n_out = lax.rsqrt(jnp.maximum(do_col[...], 1.0))
    xn = x_ref[...] * n_out
    xn0_ref[...] = xn[:, :DH]
    xn1_ref[...] = xn[:, DH:]
    nin_ref[...] = lax.rsqrt(jnp.maximum(di_row[...], 1.0))


def _layer1_body(n_valid, DH, s0, s1, w_ref, b_ref, do_col, zn0_ref, zn1_ref):
    z = (jnp.dot(s0[...], w_ref[:DH, :],
                 preferred_element_type=jnp.float32,
                 precision=lax.Precision.HIGHEST)
         + jnp.dot(s1[...], w_ref[DH:, :],
                   preferred_element_type=jnp.float32,
                   precision=lax.Precision.HIGHEST))
    z = jnp.maximum(z + b_ref[...], 0.0)
    n_out = lax.rsqrt(jnp.maximum(do_col[...], 1.0))
    blk = z.shape[0]
    row = pl.program_id(0) * blk + lax.broadcasted_iota(jnp.int32, (blk, 1), 0)
    zn = jnp.where(row < n_valid, z * n_out, 0.0)
    zn0_ref[...] = zn[:, :DH]
    zn1_ref[...] = zn[:, DH:]


def _layer2_body(DH, s0, s1, w_ref, b_ref, out_ref):
    z = (jnp.dot(s0[...], w_ref[:DH, :],
                 preferred_element_type=jnp.float32,
                 precision=lax.Precision.HIGHEST)
         + jnp.dot(s1[...], w_ref[DH:, :],
                   preferred_element_type=jnp.float32,
                   precision=lax.Precision.HIGHEST))
    out_ref[...] = z + b_ref[...]




@jax.jit
def kernel(x, edge_index, W1, b1, W2, b2):
    N, D = x.shape
    E = edge_index.shape[1]
    DH = D // NH
    N_pad = _ceil_to(N + 1, CH)
    NCH = -(-E // (NS * CH))
    E_pad = NS * NCH * CH

    ep = jnp.pad(edge_index, ((0, 0), (0, E_pad - E)), constant_values=N)
    src = ep[0].reshape(-1, CH)
    dst = ep[1].reshape(-1, CH)
    x_pad = jnp.pad(x, ((0, N_pad - N), (0, 0)))

    mesh = plsc.VectorSubcoreMesh(core_axis_name="c", subcore_axis_name="s",
                                  num_cores=NC, num_subcores=NS)

    deg_call = pl.kernel(
        functools.partial(_deg_body, N_pad, NCH),
        out_type=jax.ShapeDtypeStruct((NC, N_pad), jnp.float32),
        mesh=mesh,
        scratch_types=[
            pltpu.VMEM((NCH, CH), jnp.int32),
            pltpu.VMEM((CH,), jnp.float32),
            pltpu.VMEM((CH,), jnp.float32),
            pltpu.VMEM_SHARED((N_pad,), jnp.float32),
        ],
        compiler_params=pltpu.CompilerParams(use_tc_tiling_on_sc=False),
    )
    deg = deg_call(src, dst)
    do_col = deg[0].reshape(N_pad, 1)
    di_row = deg[1].reshape(1, N_pad)

    mp_call = pl.kernel(
        functools.partial(_mp_body, N_pad, DH, NCH),
        out_type=jax.ShapeDtypeStruct((NC, N_pad, DH), jnp.float32),
        mesh=mesh,
        scratch_types=[
            pltpu.VMEM((NCH, CH), jnp.int32),
            pltpu.VMEM((NCH, CH), jnp.int32),
            pltpu.VMEM((CH, DH), jnp.float32),
            pltpu.VMEM((CH, DH), jnp.float32),
            pltpu.VMEM((CH, DH), jnp.float32),
            pltpu.VMEM((CH, DH), jnp.float32),
            pltpu.VMEM((CH, DH), jnp.float32),
            pltpu.VMEM((CH, DH), jnp.float32),
            pltpu.VMEM((N_pad // NS + LN,), jnp.float32),
            pltpu.SemaphoreType.DMA,
            pltpu.SemaphoreType.DMA,
            pltpu.SemaphoreType.DMA,
            pltpu.SemaphoreType.DMA,
            pltpu.SemaphoreType.DMA,
            pltpu.SemaphoreType.DMA,
            pltpu.SemaphoreType.DMA,
            pltpu.SemaphoreType.DMA,
            pltpu.SemaphoreType.DMA,
            pltpu.SemaphoreType.DMA,
            pltpu.VMEM_SHARED((N_pad, DH), jnp.float32),
        ],
        compiler_params=pltpu.CompilerParams(use_tc_tiling_on_sc=False),
    )

    tc_grid = 4
    blk = N_pad // tc_grid
    col_spec = pl.BlockSpec((blk, 1), lambda i: (i, 0))
    mat_spec = pl.BlockSpec((blk, D), lambda i: (i, 0))
    half_spec = pl.BlockSpec((blk, DH), lambda i: (i, 0))
    w_spec = pl.BlockSpec((D, D), lambda i: (0, 0))
    b_spec = pl.BlockSpec((1, D), lambda i: (0, 0))
    row_spec = pl.BlockSpec((1, N_pad), lambda i: (0, 0))

    xn0, xn1, nin2d = pl.pallas_call(
        functools.partial(_pre_body, DH),
        grid=(tc_grid,),
        in_specs=[mat_spec, col_spec, row_spec],
        out_specs=[half_spec, half_spec, row_spec],
        out_shape=[jax.ShapeDtypeStruct((N_pad, DH), jnp.float32),
                   jax.ShapeDtypeStruct((N_pad, DH), jnp.float32),
                   jax.ShapeDtypeStruct((1, N_pad), jnp.float32)],
    )(x_pad, do_col, di_row)
    nin = nin2d.reshape(N_pad)

    S1 = mp_call(xn0, xn1, src, dst, nin)

    zn0, zn1 = pl.pallas_call(
        functools.partial(_layer1_body, N, DH),
        grid=(tc_grid,),
        in_specs=[half_spec, half_spec, w_spec, b_spec, col_spec],
        out_specs=[half_spec, half_spec],
        out_shape=[jax.ShapeDtypeStruct((N_pad, DH), jnp.float32),
                   jax.ShapeDtypeStruct((N_pad, DH), jnp.float32)],
    )(S1[0], S1[1], W1, b1.reshape(1, D), do_col)

    S2 = mp_call(zn0, zn1, src, dst, nin)

    out = pl.pallas_call(
        functools.partial(_layer2_body, DH),
        grid=(tc_grid,),
        in_specs=[half_spec, half_spec, w_spec, b_spec],
        out_specs=mat_spec,
        out_shape=jax.ShapeDtypeStruct((N_pad, D), jnp.float32),
    )(S2[0], S2[1], W2, b2.reshape(1, D))

    return out[:N]

# --- scband reference (transcript-rebuilt; emitter-appended) ---
"""Pipeline reference for scband-gcnmodel-48928267436271 (READ-ONLY COPY).

The authoritative reference and input builder live on the scoring server;
editing this copy changes nothing except your own understanding.
"""

import jax, jax.numpy as jnp
import numpy as np

N = 10000
E = 320000
D_IN = 128
D_H = 128
D_OUT = 128


def setup_inputs(seed: int = 0) -> dict:
    key = jax.random.key(seed)
    k1, k2, k3, k4, k5, k6 = jax.random.split(key, 6)
    x = jax.random.normal(k1, (N, D_IN), dtype=jnp.float32)
    edge_index = jax.random.randint(k2, (2, E), 0, N, dtype=jnp.int32)
    W1 = jax.random.normal(k3, (D_IN, D_H), dtype=jnp.float32) * 0.05
    b1 = jnp.zeros((D_H,), dtype=jnp.float32)
    W2 = jax.random.normal(k4, (D_H, D_OUT), dtype=jnp.float32) * 0.05
    b2 = jnp.zeros((D_OUT,), dtype=jnp.float32)
    return {"x": x, "edge_index": edge_index, "W1": W1, "b1": b1, "W2": W2, "b2": b2}


def reference(x, edge_index, W1, b1, W2, b2):
    # DGL GraphConv with norm='both': h = D_in^{-1/2} * A^T * (D_out^{-1/2} * X W) + b
    src = edge_index[0]
    dst = edge_index[1]
    ones = jnp.ones((E,), dtype=jnp.float32)
    deg_out = jax.ops.segment_sum(ones, src, num_segments=N)
    deg_in = jax.ops.segment_sum(ones, dst, num_segments=N)
    norm_out = jnp.clip(deg_out, 1.0, None) ** -0.5
    norm_in = jnp.clip(deg_in, 1.0, None) ** -0.5

    def gconv(feat, W, b):
        h = (feat * norm_out[:, None]) @ W
        msgs = jnp.take(h, src, axis=0)
        agg = jax.ops.segment_sum(msgs, dst, num_segments=N)
        return agg * norm_in[:, None] + b

    h = jax.nn.relu(gconv(x, W1, b1))
    out = gconv(h, W2, b2)
    return out

if __name__ == "__main__":
    import jax
    _d = setup_inputs()
    print(jax.jit(kernel)(*tuple(_d.values())))

</pallas_src>

<mosaic_0001>
#map = affine_map<(d0, d1) -> (0, 0)>
#map1 = affine_map<(d0, d1) -> (0)>
#map2 = affine_map<(d0, d1) -> (0, 0, 0)>
module attributes {stable_mosaic.version = 14 : i64} {
  func.func @_mp_body(%arg0: i32, %arg1: i32, %arg2: memref<10112x64xf32, #tpu.memory_space<hbm>>, %arg3: memref<10112x64xf32, #tpu.memory_space<hbm>>, %arg4: memref<2512x128xi32, #tpu.memory_space<hbm>>, %arg5: memref<2512x128xi32, #tpu.memory_space<hbm>>, %arg6: memref<10112xf32, #tpu.memory_space<hbm>>, %arg7: memref<2x10112x64xf32, #tpu.memory_space<hbm>>, %arg8: memref<157x128xi32, #tpu.memory_space<vmem>>, %arg9: memref<157x128xi32, #tpu.memory_space<vmem>>, %arg10: memref<128x64xf32, #tpu.memory_space<vmem>>, %arg11: memref<128x64xf32, #tpu.memory_space<vmem>>, %arg12: memref<128x64xf32, #tpu.memory_space<vmem>>, %arg13: memref<128x64xf32, #tpu.memory_space<vmem>>, %arg14: memref<128x64xf32, #tpu.memory_space<vmem>>, %arg15: memref<128x64xf32, #tpu.memory_space<vmem>>, %arg16: memref<648xf32, #tpu.memory_space<vmem>>, %arg17: memref<!tpu.dma_semaphore, #tpu.memory_space<semaphore_mem>>, %arg18: memref<!tpu.dma_semaphore, #tpu.memory_space<semaphore_mem>>, %arg19: memref<!tpu.dma_semaphore, #tpu.memory_space<semaphore_mem>>, %arg20: memref<!tpu.dma_semaphore, #tpu.memory_space<semaphore_mem>>, %arg21: memref<!tpu.dma_semaphore, #tpu.memory_space<semaphore_mem>>, %arg22: memref<!tpu.dma_semaphore, #tpu.memory_space<semaphore_mem>>, %arg23: memref<!tpu.dma_semaphore, #tpu.memory_space<semaphore_mem>>, %arg24: memref<!tpu.dma_semaphore, #tpu.memory_space<semaphore_mem>>, %arg25: memref<!tpu.dma_semaphore, #tpu.memory_space<semaphore_mem>>, %arg26: memref<!tpu.dma_semaphore, #tpu.memory_space<semaphore_mem>>, %arg27: memref<10112x64xf32, #tpu.memory_space<vmem_shared>>) attributes {dimension_semantics = [#tpu.dimension_semantics<core_parallel>, #tpu.dimension_semantics<subcore_parallel>], iteration_bounds = array<i64: 2, 16>, scalar_prefetch = 0 : i64, scratch_operands = 20 : i64, tpu.core_type = #tpu.core_type<sc_vector_subcore>, window_params = [{transform_indices = #map}, {transform_indices = #map}, {transform_indices = #map}, {transform_indices = #map}, {transform_indices = #map1}, {transform_indices = #map2}]} {
    %mul3A = arith.constant 632 : i32
    %mul3A_0 = arith.muli %arg1, %mul3A : i32
    %mul3A_1 = arith.constant 157 : i32
    %mul3A_2 = arith.muli %arg1, %mul3A_1 : i32
    "tpu.region"() ({
      %run_scoped3A = tpu.sem_alloc : memref<!tpu.dma_semaphore, #tpu.memory_space<semaphore_mem>>
      %dma_start3A = arith.constant 0 : i32
      %dma_start3A_85 = tpu.memref_slice %arg4[%mul3A_2, %dma_start3A] : memref<2512x128xi32, #tpu.memory_space<hbm>> -> memref<157x128xi32, #tpu.memory_space<hbm>>
      %dma_start3A_86 = arith.constant 0 : i32
      %dma_start3A_87 = tpu.memref_slice %arg4[%mul3A_2, %dma_start3A_86] : memref<2512x128xi32, #tpu.memory_space<hbm>> -> memref<157x128xi32, #tpu.memory_space<hbm>>
      tpu.enqueue_dma source(%dma_start3A_87 : memref<157x128xi32, #tpu.memory_space<hbm>>) target(%arg8 : memref<157x128xi32, #tpu.memory_space<vmem>>) target_semaphore(%run_scoped3A : memref<!tpu.dma_semaphore, #tpu.memory_space<semaphore_mem>>)
      %dma_wait3A = arith.constant 0 : i32
      %dma_wait3A_88 = tpu.memref_slice %arg4[%mul3A_2, %dma_wait3A] : memref<2512x128xi32, #tpu.memory_space<hbm>> -> memref<157x128xi32, #tpu.memory_space<hbm>>
      %dma_wait3A_89 = arith.constant 0 : i32
      %dma_wait3A_90 = tpu.memref_slice %arg4[%mul3A_2, %dma_wait3A_89] : memref<2512x128xi32, #tpu.memory_space<hbm>> -> memref<157x128xi32, #tpu.memory_space<hbm>>
      tpu.wait_dma2 semaphore(%run_scoped3A : memref<!tpu.dma_semaphore, #tpu.memory_space<semaphore_mem>>) src(%dma_wait3A_90 : memref<157x128xi32, #tpu.memory_space<hbm>>) dst(%arg8 : memref<157x128xi32, #tpu.memory_space<vmem>>)
      tpu.yield
    }) : () -> ()
    "tpu.region"() ({
      %run_scoped3A = tpu.sem_alloc : memref<!tpu.dma_semaphore, #tpu.memory_space<semaphore_mem>>
      %dma_start3A = arith.constant 0 : i32
      %dma_start3A_85 = tpu.memref_slice %arg5[%mul3A_2, %dma_start3A] : memref<2512x128xi32, #tpu.memory_space<hbm>> -> memref<157x128xi32, #tpu.memory_space<hbm>>
      %dma_start3A_86 = arith.constant 0 : i32
      %dma_start3A_87 = tpu.memref_slice %arg5[%mul3A_2, %dma_start3A_86] : memref<2512x128xi32, #tpu.memory_space<hbm>> -> memref<157x128xi32, #tpu.memory_space<hbm>>
      tpu.enqueue_dma source(%dma_start3A_87 : memref<157x128xi32, #tpu.memory_space<hbm>>) target(%arg9 : memref<157x128xi32, #tpu.memory_space<vmem>>) target_semaphore(%run_scoped3A : memref<!tpu.dma_semaphore, #tpu.memory_space<semaphore_mem>>)
      %dma_wait3A = arith.constant 0 : i32
      %dma_wait3A_88 = tpu.memref_slice %arg5[%mul3A_2, %dma_wait3A] : memref<2512x128xi32, #tpu.memory_space<hbm>> -> memref<157x128xi32, #tpu.memory_space<hbm>>
      %dma_wait3A_89 = arith.constant 0 : i32
      %dma_wait3A_90 = tpu.memref_slice %arg5[%mul3A_2, %dma_wait3A_89] : memref<2512x128xi32, #tpu.memory_space<hbm>> -> memref<157x128xi32, #tpu.memory_space<hbm>>
      tpu.wait_dma2 semaphore(%run_scoped3A : memref<!tpu.dma_semaphore, #tpu.memory_space<semaphore_mem>>) src(%dma_wait3A_90 : memref<157x128xi32, #tpu.memory_space<hbm>>) dst(%arg9 : memref<157x128xi32, #tpu.memory_space<vmem>>)
      tpu.yield
    }) : () -> ()
    "tpu.region"() ({
      %run_scoped3A = tpu.sem_alloc : memref<!tpu.dma_semaphore, #tpu.memory_space<semaphore_mem>>
      %dma_start3A = arith.constant 0 : i32
      %dma_start3A_85 = tpu.memref_slice %arg16[%dma_start3A] : memref<648xf32, #tpu.memory_space<vmem>> -> memref<632xf32, #tpu.memory_space<vmem>>
      %dma_start3A_86 = tpu.memref_slice %arg6[%mul3A_0] : memref<10112xf32, #tpu.memory_space<hbm>> -> memref<632xf32, #tpu.memory_space<hbm>>
      %dma_start3A_87 = arith.constant 0 : i32
      %dma_start3A_88 = tpu.memref_slice %arg16[%dma_start3A_87] : memref<648xf32, #tpu.memory_space<vmem>> -> memref<632xf32, #tpu.memory_space<vmem>>
      %dma_start3A_89 = tpu.memref_slice %arg6[%mul3A_0] : memref<10112xf32, #tpu.memory_space<hbm>> -> memref<632xf32, #tpu.memory_space<hbm>>
      tpu.enqueue_dma source(%dma_start3A_89 : memref<632xf32, #tpu.memory_space<hbm>>) target(%dma_start3A_88 : memref<632xf32, #tpu.memory_space<vmem>>) target_semaphore(%run_scoped3A : memref<!tpu.dma_semaphore, #tpu.memory_space<semaphore_mem>>)
      %dma_wait3A = arith.constant 0 : i32
      %dma_wait3A_90 = tpu.memref_slice %arg16[%dma_wait3A] : memref<648xf32, #tpu.memory_space<vmem>> -> memref<632xf32, #tpu.memory_space<vmem>>
      %dma_wait3A_91 = tpu.memref_slice %arg6[%mul3A_0] : memref<10112xf32, #tpu.memory_space<hbm>> -> memref<632xf32, #tpu.memory_space<hbm>>
      %dma_wait3A_92 = arith.constant 0 : i32
      %dma_wait3A_93 = tpu.memref_slice %arg16[%dma_wait3A_92] : memref<648xf32, #tpu.memory_space<vmem>> -> memref<632xf32, #tpu.memory_space<vmem>>
      %dma_wait3A_94 = tpu.memref_slice %arg6[%mul3A_0] : memref<10112xf32, #tpu.memory_space<hbm>> -> memref<632xf32, #tpu.memory_space<hbm>>
      tpu.wait_dma2 semaphore(%run_scoped3A : memref<!tpu.dma_semaphore, #tpu.memory_space<semaphore_mem>>) src(%dma_wait3A_94 : memref<632xf32, #tpu.memory_space<hbm>>) dst(%dma_wait3A_93 : memref<632xf32, #tpu.memory_space<vmem>>)
      tpu.yield
    }) : () -> ()
    %eq3A = arith.constant 0 : i32
    %eq3A_3 = arith.cmpi eq, %arg0, %eq3A : i32
    %convert_element_type3A = arith.extui %eq3A_3 : i1 to i32
    %cond3A = arith.constant 0 : i32
    %cond3A_4 = arith.cmpi ne, %convert_element_type3A, %cond3A : i32
    scf.if %cond3A_4 {
      %dma_start3A = arith.constant 0 : i32
      %dma_start3A_85 = arith.constant 0 : i32
      %dma_start3A_86 = tpu.memref_slice %arg8[%dma_start3A, %dma_start3A_85] : memref<157x128xi32, #tpu.memory_space<vmem>> -> memref<1x128xi32, #tpu.memory_space<vmem>>
      %dma_start3A_87 = tpu.memref_squeeze %dma_start3A_86 : memref<1x128xi32, #tpu.memory_space<vmem>> -> memref<128xi32, #tpu.memory_space<vmem>>
      %dma_start3A_88 = arith.constant 0 : i32
      %dma_start3A_89 = arith.constant 0 : i32
      %dma_start3A_90 = tpu.memref_slice %arg2[%dma_start3A_88, %dma_start3A_89] : memref<10112x64xf32, #tpu.memory_space<hbm>> -> memref<10112x64xf32, #tpu.memory_space<hbm>>
      tpu.enqueue_indirect_dma source(%dma_start3A_90 : memref<10112x64xf32, #tpu.memory_space<hbm>>) target(%arg10 : memref<128x64xf32, #tpu.memory_space<vmem>>) offsets(%dma_start3A_87 : memref<128xi32, #tpu.memory_space<vmem>>) semaphore(%arg17 : memref<!tpu.dma_semaphore, #tpu.memory_space<semaphore_mem>>)
      %dma_start3A_91 = arith.constant 1 : i32
      %dma_start3A_92 = arith.constant 0 : i32
      %dma_start3A_93 = tpu.memref_slice %arg8[%dma_start3A_91, %dma_start3A_92] : memref<157x128xi32, #tpu.memory_space<vmem>> -> memref<1x128xi32, #tpu.memory_space<vmem>>
      %dma_start3A_94 = tpu.memref_squeeze %dma_start3A_93 : memref<1x128xi32, #tpu.memory_space<vmem>> -> memref<128xi32, #tpu.memory_space<vmem>>
      %dma_start3A_95 = arith.constant 0 : i32
      %dma_start3A_96 = arith.constant 0 : i32
      %dma_start3A_97 = tpu.memref_slice %arg2[%dma_start3A_95, %dma_start3A_96] : memref<10112x64xf32, #tpu.memory_space<hbm>> -> memref<10112x64xf32, #tpu.memory_space<hbm>>
      tpu.enqueue_indirect_dma source(%dma_start3A_97 : memref<10112x64xf32, #tpu.memory_space<hbm>>) target(%arg11 : memref<128x64xf32, #tpu.memory_space<vmem>>) offsets(%dma_start3A_94 : memref<128xi32, #tpu.memory_space<vmem>>) semaphore(%arg18 : memref<!tpu.dma_semaphore, #tpu.memory_space<semaphore_mem>>)
      %dma_start3A_98 = arith.constant 2 : i32
      %dma_start3A_99 = arith.constant 0 : i32
      %dma_start3A_100 = tpu.memref_slice %arg8[%dma_start3A_98, %dma_start3A_99] : memref<157x128xi32, #tpu.memory_space<vmem>> -> memref<1x128xi32, #tpu.memory_space<vmem>>
      %dma_start3A_101 = tpu.memref_squeeze %dma_start3A_100 : memref<1x128xi32, #tpu.memory_space<vmem>> -> memref<128xi32, #tpu.memory_space<vmem>>
      %dma_start3A_102 = arith.constant 0 : i32
      %dma_start3A_103 = arith.constant 0 : i32
      %dma_start3A_104 = tpu.memref_slice %arg2[%dma_start3A_102, %dma_start3A_103] : memref<10112x64xf32, #tpu.memory_space<hbm>> -> memref<10112x64xf32, #tpu.memory_space<hbm>>
      tpu.enqueue_indirect_dma source(%dma_start3A_104 : memref<10112x64xf32, #tpu.memory_space<hbm>>) target(%arg12 : memref<128x64xf32, #tpu.memory_space<vmem>>) offsets(%dma_start3A_101 : memref<128xi32, #tpu.memory_space<vmem>>) semaphore(%arg19 : memref<!tpu.dma_semaphore, #tpu.memory_space<semaphore_mem>>)
      %dma_start3A_105 = arith.constant 3 : i32
      %dma_start3A_106 = arith.constant 0 : i32
      %dma_start3A_107 = tpu.memref_slice %arg8[%dma_start3A_105, %dma_start3A_106] : memref<157x128xi32, #tpu.memory_space<vmem>> -> memref<1x128xi32, #tpu.memory_space<vmem>>
      %dma_start3A_108 = tpu.memref_squeeze %dma_start3A_107 : memref<1x128xi32, #tpu.memory_space<vmem>> -> memref<128xi32, #tpu.memory_space<vmem>>
      %dma_start3A_109 = arith.constant 0 : i32
      %dma_start3A_110 = arith.constant 0 : i32
      %dma_start3A_111 = tpu.memref_slice %arg2[%dma_start3A_109, %dma_start3A_110] : memref<10112x64xf32, #tpu.memory_space<hbm>> -> memref<10112x64xf32, #tpu.memory_space<hbm>>
      tpu.enqueue_indirect_dma source(%dma_start3A_111 : memref<10112x64xf32, #tpu.memory_space<hbm>>) target(%arg13 : memref<128x64xf32, #tpu.memory_space<vmem>>) offsets(%dma_start3A_108 : memref<128xi32, #tpu.memory_space<vmem>>) semaphore(%arg20 : memref<!tpu.dma_semaphore, #tpu.memory_space<semaphore_mem>>)
    } else {
    }
    %eq3A_5 = arith.constant 1 : i32
    %eq3A_6 = arith.cmpi eq, %arg0, %eq3A_5 : i32
    %convert_element_type3A_7 = arith.extui %eq3A_6 : i1 to i32
    %cond3A_8 = arith.constant 0 : i32
    %cond3A_9 = arith.cmpi ne, %convert_element_type3A_7, %cond3A_8 : i32
    scf.if %cond3A_9 {
      %dma_start3A = arith.constant 0 : i32
      %dma_start3A_85 = arith.constant 0 : i32
      %dma_start3A_86 = tpu.memref_slice %arg8[%dma_start3A, %dma_start3A_85] : memref<157x128xi32, #tpu.memory_space<vmem>> -> memref<1x128xi32, #tpu.memory_space<vmem>>
      %dma_start3A_87 = tpu.memref_squeeze %dma_start3A_86 : memref<1x128xi32, #tpu.memory_space<vmem>> -> memref<128xi32, #tpu.memory_space<vmem>>
      %dma_start3A_88 = arith.constant 0 : i32
      %dma_start3A_89 = arith.constant 0 : i32
      %dma_start3A_90 = tpu.memref_slice %arg3[%dma_start3A_88, %dma_start3A_89] : memref<10112x64xf32, #tpu.memory_space<hbm>> -> memref<10112x64xf32, #tpu.memory_space<hbm>>
      tpu.enqueue_indirect_dma source(%dma_start3A_90 : memref<10112x64xf32, #tpu.memory_space<hbm>>) target(%arg10 : memref<128x64xf32, #tpu.memory_space<vmem>>) offsets(%dma_start3A_87 : memref<128xi32, #tpu.memory_space<vmem>>) semaphore(%arg17 : memref<!tpu.dma_semaphore, #tpu.memory_space<semaphore_mem>>)
      %dma_start3A_91 = arith.constant 1 : i32
      %dma_start3A_92 = arith.constant 0 : i32
      %dma_start3A_93 = tpu.memref_slice %arg8[%dma_start3A_91, %dma_start3A_92] : memref<157x128xi32, #tpu.memory_space<vmem>> -> memref<1x128xi32, #tpu.memory_space<vmem>>
      %dma_start3A_94 = tpu.memref_squeeze %dma_start3A_93 : memref<1x128xi32, #tpu.memory_space<vmem>> -> memref<128xi32, #tpu.memory_space<vmem>>
      %dma_start3A_95 = arith.constant 0 : i32
      %dma_start3A_96 = arith.constant 0 : i32
      %dma_start3A_97 = tpu.memref_slice %arg3[%dma_start3A_95, %dma_start3A_96] : memref<10112x64xf32, #tpu.memory_space<hbm>> -> memref<10112x64xf32, #tpu.memory_space<hbm>>
      tpu.enqueue_indirect_dma source(%dma_start3A_97 : memref<10112x64xf32, #tpu.memory_space<hbm>>) target(%arg11 : memref<128x64xf32, #tpu.memory_space<vmem>>) offsets(%dma_start3A_94 : memref<128xi32, #tpu.memory_space<vmem>>) semaphore(%arg18 : memref<!tpu.dma_semaphore, #tpu.memory_space<semaphore_mem>>)
      %dma_start3A_98 = arith.constant 2 : i32
      %dma_start3A_99 = arith.constant 0 : i32
      %dma_start3A_100 = tpu.memref_slice %arg8[%dma_start3A_98, %dma_start3A_99] : memref<157x128xi32, #tpu.memory_space<vmem>> -> memref<1x128xi32, #tpu.memory_space<vmem>>
      %dma_start3A_101 = tpu.memref_squeeze %dma_start3A_100 : memref<1x128xi32, #tpu.memory_space<vmem>> -> memref<128xi32, #tpu.memory_space<vmem>>
      %dma_start3A_102 = arith.constant 0 : i32
      %dma_start3A_103 = arith.constant 0 : i32
      %dma_start3A_104 = tpu.memref_slice %arg3[%dma_start3A_102, %dma_start3A_103] : memref<10112x64xf32, #tpu.memory_space<hbm>> -> memref<10112x64xf32, #tpu.memory_space<hbm>>
      tpu.enqueue_indirect_dma source(%dma_start3A_104 : memref<10112x64xf32, #tpu.memory_space<hbm>>) target(%arg12 : memref<128x64xf32, #tpu.memory_space<vmem>>) offsets(%dma_start3A_101 : memref<128xi32, #tpu.memory_space<vmem>>) semaphore(%arg19 : memref<!tpu.dma_semaphore, #tpu.memory_space<semaphore_mem>>)
      %dma_start3A_105 = arith.constant 3 : i32
      %dma_start3A_106 = arith.constant 0 : i32
      %dma_start3A_107 = tpu.memref_slice %arg8[%dma_start3A_105, %dma_start3A_106] : memref<157x128xi32, #tpu.memory_space<vmem>> -> memref<1x128xi32, #tpu.memory_space<vmem>>
      %dma_start3A_108 = tpu.memref_squeeze %dma_start3A_107 : memref<1x128xi32, #tpu.memory_space<vmem>> -> memref<128xi32, #tpu.memory_space<vmem>>
      %dma_start3A_109 = arith.constant 0 : i32
      %dma_start3A_110 = arith.constant 0 : i32
      %dma_start3A_111 = tpu.memref_slice %arg3[%dma_start3A_109, %dma_start3A_110] : memref<10112x64xf32, #tpu.memory_space<hbm>> -> memref<10112x64xf32, #tpu.memory_space<hbm>>
      tpu.enqueue_indirect_dma source(%dma_start3A_111 : memref<10112x64xf32, #tpu.memory_space<hbm>>) target(%arg13 : memref<128x64xf32, #tpu.memory_space<vmem>>) offsets(%dma_start3A_108 : memref<128xi32, #tpu.memory_space<vmem>>) semaphore(%arg20 : memref<!tpu.dma_semaphore, #tpu.memory_space<semaphore_mem>>)
    } else {
    }
    %scan3A = arith.constant 0 : i32
    %scan3A_10 = arith.constant 0 : i32
    %scan3A_11 = arith.constant 128 : i32
    %scan3A_12 = arith.addi %scan3A_10, %scan3A_11 : i32
    %scan3A_13 = arith.constant 1 : i32
    scf.for %scan3A_85 = %scan3A_10 to %scan3A_12 step %scan3A_13  : i32 {
      %broadcast_in_dim3A = arith.constant 0.000000e+00 : f32
      %broadcast_in_dim3A_86 = vector.broadcast %broadcast_in_dim3A : f32 to vector<16xf32>
      %swap3A = arith.index_cast %scan3A_85 : i32 to index
      %swap3A_87 = arith.constant 0 : index
      %swap3A_88 = tpu.vector_load %arg15[%swap3A, %swap3A_87] {strides = array<i32>} : memref<128x64xf32, #tpu.memory_space<vmem>>, vector<1x16xf32>,
      %swap3A_89 = vector.shape_cast %swap3A_88 : vector<1x16xf32> to vector<16xf32>
      %swap3A_90 = vector.shape_cast %broadcast_in_dim3A_86 : vector<16xf32> to vector<1x16xf32>
      tpu.vector_store %arg15[%swap3A, %swap3A_87], %swap3A_90 {strides = array<i32>} : memref<128x64xf32, #tpu.memory_space<vmem>>, vector<1x16xf32>,
      %broadcast_in_dim3A_91 = arith.constant 0.000000e+00 : f32
      %broadcast_in_dim3A_92 = vector.broadcast %broadcast_in_dim3A_91 : f32 to vector<16xf32>
      %swap3A_93 = arith.index_cast %scan3A_85 : i32 to index
      %swap3A_94 = arith.constant 16 : index
      %swap3A_95 = tpu.vector_load %arg15[%swap3A_93, %swap3A_94] {strides = array<i32>} : memref<128x64xf32, #tpu.memory_space<vmem>>, vector<1x16xf32>,
      %swap3A_96 = vector.shape_cast %swap3A_95 : vector<1x16xf32> to vector<16xf32>
      %swap3A_97 = vector.shape_cast %broadcast_in_dim3A_92 : vector<16xf32> to vector<1x16xf32>
      tpu.vector_store %arg15[%swap3A_93, %swap3A_94], %swap3A_97 {strides = array<i32>} : memref<128x64xf32, #tpu.memory_space<vmem>>, vector<1x16xf32>,
      %broadcast_in_dim3A_98 = arith.constant 0.000000e+00 : f32
      %broadcast_in_dim3A_99 = vector.broadcast %broadcast_in_dim3A_98 : f32 to vector<16xf32>
      %swap3A_100 = arith.index_cast %scan3A_85 : i32 to index
      %swap3A_101 = arith.constant 32 : index
      %swap3A_102 = tpu.vector_load %arg15[%swap3A_100, %swap3A_101] {strides = array<i32>} : memref<128x64xf32, #tpu.memory_space<vmem>>, vector<1x16xf32>,
      %swap3A_103 = vector.shape_cast %swap3A_102 : vector<1x16xf32> to vector<16xf32>
      %swap3A_104 = vector.shape_cast %broadcast_in_dim3A_99 : vector<16xf32> to vector<1x16xf32>
      tpu.vector_store %arg15[%swap3A_100, %swap3A_101], %swap3A_104 {strides = array<i32>} : memref<128x64xf32, #tpu.memory_space<vmem>>, vector<1x16xf32>,
      %broadcast_in_dim3A_105 = arith.constant 0.000000e+00 : f32
      %broadcast_in_dim3A_106 = vector.broadcast %broadcast_in_dim3A_105 : f32 to vector<16xf32>
      %swap3A_107 = arith.index_cast %scan3A_85 : i32 to index
      %swap3A_108 = arith.constant 48 : index
      %swap3A_109 = tpu.vector_load %arg15[%swap3A_107, %swap3A_108] {strides = array<i32>} : memref<128x64xf32, #tpu.memory_space<vmem>>, vector<1x16xf32>,
      %swap3A_110 = vector.shape_cast %swap3A_109 : vector<1x16xf32> to vector<16xf32>
      %swap3A_111 = vector.shape_cast %broadcast_in_dim3A_106 : vector<16xf32> to vector<1x16xf32>
      tpu.vector_store %arg15[%swap3A_107, %swap3A_108], %swap3A_111 {strides = array<i32>} : memref<128x64xf32, #tpu.memory_space<vmem>>, vector<1x16xf32>,
    }
    %scan3A_14 = arith.constant 128 : i32
    %add3A = arith.constant 0 : i32
    %add3A_15 = arith.addi %mul3A_0, %add3A : i32
    "tpu.region"() ({
      %run_scoped3A = tpu.sem_alloc : memref<!tpu.dma_semaphore, #tpu.memory_space<semaphore_mem>>
      %dma_start3A = arith.constant 0 : i32
      %dma_start3A_85 = arith.constant 0 : i32
      %dma_start3A_86 = tpu.memref_slice %arg15[%dma_start3A, %dma_start3A_85] : memref<128x64xf32, #tpu.memory_space<vmem>> -> memref<128x64xf32, #tpu.memory_space<vmem>>
      %dma_start3A_87 = arith.constant 0 : i32
      %dma_start3A_88 = tpu.memref_slice %arg27[%add3A_15, %dma_start3A_87] : memref<10112x64xf32, #tpu.memory_space<vmem_shared>> -> memref<128x64xf32, #tpu.memory_space<vmem_shared>>
      %dma_start3A_89 = arith.constant 0 : i32
      %dma_start3A_90 = tpu.memref_slice %arg27[%add3A_15, %dma_start3A_89] : memref<10112x64xf32, #tpu.memory_space<vmem_shared>> -> memref<128x64xf32, #tpu.memory_space<vmem_shared>>
      %dma_start3A_91 = arith.constant 0 : i32
      %dma_start3A_92 = arith.constant 0 : i32
      %dma_start3A_93 = tpu.memref_slice %arg15[%dma_start3A_91, %dma_start3A_92] : memref<128x64xf32, #tpu.memory_space<vmem>> -> memref<128x64xf32, #tpu.memory_space<vmem>>
      tpu.enqueue_dma source(%dma_start3A_93 : memref<128x64xf32, #tpu.memory_space<vmem>>) target(%dma_start3A_90 : memref<128x64xf32, #tpu.memory_space<vmem_shared>>) target_semaphore(%run_scoped3A : memref<!tpu.dma_semaphore, #tpu.memory_space<semaphore_mem>>)
      %dma_wait3A = arith.constant 0 : i32
      %dma_wait3A_94 = arith.constant 0 : i32
      %dma_wait3A_95 = tpu.memref_slice %arg15[%dma_wait3A, %dma_wait3A_94] : memref<128x64xf32, #tpu.memory_space<vmem>> -> memref<128x64xf32, #tpu.memory_space<vmem>>
      %dma_wait3A_96 = arith.constant 0 : i32
      %dma_wait3A_97 = tpu.memref_slice %arg27[%add3A_15, %dma_wait3A_96] : memref<10112x64xf32, #tpu.memory_space<vmem_shared>> -> memref<128x64xf32, #tpu.memory_space<vmem_shared>>
      %dma_wait3A_98 = arith.constant 0 : i32
      %dma_wait3A_99 = tpu.memref_slice %arg27[%add3A_15, %dma_wait3A_98] : memref<10112x64xf32, #tpu.memory_space<vmem_shared>> -> memref<128x64xf32, #tpu.memory_space<vmem_shared>>
      %dma_wait3A_100 = arith.constant 0 : i32
      %dma_wait3A_101 = arith.constant 0 : i32
      %dma_wait3A_102 = tpu.memref_slice %arg15[%dma_wait3A_100, %dma_wait3A_101] : memref<128x64xf32, #tpu.memory_space<vmem>> -> memref<128x64xf32, #tpu.memory_space<vmem>>
      tpu.wait_dma2 semaphore(%run_scoped3A : memref<!tpu.dma_semaphore, #tpu.memory_space<semaphore_mem>>) src(%dma_wait3A_102 : memref<128x64xf32, #tpu.memory_space<vmem>>) dst(%dma_wait3A_99 : memref<128x64xf32, #tpu.memory_space<vmem_shared>>)
      tpu.yield
    }) : () -> ()
    %add3A_16 = arith.constant 128 : i32
    %add3A_17 = arith.addi %mul3A_0, %add3A_16 : i32
    "tpu.region"() ({
      %run_scoped3A = tpu.sem_alloc : memref<!tpu.dma_semaphore, #tpu.memory_space<semaphore_mem>>
      %dma_start3A = arith.constant 0 : i32
      %dma_start3A_85 = arith.constant 0 : i32
      %dma_start3A_86 = tpu.memref_slice %arg15[%dma_start3A, %dma_start3A_85] : memref<128x64xf32, #tpu.memory_space<vmem>> -> memref<128x64xf32, #tpu.memory_space<vmem>>
      %dma_start3A_87 = arith.constant 0 : i32
      %dma_start3A_88 = tpu.memref_slice %arg27[%add3A_17, %dma_start3A_87] : memref<10112x64xf32, #tpu.memory_space<vmem_shared>> -> memref<128x64xf32, #tpu.memory_space<vmem_shared>>
      %dma_start3A_89 = arith.constant 0 : i32
      %dma_start3A_90 = tpu.memref_slice %arg27[%add3A_17, %dma_start3A_89] : memref<10112x64xf32, #tpu.memory_space<vmem_shared>> -> memref<128x64xf32, #tpu.memory_space<vmem_shared>>
      %dma_start3A_91 = arith.constant 0 : i32
      %dma_start3A_92 = arith.constant 0 : i32
      %dma_start3A_93 = tpu.memref_slice %arg15[%dma_start3A_91, %dma_start3A_92] : memref<128x64xf32, #tpu.memory_space<vmem>> -> memref<128x64xf32, #tpu.memory_space<vmem>>
      tpu.enqueue_dma source(%dma_start3A_93 : memref<128x64xf32, #tpu.memory_space<vmem>>) target(%dma_start3A_90 : memref<128x64xf32, #tpu.memory_space<vmem_shared>>) target_semaphore(%run_scoped3A : memref<!tpu.dma_semaphore, #tpu.memory_space<semaphore_mem>>)
      %dma_wait3A = arith.constant 0 : i32
      %dma_wait3A_94 = arith.constant 0 : i32
      %dma_wait3A_95 = tpu.memref_slice %arg15[%dma_wait3A, %dma_wait3A_94] : memref<128x64xf32, #tpu.memory_space<vmem>> -> memref<128x64xf32, #tpu.memory_space<vmem>>
      %dma_wait3A_96 = arith.constant 0 : i32
      %dma_wait3A_97 = tpu.memref_slice %arg27[%add3A_17, %dma_wait3A_96] : memref<10112x64xf32, #tpu.memory_space<vmem_shared>> -> memref<128x64xf32, #tpu.memory_space<vmem_shared>>
      %dma_wait3A_98 = arith.constant 0 : i32
      %dma_wait3A_99 = tpu.memref_slice %arg27[%add3A_17, %dma_wait3A_98] : memref<10112x64xf32, #tpu.memory_space<vmem_shared>> -> memref<128x64xf32, #tpu.memory_space<vmem_shared>>
      %dma_wait3A_100 = arith.constant 0 : i32
      %dma_wait3A_101 = arith.constant 0 : i32
      %dma_wait3A_102 = tpu.memref_slice %arg15[%dma_wait3A_100, %dma_wait3A_101] : memref<128x64xf32, #tpu.memory_space<vmem>> -> memref<128x64xf32, #tpu.memory_space<vmem>>
      tpu.wait_dma2 semaphore(%run_scoped3A : memref<!tpu.dma_semaphore, #tpu.memory_space<semaphore_mem>>) src(%dma_wait3A_102 : memref<128x64xf32, #tpu.memory_space<vmem>>) dst(%dma_wait3A_99 : memref<128x64xf32, #tpu.memory_space<vmem_shared>>)
      tpu.yield
    }) : () -> ()
    %add3A_18 = arith.constant 256 : i32
    %add3A_19 = arith.addi %mul3A_0, %add3A_18 : i32
    "tpu.region"() ({
      %run_scoped3A = tpu.sem_alloc : memref<!tpu.dma_semaphore, #tpu.memory_space<semaphore_mem>>
      %dma_start3A = arith.constant 0 : i32
      %dma_start3A_85 = arith.constant 0 : i32
      %dma_start3A_86 = tpu.memref_slice %arg15[%dma_start3A, %dma_start3A_85] : memref<128x64xf32, #tpu.memory_space<vmem>> -> memref<128x64xf32, #tpu.memory_space<vmem>>
      %dma_start3A_87 = arith.constant 0 : i32
      %dma_start3A_88 = tpu.memref_slice %arg27[%add3A_19, %dma_start3A_87] : memref<10112x64xf32, #tpu.memory_space<vmem_shared>> -> memref<128x64xf32, #tpu.memory_space<vmem_shared>>
      %dma_start3A_89 = arith.constant 0 : i32
      %dma_start3A_90 = tpu.memref_slice %arg27[%add3A_19, %dma_start3A_89] : memref<10112x64xf32, #tpu.memory_space<vmem_shared>> -> memref<128x64xf32, #tpu.memory_space<vmem_shared>>
      %dma_start3A_91 = arith.constant 0 : i32
      %dma_start3A_92 = arith.constant 0 : i32
      %dma_start3A_93 = tpu.memref_slice %arg15[%dma_start3A_91, %dma_start3A_92] : memref<128x64xf32, #tpu.memory_space<vmem>> -> memref<128x64xf32, #tpu.memory_space<vmem>>
      tpu.enqueue_dma source(%dma_start3A_93 : memref<128x64xf32, #tpu.memory_space<vmem>>) target(%dma_start3A_90 : memref<128x64xf32, #tpu.memory_space<vmem_shared>>) target_semaphore(%run_scoped3A : memref<!tpu.dma_semaphore, #tpu.memory_space<semaphore_mem>>)
      %dma_wait3A = arith.constant 0 : i32
      %dma_wait3A_94 = arith.constant 0 : i32
      %dma_wait3A_95 = tpu.memref_slice %arg15[%dma_wait3A, %dma_wait3A_94] : memref<128x64xf32, #tpu.memory_space<vmem>> -> memref<128x64xf32, #tpu.memory_space<vmem>>
      %dma_wait3A_96 = arith.constant 0 : i32
      %dma_wait3A_97 = tpu.memref_slice %arg27[%add3A_19, %dma_wait3A_96] : memref<10112x64xf32, #tpu.memory_space<vmem_shared>> -> memref<128x64xf32, #tpu.memory_space<vmem_shared>>
      %dma_wait3A_98 = arith.constant 0 : i32
      %dma_wait3A_99 = tpu.memref_slice %arg27[%add3A_19, %dma_wait3A_98] : memref<10112x64xf32, #tpu.memory_space<vmem_shared>> -> memref<128x64xf32, #tpu.memory_space<vmem_shared>>
      %dma_wait3A_100 = arith.constant 0 : i32
      %dma_wait3A_101 = arith.constant 0 : i32
      %dma_wait3A_102 = tpu.memref_slice %arg15[%dma_wait3A_100, %dma_wait3A_101] : memref<128x64xf32, #tpu.memory_space<vmem>> -> memref<128x64xf32, #tpu.memory_space<vmem>>
      tpu.wait_dma2 semaphore(%run_scoped3A : memref<!tpu.dma_semaphore, #tpu.memory_space<semaphore_mem>>) src(%dma_wait3A_102 : memref<128x64xf32, #tpu.memory_space<vmem>>) dst(%dma_wait3A_99 : memref<128x64xf32, #tpu.memory_space<vmem_shared>>)
      tpu.yield
    }) : () -> ()
    %add3A_20 = arith.constant 384 : i32
    %add3A_21 = arith.addi %mul3A_0, %add3A_20 : i32
    "tpu.region"() ({
      %run_scoped3A = tpu.sem_alloc : memref<!tpu.dma_semaphore, #tpu.memory_space<semaphore_mem>>
      %dma_start3A = arith.constant 0 : i32
      %dma_start3A_85 = arith.constant 0 : i32
      %dma_start3A_86 = tpu.memref_slice %arg15[%dma_start3A, %dma_start3A_85] : memref<128x64xf32, #tpu.memory_space<vmem>> -> memref<128x64xf32, #tpu.memory_space<vmem>>
      %dma_start3A_87 = arith.constant 0 : i32
      %dma_start3A_88 = tpu.memref_slice %arg27[%add3A_21, %dma_start3A_87] : memref<10112x64xf32, #tpu.memory_space<vmem_shared>> -> memref<128x64xf32, #tpu.memory_space<vmem_shared>>
      %dma_start3A_89 = arith.constant 0 : i32
      %dma_start3A_90 = tpu.memref_slice %arg27[%add3A_21, %dma_start3A_89] : memref<10112x64xf32, #tpu.memory_space<vmem_shared>> -> memref<128x64xf32, #tpu.memory_space<vmem_shared>>
      %dma_start3A_91 = arith.constant 0 : i32
      %dma_start3A_92 = arith.constant 0 : i32
      %dma_start3A_93 = tpu.memref_slice %arg15[%dma_start3A_91, %dma_start3A_92] : memref<128x64xf32, #tpu.memory_space<vmem>> -> memref<128x64xf32, #tpu.memory_space<vmem>>
      tpu.enqueue_dma source(%dma_start3A_93 : memref<128x64xf32, #tpu.memory_space<vmem>>) target(%dma_start3A_90 : memref<128x64xf32, #tpu.memory_space<vmem_shared>>) target_semaphore(%run_scoped3A : memref<!tpu.dma_semaphore, #tpu.memory_space<semaphore_mem>>)
      %dma_wait3A = arith.constant 0 : i32
      %dma_wait3A_94 = arith.constant 0 : i32
      %dma_wait3A_95 = tpu.memref_slice %arg15[%dma_wait3A, %dma_wait3A_94] : memref<128x64xf32, #tpu.memory_space<vmem>> -> memref<128x64xf32, #tpu.memory_space<vmem>>
      %dma_wait3A_96 = arith.constant 0 : i32
      %dma_wait3A_97 = tpu.memref_slice %arg27[%add3A_21, %dma_wait3A_96] : memref<10112x64xf32, #tpu.memory_space<vmem_shared>> -> memref<128x64xf32, #tpu.memory_space<vmem_shared>>
      %dma_wait3A_98 = arith.constant 0 : i32
      %dma_wait3A_99 = tpu.memref_slice %arg27[%add3A_21, %dma_wait3A_98] : memref<10112x64xf32, #tpu.memory_space<vmem_shared>> -> memref<128x64xf32, #tpu.memory_space<vmem_shared>>
      %dma_wait3A_100 = arith.constant 0 : i32
      %dma_wait3A_101 = arith.constant 0 : i32
      %dma_wait3A_102 = tpu.memref_slice %arg15[%dma_wait3A_100, %dma_wait3A_101] : memref<128x64xf32, #tpu.memory_space<vmem>> -> memref<128x64xf32, #tpu.memory_space<vmem>>
      tpu.wait_dma2 semaphore(%run_scoped3A : memref<!tpu.dma_semaphore, #tpu.memory_space<semaphore_mem>>) src(%dma_wait3A_102 : memref<128x64xf32, #tpu.memory_space<vmem>>) dst(%dma_wait3A_99 : memref<128x64xf32, #tpu.memory_space<vmem_shared>>)
      tpu.yield
    }) : () -> ()
    %add3A_22 = arith.constant 512 : i32
    %add3A_23 = arith.addi %mul3A_0, %add3A_22 : i32
    "tpu.region"() ({
      %run_scoped3A = tpu.sem_alloc : memref<!tpu.dma_semaphore, #tpu.memory_space<semaphore_mem>>
      %dma_start3A = arith.constant 0 : i32
      %dma_start3A_85 = arith.constant 0 : i32
      %dma_start3A_86 = tpu.memref_slice %arg15[%dma_start3A, %dma_start3A_85] : memref<128x64xf32, #tpu.memory_space<vmem>> -> memref<120x64xf32, #tpu.memory_space<vmem>>
      %dma_start3A_87 = arith.constant 0 : i32
      %dma_start3A_88 = tpu.memref_slice %arg27[%add3A_23, %dma_start3A_87] : memref<10112x64xf32, #tpu.memory_space<vmem_shared>> -> memref<120x64xf32, #tpu.memory_space<vmem_shared>>
      %dma_start3A_89 = arith.constant 0 : i32
      %dma_start3A_90 = tpu.memref_slice %arg27[%add3A_23, %dma_start3A_89] : memref<10112x64xf32, #tpu.memory_space<vmem_shared>> -> memref<120x64xf32, #tpu.memory_space<vmem_shared>>
      %dma_start3A_91 = arith.constant 0 : i32
      %dma_start3A_92 = arith.constant 0 : i32
      %dma_start3A_93 = tpu.memref_slice %arg15[%dma_start3A_91, %dma_start3A_92] : memref<128x64xf32, #tpu.memory_space<vmem>> -> memref<120x64xf32, #tpu.memory_space<vmem>>
      tpu.enqueue_dma source(%dma_start3A_93 : memref<120x64xf32, #tpu.memory_space<vmem>>) target(%dma_start3A_90 : memref<120x64xf32, #tpu.memory_space<vmem_shared>>) target_semaphore(%run_scoped3A : memref<!tpu.dma_semaphore, #tpu.memory_space<semaphore_mem>>)
      %dma_wait3A = arith.constant 0 : i32
      %dma_wait3A_94 = arith.constant 0 : i32
      %dma_wait3A_95 = tpu.memref_slice %arg15[%dma_wait3A, %dma_wait3A_94] : memref<128x64xf32, #tpu.memory_space<vmem>> -> memref<120x64xf32, #tpu.memory_space<vmem>>
      %dma_wait3A_96 = arith.constant 0 : i32
      %dma_wait3A_97 = tpu.memref_slice %arg27[%add3A_23, %dma_wait3A_96] : memref<10112x64xf32, #tpu.memory_space<vmem_shared>> -> memref<120x64xf32, #tpu.memory_space<vmem_shared>>
      %dma_wait3A_98 = arith.constant 0 : i32
      %dma_wait3A_99 = tpu.memref_slice %arg27[%add3A_23, %dma_wait3A_98] : memref<10112x64xf32, #tpu.memory_space<vmem_shared>> -> memref<120x64xf32, #tpu.memory_space<vmem_shared>>
      %dma_wait3A_100 = arith.constant 0 : i32
      %dma_wait3A_101 = arith.constant 0 : i32
      %dma_wait3A_102 = tpu.memref_slice %arg15[%dma_wait3A_100, %dma_wait3A_101] : memref<128x64xf32, #tpu.memory_space<vmem>> -> memref<120x64xf32, #tpu.memory_space<vmem>>
      tpu.wait_dma2 semaphore(%run_scoped3A : memref<!tpu.dma_semaphore, #tpu.memory_space<semaphore_mem>>) src(%dma_wait3A_102 : memref<120x64xf32, #tpu.memory_space<vmem>>) dst(%dma_wait3A_99 : memref<120x64xf32, #tpu.memory_space<vmem_shared>>)
      tpu.yield
    }) : () -> ()
    %barrier3A = arith.constant 0 : index
    tpu.barrier barrier_id(%barrier3A)
    %eq3A_24 = arith.constant 0 : i32
    %eq3A_25 = arith.cmpi eq, %arg0, %eq3A_24 : i32
    %convert_element_type3A_26 = arith.extui %eq3A_25 : i1 to i32
    %cond3A_27 = arith.constant 0 : i32
    %cond3A_28 = arith.cmpi ne, %convert_element_type3A_26, %cond3A_27 : i32
    scf.if %cond3A_28 {
      %scan3A_85 = arith.constant 0 : i32
      %scan3A_86 = arith.constant 0 : i32
      %scan3A_87 = arith.constant 32 : i32
      %scan3A_88 = arith.addi %scan3A_86, %scan3A_87 : i32
      %scan3A_89 = arith.constant 1 : i32
      scf.for %scan3A_125 = %scan3A_86 to %scan3A_88 step %scan3A_89  : i32 {
        %mul3A_126 = arith.constant 5 : i32
        %mul3A_127 = arith.muli %scan3A_125, %mul3A_126 : i32
        %add3A_128 = arith.constant 0 : i32
        %add3A_129 = arith.addi %mul3A_127, %add3A_128 : i32
        %lt3A = arith.constant 157 : i32
        %lt3A_130 = arith.cmpi slt, %add3A_129, %lt3A : i32
        %convert_element_type3A_131 = arith.extui %lt3A_130 : i1 to i32
        %cond3A_132 = arith.constant 0 : i32
        %cond3A_133 = arith.cmpi ne, %convert_element_type3A_131, %cond3A_132 : i32
        scf.if %cond3A_133 {
          %add3A_170 = arith.constant 4 : i32
          %add3A_171 = arith.addi %add3A_129, %add3A_170 : i32
          %lt3A_172 = arith.constant 157 : i32
          %lt3A_173 = arith.cmpi slt, %add3A_171, %lt3A_172 : i32
          %convert_element_type3A_174 = arith.extui %lt3A_173 : i1 to i32
          %cond3A_175 = arith.constant 0 : i32
          %cond3A_176 = arith.cmpi ne, %convert_element_type3A_174, %cond3A_175 : i32
          scf.if %cond3A_176 {
            %add3A_188 = arith.constant 4 : i32
            %add3A_189 = arith.addi %add3A_129, %add3A_188 : i32
            %sub3A = arith.constant 5 : i32
            %sub3A_190 = arith.subi %add3A_189, %sub3A : i32
            %ge3A = arith.constant 0 : i32
            %ge3A_191 = arith.cmpi sge, %sub3A_190, %ge3A : i32
            %convert_element_type3A_192 = arith.extui %ge3A_191 : i1 to i32
            %cond3A_193 = arith.constant 0 : i32
            %cond3A_194 = arith.cmpi ne, %convert_element_type3A_192, %cond3A_193 : i32
            scf.if %cond3A_194 {
              %dma_wait3A_203 = arith.constant 0 : i32
              %dma_wait3A_204 = arith.constant 0 : i32
              %dma_wait3A_205 = tpu.memref_slice %arg9[%dma_wait3A_203, %dma_wait3A_204] : memref<157x128xi32, #tpu.memory_space<vmem>> -> memref<1x128xi32, #tpu.memory_space<vmem>>
              %dma_wait3A_206 = tpu.memref_squeeze %dma_wait3A_205 : memref<1x128xi32, #tpu.memory_space<vmem>> -> memref<128xi32, #tpu.memory_space<vmem>>
              %dma_wait3A_207 = arith.constant 0 : i32
              %dma_wait3A_208 = arith.constant 0 : i32
              %dma_wait3A_209 = tpu.memref_slice %arg27[%dma_wait3A_207, %dma_wait3A_208] : memref<10112x64xf32, #tpu.memory_space<vmem_shared>> -> memref<10112x64xf32, #tpu.memory_space<vmem_shared>>
              tpu.wait_indirect_dma semaphore(%arg26 : memref<!tpu.dma_semaphore, #tpu.memory_space<semaphore_mem>>) src(%arg14 : memref<128x64xf32, #tpu.memory_space<vmem>>) dst(%dma_wait3A_209 : memref<10112x64xf32, #tpu.memory_space<vmem_shared>>)
            } else {
            }
            %add3A_195 = arith.constant 4 : i32
            %add3A_196 = arith.addi %add3A_129, %add3A_195 : i32
            %dma_start3A_197 = arith.constant 0 : i32
            %dma_start3A_198 = tpu.memref_slice %arg8[%add3A_196, %dma_start3A_197] : memref<157x128xi32, #tpu.memory_space<vmem>> -> memref<1x128xi32, #tpu.memory_space<vmem>>
            %dma_start3A_199 = tpu.memref_squeeze %dma_start3A_198 : memref<1x128xi32, #tpu.memory_space<vmem>> -> memref<128xi32, #tpu.memory_space<vmem>>
            %dma_start3A_200 = arith.constant 0 : i32
            %dma_start3A_201 = arith.constant 0 : i32
            %dma_start3A_202 = tpu.memref_slice %arg2[%dma_start3A_200, %dma_start3A_201] : memref<10112x64xf32, #tpu.memory_space<hbm>> -> memref<10112x64xf32, #tpu.memory_space<hbm>>
            tpu.enqueue_indirect_dma source(%dma_start3A_202 : memref<10112x64xf32, #tpu.memory_space<hbm>>) target(%arg14 : memref<128x64xf32, #tpu.memory_space<vmem>>) offsets(%dma_start3A_199 : memref<128xi32, #tpu.memory_space<vmem>>) semaphore(%arg21 : memref<!tpu.dma_semaphore, #tpu.memory_space<semaphore_mem>>)
          } else {
          }
          %dma_wait3A_177 = arith.constant 0 : i32
          %dma_wait3A_178 = tpu.memref_slice %arg8[%add3A_129, %dma_wait3A_177] : memref<157x128xi32, #tpu.memory_space<vmem>> -> memref<1x128xi32, #tpu.memory_space<vmem>>
          %dma_wait3A_179 = tpu.memref_squeeze %dma_wait3A_178 : memref<1x128xi32, #tpu.memory_space<vmem>> -> memref<128xi32, #tpu.memory_space<vmem>>
          %dma_wait3A_180 = arith.constant 0 : i32
          %dma_wait3A_181 = arith.constant 0 : i32
          %dma_wait3A_182 = tpu.memref_slice %arg2[%dma_wait3A_180, %dma_wait3A_181] : memref<10112x64xf32, #tpu.memory_space<hbm>> -> memref<10112x64xf32, #tpu.memory_space<hbm>>
          tpu.wait_indirect_dma semaphore(%arg17 : memref<!tpu.dma_semaphore, #tpu.memory_space<semaphore_mem>>) src(%dma_wait3A_182 : memref<10112x64xf32, #tpu.memory_space<hbm>>) dst(%arg10 : memref<128x64xf32, #tpu.memory_space<vmem>>)
          %dma_start3A = arith.constant 0 : i32
          %dma_start3A_183 = tpu.memref_slice %arg9[%add3A_129, %dma_start3A] : memref<157x128xi32, #tpu.memory_space<vmem>> -> memref<1x128xi32, #tpu.memory_space<vmem>>
          %dma_start3A_184 = tpu.memref_squeeze %dma_start3A_183 : memref<1x128xi32, #tpu.memory_space<vmem>> -> memref<128xi32, #tpu.memory_space<vmem>>
          %dma_start3A_185 = arith.constant 0 : i32
          %dma_start3A_186 = arith.constant 0 : i32
          %dma_start3A_187 = tpu.memref_slice %arg27[%dma_start3A_185, %dma_start3A_186] : memref<10112x64xf32, #tpu.memory_space<vmem_shared>> -> memref<10112x64xf32, #tpu.memory_space<vmem_shared>>
          tpu.enqueue_indirect_dma source(%arg10 : memref<128x64xf32, #tpu.memory_space<vmem>>) target(%dma_start3A_187 : memref<10112x64xf32, #tpu.memory_space<vmem_shared>>) offsets(%dma_start3A_184 : memref<128xi32, #tpu.memory_space<vmem>>) semaphore(%arg22 : memref<!tpu.dma_semaphore, #tpu.memory_space<semaphore_mem>>) {add = true}
        } else {
        }
        %mul3A_134 = arith.constant 5 : i32
        %mul3A_135 = arith.muli %scan3A_125, %mul3A_134 : i32
        %add3A_136 = arith.constant 1 : i32
        %add3A_137 = arith.addi %mul3A_135, %add3A_136 : i32
        %lt3A_138 = arith.constant 157 : i32
        %lt3A_139 = arith.cmpi slt, %add3A_137, %lt3A_138 : i32
        %convert_element_type3A_140 = arith.extui %lt3A_139 : i1 to i32
        %cond3A_141 = arith.constant 0 : i32
        %cond3A_142 = arith.cmpi ne, %convert_element_type3A_140, %cond3A_141 : i32
        scf.if %cond3A_142 {
          %add3A_170 = arith.constant 4 : i32
          %add3A_171 = arith.addi %add3A_137, %add3A_170 : i32
          %lt3A_172 = arith.constant 157 : i32
          %lt3A_173 = arith.cmpi slt, %add3A_171, %lt3A_172 : i32
          %convert_element_type3A_174 = arith.extui %lt3A_173 : i1 to i32
          %cond3A_175 = arith.constant 0 : i32
          %cond3A_176 = arith.cmpi ne, %convert_element_type3A_174, %cond3A_175 : i32
          scf.if %cond3A_176 {
            %add3A_188 = arith.constant 4 : i32
            %add3A_189 = arith.addi %add3A_137, %add3A_188 : i32
            %sub3A = arith.constant 5 : i32
            %sub3A_190 = arith.subi %add3A_189, %sub3A : i32
            %ge3A = arith.constant 0 : i32
            %ge3A_191 = arith.cmpi sge, %sub3A_190, %ge3A : i32
            %convert_element_type3A_192 = arith.extui %ge3A_191 : i1 to i32
            %cond3A_193 = arith.constant 0 : i32
            %cond3A_194 = arith.cmpi ne, %convert_element_type3A_192, %cond3A_193 : i32
            scf.if %cond3A_194 {
              %dma_wait3A_203 = arith.constant 0 : i32
              %dma_wait3A_204 = arith.constant 0 : i32
              %dma_wait3A_205 = tpu.memref_slice %arg9[%dma_wait3A_203, %dma_wait3A_204] : memref<157x128xi32, #tpu.memory_space<vmem>> -> memref<1x128xi32, #tpu.memory_space<vmem>>
              %dma_wait3A_206 = tpu.memref_squeeze %dma_wait3A_205 : memref<1x128xi32, #tpu.memory_space<vmem>> -> memref<128xi32, #tpu.memory_space<vmem>>
              %dma_wait3A_207 = arith.constant 0 : i32
              %dma_wait3A_208 = arith.constant 0 : i32
              %dma_wait3A_209 = tpu.memref_slice %arg27[%dma_wait3A_207, %dma_wait3A_208] : memref<10112x64xf32, #tpu.memory_space<vmem_shared>> -> memref<10112x64xf32, #tpu.memory_space<vmem_shared>>
              tpu.wait_indirect_dma semaphore(%arg22 : memref<!tpu.dma_semaphore, #tpu.memory_space<semaphore_mem>>) src(%arg10 : memref<128x64xf32, #tpu.memory_space<vmem>>) dst(%dma_wait3A_209 : memref<10112x64xf32, #tpu.memory_space<vmem_shared>>)
            } else {
            }
            %add3A_195 = arith.constant 4 : i32
            %add3A_196 = arith.addi %add3A_137, %add3A_195 : i32
            %dma_start3A_197 = arith.constant 0 : i32
            %dma_start3A_198 = tpu.memref_slice %arg8[%add3A_196, %dma_start3A_197] : memref<157x128xi32, #tpu.memory_space<vmem>> -> memref<1x128xi32, #tpu.memory_space<vmem>>
            %dma_start3A_199 = tpu.memref_squeeze %dma_start3A_198 : memref<1x128xi32, #tpu.memory_space<vmem>> -> memref<128xi32, #tpu.memory_space<vmem>>
            %dma_start3A_200 = arith.constant 0 : i32
            %dma_start3A_201 = arith.constant 0 : i32
            %dma_start3A_202 = tpu.memref_slice %arg2[%dma_start3A_200, %dma_start3A_201] : memref<10112x64xf32, #tpu.memory_space<hbm>> -> memref<10112x64xf32, #tpu.memory_space<hbm>>
            tpu.enqueue_indirect_dma source(%dma_start3A_202 : memref<10112x64xf32, #tpu.memory_space<hbm>>) target(%arg10 : memref<128x64xf32, #tpu.memory_space<vmem>>) offsets(%dma_start3A_199 : memref<128xi32, #tpu.memory_space<vmem>>) semaphore(%arg17 : memref<!tpu.dma_semaphore, #tpu.memory_space<semaphore_mem>>)
          } else {
          }
          %dma_wait3A_177 = arith.constant 0 : i32
          %dma_wait3A_178 = tpu.memref_slice %arg8[%add3A_137, %dma_wait3A_177] : memref<157x128xi32, #tpu.memory_space<vmem>> -> memref<1x128xi32, #tpu.memory_space<vmem>>
          %dma_wait3A_179 = tpu.memref_squeeze %dma_wait3A_178 : memref<1x128xi32, #tpu.memory_space<vmem>> -> memref<128xi32, #tpu.memory_space<vmem>>
          %dma_wait3A_180 = arith.constant 0 : i32
          %dma_wait3A_181 = arith.constant 0 : i32
          %dma_wait3A_182 = tpu.memref_slice %arg2[%dma_wait3A_180, %dma_wait3A_181] : memref<10112x64xf32, #tpu.memory_space<hbm>> -> memref<10112x64xf32, #tpu.memory_space<hbm>>
          tpu.wait_indirect_dma semaphore(%arg18 : memref<!tpu.dma_semaphore, #tpu.memory_space<semaphore_mem>>) src(%dma_wait3A_182 : memref<10112x64xf32, #tpu.memory_space<hbm>>) dst(%arg11 : memref<128x64xf32, #tpu.memory_space<vmem>>)
          %dma_start3A = arith.constant 0 : i32
          %dma_start3A_183 = tpu.memref_slice %arg9[%add3A_137, %dma_start3A] : memref<157x128xi32, #tpu.memory_space<vmem>> -> memref<1x128xi32, #tpu.memory_space<vmem>>
          %dma_start3A_184 = tpu.memref_squeeze %dma_start3A_183 : memref<1x128xi32, #tpu.memory_space<vmem>> -> memref<128xi32, #tpu.memory_space<vmem>>
          %dma_start3A_185 = arith.constant 0 : i32
          %dma_start3A_186 = arith.constant 0 : i32
          %dma_start3A_187 = tpu.memref_slice %arg27[%dma_start3A_185, %dma_start3A_186] : memref<10112x64xf32, #tpu.memory_space<vmem_shared>> -> memref<10112x64xf32, #tpu.memory_space<vmem_shared>>
          tpu.enqueue_indirect_dma source(%arg11 : memref<128x64xf32, #tpu.memory_space<vmem>>) target(%dma_start3A_187 : memref<10112x64xf32, #tpu.memory_space<vmem_shared>>) offsets(%dma_start3A_184 : memref<128xi32, #tpu.memory_space<vmem>>) semaphore(%arg23 : memref<!tpu.dma_semaphore, #tpu.memory_space<semaphore_mem>>) {add = true}
        } else {
        }
        %mul3A_143 = arith.constant 5 : i32
        %mul3A_144 = arith.muli %scan3A_125, %mul3A_143 : i32
        %add3A_145 = arith.constant 2 : i32
        %add3A_146 = arith.addi %mul3A_144, %add3A_145 : i32
        %lt3A_147 = arith.constant 157 : i32
        %lt3A_148 = arith.cmpi slt, %add3A_146, %lt3A_147 : i32
        %convert_element_type3A_149 = arith.extui %lt3A_148 : i1 to i32
        %cond3A_150 = arith.constant 0 : i32
        %cond3A_151 = arith.cmpi ne, %convert_element_type3A_149, %cond3A_150 : i32
        scf.if %cond3A_151 {
          %add3A_170 = arith.constant 4 : i32
          %add3A_171 = arith.addi %add3A_146, %add3A_170 : i32
          %lt3A_172 = arith.constant 157 : i32
          %lt3A_173 = arith.cmpi slt, %add3A_171, %lt3A_172 : i32
          %convert_element_type3A_174 = arith.extui %lt3A_173 : i1 to i32
          %cond3A_175 = arith.constant 0 : i32
          %cond3A_176 = arith.cmpi ne, %convert_element_type3A_174, %cond3A_175 : i32
          scf.if %cond3A_176 {
            %add3A_188 = arith.constant 4 : i32
            %add3A_189 = arith.addi %add3A_146, %add3A_188 : i32
            %sub3A = arith.constant 5 : i32
            %sub3A_190 = arith.subi %add3A_189, %sub3A : i32
            %ge3A = arith.constant 0 : i32
            %ge3A_191 = arith.cmpi sge, %sub3A_190, %ge3A : i32
            %convert_element_type3A_192 = arith.extui %ge3A_191 : i1 to i32
            %cond3A_193 = arith.constant 0 : i32
            %cond3A_194 = arith.cmpi ne, %convert_element_type3A_192, %cond3A_193 : i32
            scf.if %cond3A_194 {
              %dma_wait3A_203 = arith.constant 0 : i32
              %dma_wait3A_204 = arith.constant 0 : i32
              %dma_wait3A_205 = tpu.memref_slice %arg9[%dma_wait3A_203, %dma_wait3A_204] : memref<157x128xi32, #tpu.memory_space<vmem>> -> memref<1x128xi32, #tpu.memory_space<vmem>>
              %dma_wait3A_206 = tpu.memref_squeeze %dma_wait3A_205 : memref<1x128xi32, #tpu.memory_space<vmem>> -> memref<128xi32, #tpu.memory_space<vmem>>
              %dma_wait3A_207 = arith.constant 0 : i32
              %dma_wait3A_208 = arith.constant 0 : i32
              %dma_wait3A_209 = tpu.memref_slice %arg27[%dma_wait3A_207, %dma_wait3A_208] : memref<10112x64xf32, #tpu.memory_space<vmem_shared>> -> memref<10112x64xf32, #tpu.memory_space<vmem_shared>>
              tpu.wait_indirect_dma semaphore(%arg23 : memref<!tpu.dma_semaphore, #tpu.memory_space<semaphore_mem>>) src(%arg11 : memref<128x64xf32, #tpu.memory_space<vmem>>) dst(%dma_wait3A_209 : memref<10112x64xf32, #tpu.memory_space<vmem_shared>>)
            } else {
            }
            %add3A_195 = arith.constant 4 : i32
            %add3A_196 = arith.addi %add3A_146, %add3A_195 : i32
            %dma_start3A_197 = arith.constant 0 : i32
            %dma_start3A_198 = tpu.memref_slice %arg8[%add3A_196, %dma_start3A_197] : memref<157x128xi32, #tpu.memory_space<vmem>> -> memref<1x128xi32, #tpu.memory_space<vmem>>
            %dma_start3A_199 = tpu.memref_squeeze %dma_start3A_198 : memref<1x128xi32, #tpu.memory_space<vmem>> -> memref<128xi32, #tpu.memory_space<vmem>>
            %dma_start3A_200 = arith.constant 0 : i32
            %dma_start3A_201 = arith.constant 0 : i32
            %dma_start3A_202 = tpu.memref_slice %arg2[%dma_start3A_200, %dma_start3A_201] : memref<10112x64xf32, #tpu.memory_space<hbm>> -> memref<10112x64xf32, #tpu.memory_space<hbm>>
            tpu.enqueue_indirect_dma source(%dma_start3A_202 : memref<10112x64xf32, #tpu.memory_space<hbm>>) target(%arg11 : memref<128x64xf32, #tpu.memory_space<vmem>>) offsets(%dma_start3A_199 : memref<128xi32, #tpu.memory_space<vmem>>) semaphore(%arg18 : memref<!tpu.dma_semaphore, #tpu.memory_space<semaphore_mem>>)
          } else {
          }
          %dma_wait3A_177 = arith.constant 0 : i32
          %dma_wait3A_178 = tpu.memref_slice %arg8[%add3A_146, %dma_wait3A_177] : memref<157x128xi32, #tpu.memory_space<vmem>> -> memref<1x128xi32, #tpu.memory_space<vmem>>
          %dma_wait3A_179 = tpu.memref_squeeze %dma_wait3A_178 : memref<1x128xi32, #tpu.memory_space<vmem>> -> memref<128xi32, #tpu.memory_space<vmem>>
          %dma_wait3A_180 = arith.constant 0 : i32
          %dma_wait3A_181 = arith.constant 0 : i32
          %dma_wait3A_182 = tpu.memref_slice %arg2[%dma_wait3A_180, %dma_wait3A_181] : memref<10112x64xf32, #tpu.memory_space<hbm>> -> memref<10112x64xf32, #tpu.memory_space<hbm>>
          tpu.wait_indirect_dma semaphore(%arg19 : memref<!tpu.dma_semaphore, #tpu.memory_space<semaphore_mem>>) src(%dma_wait3A_182 : memref<10112x64xf32, #tpu.memory_space<hbm>>) dst(%arg12 : memref<128x64xf32, #tpu.memory_space<vmem>>)
          %dma_start3A = arith.constant 0 : i32
          %dma_start3A_183 = tpu.memref_slice %arg9[%add3A_146, %dma_start3A] : memref<157x128xi32, #tpu.memory_space<vmem>> -> memref<1x128xi32, #tpu.memory_space<vmem>>
          %dma_start3A_184 = tpu.memref_squeeze %dma_start3A_183 : memref<1x128xi32, #tpu.memory_space<vmem>> -> memref<128xi32, #tpu.memory_space<vmem>>
          %dma_start3A_185 = arith.constant 0 : i32
          %dma_start3A_186 = arith.constant 0 : i32
          %dma_start3A_187 = tpu.memref_slice %arg27[%dma_start3A_185, %dma_start3A_186] : memref<10112x64xf32, #tpu.memory_space<vmem_shared>> -> memref<10112x64xf32, #tpu.memory_space<vmem_shared>>
          tpu.enqueue_indirect_dma source(%arg12 : memref<128x64xf32, #tpu.memory_space<vmem>>) target(%dma_start3A_187 : memref<10112x64xf32, #tpu.memory_space<vmem_shared>>) offsets(%dma_start3A_184 : memref<128xi32, #tpu.memory_space<vmem>>) semaphore(%arg24 : memref<!tpu.dma_semaphore, #tpu.memory_space<semaphore_mem>>) {add = true}
        } else {
        }
        %mul3A_152 = arith.constant 5 : i32
        %mul3A_153 = arith.muli %scan3A_125, %mul3A_152 : i32
        %add3A_154 = arith.constant 3 : i32
        %add3A_155 = arith.addi %mul3A_153, %add3A_154 : i32
        %lt3A_156 = arith.constant 157 : i32
        %lt3A_157 = arith.cmpi slt, %add3A_155, %lt3A_156 : i32
        %convert_element_type3A_158 = arith.extui %lt3A_157 : i1 to i32
        %cond3A_159 = arith.constant 0 : i32
        %cond3A_160 = arith.cmpi ne, %convert_element_type3A_158, %cond3A_159 : i32
        scf.if %cond3A_160 {
          %add3A_170 = arith.constant 4 : i32
          %add3A_171 = arith.addi %add3A_155, %add3A_170 : i32
          %lt3A_172 = arith.constant 157 : i32
          %lt3A_173 = arith.cmpi slt, %add3A_171, %lt3A_172 : i32
          %convert_element_type3A_174 = arith.extui %lt3A_173 : i1 to i32
          %cond3A_175 = arith.constant 0 : i32
          %cond3A_176 = arith.cmpi ne, %convert_element_type3A_174, %cond3A_175 : i32
          scf.if %cond3A_176 {
            %add3A_188 = arith.constant 4 : i32
            %add3A_189 = arith.addi %add3A_155, %add3A_188 : i32
            %sub3A = arith.constant 5 : i32
            %sub3A_190 = arith.subi %add3A_189, %sub3A : i32
            %ge3A = arith.constant 0 : i32
            %ge3A_191 = arith.cmpi sge, %sub3A_190, %ge3A : i32
            %convert_element_type3A_192 = arith.extui %ge3A_191 : i1 to i32
            %cond3A_193 = arith.constant 0 : i32
            %cond3A_194 = arith.cmpi ne, %convert_element_type3A_192, %cond3A_193 : i32
            scf.if %cond3A_194 {
              %dma_wait3A_203 = arith.constant 0 : i32
              %dma_wait3A_204 = arith.constant 0 : i32
              %dma_wait3A_205 = tpu.memref_slice %arg9[%dma_wait3A_203, %dma_wait3A_204] : memref<157x128xi32, #tpu.memory_space<vmem>> -> memref<1x128xi32, #tpu.memory_space<vmem>>
              %dma_wait3A_206 = tpu.memref_squeeze %dma_wait3A_205 : memref<1x128xi32, #tpu.memory_space<vmem>> -> memref<128xi32, #tpu.memory_space<vmem>>
              %dma_wait3A_207 = arith.constant 0 : i32
              %dma_wait3A_208 = arith.constant 0 : i32
              %dma_wait3A_209 = tpu.memref_slice %arg27[%dma_wait3A_207, %dma_wait3A_208] : memref<10112x64xf32, #tpu.memory_space<vmem_shared>> -> memref<10112x64xf32, #tpu.memory_space<vmem_shared>>
              tpu.wait_indirect_dma semaphore(%arg24 : memref<!tpu.dma_semaphore, #tpu.memory_space<semaphore_mem>>) src(%arg12 : memref<128x64xf32, #tpu.memory_space<vmem>>) dst(%dma_wait3A_209 : memref<10112x64xf32, #tpu.memory_space<vmem_shared>>)
            } else {
            }
            %add3A_195 = arith.constant 4 : i32
            %add3A_196 = arith.addi %add3A_155, %add3A_195 : i32
            %dma_start3A_197 = arith.constant 0 : i32
            %dma_start3A_198 = tpu.memref_slice %arg8[%add3A_196, %dma_start3A_197] : memref<157x128xi32, #tpu.memory_space<vmem>> -> memref<1x128xi32, #tpu.memory_space<vmem>>
            %dma_start3A_199 = tpu.memref_squeeze %dma_start3A_198 : memref<1x128xi32, #tpu.memory_space<vmem>> -> memref<128xi32, #tpu.memory_space<vmem>>
            %dma_start3A_200 = arith.constant 0 : i32
            %dma_start3A_201 = arith.constant 0 : i32
            %dma_start3A_202 = tpu.memref_slice %arg2[%dma_start3A_200, %dma_start3A_201] : memref<10112x64xf32, #tpu.memory_space<hbm>> -> memref<10112x64xf32, #tpu.memory_space<hbm>>
            tpu.enqueue_indirect_dma source(%dma_start3A_202 : memref<10112x64xf32, #tpu.memory_space<hbm>>) target(%arg12 : memref<128x64xf32, #tpu.memory_space<vmem>>) offsets(%dma_start3A_199 : memref<128xi32, #tpu.memory_space<vmem>>) semaphore(%arg19 : memref<!tpu.dma_semaphore, #tpu.memory_space<semaphore_mem>>)
          } else {
          }
          %dma_wait3A_177 = arith.constant 0 : i32
          %dma_wait3A_178 = tpu.memref_slice %arg8[%add3A_155, %dma_wait3A_177] : memref<157x128xi32, #tpu.memory_space<vmem>> -> memref<1x128xi32, #tpu.memory_space<vmem>>
          %dma_wait3A_179 = tpu.memref_squeeze %dma_wait3A_178 : memref<1x128xi32, #tpu.memory_space<vmem>> -> memref<128xi32, #tpu.memory_space<vmem>>
          %dma_wait3A_180 = arith.constant 0 : i32
          %dma_wait3A_181 = arith.constant 0 : i32
          %dma_wait3A_182 = tpu.memref_slice %arg2[%dma_wait3A_180, %dma_wait3A_181] : memref<10112x64xf32, #tpu.memory_space<hbm>> -> memref<10112x64xf32, #tpu.memory_space<hbm>>
          tpu.wait_indirect_dma semaphore(%arg20 : memref<!tpu.dma_semaphore, #tpu.memory_space<semaphore_mem>>) src(%dma_wait3A_182 : memref<10112x64xf32, #tpu.memory_space<hbm>>) dst(%arg13 : memref<128x64xf32, #tpu.memory_space<vmem>>)
          %dma_start3A = arith.constant 0 : i32
          %dma_start3A_183 = tpu.memref_slice %arg9[%add3A_155, %dma_start3A] : memref<157x128xi32, #tpu.memory_space<vmem>> -> memref<1x128xi32, #tpu.memory_space<vmem>>
          %dma_start3A_184 = tpu.memref_squeeze %dma_start3A_183 : memref<1x128xi32, #tpu.memory_space<vmem>> -> memref<128xi32, #tpu.memory_space<vmem>>
          %dma_start3A_185 = arith.constant 0 : i32
          %dma_start3A_186 = arith.constant 0 : i32
          %dma_start3A_187 = tpu.memref_slice %arg27[%dma_start3A_185, %dma_start3A_186] : memref<10112x64xf32, #tpu.memory_space<vmem_shared>> -> memref<10112x64xf32, #tpu.memory_space<vmem_shared>>
          tpu.enqueue_indirect_dma source(%arg13 : memref<128x64xf32, #tpu.memory_space<vmem>>) target(%dma_start3A_187 : memref<10112x64xf32, #tpu.memory_space<vmem_shared>>) offsets(%dma_start3A_184 : memref<128xi32, #tpu.memory_space<vmem>>) semaphore(%arg25 : memref<!tpu.dma_semaphore, #tpu.memory_space<semaphore_mem>>) {add = true}
        } else {
        }
        %mul3A_161 = arith.constant 5 : i32
        %mul3A_162 = arith.muli %scan3A_125, %mul3A_161 : i32
        %add3A_163 = arith.constant 4 : i32
        %add3A_164 = arith.addi %mul3A_162, %add3A_163 : i32
        %lt3A_165 = arith.constant 157 : i32
        %lt3A_166 = arith.cmpi slt, %add3A_164, %lt3A_165 : i32
        %convert_element_type3A_167 = arith.extui %lt3A_166 : i1 to i32
        %cond3A_168 = arith.constant 0 : i32
        %cond3A_169 = arith.cmpi ne, %convert_element_type3A_167, %cond3A_168 : i32
        scf.if %cond3A_169 {
          %add3A_170 = arith.constant 4 : i32
          %add3A_171 = arith.addi %add3A_164, %add3A_170 : i32
          %lt3A_172 = arith.constant 157 : i32
          %lt3A_173 = arith.cmpi slt, %add3A_171, %lt3A_172 : i32
          %convert_element_type3A_174 = arith.extui %lt3A_173 : i1 to i32
          %cond3A_175 = arith.constant 0 : i32
          %cond3A_176 = arith.cmpi ne, %convert_element_type3A_174, %cond3A_175 : i32
          scf.if %cond3A_176 {
            %add3A_188 = arith.constant 4 : i32
            %add3A_189 = arith.addi %add3A_164, %add3A_188 : i32
            %sub3A = arith.constant 5 : i32
            %sub3A_190 = arith.subi %add3A_189, %sub3A : i32
            %ge3A = arith.constant 0 : i32
            %ge3A_191 = arith.cmpi sge, %sub3A_190, %ge3A : i32
            %convert_element_type3A_192 = arith.extui %ge3A_191 : i1 to i32
            %cond3A_193 = arith.constant 0 : i32
            %cond3A_194 = arith.cmpi ne, %convert_element_type3A_192, %cond3A_193 : i32
            scf.if %cond3A_194 {
              %dma_wait3A_203 = arith.constant 0 : i32
              %dma_wait3A_204 = arith.constant 0 : i32
              %dma_wait3A_205 = tpu.memref_slice %arg9[%dma_wait3A_203, %dma_wait3A_204] : memref<157x128xi32, #tpu.memory_space<vmem>> -> memref<1x128xi32, #tpu.memory_space<vmem>>
              %dma_wait3A_206 = tpu.memref_squeeze %dma_wait3A_205 : memref<1x128xi32, #tpu.memory_space<vmem>> -> memref<128xi32, #tpu.memory_space<vmem>>
              %dma_wait3A_207 = arith.constant 0 : i32
              %dma_wait3A_208 = arith.constant 0 : i32
              %dma_wait3A_209 = tpu.memref_slice %arg27[%dma_wait3A_207, %dma_wait3A_208] : memref<10112x64xf32, #tpu.memory_space<vmem_shared>> -> memref<10112x64xf32, #tpu.memory_space<vmem_shared>>
              tpu.wait_indirect_dma semaphore(%arg25 : memref<!tpu.dma_semaphore, #tpu.memory_space<semaphore_mem>>) src(%arg13 : memref<128x64xf32, #tpu.memory_space<vmem>>) dst(%dma_wait3A_209 : memref<10112x64xf32, #tpu.memory_space<vmem_shared>>)
            } else {
            }
            %add3A_195 = arith.constant 4 : i32
            %add3A_196 = arith.addi %add3A_164, %add3A_195 : i32
            %dma_start3A_197 = arith.constant 0 : i32
            %dma_start3A_198 = tpu.memref_slice %arg8[%add3A_196, %dma_start3A_197] : memref<157x128xi32, #tpu.memory_space<vmem>> -> memref<1x128xi32, #tpu.memory_space<vmem>>
            %dma_start3A_199 = tpu.memref_squeeze %dma_start3A_198 : memref<1x128xi32, #tpu.memory_space<vmem>> -> memref<128xi32, #tpu.memory_space<vmem>>
            %dma_start3A_200 = arith.constant 0 : i32
            %dma_start3A_201 = arith.constant 0 : i32
            %dma_start3A_202 = tpu.memref_slice %arg2[%dma_start3A_200, %dma_start3A_201] : memref<10112x64xf32, #tpu.memory_space<hbm>> -> memref<10112x64xf32, #tpu.memory_space<hbm>>
            tpu.enqueue_indirect_dma source(%dma_start3A_202 : memref<10112x64xf32, #tpu.memory_space<hbm>>) target(%arg13 : memref<128x64xf32, #tpu.memory_space<vmem>>) offsets(%dma_start3A_199 : memref<128xi32, #tpu.memory_space<vmem>>) semaphore(%arg20 : memref<!tpu.dma_semaphore, #tpu.memory_space<semaphore_mem>>)
          } else {
          }
          %dma_wait3A_177 = arith.constant 0 : i32
          %dma_wait3A_178 = tpu.memref_slice %arg8[%add3A_164, %dma_wait3A_177] : memref<157x128xi32, #tpu.memory_space<vmem>> -> memref<1x128xi32, #tpu.memory_space<vmem>>
          %dma_wait3A_179 = tpu.memref_squeeze %dma_wait3A_178 : memref<1x128xi32, #tpu.memory_space<vmem>> -> memref<128xi32, #tpu.memory_space<vmem>>
          %dma_wait3A_180 = arith.constant 0 : i32
          %dma_wait3A_181 = arith.constant 0 : i32
          %dma_wait3A_182 = tpu.memref_slice %arg2[%dma_wait3A_180, %dma_wait3A_181] : memref<10112x64xf32, #tpu.memory_space<hbm>> -> memref<10112x64xf32, #tpu.memory_space<hbm>>
          tpu.wait_indirect_dma semaphore(%arg21 : memref<!tpu.dma_semaphore, #tpu.memory_space<semaphore_mem>>) src(%dma_wait3A_182 : memref<10112x64xf32, #tpu.memory_space<hbm>>) dst(%arg14 : memref<128x64xf32, #tpu.memory_space<vmem>>)
          %dma_start3A = arith.constant 0 : i32
          %dma_start3A_183 = tpu.memref_slice %arg9[%add3A_164, %dma_start3A] : memref<157x128xi32, #tpu.memory_space<vmem>> -> memref<1x128xi32, #tpu.memory_space<vmem>>
          %dma_start3A_184 = tpu.memref_squeeze %dma_start3A_183 : memref<1x128xi32, #tpu.memory_space<vmem>> -> memref<128xi32, #tpu.memory_space<vmem>>
          %dma_start3A_185 = arith.constant 0 : i32
          %dma_start3A_186 = arith.constant 0 : i32
          %dma_start3A_187 = tpu.memref_slice %arg27[%dma_start3A_185, %dma_start3A_186] : memref<10112x64xf32, #tpu.memory_space<vmem_shared>> -> memref<10112x64xf32, #tpu.memory_space<vmem_shared>>
          tpu.enqueue_indirect_dma source(%arg14 : memref<128x64xf32, #tpu.memory_space<vmem>>) target(%dma_start3A_187 : memref<10112x64xf32, #tpu.memory_space<vmem_shared>>) offsets(%dma_start3A_184 : memref<128xi32, #tpu.memory_space<vmem>>) semaphore(%arg26 : memref<!tpu.dma_semaphore, #tpu.memory_space<semaphore_mem>>) {add = true}
        } else {
        }
      }
      %scan3A_90 = arith.constant 32 : i32
      %dma_wait3A = arith.constant 0 : i32
      %dma_wait3A_91 = arith.constant 0 : i32
      %dma_wait3A_92 = tpu.memref_slice %arg9[%dma_wait3A, %dma_wait3A_91] : memref<157x128xi32, #tpu.memory_space<vmem>> -> memref<1x128xi32, #tpu.memory_space<vmem>>
      %dma_wait3A_93 = tpu.memref_squeeze %dma_wait3A_92 : memref<1x128xi32, #tpu.memory_space<vmem>> -> memref<128xi32, #tpu.memory_space<vmem>>
      %dma_wait3A_94 = arith.constant 0 : i32
      %dma_wait3A_95 = arith.constant 0 : i32
      %dma_wait3A_96 = tpu.memref_slice %arg27[%dma_wait3A_94, %dma_wait3A_95] : memref<10112x64xf32, #tpu.memory_space<vmem_shared>> -> memref<10112x64xf32, #tpu.memory_space<vmem_shared>>
      tpu.wait_indirect_dma semaphore(%arg22 : memref<!tpu.dma_semaphore, #tpu.memory_space<semaphore_mem>>) src(%arg10 : memref<128x64xf32, #tpu.memory_space<vmem>>) dst(%dma_wait3A_96 : memref<10112x64xf32, #tpu.memory_space<vmem_shared>>)
      %dma_wait3A_97 = arith.constant 0 : i32
      %dma_wait3A_98 = arith.constant 0 : i32
      %dma_wait3A_99 = tpu.memref_slice %arg9[%dma_wait3A_97, %dma_wait3A_98] : memref<157x128xi32, #tpu.memory_space<vmem>> -> memref<1x128xi32, #tpu.memory_space<vmem>>
      %dma_wait3A_100 = tpu.memref_squeeze %dma_wait3A_99 : memref<1x128xi32, #tpu.memory_space<vmem>> -> memref<128xi32, #tpu.memory_space<vmem>>
      %dma_wait3A_101 = arith.constant 0 : i32
      %dma_wait3A_102 = arith.constant 0 : i32
      %dma_wait3A_103 = tpu.memref_slice %arg27[%dma_wait3A_101, %dma_wait3A_102] : memref<10112x64xf32, #tpu.memory_space<vmem_shared>> -> memref<10112x64xf32, #tpu.memory_space<vmem_shared>>
      tpu.wait_indirect_dma semaphore(%arg23 : memref<!tpu.dma_semaphore, #tpu.memory_space<semaphore_mem>>) src(%arg11 : memref<128x64xf32, #tpu.memory_space<vmem>>) dst(%dma_wait3A_103 : memref<10112x64xf32, #tpu.memory_space<vmem_shared>>)
      %dma_wait3A_104 = arith.constant 0 : i32
      %dma_wait3A_105 = arith.constant 0 : i32
      %dma_wait3A_106 = tpu.memref_slice %arg9[%dma_wait3A_104, %dma_wait3A_105] : memref<157x128xi32, #tpu.memory_space<vmem>> -> memref<1x128xi32, #tpu.memory_space<vmem>>
      %dma_wait3A_107 = tpu.memref_squeeze %dma_wait3A_106 : memref<1x128xi32, #tpu.memory_space<vmem>> -> memref<128xi32, #tpu.memory_space<vmem>>
      %dma_wait3A_108 = arith.constant 0 : i32
      %dma_wait3A_109 = arith.constant 0 : i32
      %dma_wait3A_110 = tpu.memref_slice %arg27[%dma_wait3A_108, %dma_wait3A_109] : memref<10112x64xf32, #tpu.memory_space<vmem_shared>> -> memref<10112x64xf32, #tpu.memory_space<vmem_shared>>
      tpu.wait_indirect_dma semaphore(%arg24 : memref<!tpu.dma_semaphore, #tpu.memory_space<semaphore_mem>>) src(%arg12 : memref<128x64xf32, #tpu.memory_space<vmem>>) dst(%dma_wait3A_110 : memref<10112x64xf32, #tpu.memory_space<vmem_shared>>)
      %dma_wait3A_111 = arith.constant 0 : i32
      %dma_wait3A_112 = arith.constant 0 : i32
      %dma_wait3A_113 = tpu.memref_slice %arg9[%dma_wait3A_111, %dma_wait3A_112] : memref<157x128xi32, #tpu.memory_space<vmem>> -> memref<1x128xi32, #tpu.memory_space<vmem>>
      %dma_wait3A_114 = tpu.memref_squeeze %dma_wait3A_113 : memref<1x128xi32, #tpu.memory_space<vmem>> -> memref<128xi32, #tpu.memory_space<vmem>>
      %dma_wait3A_115 = arith.constant 0 : i32
      %dma_wait3A_116 = arith.constant 0 : i32
      %dma_wait3A_117 = tpu.memref_slice %arg27[%dma_wait3A_115, %dma_wait3A_116] : memref<10112x64xf32, #tpu.memory_space<vmem_shared>> -> memref<10112x64xf32, #tpu.memory_space<vmem_shared>>
      tpu.wait_indirect_dma semaphore(%arg25 : memref<!tpu.dma_semaphore, #tpu.memory_space<semaphore_mem>>) src(%arg13 : memref<128x64xf32, #tpu.memory_space<vmem>>) dst(%dma_wait3A_117 : memref<10112x64xf32, #tpu.memory_space<vmem_shared>>)
      %dma_wait3A_118 = arith.constant 0 : i32
      %dma_wait3A_119 = arith.constant 0 : i32
      %dma_wait3A_120 = tpu.memref_slice %arg9[%dma_wait3A_118, %dma_wait3A_119] : memref<157x128xi32, #tpu.memory_space<vmem>> -> memref<1x128xi32, #tpu.memory_space<vmem>>
      %dma_wait3A_121 = tpu.memref_squeeze %dma_wait3A_120 : memref<1x128xi32, #tpu.memory_space<vmem>> -> memref<128xi32, #tpu.memory_space<vmem>>
      %dma_wait3A_122 = arith.constant 0 : i32
      %dma_wait3A_123 = arith.constant 0 : i32
      %dma_wait3A_124 = tpu.memref_slice %arg27[%dma_wait3A_122, %dma_wait3A_123] : memref<10112x64xf32, #tpu.memory_space<vmem_shared>> -> memref<10112x64xf32, #tpu.memory_space<vmem_shared>>
      tpu.wait_indirect_dma semaphore(%arg26 : memref<!tpu.dma_semaphore, #tpu.memory_space<semaphore_mem>>) src(%arg14 : memref<128x64xf32, #tpu.memory_space<vmem>>) dst(%dma_wait3A_124 : memref<10112x64xf32, #tpu.memory_space<vmem_shared>>)
    } else {
    }
    %eq3A_29 = arith.constant 1 : i32
    %eq3A_30 = arith.cmpi eq, %arg0, %eq3A_29 : i32
    %convert_element_type3A_31 = arith.extui %eq3A_30 : i1 to i32
    %cond3A_32 = arith.constant 0 : i32
    %cond3A_33 = arith.cmpi ne, %convert_element_type3A_31, %cond3A_32 : i32
    scf.if %cond3A_33 {
      %scan3A_85 = arith.constant 0 : i32
      %scan3A_86 = arith.constant 0 : i32
      %scan3A_87 = arith.constant 32 : i32
      %scan3A_88 = arith.addi %scan3A_86, %scan3A_87 : i32
      %scan3A_89 = arith.constant 1 : i32
      scf.for %scan3A_125 = %scan3A_86 to %scan3A_88 step %scan3A_89  : i32 {
        %mul3A_126 = arith.constant 5 : i32
        %mul3A_127 = arith.muli %scan3A_125, %mul3A_126 : i32
        %add3A_128 = arith.constant 0 : i32
        %add3A_129 = arith.addi %mul3A_127, %add3A_128 : i32
        %lt3A = arith.constant 157 : i32
        %lt3A_130 = arith.cmpi slt, %add3A_129, %lt3A : i32
        %convert_element_type3A_131 = arith.extui %lt3A_130 : i1 to i32
        %cond3A_132 = arith.constant 0 : i32
        %cond3A_133 = arith.cmpi ne, %convert_element_type3A_131, %cond3A_132 : i32
        scf.if %cond3A_133 {
          %add3A_170 = arith.constant 4 : i32
          %add3A_171 = arith.addi %add3A_129, %add3A_170 : i32
          %lt3A_172 = arith.constant 157 : i32
          %lt3A_173 = arith.cmpi slt, %add3A_171, %lt3A_172 : i32
          %convert_element_type3A_174 = arith.extui %lt3A_173 : i1 to i32
          %cond3A_175 = arith.constant 0 : i32
          %cond3A_176 = arith.cmpi ne, %convert_element_type3A_174, %cond3A_175 : i32
          scf.if %cond3A_176 {
            %add3A_188 = arith.constant 4 : i32
            %add3A_189 = arith.addi %add3A_129, %add3A_188 : i32
            %sub3A = arith.constant 5 : i32
            %sub3A_190 = arith.subi %add3A_189, %sub3A : i32
            %ge3A = arith.constant 0 : i32
            %ge3A_191 = arith.cmpi sge, %sub3A_190, %ge3A : i32
            %convert_element_type3A_192 = arith.extui %ge3A_191 : i1 to i32
            %cond3A_193 = arith.constant 0 : i32
            %cond3A_194 = arith.cmpi ne, %convert_element_type3A_192, %cond3A_193 : i32
            scf.if %cond3A_194 {
              %dma_wait3A_203 = arith.constant 0 : i32
              %dma_wait3A_204 = arith.constant 0 : i32
              %dma_wait3A_205 = tpu.memref_slice %arg9[%dma_wait3A_203, %dma_wait3A_204] : memref<157x128xi32, #tpu.memory_space<vmem>> -> memref<1x128xi32, #tpu.memory_space<vmem>>
              %dma_wait3A_206 = tpu.memref_squeeze %dma_wait3A_205 : memref<1x128xi32, #tpu.memory_space<vmem>> -> memref<128xi32, #tpu.memory_space<vmem>>
              %dma_wait3A_207 = arith.constant 0 : i32
              %dma_wait3A_208 = arith.constant 0 : i32
              %dma_wait3A_209 = tpu.memref_slice %arg27[%dma_wait3A_207, %dma_wait3A_208] : memref<10112x64xf32, #tpu.memory_space<vmem_shared>> -> memref<10112x64xf32, #tpu.memory_space<vmem_shared>>
              tpu.wait_indirect_dma semaphore(%arg26 : memref<!tpu.dma_semaphore, #tpu.memory_space<semaphore_mem>>) src(%arg14 : memref<128x64xf32, #tpu.memory_space<vmem>>) dst(%dma_wait3A_209 : memref<10112x64xf32, #tpu.memory_space<vmem_shared>>)
            } else {
            }
            %add3A_195 = arith.constant 4 : i32
            %add3A_196 = arith.addi %add3A_129, %add3A_195 : i32
            %dma_start3A_197 = arith.constant 0 : i32
            %dma_start3A_198 = tpu.memref_slice %arg8[%add3A_196, %dma_start3A_197] : memref<157x128xi32, #tpu.memory_space<vmem>> -> memref<1x128xi32, #tpu.memory_space<vmem>>
            %dma_start3A_199 = tpu.memref_squeeze %dma_start3A_198 : memref<1x128xi32, #tpu.memory_space<vmem>> -> memref<128xi32, #tpu.memory_space<vmem>>
            %dma_start3A_200 = arith.constant 0 : i32
            %dma_start3A_201 = arith.constant 0 : i32
            %dma_start3A_202 = tpu.memref_slice %arg3[%dma_start3A_200, %dma_start3A_201] : memref<10112x64xf32, #tpu.memory_space<hbm>> -> memref<10112x64xf32, #tpu.memory_space<hbm>>
            tpu.enqueue_indirect_dma source(%dma_start3A_202 : memref<10112x64xf32, #tpu.memory_space<hbm>>) target(%arg14 : memref<128x64xf32, #tpu.memory_space<vmem>>) offsets(%dma_start3A_199 : memref<128xi32, #tpu.memory_space<vmem>>) semaphore(%arg21 : memref<!tpu.dma_semaphore, #tpu.memory_space<semaphore_mem>>)
          } else {
          }
          %dma_wait3A_177 = arith.constant 0 : i32
          %dma_wait3A_178 = tpu.memref_slice %arg8[%add3A_129, %dma_wait3A_177] : memref<157x128xi32, #tpu.memory_space<vmem>> -> memref<1x128xi32, #tpu.memory_space<vmem>>
          %dma_wait3A_179 = tpu.memref_squeeze %dma_wait3A_178 : memref<1x128xi32, #tpu.memory_space<vmem>> -> memref<128xi32, #tpu.memory_space<vmem>>
          %dma_wait3A_180 = arith.constant 0 : i32
          %dma_wait3A_181 = arith.constant 0 : i32
          %dma_wait3A_182 = tpu.memref_slice %arg3[%dma_wait3A_180, %dma_wait3A_181] : memref<10112x64xf32, #tpu.memory_space<hbm>> -> memref<10112x64xf32, #tpu.memory_space<hbm>>
          tpu.wait_indirect_dma semaphore(%arg17 : memref<!tpu.dma_semaphore, #tpu.memory_space<semaphore_mem>>) src(%dma_wait3A_182 : memref<10112x64xf32, #tpu.memory_space<hbm>>) dst(%arg10 : memref<128x64xf32, #tpu.memory_space<vmem>>)
          %dma_start3A = arith.constant 0 : i32
          %dma_start3A_183 = tpu.memref_slice %arg9[%add3A_129, %dma_start3A] : memref<157x128xi32, #tpu.memory_space<vmem>> -> memref<1x128xi32, #tpu.memory_space<vmem>>
          %dma_start3A_184 = tpu.memref_squeeze %dma_start3A_183 : memref<1x128xi32, #tpu.memory_space<vmem>> -> memref<128xi32, #tpu.memory_space<vmem>>
          %dma_start3A_185 = arith.constant 0 : i32
          %dma_start3A_186 = arith.constant 0 : i32
          %dma_start3A_187 = tpu.memref_slice %arg27[%dma_start3A_185, %dma_start3A_186] : memref<10112x64xf32, #tpu.memory_space<vmem_shared>> -> memref<10112x64xf32, #tpu.memory_space<vmem_shared>>
          tpu.enqueue_indirect_dma source(%arg10 : memref<128x64xf32, #tpu.memory_space<vmem>>) target(%dma_start3A_187 : memref<10112x64xf32, #tpu.memory_space<vmem_shared>>) offsets(%dma_start3A_184 : memref<128xi32, #tpu.memory_space<vmem>>) semaphore(%arg22 : memref<!tpu.dma_semaphore, #tpu.memory_space<semaphore_mem>>) {add = true}
        } else {
        }
        %mul3A_134 = arith.constant 5 : i32
        %mul3A_135 = arith.muli %scan3A_125, %mul3A_134 : i32
        %add3A_136 = arith.constant 1 : i32
        %add3A_137 = arith.addi %mul3A_135, %add3A_136 : i32
        %lt3A_138 = arith.constant 157 : i32
        %lt3A_139 = arith.cmpi slt, %add3A_137, %lt3A_138 : i32
        %convert_element_type3A_140 = arith.extui %lt3A_139 : i1 to i32
        %cond3A_141 = arith.constant 0 : i32
        %cond3A_142 = arith.cmpi ne, %convert_element_type3A_140, %cond3A_141 : i32
        scf.if %cond3A_142 {
          %add3A_170 = arith.constant 4 : i32
          %add3A_171 = arith.addi %add3A_137, %add3A_170 : i32
          %lt3A_172 = arith.constant 157 : i32
          %lt3A_173 = arith.cmpi slt, %add3A_171, %lt3A_172 : i32
          %convert_element_type3A_174 = arith.extui %lt3A_173 : i1 to i32
          %cond3A_175 = arith.constant 0 : i32
          %cond3A_176 = arith.cmpi ne, %convert_element_type3A_174, %cond3A_175 : i32
          scf.if %cond3A_176 {
            %add3A_188 = arith.constant 4 : i32
            %add3A_189 = arith.addi %add3A_137, %add3A_188 : i32
            %sub3A = arith.constant 5 : i32
            %sub3A_190 = arith.subi %add3A_189, %sub3A : i32
            %ge3A = arith.constant 0 : i32
            %ge3A_191 = arith.cmpi sge, %sub3A_190, %ge3A : i32
            %convert_element_type3A_192 = arith.extui %ge3A_191 : i1 to i32
            %cond3A_193 = arith.constant 0 : i32
            %cond3A_194 = arith.cmpi ne, %convert_element_type3A_192, %cond3A_193 : i32
            scf.if %cond3A_194 {
              %dma_wait3A_203 = arith.constant 0 : i32
              %dma_wait3A_204 = arith.constant 0 : i32
              %dma_wait3A_205 = tpu.memref_slice %arg9[%dma_wait3A_203, %dma_wait3A_204] : memref<157x128xi32, #tpu.memory_space<vmem>> -> memref<1x128xi32, #tpu.memory_space<vmem>>
              %dma_wait3A_206 = tpu.memref_squeeze %dma_wait3A_205 : memref<1x128xi32, #tpu.memory_space<vmem>> -> memref<128xi32, #tpu.memory_space<vmem>>
              %dma_wait3A_207 = arith.constant 0 : i32
              %dma_wait3A_208 = arith.constant 0 : i32
              %dma_wait3A_209 = tpu.memref_slice %arg27[%dma_wait3A_207, %dma_wait3A_208] : memref<10112x64xf32, #tpu.memory_space<vmem_shared>> -> memref<10112x64xf32, #tpu.memory_space<vmem_shared>>
              tpu.wait_indirect_dma semaphore(%arg22 : memref<!tpu.dma_semaphore, #tpu.memory_space<semaphore_mem>>) src(%arg10 : memref<128x64xf32, #tpu.memory_space<vmem>>) dst(%dma_wait3A_209 : memref<10112x64xf32, #tpu.memory_space<vmem_shared>>)
            } else {
            }
            %add3A_195 = arith.constant 4 : i32
            %add3A_196 = arith.addi %add3A_137, %add3A_195 : i32
            %dma_start3A_197 = arith.constant 0 : i32
            %dma_start3A_198 = tpu.memref_slice %arg8[%add3A_196, %dma_start3A_197] : memref<157x128xi32, #tpu.memory_space<vmem>> -> memref<1x128xi32, #tpu.memory_space<vmem>>
            %dma_start3A_199 = tpu.memref_squeeze %dma_start3A_198 : memref<1x128xi32, #tpu.memory_space<vmem>> -> memref<128xi32, #tpu.memory_space<vmem>>
            %dma_start3A_200 = arith.constant 0 : i32
            %dma_start3A_201 = arith.constant 0 : i32
            %dma_start3A_202 = tpu.memref_slice %arg3[%dma_start3A_200, %dma_start3A_201] : memref<10112x64xf32, #tpu.memory_space<hbm>> -> memref<10112x64xf32, #tpu.memory_space<hbm>>
            tpu.enqueue_indirect_dma source(%dma_start3A_202 : memref<10112x64xf32, #tpu.memory_space<hbm>>) target(%arg10 : memref<128x64xf32, #tpu.memory_space<vmem>>) offsets(%dma_start3A_199 : memref<128xi32, #tpu.memory_space<vmem>>) semaphore(%arg17 : memref<!tpu.dma_semaphore, #tpu.memory_space<semaphore_mem>>)
          } else {
          }
          %dma_wait3A_177 = arith.constant 0 : i32
          %dma_wait3A_178 = tpu.memref_slice %arg8[%add3A_137, %dma_wait3A_177] : memref<157x128xi32, #tpu.memory_space<vmem>> -> memref<1x128xi32, #tpu.memory_space<vmem>>
          %dma_wait3A_179 = tpu.memref_squeeze %dma_wait3A_178 : memref<1x128xi32, #tpu.memory_space<vmem>> -> memref<128xi32, #tpu.memory_space<vmem>>
          %dma_wait3A_180 = arith.constant 0 : i32
          %dma_wait3A_181 = arith.constant 0 : i32
          %dma_wait3A_182 = tpu.memref_slice %arg3[%dma_wait3A_180, %dma_wait3A_181] : memref<10112x64xf32, #tpu.memory_space<hbm>> -> memref<10112x64xf32, #tpu.memory_space<hbm>>
          tpu.wait_indirect_dma semaphore(%arg18 : memref<!tpu.dma_semaphore, #tpu.memory_space<semaphore_mem>>) src(%dma_wait3A_182 : memref<10112x64xf32, #tpu.memory_space<hbm>>) dst(%arg11 : memref<128x64xf32, #tpu.memory_space<vmem>>)
          %dma_start3A = arith.constant 0 : i32
          %dma_start3A_183 = tpu.memref_slice %arg9[%add3A_137, %dma_start3A] : memref<157x128xi32, #tpu.memory_space<vmem>> -> memref<1x128xi32, #tpu.memory_space<vmem>>
          %dma_start3A_184 = tpu.memref_squeeze %dma_start3A_183 : memref<1x128xi32, #tpu.memory_space<vmem>> -> memref<128xi32, #tpu.memory_space<vmem>>
          %dma_start3A_185 = arith.constant 0 : i32
          %dma_start3A_186 = arith.constant 0 : i32
          %dma_start3A_187 = tpu.memref_slice %arg27[%dma_start3A_185, %dma_start3A_186] : memref<10112x64xf32, #tpu.memory_space<vmem_shared>> -> memref<10112x64xf32, #tpu.memory_space<vmem_shared>>
          tpu.enqueue_indirect_dma source(%arg11 : memref<128x64xf32, #tpu.memory_space<vmem>>) target(%dma_start3A_187 : memref<10112x64xf32, #tpu.memory_space<vmem_shared>>) offsets(%dma_start3A_184 : memref<128xi32, #tpu.memory_space<vmem>>) semaphore(%arg23 : memref<!tpu.dma_semaphore, #tpu.memory_space<semaphore_mem>>) {add = true}
        } else {
        }
        %mul3A_143 = arith.constant 5 : i32
        %mul3A_144 = arith.muli %scan3A_125, %mul3A_143 : i32
        %add3A_145 = arith.constant 2 : i32
        %add3A_146 = arith.addi %mul3A_144, %add3A_145 : i32
        %lt3A_147 = arith.constant 157 : i32
        %lt3A_148 = arith.cmpi slt, %add3A_146, %lt3A_147 : i32
        %convert_element_type3A_149 = arith.extui %lt3A_148 : i1 to i32
        %cond3A_150 = arith.constant 0 : i32
        %cond3A_151 = arith.cmpi ne, %convert_element_type3A_149, %cond3A_150 : i32
        scf.if %cond3A_151 {
          %add3A_170 = arith.constant 4 : i32
          %add3A_171 = arith.addi %add3A_146, %add3A_170 : i32
          %lt3A_172 = arith.constant 157 : i32
          %lt3A_173 = arith.cmpi slt, %add3A_171, %lt3A_172 : i32
          %convert_element_type3A_174 = arith.extui %lt3A_173 : i1 to i32
          %cond3A_175 = arith.constant 0 : i32
          %cond3A_176 = arith.cmpi ne, %convert_element_type3A_174, %cond3A_175 : i32
          scf.if %cond3A_176 {
            %add3A_188 = arith.constant 4 : i32
            %add3A_189 = arith.addi %add3A_146, %add3A_188 : i32
            %sub3A = arith.constant 5 : i32
            %sub3A_190 = arith.subi %add3A_189, %sub3A : i32
            %ge3A = arith.constant 0 : i32
            %ge3A_191 = arith.cmpi sge, %sub3A_190, %ge3A : i32
            %convert_element_type3A_192 = arith.extui %ge3A_191 : i1 to i32
            %cond3A_193 = arith.constant 0 : i32
            %cond3A_194 = arith.cmpi ne, %convert_element_type3A_192, %cond3A_193 : i32
            scf.if %cond3A_194 {
              %dma_wait3A_203 = arith.constant 0 : i32
              %dma_wait3A_204 = arith.constant 0 : i32
              %dma_wait3A_205 = tpu.memref_slice %arg9[%dma_wait3A_203, %dma_wait3A_204] : memref<157x128xi32, #tpu.memory_space<vmem>> -> memref<1x128xi32, #tpu.memory_space<vmem>>
              %dma_wait3A_206 = tpu.memref_squeeze %dma_wait3A_205 : memref<1x128xi32, #tpu.memory_space<vmem>> -> memref<128xi32, #tpu.memory_space<vmem>>
              %dma_wait3A_207 = arith.constant 0 : i32
              %dma_wait3A_208 = arith.constant 0 : i32
              %dma_wait3A_209 = tpu.memref_slice %arg27[%dma_wait3A_207, %dma_wait3A_208] : memref<10112x64xf32, #tpu.memory_space<vmem_shared>> -> memref<10112x64xf32, #tpu.memory_space<vmem_shared>>
              tpu.wait_indirect_dma semaphore(%arg23 : memref<!tpu.dma_semaphore, #tpu.memory_space<semaphore_mem>>) src(%arg11 : memref<128x64xf32, #tpu.memory_space<vmem>>) dst(%dma_wait3A_209 : memref<10112x64xf32, #tpu.memory_space<vmem_shared>>)
            } else {
            }
            %add3A_195 = arith.constant 4 : i32
            %add3A_196 = arith.addi %add3A_146, %add3A_195 : i32
            %dma_start3A_197 = arith.constant 0 : i32
            %dma_start3A_198 = tpu.memref_slice %arg8[%add3A_196, %dma_start3A_197] : memref<157x128xi32, #tpu.memory_space<vmem>> -> memref<1x128xi32, #tpu.memory_space<vmem>>
            %dma_start3A_199 = tpu.memref_squeeze %dma_start3A_198 : memref<1x128xi32, #tpu.memory_space<vmem>> -> memref<128xi32, #tpu.memory_space<vmem>>
            %dma_start3A_200 = arith.constant 0 : i32
            %dma_start3A_201 = arith.constant 0 : i32
            %dma_start3A_202 = tpu.memref_slice %arg3[%dma_start3A_200, %dma_start3A_201] : memref<10112x64xf32, #tpu.memory_space<hbm>> -> memref<10112x64xf32, #tpu.memory_space<hbm>>
            tpu.enqueue_indirect_dma source(%dma_start3A_202 : memref<10112x64xf32, #tpu.memory_space<hbm>>) target(%arg11 : memref<128x64xf32, #tpu.memory_space<vmem>>) offsets(%dma_start3A_199 : memref<128xi32, #tpu.memory_space<vmem>>) semaphore(%arg18 : memref<!tpu.dma_semaphore, #tpu.memory_space<semaphore_mem>>)
          } else {
          }
          %dma_wait3A_177 = arith.constant 0 : i32
          %dma_wait3A_178 = tpu.memref_slice %arg8[%add3A_146, %dma_wait3A_177] : memref<157x128xi32, #tpu.memory_space<vmem>> -> memref<1x128xi32, #tpu.memory_space<vmem>>
          %dma_wait3A_179 = tpu.memref_squeeze %dma_wait3A_178 : memref<1x128xi32, #tpu.memory_space<vmem>> -> memref<128xi32, #tpu.memory_space<vmem>>
          %dma_wait3A_180 = arith.constant 0 : i32
          %dma_wait3A_181 = arith.constant 0 : i32
          %dma_wait3A_182 = tpu.memref_slice %arg3[%dma_wait3A_180, %dma_wait3A_181] : memref<10112x64xf32, #tpu.memory_space<hbm>> -> memref<10112x64xf32, #tpu.memory_space<hbm>>
          tpu.wait_indirect_dma semaphore(%arg19 : memref<!tpu.dma_semaphore, #tpu.memory_space<semaphore_mem>>) src(%dma_wait3A_182 : memref<10112x64xf32, #tpu.memory_space<hbm>>) dst(%arg12 : memref<128x64xf32, #tpu.memory_space<vmem>>)
          %dma_start3A = arith.constant 0 : i32
          %dma_start3A_183 = tpu.memref_slice %arg9[%add3A_146, %dma_start3A] : memref<157x128xi32, #tpu.memory_space<vmem>> -> memref<1x128xi32, #tpu.memory_space<vmem>>
          %dma_start3A_184 = tpu.memref_squeeze %dma_start3A_183 : memref<1x128xi32, #tpu.memory_space<vmem>> -> memref<128xi32, #tpu.memory_space<vmem>>
          %dma_start3A_185 = arith.constant 0 : i32
          %dma_start3A_186 = arith.constant 0 : i32
          %dma_start3A_187 = tpu.memref_slice %arg27[%dma_start3A_185, %dma_start3A_186] : memref<10112x64xf32, #tpu.memory_space<vmem_shared>> -> memref<10112x64xf32, #tpu.memory_space<vmem_shared>>
          tpu.enqueue_indirect_dma source(%arg12 : memref<128x64xf32, #tpu.memory_space<vmem>>) target(%dma_start3A_187 : memref<10112x64xf32, #tpu.memory_space<vmem_shared>>) offsets(%dma_start3A_184 : memref<128xi32, #tpu.memory_space<vmem>>) semaphore(%arg24 : memref<!tpu.dma_semaphore, #tpu.memory_space<semaphore_mem>>) {add = true}
        } else {
        }
        %mul3A_152 = arith.constant 5 : i32
        %mul3A_153 = arith.muli %scan3A_125, %mul3A_152 : i32
        %add3A_154 = arith.constant 3 : i32
        %add3A_155 = arith.addi %mul3A_153, %add3A_154 : i32
        %lt3A_156 = arith.constant 157 : i32
        %lt3A_157 = arith.cmpi slt, %add3A_155, %lt3A_156 : i32
        %convert_element_type3A_158 = arith.extui %lt3A_157 : i1 to i32
        %cond3A_159 = arith.constant 0 : i32
        %cond3A_160 = arith.cmpi ne, %convert_element_type3A_158, %cond3A_159 : i32
        scf.if %cond3A_160 {
          %add3A_170 = arith.constant 4 : i32
          %add3A_171 = arith.addi %add3A_155, %add3A_170 : i32
          %lt3A_172 = arith.constant 157 : i32
          %lt3A_173 = arith.cmpi slt, %add3A_171, %lt3A_172 : i32
          %convert_element_type3A_174 = arith.extui %lt3A_173 : i1 to i32
          %cond3A_175 = arith.constant 0 : i32
          %cond3A_176 = arith.cmpi ne, %convert_element_type3A_174, %cond3A_175 : i32
          scf.if %cond3A_176 {
            %add3A_188 = arith.constant 4 : i32
            %add3A_189 = arith.addi %add3A_155, %add3A_188 : i32
            %sub3A = arith.constant 5 : i32
            %sub3A_190 = arith.subi %add3A_189, %sub3A : i32
            %ge3A = arith.constant 0 : i32
            %ge3A_191 = arith.cmpi sge, %sub3A_190, %ge3A : i32
            %convert_element_type3A_192 = arith.extui %ge3A_191 : i1 to i32
            %cond3A_193 = arith.constant 0 : i32
            %cond3A_194 = arith.cmpi ne, %convert_element_type3A_192, %cond3A_193 : i32
            scf.if %cond3A_194 {
              %dma_wait3A_203 = arith.constant 0 : i32
              %dma_wait3A_204 = arith.constant 0 : i32
              %dma_wait3A_205 = tpu.memref_slice %arg9[%dma_wait3A_203, %dma_wait3A_204] : memref<157x128xi32, #tpu.memory_space<vmem>> -> memref<1x128xi32, #tpu.memory_space<vmem>>
              %dma_wait3A_206 = tpu.memref_squeeze %dma_wait3A_205 : memref<1x128xi32, #tpu.memory_space<vmem>> -> memref<128xi32, #tpu.memory_space<vmem>>
              %dma_wait3A_207 = arith.constant 0 : i32
              %dma_wait3A_208 = arith.constant 0 : i32
              %dma_wait3A_209 = tpu.memref_slice %arg27[%dma_wait3A_207, %dma_wait3A_208] : memref<10112x64xf32, #tpu.memory_space<vmem_shared>> -> memref<10112x64xf32, #tpu.memory_space<vmem_shared>>
              tpu.wait_indirect_dma semaphore(%arg24 : memref<!tpu.dma_semaphore, #tpu.memory_space<semaphore_mem>>) src(%arg12 : memref<128x64xf32, #tpu.memory_space<vmem>>) dst(%dma_wait3A_209 : memref<10112x64xf32, #tpu.memory_space<vmem_shared>>)
            } else {
            }
            %add3A_195 = arith.constant 4 : i32
            %add3A_196 = arith.addi %add3A_155, %add3A_195 : i32
            %dma_start3A_197 = arith.constant 0 : i32
            %dma_start3A_198 = tpu.memref_slice %arg8[%add3A_196, %dma_start3A_197] : memref<157x128xi32, #tpu.memory_space<vmem>> -> memref<1x128xi32, #tpu.memory_space<vmem>>
            %dma_start3A_199 = tpu.memref_squeeze %dma_start3A_198 : memref<1x128xi32, #tpu.memory_space<vmem>> -> memref<128xi32, #tpu.memory_space<vmem>>
            %dma_start3A_200 = arith.constant 0 : i32
            %dma_start3A_201 = arith.constant 0 : i32
            %dma_start3A_202 = tpu.memref_slice %arg3[%dma_start3A_200, %dma_start3A_201] : memref<10112x64xf32, #tpu.memory_space<hbm>> -> memref<10112x64xf32, #tpu.memory_space<hbm>>
            tpu.enqueue_indirect_dma source(%dma_start3A_202 : memref<10112x64xf32, #tpu.memory_space<hbm>>) target(%arg12 : memref<128x64xf32, #tpu.memory_space<vmem>>) offsets(%dma_start3A_199 : memref<128xi32, #tpu.memory_space<vmem>>) semaphore(%arg19 : memref<!tpu.dma_semaphore, #tpu.memory_space<semaphore_mem>>)
          } else {
          }
          %dma_wait3A_177 = arith.constant 0 : i32
          %dma_wait3A_178 = tpu.memref_slice %arg8[%add3A_155, %dma_wait3A_177] : memref<157x128xi32, #tpu.memory_space<vmem>> -> memref<1x128xi32, #tpu.memory_space<vmem>>
          %dma_wait3A_179 = tpu.memref_squeeze %dma_wait3A_178 : memref<1x128xi32, #tpu.memory_space<vmem>> -> memref<128xi32, #tpu.memory_space<vmem>>
          %dma_wait3A_180 = arith.constant 0 : i32
          %dma_wait3A_181 = arith.constant 0 : i32
          %dma_wait3A_182 = tpu.memref_slice %arg3[%dma_wait3A_180, %dma_wait3A_181] : memref<10112x64xf32, #tpu.memory_space<hbm>> -> memref<10112x64xf32, #tpu.memory_space<hbm>>
          tpu.wait_indirect_dma semaphore(%arg20 : memref<!tpu.dma_semaphore, #tpu.memory_space<semaphore_mem>>) src(%dma_wait3A_182 : memref<10112x64xf32, #tpu.memory_space<hbm>>) dst(%arg13 : memref<128x64xf32, #tpu.memory_space<vmem>>)
          %dma_start3A = arith.constant 0 : i32
          %dma_start3A_183 = tpu.memref_slice %arg9[%add3A_155, %dma_start3A] : memref<157x128xi32, #tpu.memory_space<vmem>> -> memref<1x128xi32, #tpu.memory_space<vmem>>
          %dma_start3A_184 = tpu.memref_squeeze %dma_start3A_183 : memref<1x128xi32, #tpu.memory_space<vmem>> -> memref<128xi32, #tpu.memory_space<vmem>>
          %dma_start3A_185 = arith.constant 0 : i32
          %dma_start3A_186 = arith.constant 0 : i32
          %dma_start3A_187 = tpu.memref_slice %arg27[%dma_start3A_185, %dma_start3A_186] : memref<10112x64xf32, #tpu.memory_space<vmem_shared>> -> memref<10112x64xf32, #tpu.memory_space<vmem_shared>>
          tpu.enqueue_indirect_dma source(%arg13 : memref<128x64xf32, #tpu.memory_space<vmem>>) target(%dma_start3A_187 : memref<10112x64xf32, #tpu.memory_space<vmem_shared>>) offsets(%dma_start3A_184 : memref<128xi32, #tpu.memory_space<vmem>>) semaphore(%arg25 : memref<!tpu.dma_semaphore, #tpu.memory_space<semaphore_mem>>) {add = true}
        } else {
        }
        %mul3A_161 = arith.constant 5 : i32
        %mul3A_162 = arith.muli %scan3A_125, %mul3A_161 : i32
        %add3A_163 = arith.constant 4 : i32
        %add3A_164 = arith.addi %mul3A_162, %add3A_163 : i32
        %lt3A_165 = arith.constant 157 : i32
        %lt3A_166 = arith.cmpi slt, %add3A_164, %lt3A_165 : i32
        %convert_element_type3A_167 = arith.extui %lt3A_166 : i1 to i32
        %cond3A_168 = arith.constant 0 : i32
        %cond3A_169 = arith.cmpi ne, %convert_element_type3A_167, %cond3A_168 : i32
        scf.if %cond3A_169 {
          %add3A_170 = arith.constant 4 : i32
          %add3A_171 = arith.addi %add3A_164, %add3A_170 : i32
          %lt3A_172 = arith.constant 157 : i32
          %lt3A_173 = arith.cmpi slt, %add3A_171, %lt3A_172 : i32
          %convert_element_type3A_174 = arith.extui %lt3A_173 : i1 to i32
          %cond3A_175 = arith.constant 0 : i32
          %cond3A_176 = arith.cmpi ne, %convert_element_type3A_174, %cond3A_175 : i32
          scf.if %cond3A_176 {
            %add3A_188 = arith.constant 4 : i32
            %add3A_189 = arith.addi %add3A_164, %add3A_188 : i32
            %sub3A = arith.constant 5 : i32
            %sub3A_190 = arith.subi %add3A_189, %sub3A : i32
            %ge3A = arith.constant 0 : i32
            %ge3A_191 = arith.cmpi sge, %sub3A_190, %ge3A : i32
            %convert_element_type3A_192 = arith.extui %ge3A_191 : i1 to i32
            %cond3A_193 = arith.constant 0 : i32
            %cond3A_194 = arith.cmpi ne, %convert_element_type3A_192, %cond3A_193 : i32
            scf.if %cond3A_194 {
              %dma_wait3A_203 = arith.constant 0 : i32
              %dma_wait3A_204 = arith.constant 0 : i32
              %dma_wait3A_205 = tpu.memref_slice %arg9[%dma_wait3A_203, %dma_wait3A_204] : memref<157x128xi32, #tpu.memory_space<vmem>> -> memref<1x128xi32, #tpu.memory_space<vmem>>
              %dma_wait3A_206 = tpu.memref_squeeze %dma_wait3A_205 : memref<1x128xi32, #tpu.memory_space<vmem>> -> memref<128xi32, #tpu.memory_space<vmem>>
              %dma_wait3A_207 = arith.constant 0 : i32
              %dma_wait3A_208 = arith.constant 0 : i32
              %dma_wait3A_209 = tpu.memref_slice %arg27[%dma_wait3A_207, %dma_wait3A_208] : memref<10112x64xf32, #tpu.memory_space<vmem_shared>> -> memref<10112x64xf32, #tpu.memory_space<vmem_shared>>
              tpu.wait_indirect_dma semaphore(%arg25 : memref<!tpu.dma_semaphore, #tpu.memory_space<semaphore_mem>>) src(%arg13 : memref<128x64xf32, #tpu.memory_space<vmem>>) dst(%dma_wait3A_209 : memref<10112x64xf32, #tpu.memory_space<vmem_shared>>)
            } else {
            }
            %add3A_195 = arith.constant 4 : i32
            %add3A_196 = arith.addi %add3A_164, %add3A_195 : i32
            %dma_start3A_197 = arith.constant 0 : i32
            %dma_start3A_198 = tpu.memref_slice %arg8[%add3A_196, %dma_start3A_197] : memref<157x128xi32, #tpu.memory_space<vmem>> -> memref<1x128xi32, #tpu.memory_space<vmem>>
            %dma_start3A_199 = tpu.memref_squeeze %dma_start3A_198 : memref<1x128xi32, #tpu.memory_space<vmem>> -> memref<128xi32, #tpu.memory_space<vmem>>
            %dma_start3A_200 = arith.constant 0 : i32
            %dma_start3A_201 = arith.constant 0 : i32
            %dma_start3A_202 = tpu.memref_slice %arg3[%dma_start3A_200, %dma_start3A_201] : memref<10112x64xf32, #tpu.memory_space<hbm>> -> memref<10112x64xf32, #tpu.memory_space<hbm>>
            tpu.enqueue_indirect_dma source(%dma_start3A_202 : memref<10112x64xf32, #tpu.memory_space<hbm>>) target(%arg13 : memref<128x64xf32, #tpu.memory_space<vmem>>) offsets(%dma_start3A_199 : memref<128xi32, #tpu.memory_space<vmem>>) semaphore(%arg20 : memref<!tpu.dma_semaphore, #tpu.memory_space<semaphore_mem>>)
          } else {
          }
          %dma_wait3A_177 = arith.constant 0 : i32
          %dma_wait3A_178 = tpu.memref_slice %arg8[%add3A_164, %dma_wait3A_177] : memref<157x128xi32, #tpu.memory_space<vmem>> -> memref<1x128xi32, #tpu.memory_space<vmem>>
          %dma_wait3A_179 = tpu.memref_squeeze %dma_wait3A_178 : memref<1x128xi32, #tpu.memory_space<vmem>> -> memref<128xi32, #tpu.memory_space<vmem>>
          %dma_wait3A_180 = arith.constant 0 : i32
          %dma_wait3A_181 = arith.constant 0 : i32
          %dma_wait3A_182 = tpu.memref_slice %arg3[%dma_wait3A_180, %dma_wait3A_181] : memref<10112x64xf32, #tpu.memory_space<hbm>> -> memref<10112x64xf32, #tpu.memory_space<hbm>>
          tpu.wait_indirect_dma semaphore(%arg21 : memref<!tpu.dma_semaphore, #tpu.memory_space<semaphore_mem>>) src(%dma_wait3A_182 : memref<10112x64xf32, #tpu.memory_space<hbm>>) dst(%arg14 : memref<128x64xf32, #tpu.memory_space<vmem>>)
          %dma_start3A = arith.constant 0 : i32
          %dma_start3A_183 = tpu.memref_slice %arg9[%add3A_164, %dma_start3A] : memref<157x128xi32, #tpu.memory_space<vmem>> -> memref<1x128xi32, #tpu.memory_space<vmem>>
          %dma_start3A_184 = tpu.memref_squeeze %dma_start3A_183 : memref<1x128xi32, #tpu.memory_space<vmem>> -> memref<128xi32, #tpu.memory_space<vmem>>
          %dma_start3A_185 = arith.constant 0 : i32
          %dma_start3A_186 = arith.constant 0 : i32
          %dma_start3A_187 = tpu.memref_slice %arg27[%dma_start3A_185, %dma_start3A_186] : memref<10112x64xf32, #tpu.memory_space<vmem_shared>> -> memref<10112x64xf32, #tpu.memory_space<vmem_shared>>
          tpu.enqueue_indirect_dma source(%arg14 : memref<128x64xf32, #tpu.memory_space<vmem>>) target(%dma_start3A_187 : memref<10112x64xf32, #tpu.memory_space<vmem_shared>>) offsets(%dma_start3A_184 : memref<128xi32, #tpu.memory_space<vmem>>) semaphore(%arg26 : memref<!tpu.dma_semaphore, #tpu.memory_space<semaphore_mem>>) {add = true}
        } else {
        }
      }
      %scan3A_90 = arith.constant 32 : i32
      %dma_wait3A = arith.constant 0 : i32
      %dma_wait3A_91 = arith.constant 0 : i32
      %dma_wait3A_92 = tpu.memref_slice %arg9[%dma_wait3A, %dma_wait3A_91] : memref<157x128xi32, #tpu.memory_space<vmem>> -> memref<1x128xi32, #tpu.memory_space<vmem>>
      %dma_wait3A_93 = tpu.memref_squeeze %dma_wait3A_92 : memref<1x128xi32, #tpu.memory_space<vmem>> -> memref<128xi32, #tpu.memory_space<vmem>>
      %dma_wait3A_94 = arith.constant 0 : i32
      %dma_wait3A_95 = arith.constant 0 : i32
      %dma_wait3A_96 = tpu.memref_slice %arg27[%dma_wait3A_94, %dma_wait3A_95] : memref<10112x64xf32, #tpu.memory_space<vmem_shared>> -> memref<10112x64xf32, #tpu.memory_space<vmem_shared>>
      tpu.wait_indirect_dma semaphore(%arg22 : memref<!tpu.dma_semaphore, #tpu.memory_space<semaphore_mem>>) src(%arg10 : memref<128x64xf32, #tpu.memory_space<vmem>>) dst(%dma_wait3A_96 : memref<10112x64xf32, #tpu.memory_space<vmem_shared>>)
      %dma_wait3A_97 = arith.constant 0 : i32
      %dma_wait3A_98 = arith.constant 0 : i32
      %dma_wait3A_99 = tpu.memref_slice %arg9[%dma_wait3A_97, %dma_wait3A_98] : memref<157x128xi32, #tpu.memory_space<vmem>> -> memref<1x128xi32, #tpu.memory_space<vmem>>
      %dma_wait3A_100 = tpu.memref_squeeze %dma_wait3A_99 : memref<1x128xi32, #tpu.memory_space<vmem>> -> memref<128xi32, #tpu.memory_space<vmem>>
      %dma_wait3A_101 = arith.constant 0 : i32
      %dma_wait3A_102 = arith.constant 0 : i32
      %dma_wait3A_103 = tpu.memref_slice %arg27[%dma_wait3A_101, %dma_wait3A_102] : memref<10112x64xf32, #tpu.memory_space<vmem_shared>> -> memref<10112x64xf32, #tpu.memory_space<vmem_shared>>
      tpu.wait_indirect_dma semaphore(%arg23 : memref<!tpu.dma_semaphore, #tpu.memory_space<semaphore_mem>>) src(%arg11 : memref<128x64xf32, #tpu.memory_space<vmem>>) dst(%dma_wait3A_103 : memref<10112x64xf32, #tpu.memory_space<vmem_shared>>)
      %dma_wait3A_104 = arith.constant 0 : i32
      %dma_wait3A_105 = arith.constant 0 : i32
      %dma_wait3A_106 = tpu.memref_slice %arg9[%dma_wait3A_104, %dma_wait3A_105] : memref<157x128xi32, #tpu.memory_space<vmem>> -> memref<1x128xi32, #tpu.memory_space<vmem>>
      %dma_wait3A_107 = tpu.memref_squeeze %dma_wait3A_106 : memref<1x128xi32, #tpu.memory_space<vmem>> -> memref<128xi32, #tpu.memory_space<vmem>>
      %dma_wait3A_108 = arith.constant 0 : i32
      %dma_wait3A_109 = arith.constant 0 : i32
      %dma_wait3A_110 = tpu.memref_slice %arg27[%dma_wait3A_108, %dma_wait3A_109] : memref<10112x64xf32, #tpu.memory_space<vmem_shared>> -> memref<10112x64xf32, #tpu.memory_space<vmem_shared>>
      tpu.wait_indirect_dma semaphore(%arg24 : memref<!tpu.dma_semaphore, #tpu.memory_space<semaphore_mem>>) src(%arg12 : memref<128x64xf32, #tpu.memory_space<vmem>>) dst(%dma_wait3A_110 : memref<10112x64xf32, #tpu.memory_space<vmem_shared>>)
      %dma_wait3A_111 = arith.constant 0 : i32
      %dma_wait3A_112 = arith.constant 0 : i32
      %dma_wait3A_113 = tpu.memref_slice %arg9[%dma_wait3A_111, %dma_wait3A_112] : memref<157x128xi32, #tpu.memory_space<vmem>> -> memref<1x128xi32, #tpu.memory_space<vmem>>
      %dma_wait3A_114 = tpu.memref_squeeze %dma_wait3A_113 : memref<1x128xi32, #tpu.memory_space<vmem>> -> memref<128xi32, #tpu.memory_space<vmem>>
      %dma_wait3A_115 = arith.constant 0 : i32
      %dma_wait3A_116 = arith.constant 0 : i32
      %dma_wait3A_117 = tpu.memref_slice %arg27[%dma_wait3A_115, %dma_wait3A_116] : memref<10112x64xf32, #tpu.memory_space<vmem_shared>> -> memref<10112x64xf32, #tpu.memory_space<vmem_shared>>
      tpu.wait_indirect_dma semaphore(%arg25 : memref<!tpu.dma_semaphore, #tpu.memory_space<semaphore_mem>>) src(%arg13 : memref<128x64xf32, #tpu.memory_space<vmem>>) dst(%dma_wait3A_117 : memref<10112x64xf32, #tpu.memory_space<vmem_shared>>)
      %dma_wait3A_118 = arith.constant 0 : i32
      %dma_wait3A_119 = arith.constant 0 : i32
      %dma_wait3A_120 = tpu.memref_slice %arg9[%dma_wait3A_118, %dma_wait3A_119] : memref<157x128xi32, #tpu.memory_space<vmem>> -> memref<1x128xi32, #tpu.memory_space<vmem>>
      %dma_wait3A_121 = tpu.memref_squeeze %dma_wait3A_120 : memref<1x128xi32, #tpu.memory_space<vmem>> -> memref<128xi32, #tpu.memory_space<vmem>>
      %dma_wait3A_122 = arith.constant 0 : i32
      %dma_wait3A_123 = arith.constant 0 : i32
      %dma_wait3A_124 = tpu.memref_slice %arg27[%dma_wait3A_122, %dma_wait3A_123] : memref<10112x64xf32, #tpu.memory_space<vmem_shared>> -> memref<10112x64xf32, #tpu.memory_space<vmem_shared>>
      tpu.wait_indirect_dma semaphore(%arg26 : memref<!tpu.dma_semaphore, #tpu.memory_space<semaphore_mem>>) src(%arg14 : memref<128x64xf32, #tpu.memory_space<vmem>>) dst(%dma_wait3A_124 : memref<10112x64xf32, #tpu.memory_space<vmem_shared>>)
    } else {
    }
    %barrier3A_34 = arith.constant 0 : index
    tpu.barrier barrier_id(%barrier3A_34)
    %add3A_35 = arith.constant 0 : i32
    %add3A_36 = arith.addi %mul3A_0, %add3A_35 : i32
    "tpu.region"() ({
      %run_scoped3A = tpu.sem_alloc : memref<!tpu.dma_semaphore, #tpu.memory_space<semaphore_mem>>
      %dma_start3A = arith.constant 0 : i32
      %dma_start3A_85 = arith.constant 0 : i32
      %dma_start3A_86 = tpu.memref_slice %arg15[%dma_start3A, %dma_start3A_85] : memref<128x64xf32, #tpu.memory_space<vmem>> -> memref<128x64xf32, #tpu.memory_space<vmem>>
      %dma_start3A_87 = arith.constant 0 : i32
      %dma_start3A_88 = tpu.memref_slice %arg27[%add3A_36, %dma_start3A_87] : memref<10112x64xf32, #tpu.memory_space<vmem_shared>> -> memref<128x64xf32, #tpu.memory_space<vmem_shared>>
      %dma_start3A_89 = arith.constant 0 : i32
      %dma_start3A_90 = arith.constant 0 : i32
      %dma_start3A_91 = tpu.memref_slice %arg15[%dma_start3A_89, %dma_start3A_90] : memref<128x64xf32, #tpu.memory_space<vmem>> -> memref<128x64xf32, #tpu.memory_space<vmem>>
      %dma_start3A_92 = arith.constant 0 : i32
      %dma_start3A_93 = tpu.memref_slice %arg27[%add3A_36, %dma_start3A_92] : memref<10112x64xf32, #tpu.memory_space<vmem_shared>> -> memref<128x64xf32, #tpu.memory_space<vmem_shared>>
      tpu.enqueue_dma source(%dma_start3A_93 : memref<128x64xf32, #tpu.memory_space<vmem_shared>>) target(%dma_start3A_91 : memref<128x64xf32, #tpu.memory_space<vmem>>) target_semaphore(%run_scoped3A : memref<!tpu.dma_semaphore, #tpu.memory_space<semaphore_mem>>)
      %dma_wait3A = arith.constant 0 : i32
      %dma_wait3A_94 = arith.constant 0 : i32
      %dma_wait3A_95 = tpu.memref_slice %arg15[%dma_wait3A, %dma_wait3A_94] : memref<128x64xf32, #tpu.memory_space<vmem>> -> memref<128x64xf32, #tpu.memory_space<vmem>>
      %dma_wait3A_96 = arith.constant 0 : i32
      %dma_wait3A_97 = tpu.memref_slice %arg27[%add3A_36, %dma_wait3A_96] : memref<10112x64xf32, #tpu.memory_space<vmem_shared>> -> memref<128x64xf32, #tpu.memory_space<vmem_shared>>
      %dma_wait3A_98 = arith.constant 0 : i32
      %dma_wait3A_99 = arith.constant 0 : i32
      %dma_wait3A_100 = tpu.memref_slice %arg15[%dma_wait3A_98, %dma_wait3A_99] : memref<128x64xf32, #tpu.memory_space<vmem>> -> memref<128x64xf32, #tpu.memory_space<vmem>>
      %dma_wait3A_101 = arith.constant 0 : i32
      %dma_wait3A_102 = tpu.memref_slice %arg27[%add3A_36, %dma_wait3A_101] : memref<10112x64xf32, #tpu.memory_space<vmem_shared>> -> memref<128x64xf32, #tpu.memory_space<vmem_shared>>
      tpu.wait_dma2 semaphore(%run_scoped3A : memref<!tpu.dma_semaphore, #tpu.memory_space<semaphore_mem>>) src(%dma_wait3A_102 : memref<128x64xf32, #tpu.memory_space<vmem_shared>>) dst(%dma_wait3A_100 : memref<128x64xf32, #tpu.memory_space<vmem>>)
      tpu.yield
    }) : () -> ()
    %scan3A_37 = arith.constant 0 : i32
    %scan3A_38 = arith.constant 0 : i32
    %scan3A_39 = arith.constant 128 : i32
    %scan3A_40 = arith.addi %scan3A_38, %scan3A_39 : i32
    %scan3A_41 = arith.constant 1 : i32
    scf.for %scan3A_85 = %scan3A_38 to %scan3A_40 step %scan3A_41  : i32 {
      %add3A_86 = arith.constant 0 : i32
      %add3A_87 = arith.addi %add3A_86, %scan3A_85 : i32
      %get3A = arith.index_cast %add3A_87 : i32 to index
      %get3A_88 = tpu.vector_load %arg16[%get3A] {strides = array<i32>} : memref<648xf32, #tpu.memory_space<vmem>>, vector<16xf32>,
      %get3A_89 = vector.shape_cast %get3A_88 : vector<16xf32> to vector<16xf32>
      %slice3A = vector.extract_strided_slice %get3A_89 {offsets = [0], sizes = [1], strides = [1]} : vector<16xf32> to vector<1xf32>
      %squeeze3A = vector.extract %slice3A[0] : f32 from vector<1xf32>
      %get3A_90 = arith.index_cast %scan3A_85 : i32 to index
      %get3A_91 = arith.constant 0 : index
      %get3A_92 = tpu.vector_load %arg15[%get3A_90, %get3A_91] {strides = array<i32>} : memref<128x64xf32, #tpu.memory_space<vmem>>, vector<1x16xf32>,
      %get3A_93 = vector.shape_cast %get3A_92 : vector<1x16xf32> to vector<16xf32>
      %mul3A_94 = vector.broadcast %squeeze3A : f32 to vector<16xf32>
      %mul3A_95 = arith.mulf %get3A_93, %mul3A_94 : vector<16xf32>
      %swap3A = arith.index_cast %scan3A_85 : i32 to index
      %swap3A_96 = arith.constant 0 : index
      %swap3A_97 = tpu.vector_load %arg15[%swap3A, %swap3A_96] {strides = array<i32>} : memref<128x64xf32, #tpu.memory_space<vmem>>, vector<1x16xf32>,
      %swap3A_98 = vector.shape_cast %swap3A_97 : vector<1x16xf32> to vector<16xf32>
      %swap3A_99 = vector.shape_cast %mul3A_95 : vector<16xf32> to vector<1x16xf32>
      tpu.vector_store %arg15[%swap3A, %swap3A_96], %swap3A_99 {strides = array<i32>} : memref<128x64xf32, #tpu.memory_space<vmem>>, vector<1x16xf32>,
      %get3A_100 = arith.index_cast %scan3A_85 : i32 to index
      %get3A_101 = arith.constant 16 : index
      %get3A_102 = tpu.vector_load %arg15[%get3A_100, %get3A_101] {strides = array<i32>} : memref<128x64xf32, #tpu.memory_space<vmem>>, vector<1x16xf32>,
      %get3A_103 = vector.shape_cast %get3A_102 : vector<1x16xf32> to vector<16xf32>
      %mul3A_104 = vector.broadcast %squeeze3A : f32 to vector<16xf32>
      %mul3A_105 = arith.mulf %get3A_103, %mul3A_104 : vector<16xf32>
      %swap3A_106 = arith.index_cast %scan3A_85 : i32 to index
      %swap3A_107 = arith.constant 16 : index
      %swap3A_108 = tpu.vector_load %arg15[%swap3A_106, %swap3A_107] {strides = array<i32>} : memref<128x64xf32, #tpu.memory_space<vmem>>, vector<1x16xf32>,
      %swap3A_109 = vector.shape_cast %swap3A_108 : vector<1x16xf32> to vector<16xf32>
      %swap3A_110 = vector.shape_cast %mul3A_105 : vector<16xf32> to vector<1x16xf32>
      tpu.vector_store %arg15[%swap3A_106, %swap3A_107], %swap3A_110 {strides = array<i32>} : memref<128x64xf32, #tpu.memory_space<vmem>>, vector<1x16xf32>,
      %get3A_111 = arith.index_cast %scan3A_85 : i32 to index
      %get3A_112 = arith.constant 32 : index
      %get3A_113 = tpu.vector_load %arg15[%get3A_111, %get3A_112] {strides = array<i32>} : memref<128x64xf32, #tpu.memory_space<vmem>>, vector<1x16xf32>,
      %get3A_114 = vector.shape_cast %get3A_113 : vector<1x16xf32> to vector<16xf32>
      %mul3A_115 = vector.broadcast %squeeze3A : f32 to vector<16xf32>
      %mul3A_116 = arith.mulf %get3A_114, %mul3A_115 : vector<16xf32>
      %swap3A_117 = arith.index_cast %scan3A_85 : i32 to index
      %swap3A_118 = arith.constant 32 : index
      %swap3A_119 = tpu.vector_load %arg15[%swap3A_117, %swap3A_118] {strides = array<i32>} : memref<128x64xf32, #tpu.memory_space<vmem>>, vector<1x16xf32>,
      %swap3A_120 = vector.shape_cast %swap3A_119 : vector<1x16xf32> to vector<16xf32>
      %swap3A_121 = vector.shape_cast %mul3A_116 : vector<16xf32> to vector<1x16xf32>
      tpu.vector_store %arg15[%swap3A_117, %swap3A_118], %swap3A_121 {strides = array<i32>} : memref<128x64xf32, #tpu.memory_space<vmem>>, vector<1x16xf32>,
      %get3A_122 = arith.index_cast %scan3A_85 : i32 to index
      %get3A_123 = arith.constant 48 : index
      %get3A_124 = tpu.vector_load %arg15[%get3A_122, %get3A_123] {strides = array<i32>} : memref<128x64xf32, #tpu.memory_space<vmem>>, vector<1x16xf32>,
      %get3A_125 = vector.shape_cast %get3A_124 : vector<1x16xf32> to vector<16xf32>
      %mul3A_126 = vector.broadcast %squeeze3A : f32 to vector<16xf32>
      %mul3A_127 = arith.mulf %get3A_125, %mul3A_126 : vector<16xf32>
      %swap3A_128 = arith.index_cast %scan3A_85 : i32 to index
      %swap3A_129 = arith.constant 48 : index
      %swap3A_130 = tpu.vector_load %arg15[%swap3A_128, %swap3A_129] {strides = array<i32>} : memref<128x64xf32, #tpu.memory_space<vmem>>, vector<1x16xf32>,
      %swap3A_131 = vector.shape_cast %swap3A_130 : vector<1x16xf32> to vector<16xf32>
      %swap3A_132 = vector.shape_cast %mul3A_127 : vector<16xf32> to vector<1x16xf32>
      tpu.vector_store %arg15[%swap3A_128, %swap3A_129], %swap3A_132 {strides = array<i32>} : memref<128x64xf32, #tpu.memory_space<vmem>>, vector<1x16xf32>,
    }
    %scan3A_42 = arith.constant 128 : i32
    %add3A_43 = arith.constant 0 : i32
    %add3A_44 = arith.addi %mul3A_0, %add3A_43 : i32
    "tpu.region"() ({
      %run_scoped3A = tpu.sem_alloc : memref<!tpu.dma_semaphore, #tpu.memory_space<semaphore_mem>>
      %dma_start3A = arith.constant 0 : i32
      %dma_start3A_85 = arith.constant 0 : i32
      %dma_start3A_86 = tpu.memref_slice %arg15[%dma_start3A, %dma_start3A_85] : memref<128x64xf32, #tpu.memory_space<vmem>> -> memref<128x64xf32, #tpu.memory_space<vmem>>
      %dma_start3A_87 = arith.constant 0 : i32
      %dma_start3A_88 = tpu.memref_slice %arg7[%arg0, %add3A_44, %dma_start3A_87] : memref<2x10112x64xf32, #tpu.memory_space<hbm>> -> memref<1x128x64xf32, #tpu.memory_space<hbm>>
      %dma_start3A_89 = tpu.memref_squeeze %dma_start3A_88 : memref<1x128x64xf32, #tpu.memory_space<hbm>> -> memref<128x64xf32, #tpu.memory_space<hbm>>
      %dma_start3A_90 = arith.constant 0 : i32
      %dma_start3A_91 = tpu.memref_slice %arg7[%arg0, %add3A_44, %dma_start3A_90] : memref<2x10112x64xf32, #tpu.memory_space<hbm>> -> memref<1x128x64xf32, #tpu.memory_space<hbm>>
      %dma_start3A_92 = tpu.memref_squeeze %dma_start3A_91 : memref<1x128x64xf32, #tpu.memory_space<hbm>> -> memref<128x64xf32, #tpu.memory_space<hbm>>
      %dma_start3A_93 = arith.constant 0 : i32
      %dma_start3A_94 = arith.constant 0 : i32
      %dma_start3A_95 = tpu.memref_slice %arg15[%dma_start3A_93, %dma_start3A_94] : memref<128x64xf32, #tpu.memory_space<vmem>> -> memref<128x64xf32, #tpu.memory_space<vmem>>
      tpu.enqueue_dma source(%dma_start3A_95 : memref<128x64xf32, #tpu.memory_space<vmem>>) target(%dma_start3A_92 : memref<128x64xf32, #tpu.memory_space<hbm>>) target_semaphore(%run_scoped3A : memref<!tpu.dma_semaphore, #tpu.memory_space<semaphore_mem>>)
      %dma_wait3A = arith.constant 0 : i32
      %dma_wait3A_96 = arith.constant 0 : i32
      %dma_wait3A_97 = tpu.memref_slice %arg15[%dma_wait3A, %dma_wait3A_96] : memref<128x64xf32, #tpu.memory_space<vmem>> -> memref<128x64xf32, #tpu.memory_space<vmem>>
      %dma_wait3A_98 = arith.constant 0 : i32
      %dma_wait3A_99 = tpu.memref_slice %arg7[%arg0, %add3A_44, %dma_wait3A_98] : memref<2x10112x64xf32, #tpu.memory_space<hbm>> -> memref<1x128x64xf32, #tpu.memory_space<hbm>>
      %dma_wait3A_100 = tpu.memref_squeeze %dma_wait3A_99 : memref<1x128x64xf32, #tpu.memory_space<hbm>> -> memref<128x64xf32, #tpu.memory_space<hbm>>
      %dma_wait3A_101 = arith.constant 0 : i32
      %dma_wait3A_102 = tpu.memref_slice %arg7[%arg0, %add3A_44, %dma_wait3A_101] : memref<2x10112x64xf32, #tpu.memory_space<hbm>> -> memref<1x128x64xf32, #tpu.memory_space<hbm>>
      %dma_wait3A_103 = tpu.memref_squeeze %dma_wait3A_102 : memref<1x128x64xf32, #tpu.memory_space<hbm>> -> memref<128x64xf32, #tpu.memory_space<hbm>>
      %dma_wait3A_104 = arith.constant 0 : i32
      %dma_wait3A_105 = arith.constant 0 : i32
      %dma_wait3A_106 = tpu.memref_slice %arg15[%dma_wait3A_104, %dma_wait3A_105] : memref<128x64xf32, #tpu.memory_space<vmem>> -> memref<128x64xf32, #tpu.memory_space<vmem>>
      tpu.wait_dma2 semaphore(%run_scoped3A : memref<!tpu.dma_semaphore, #tpu.memory_space<semaphore_mem>>) src(%dma_wait3A_106 : memref<128x64xf32, #tpu.memory_space<vmem>>) dst(%dma_wait3A_103 : memref<128x64xf32, #tpu.memory_space<hbm>>)
      tpu.yield
    }) : () -> ()
    %add3A_45 = arith.constant 128 : i32
    %add3A_46 = arith.addi %mul3A_0, %add3A_45 : i32
    "tpu.region"() ({
      %run_scoped3A = tpu.sem_alloc : memref<!tpu.dma_semaphore, #tpu.memory_space<semaphore_mem>>
      %dma_start3A = arith.constant 0 : i32
      %dma_start3A_85 = arith.constant 0 : i32
      %dma_start3A_86 = tpu.memref_slice %arg15[%dma_start3A, %dma_start3A_85] : memref<128x64xf32, #tpu.memory_space<vmem>> -> memref<128x64xf32, #tpu.memory_space<vmem>>
      %dma_start3A_87 = arith.constant 0 : i32
      %dma_start3A_88 = tpu.memref_slice %arg27[%add3A_46, %dma_start3A_87] : memref<10112x64xf32, #tpu.memory_space<vmem_shared>> -> memref<128x64xf32, #tpu.memory_space<vmem_shared>>
      %dma_start3A_89 = arith.constant 0 : i32
      %dma_start3A_90 = arith.constant 0 : i32
      %dma_start3A_91 = tpu.memref_slice %arg15[%dma_start3A_89, %dma_start3A_90] : memref<128x64xf32, #tpu.memory_space<vmem>> -> memref<128x64xf32, #tpu.memory_space<vmem>>
      %dma_start3A_92 = arith.constant 0 : i32
      %dma_start3A_93 = tpu.memref_slice %arg27[%add3A_46, %dma_start3A_92] : memref<10112x64xf32, #tpu.memory_space<vmem_shared>> -> memref<128x64xf32, #tpu.memory_space<vmem_shared>>
      tpu.enqueue_dma source(%dma_start3A_93 : memref<128x64xf32, #tpu.memory_space<vmem_shared>>) target(%dma_start3A_91 : memref<128x64xf32, #tpu.memory_space<vmem>>) target_semaphore(%run_scoped3A : memref<!tpu.dma_semaphore, #tpu.memory_space<semaphore_mem>>)
      %dma_wait3A = arith.constant 0 : i32
      %dma_wait3A_94 = arith.constant 0 : i32
      %dma_wait3A_95 = tpu.memref_slice %arg15[%dma_wait3A, %dma_wait3A_94] : memref<128x64xf32, #tpu.memory_space<vmem>> -> memref<128x64xf32, #tpu.memory_space<vmem>>
      %dma_wait3A_96 = arith.constant 0 : i32
      %dma_wait3A_97 = tpu.memref_slice %arg27[%add3A_46, %dma_wait3A_96] : memref<10112x64xf32, #tpu.memory_space<vmem_shared>> -> memref<128x64xf32, #tpu.memory_space<vmem_shared>>
      %dma_wait3A_98 = arith.constant 0 : i32
      %dma_wait3A_99 = arith.constant 0 : i32
      %dma_wait3A_100 = tpu.memref_slice %arg15[%dma_wait3A_98, %dma_wait3A_99] : memref<128x64xf32, #tpu.memory_space<vmem>> -> memref<128x64xf32, #tpu.memory_space<vmem>>
      %dma_wait3A_101 = arith.constant 0 : i32
      %dma_wait3A_102 = tpu.memref_slice %arg27[%add3A_46, %dma_wait3A_101] : memref<10112x64xf32, #tpu.memory_space<vmem_shared>> -> memref<128x64xf32, #tpu.memory_space<vmem_shared>>
      tpu.wait_dma2 semaphore(%run_scoped3A : memref<!tpu.dma_semaphore, #tpu.memory_space<semaphore_mem>>) src(%dma_wait3A_102 : memref<128x64xf32, #tpu.memory_space<vmem_shared>>) dst(%dma_wait3A_100 : memref<128x64xf32, #tpu.memory_space<vmem>>)
      tpu.yield
    }) : () -> ()
    %scan3A_47 = arith.constant 0 : i32
    %scan3A_48 = arith.constant 0 : i32
    %scan3A_49 = arith.constant 128 : i32
    %scan3A_50 = arith.addi %scan3A_48, %scan3A_49 : i32
    %scan3A_51 = arith.constant 1 : i32
    scf.for %scan3A_85 = %scan3A_48 to %scan3A_50 step %scan3A_51  : i32 {
      %add3A_86 = arith.constant 128 : i32
      %add3A_87 = arith.addi %add3A_86, %scan3A_85 : i32
      %get3A = arith.index_cast %add3A_87 : i32 to index
      %get3A_88 = tpu.vector_load %arg16[%get3A] {strides = array<i32>} : memref<648xf32, #tpu.memory_space<vmem>>, vector<16xf32>,
      %get3A_89 = vector.shape_cast %get3A_88 : vector<16xf32> to vector<16xf32>
      %slice3A = vector.extract_strided_slice %get3A_89 {offsets = [0], sizes = [1], strides = [1]} : vector<16xf32> to vector<1xf32>
      %squeeze3A = vector.extract %slice3A[0] : f32 from vector<1xf32>
      %get3A_90 = arith.index_cast %scan3A_85 : i32 to index
      %get3A_91 = arith.constant 0 : index
      %get3A_92 = tpu.vector_load %arg15[%get3A_90, %get3A_91] {strides = array<i32>} : memref<128x64xf32, #tpu.memory_space<vmem>>, vector<1x16xf32>,
      %get3A_93 = vector.shape_cast %get3A_92 : vector<1x16xf32> to vector<16xf32>
      %mul3A_94 = vector.broadcast %squeeze3A : f32 to vector<16xf32>
      %mul3A_95 = arith.mulf %get3A_93, %mul3A_94 : vector<16xf32>
      %swap3A = arith.index_cast %scan3A_85 : i32 to index
      %swap3A_96 = arith.constant 0 : index
      %swap3A_97 = tpu.vector_load %arg15[%swap3A, %swap3A_96] {strides = array<i32>} : memref<128x64xf32, #tpu.memory_space<vmem>>, vector<1x16xf32>,
      %swap3A_98 = vector.shape_cast %swap3A_97 : vector<1x16xf32> to vector<16xf32>
      %swap3A_99 = vector.shape_cast %mul3A_95 : vector<16xf32> to vector<1x16xf32>
      tpu.vector_store %arg15[%swap3A, %swap3A_96], %swap3A_99 {strides = array<i32>} : memref<128x64xf32, #tpu.memory_space<vmem>>, vector<1x16xf32>,
      %get3A_100 = arith.index_cast %scan3A_85 : i32 to index
      %get3A_101 = arith.constant 16 : index
      %get3A_102 = tpu.vector_load %arg15[%get3A_100, %get3A_101] {strides = array<i32>} : memref<128x64xf32, #tpu.memory_space<vmem>>, vector<1x16xf32>,
      %get3A_103 = vector.shape_cast %get3A_102 : vector<1x16xf32> to vector<16xf32>
      %mul3A_104 = vector.broadcast %squeeze3A : f32 to vector<16xf32>
      %mul3A_105 = arith.mulf %get3A_103, %mul3A_104 : vector<16xf32>
      %swap3A_106 = arith.index_cast %scan3A_85 : i32 to index
      %swap3A_107 = arith.constant 16 : index
      %swap3A_108 = tpu.vector_load %arg15[%swap3A_106, %swap3A_107] {strides = array<i32>} : memref<128x64xf32, #tpu.memory_space<vmem>>, vector<1x16xf32>,
      %swap3A_109 = vector.shape_cast %swap3A_108 : vector<1x16xf32> to vector<16xf32>
      %swap3A_110 = vector.shape_cast %mul3A_105 : vector<16xf32> to vector<1x16xf32>
      tpu.vector_store %arg15[%swap3A_106, %swap3A_107], %swap3A_110 {strides = array<i32>} : memref<128x64xf32, #tpu.memory_space<vmem>>, vector<1x16xf32>,
      %get3A_111 = arith.index_cast %scan3A_85 : i32 to index
      %get3A_112 = arith.constant 32 : index
      %get3A_113 = tpu.vector_load %arg15[%get3A_111, %get3A_112] {strides = array<i32>} : memref<128x64xf32, #tpu.memory_space<vmem>>, vector<1x16xf32>,
      %get3A_114 = vector.shape_cast %get3A_113 : vector<1x16xf32> to vector<16xf32>
      %mul3A_115 = vector.broadcast %squeeze3A : f32 to vector<16xf32>
      %mul3A_116 = arith.mulf %get3A_114, %mul3A_115 : vector<16xf32>
      %swap3A_117 = arith.index_cast %scan3A_85 : i32 to index
      %swap3A_118 = arith.constant 32 : index
      %swap3A_119 = tpu.vector_load %arg15[%swap3A_117, %swap3A_118] {strides = array<i32>} : memref<128x64xf32, #tpu.memory_space<vmem>>, vector<1x16xf32>,
      %swap3A_120 = vector.shape_cast %swap3A_119 : vector<1x16xf32> to vector<16xf32>
      %swap3A_121 = vector.shape_cast %mul3A_116 : vector<16xf32> to vector<1x16xf32>
      tpu.vector_store %arg15[%swap3A_117, %swap3A_118], %swap3A_121 {strides = array<i32>} : memref<128x64xf32, #tpu.memory_space<vmem>>, vector<1x16xf32>,
      %get3A_122 = arith.index_cast %scan3A_85 : i32 to index
      %get3A_123 = arith.constant 48 : index
      %get3A_124 = tpu.vector_load %arg15[%get3A_122, %get3A_123] {strides = array<i32>} : memref<128x64xf32, #tpu.memory_space<vmem>>, vector<1x16xf32>,
      %get3A_125 = vector.shape_cast %get3A_124 : vector<1x16xf32> to vector<16xf32>
      %mul3A_126 = vector.broadcast %squeeze3A : f32 to vector<16xf32>
      %mul3A_127 = arith.mulf %get3A_125, %mul3A_126 : vector<16xf32>
      %swap3A_128 = arith.index_cast %scan3A_85 : i32 to index
      %swap3A_129 = arith.constant 48 : index
      %swap3A_130 = tpu.vector_load %arg15[%swap3A_128, %swap3A_129] {strides = array<i32>} : memref<128x64xf32, #tpu.memory_space<vmem>>, vector<1x16xf32>,
      %swap3A_131 = vector.shape_cast %swap3A_130 : vector<1x16xf32> to vector<16xf32>
      %swap3A_132 = vector.shape_cast %mul3A_127 : vector<16xf32> to vector<1x16xf32>
      tpu.vector_store %arg15[%swap3A_128, %swap3A_129], %swap3A_132 {strides = array<i32>} : memref<128x64xf32, #tpu.memory_space<vmem>>, vector<1x16xf32>,
    }
    %scan3A_52 = arith.constant 128 : i32
    %add3A_53 = arith.constant 128 : i32
    %add3A_54 = arith.addi %mul3A_0, %add3A_53 : i32
    "tpu.region"() ({
      %run_scoped3A = tpu.sem_alloc : memref<!tpu.dma_semaphore, #tpu.memory_space<semaphore_mem>>
      %dma_start3A = arith.constant 0 : i32
      %dma_start3A_85 = arith.constant 0 : i32
      %dma_start3A_86 = tpu.memref_slice %arg15[%dma_start3A, %dma_start3A_85] : memref<128x64xf32, #tpu.memory_space<vmem>> -> memref<128x64xf32, #tpu.memory_space<vmem>>
      %dma_start3A_87 = arith.constant 0 : i32
      %dma_start3A_88 = tpu.memref_slice %arg7[%arg0, %add3A_54, %dma_start3A_87] : memref<2x10112x64xf32, #tpu.memory_space<hbm>> -> memref<1x128x64xf32, #tpu.memory_space<hbm>>
      %dma_start3A_89 = tpu.memref_squeeze %dma_start3A_88 : memref<1x128x64xf32, #tpu.memory_space<hbm>> -> memref<128x64xf32, #tpu.memory_space<hbm>>
      %dma_start3A_90 = arith.constant 0 : i32
      %dma_start3A_91 = tpu.memref_slice %arg7[%arg0, %add3A_54, %dma_start3A_90] : memref<2x10112x64xf32, #tpu.memory_space<hbm>> -> memref<1x128x64xf32, #tpu.memory_space<hbm>>
      %dma_start3A_92 = tpu.memref_squeeze %dma_start3A_91 : memref<1x128x64xf32, #tpu.memory_space<hbm>> -> memref<128x64xf32, #tpu.memory_space<hbm>>
      %dma_start3A_93 = arith.constant 0 : i32
      %dma_start3A_94 = arith.constant 0 : i32
      %dma_start3A_95 = tpu.memref_slice %arg15[%dma_start3A_93, %dma_start3A_94] : memref<128x64xf32, #tpu.memory_space<vmem>> -> memref<128x64xf32, #tpu.memory_space<vmem>>
      tpu.enqueue_dma source(%dma_start3A_95 : memref<128x64xf32, #tpu.memory_space<vmem>>) target(%dma_start3A_92 : memref<128x64xf32, #tpu.memory_space<hbm>>) target_semaphore(%run_scoped3A : memref<!tpu.dma_semaphore, #tpu.memory_space<semaphore_mem>>)
      %dma_wait3A = arith.constant 0 : i32
      %dma_wait3A_96 = arith.constant 0 : i32
      %dma_wait3A_97 = tpu.memref_slice %arg15[%dma_wait3A, %dma_wait3A_96] : memref<128x64xf32, #tpu.memory_space<vmem>> -> memref<128x64xf32, #tpu.memory_space<vmem>>
      %dma_wait3A_98 = arith.constant 0 : i32
      %dma_wait3A_99 = tpu.memref_slice %arg7[%arg0, %add3A_54, %dma_wait3A_98] : memref<2x10112x64xf32, #tpu.memory_space<hbm>> -> memref<1x128x64xf32, #tpu.memory_space<hbm>>
      %dma_wait3A_100 = tpu.memref_squeeze %dma_wait3A_99 : memref<1x128x64xf32, #tpu.memory_space<hbm>> -> memref<128x64xf32, #tpu.memory_space<hbm>>
      %dma_wait3A_101 = arith.constant 0 : i32
      %dma_wait3A_102 = tpu.memref_slice %arg7[%arg0, %add3A_54, %dma_wait3A_101] : memref<2x10112x64xf32, #tpu.memory_space<hbm>> -> memref<1x128x64xf32, #tpu.memory_space<hbm>>
      %dma_wait3A_103 = tpu.memref_squeeze %dma_wait3A_102 : memref<1x128x64xf32, #tpu.memory_space<hbm>> -> memref<128x64xf32, #tpu.memory_space<hbm>>
      %dma_wait3A_104 = arith.constant 0 : i32
      %dma_wait3A_105 = arith.constant 0 : i32
      %dma_wait3A_106 = tpu.memref_slice %arg15[%dma_wait3A_104, %dma_wait3A_105] : memref<128x64xf32, #tpu.memory_space<vmem>> -> memref<128x64xf32, #tpu.memory_space<vmem>>
      tpu.wait_dma2 semaphore(%run_scoped3A : memref<!tpu.dma_semaphore, #tpu.memory_space<semaphore_mem>>) src(%dma_wait3A_106 : memref<128x64xf32, #tpu.memory_space<vmem>>) dst(%dma_wait3A_103 : memref<128x64xf32, #tpu.memory_space<hbm>>)
      tpu.yield
    }) : () -> ()
    %add3A_55 = arith.constant 256 : i32
    %add3A_56 = arith.addi %mul3A_0, %add3A_55 : i32
    "tpu.region"() ({
      %run_scoped3A = tpu.sem_alloc : memref<!tpu.dma_semaphore, #tpu.memory_space<semaphore_mem>>
      %dma_start3A = arith.constant 0 : i32
      %dma_start3A_85 = arith.constant 0 : i32
      %dma_start3A_86 = tpu.memref_slice %arg15[%dma_start3A, %dma_start3A_85] : memref<128x64xf32, #tpu.memory_space<vmem>> -> memref<128x64xf32, #tpu.memory_space<vmem>>
      %dma_start3A_87 = arith.constant 0 : i32
      %dma_start3A_88 = tpu.memref_slice %arg27[%add3A_56, %dma_start3A_87] : memref<10112x64xf32, #tpu.memory_space<vmem_shared>> -> memref<128x64xf32, #tpu.memory_space<vmem_shared>>
      %dma_start3A_89 = arith.constant 0 : i32
      %dma_start3A_90 = arith.constant 0 : i32
      %dma_start3A_91 = tpu.memref_slice %arg15[%dma_start3A_89, %dma_start3A_90] : memref<128x64xf32, #tpu.memory_space<vmem>> -> memref<128x64xf32, #tpu.memory_space<vmem>>
      %dma_start3A_92 = arith.constant 0 : i32
      %dma_start3A_93 = tpu.memref_slice %arg27[%add3A_56, %dma_start3A_92] : memref<10112x64xf32, #tpu.memory_space<vmem_shared>> -> memref<128x64xf32, #tpu.memory_space<vmem_shared>>
      tpu.enqueue_dma source(%dma_start3A_93 : memref<128x64xf32, #tpu.memory_space<vmem_shared>>) target(%dma_start3A_91 : memref<128x64xf32, #tpu.memory_space<vmem>>) target_semaphore(%run_scoped3A : memref<!tpu.dma_semaphore, #tpu.memory_space<semaphore_mem>>)
      %dma_wait3A = arith.constant 0 : i32
      %dma_wait3A_94 = arith.constant 0 : i32
      %dma_wait3A_95 = tpu.memref_slice %arg15[%dma_wait3A, %dma_wait3A_94] : memref<128x64xf32, #tpu.memory_space<vmem>> -> memref<128x64xf32, #tpu.memory_space<vmem>>
      %dma_wait3A_96 = arith.constant 0 : i32
      %dma_wait3A_97 = tpu.memref_slice %arg27[%add3A_56, %dma_wait3A_96] : memref<10112x64xf32, #tpu.memory_space<vmem_shared>> -> memref<128x64xf32, #tpu.memory_space<vmem_shared>>
      %dma_wait3A_98 = arith.constant 0 : i32
      %dma_wait3A_99 = arith.constant 0 : i32
      %dma_wait3A_100 = tpu.memref_slice %arg15[%dma_wait3A_98, %dma_wait3A_99] : memref<128x64xf32, #tpu.memory_space<vmem>> -> memref<128x64xf32, #tpu.memory_space<vmem>>
      %dma_wait3A_101 = arith.constant 0 : i32
      %dma_wait3A_102 = tpu.memref_slice %arg27[%add3A_56, %dma_wait3A_101] : memref<10112x64xf32, #tpu.memory_space<vmem_shared>> -> memref<128x64xf32, #tpu.memory_space<vmem_shared>>
      tpu.wait_dma2 semaphore(%run_scoped3A : memref<!tpu.dma_semaphore, #tpu.memory_space<semaphore_mem>>) src(%dma_wait3A_102 : memref<128x64xf32, #tpu.memory_space<vmem_shared>>) dst(%dma_wait3A_100 : memref<128x64xf32, #tpu.memory_space<vmem>>)
      tpu.yield
    }) : () -> ()
    %scan3A_57 = arith.constant 0 : i32
    %scan3A_58 = arith.constant 0 : i32
    %scan3A_59 = arith.constant 128 : i32
    %scan3A_60 = arith.addi %scan3A_58, %scan3A_59 : i32
    %scan3A_61 = arith.constant 1 : i32
    scf.for %scan3A_85 = %scan3A_58 to %scan3A_60 step %scan3A_61  : i32 {
      %add3A_86 = arith.constant 256 : i32
      %add3A_87 = arith.addi %add3A_86, %scan3A_85 : i32
      %get3A = arith.index_cast %add3A_87 : i32 to index
      %get3A_88 = tpu.vector_load %arg16[%get3A] {strides = array<i32>} : memref<648xf32, #tpu.memory_space<vmem>>, vector<16xf32>,
      %get3A_89 = vector.shape_cast %get3A_88 : vector<16xf32> to vector<16xf32>
      %slice3A = vector.extract_strided_slice %get3A_89 {offsets = [0], sizes = [1], strides = [1]} : vector<16xf32> to vector<1xf32>
      %squeeze3A = vector.extract %slice3A[0] : f32 from vector<1xf32>
      %get3A_90 = arith.index_cast %scan3A_85 : i32 to index
      %get3A_91 = arith.constant 0 : index
      %get3A_92 = tpu.vector_load %arg15[%get3A_90, %get3A_91] {strides = array<i32>} : memref<128x64xf32, #tpu.memory_space<vmem>>, vector<1x16xf32>,
      %get3A_93 = vector.shape_cast %get3A_92 : vector<1x16xf32> to vector<16xf32>
      %mul3A_94 = vector.broadcast %squeeze3A : f32 to vector<16xf32>
      %mul3A_95 = arith.mulf %get3A_93, %mul3A_94 : vector<16xf32>
      %swap3A = arith.index_cast %scan3A_85 : i32 to index
      %swap3A_96 = arith.constant 0 : index
      %swap3A_97 = tpu.vector_load %arg15[%swap3A, %swap3A_96] {strides = array<i32>} : memref<128x64xf32, #tpu.memory_space<vmem>>, vector<1x16xf32>,
      %swap3A_98 = vector.shape_cast %swap3A_97 : vector<1x16xf32> to vector<16xf32>
      %swap3A_99 = vector.shape_cast %mul3A_95 : vector<16xf32> to vector<1x16xf32>
      tpu.vector_store %arg15[%swap3A, %swap3A_96], %swap3A_99 {strides = array<i32>} : memref<128x64xf32, #tpu.memory_space<vmem>>, vector<1x16xf32>,
      %get3A_100 = arith.index_cast %scan3A_85 : i32 to index
      %get3A_101 = arith.constant 16 : index
      %get3A_102 = tpu.vector_load %arg15[%get3A_100, %get3A_101] {strides = array<i32>} : memref<128x64xf32, #tpu.memory_space<vmem>>, vector<1x16xf32>,
      %get3A_103 = vector.shape_cast %get3A_102 : vector<1x16xf32> to vector<16xf32>
      %mul3A_104 = vector.broadcast %squeeze3A : f32 to vector<16xf32>
      %mul3A_105 = arith.mulf %get3A_103, %mul3A_104 : vector<16xf32>
      %swap3A_106 = arith.index_cast %scan3A_85 : i32 to index
      %swap3A_107 = arith.constant 16 : index
      %swap3A_108 = tpu.vector_load %arg15[%swap3A_106, %swap3A_107] {strides = array<i32>} : memref<128x64xf32, #tpu.memory_space<vmem>>, vector<1x16xf32>,
      %swap3A_109 = vector.shape_cast %swap3A_108 : vector<1x16xf32> to vector<16xf32>
      %swap3A_110 = vector.shape_cast %mul3A_105 : vector<16xf32> to vector<1x16xf32>
      tpu.vector_store %arg15[%swap3A_106, %swap3A_107], %swap3A_110 {strides = array<i32>} : memref<128x64xf32, #tpu.memory_space<vmem>>, vector<1x16xf32>,
      %get3A_111 = arith.index_cast %scan3A_85 : i32 to index
      %get3A_112 = arith.constant 32 : index
      %get3A_113 = tpu.vector_load %arg15[%get3A_111, %get3A_112] {strides = array<i32>} : memref<128x64xf32, #tpu.memory_space<vmem>>, vector<1x16xf32>,
      %get3A_114 = vector.shape_cast %get3A_113 : vector<1x16xf32> to vector<16xf32>
      %mul3A_115 = vector.broadcast %squeeze3A : f32 to vector<16xf32>
      %mul3A_116 = arith.mulf %get3A_114, %mul3A_115 : vector<16xf32>
      %swap3A_117 = arith.index_cast %scan3A_85 : i32 to index
      %swap3A_118 = arith.constant 32 : index
      %swap3A_119 = tpu.vector_load %arg15[%swap3A_117, %swap3A_118] {strides = array<i32>} : memref<128x64xf32, #tpu.memory_space<vmem>>, vector<1x16xf32>,
      %swap3A_120 = vector.shape_cast %swap3A_119 : vector<1x16xf32> to vector<16xf32>
      %swap3A_121 = vector.shape_cast %mul3A_116 : vector<16xf32> to vector<1x16xf32>
      tpu.vector_store %arg15[%swap3A_117, %swap3A_118], %swap3A_121 {strides = array<i32>} : memref<128x64xf32, #tpu.memory_space<vmem>>, vector<1x16xf32>,
      %get3A_122 = arith.index_cast %scan3A_85 : i32 to index
      %get3A_123 = arith.constant 48 : index
      %get3A_124 = tpu.vector_load %arg15[%get3A_122, %get3A_123] {strides = array<i32>} : memref<128x64xf32, #tpu.memory_space<vmem>>, vector<1x16xf32>,
      %get3A_125 = vector.shape_cast %get3A_124 : vector<1x16xf32> to vector<16xf32>
      %mul3A_126 = vector.broadcast %squeeze3A : f32 to vector<16xf32>
      %mul3A_127 = arith.mulf %get3A_125, %mul3A_126 : vector<16xf32>
      %swap3A_128 = arith.index_cast %scan3A_85 : i32 to index
      %swap3A_129 = arith.constant 48 : index
      %swap3A_130 = tpu.vector_load %arg15[%swap3A_128, %swap3A_129] {strides = array<i32>} : memref<128x64xf32, #tpu.memory_space<vmem>>, vector<1x16xf32>,
      %swap3A_131 = vector.shape_cast %swap3A_130 : vector<1x16xf32> to vector<16xf32>
      %swap3A_132 = vector.shape_cast %mul3A_127 : vector<16xf32> to vector<1x16xf32>
      tpu.vector_store %arg15[%swap3A_128, %swap3A_129], %swap3A_132 {strides = array<i32>} : memref<128x64xf32, #tpu.memory_space<vmem>>, vector<1x16xf32>,
    }
    %scan3A_62 = arith.constant 128 : i32
    %add3A_63 = arith.constant 256 : i32
    %add3A_64 = arith.addi %mul3A_0, %add3A_63 : i32
    "tpu.region"() ({
      %run_scoped3A = tpu.sem_alloc : memref<!tpu.dma_semaphore, #tpu.memory_space<semaphore_mem>>
      %dma_start3A = arith.constant 0 : i32
      %dma_start3A_85 = arith.constant 0 : i32
      %dma_start3A_86 = tpu.memref_slice %arg15[%dma_start3A, %dma_start3A_85] : memref<128x64xf32, #tpu.memory_space<vmem>> -> memref<128x64xf32, #tpu.memory_space<vmem>>
      %dma_start3A_87 = arith.constant 0 : i32
      %dma_start3A_88 = tpu.memref_slice %arg7[%arg0, %add3A_64, %dma_start3A_87] : memref<2x10112x64xf32, #tpu.memory_space<hbm>> -> memref<1x128x64xf32, #tpu.memory_space<hbm>>
      %dma_start3A_89 = tpu.memref_squeeze %dma_start3A_88 : memref<1x128x64xf32, #tpu.memory_space<hbm>> -> memref<128x64xf32, #tpu.memory_space<hbm>>
      %dma_start3A_90 = arith.constant 0 : i32
      %dma_start3A_91 = tpu.memref_slice %arg7[%arg0, %add3A_64, %dma_start3A_90] : memref<2x10112x64xf32, #tpu.memory_space<hbm>> -> memref<1x128x64xf32, #tpu.memory_space<hbm>>
      %dma_start3A_92 = tpu.memref_squeeze %dma_start3A_91 : memref<1x128x64xf32, #tpu.memory_space<hbm>> -> memref<128x64xf32, #tpu.memory_space<hbm>>
      %dma_start3A_93 = arith.constant 0 : i32
      %dma_start3A_94 = arith.constant 0 : i32
      %dma_start3A_95 = tpu.memref_slice %arg15[%dma_start3A_93, %dma_start3A_94] : memref<128x64xf32, #tpu.memory_space<vmem>> -> memref<128x64xf32, #tpu.memory_space<vmem>>
      tpu.enqueue_dma source(%dma_start3A_95 : memref<128x64xf32, #tpu.memory_space<vmem>>) target(%dma_start3A_92 : memref<128x64xf32, #tpu.memory_space<hbm>>) target_semaphore(%run_scoped3A : memref<!tpu.dma_semaphore, #tpu.memory_space<semaphore_mem>>)
      %dma_wait3A = arith.constant 0 : i32
      %dma_wait3A_96 = arith.constant 0 : i32
      %dma_wait3A_97 = tpu.memref_slice %arg15[%dma_wait3A, %dma_wait3A_96] : memref<128x64xf32, #tpu.memory_space<vmem>> -> memref<128x64xf32, #tpu.memory_space<vmem>>
      %dma_wait3A_98 = arith.constant 0 : i32
      %dma_wait3A_99 = tpu.memref_slice %arg7[%arg0, %add3A_64, %dma_wait3A_98] : memref<2x10112x64xf32, #tpu.memory_space<hbm>> -> memref<1x128x64xf32, #tpu.memory_space<hbm>>
      %dma_wait3A_100 = tpu.memref_squeeze %dma_wait3A_99 : memref<1x128x64xf32, #tpu.memory_space<hbm>> -> memref<128x64xf32, #tpu.memory_space<hbm>>
      %dma_wait3A_101 = arith.constant 0 : i32
      %dma_wait3A_102 = tpu.memref_slice %arg7[%arg0, %add3A_64, %dma_wait3A_101] : memref<2x10112x64xf32, #tpu.memory_space<hbm>> -> memref<1x128x64xf32, #tpu.memory_space<hbm>>
      %dma_wait3A_103 = tpu.memref_squeeze %dma_wait3A_102 : memref<1x128x64xf32, #tpu.memory_space<hbm>> -> memref<128x64xf32, #tpu.memory_space<hbm>>
      %dma_wait3A_104 = arith.constant 0 : i32
      %dma_wait3A_105 = arith.constant 0 : i32
      %dma_wait3A_106 = tpu.memref_slice %arg15[%dma_wait3A_104, %dma_wait3A_105] : memref<128x64xf32, #tpu.memory_space<vmem>> -> memref<128x64xf32, #tpu.memory_space<vmem>>
      tpu.wait_dma2 semaphore(%run_scoped3A : memref<!tpu.dma_semaphore, #tpu.memory_space<semaphore_mem>>) src(%dma_wait3A_106 : memref<128x64xf32, #tpu.memory_space<vmem>>) dst(%dma_wait3A_103 : memref<128x64xf32, #tpu.memory_space<hbm>>)
      tpu.yield
    }) : () -> ()
    %add3A_65 = arith.constant 384 : i32
    %add3A_66 = arith.addi %mul3A_0, %add3A_65 : i32
    "tpu.region"() ({
      %run_scoped3A = tpu.sem_alloc : memref<!tpu.dma_semaphore, #tpu.memory_space<semaphore_mem>>
      %dma_start3A = arith.constant 0 : i32
      %dma_start3A_85 = arith.constant 0 : i32
      %dma_start3A_86 = tpu.memref_slice %arg15[%dma_start3A, %dma_start3A_85] : memref<128x64xf32, #tpu.memory_space<vmem>> -> memref<128x64xf32, #tpu.memory_space<vmem>>
      %dma_start3A_87 = arith.constant 0 : i32
      %dma_start3A_88 = tpu.memref_slice %arg27[%add3A_66, %dma_start3A_87] : memref<10112x64xf32, #tpu.memory_space<vmem_shared>> -> memref<128x64xf32, #tpu.memory_space<vmem_shared>>
      %dma_start3A_89 = arith.constant 0 : i32
      %dma_start3A_90 = arith.constant 0 : i32
      %dma_start3A_91 = tpu.memref_slice %arg15[%dma_start3A_89, %dma_start3A_90] : memref<128x64xf32, #tpu.memory_space<vmem>> -> memref<128x64xf32, #tpu.memory_space<vmem>>
      %dma_start3A_92 = arith.constant 0 : i32
      %dma_start3A_93 = tpu.memref_slice %arg27[%add3A_66, %dma_start3A_92] : memref<10112x64xf32, #tpu.memory_space<vmem_shared>> -> memref<128x64xf32, #tpu.memory_space<vmem_shared>>
      tpu.enqueue_dma source(%dma_start3A_93 : memref<128x64xf32, #tpu.memory_space<vmem_shared>>) target(%dma_start3A_91 : memref<128x64xf32, #tpu.memory_space<vmem>>) target_semaphore(%run_scoped3A : memref<!tpu.dma_semaphore, #tpu.memory_space<semaphore_mem>>)
      %dma_wait3A = arith.constant 0 : i32
      %dma_wait3A_94 = arith.constant 0 : i32
      %dma_wait3A_95 = tpu.memref_slice %arg15[%dma_wait3A, %dma_wait3A_94] : memref<128x64xf32, #tpu.memory_space<vmem>> -> memref<128x64xf32, #tpu.memory_space<vmem>>
      %dma_wait3A_96 = arith.constant 0 : i32
      %dma_wait3A_97 = tpu.memref_slice %arg27[%add3A_66, %dma_wait3A_96] : memref<10112x64xf32, #tpu.memory_space<vmem_shared>> -> memref<128x64xf32, #tpu.memory_space<vmem_shared>>
      %dma_wait3A_98 = arith.constant 0 : i32
      %dma_wait3A_99 = arith.constant 0 : i32
      %dma_wait3A_100 = tpu.memref_slice %arg15[%dma_wait3A_98, %dma_wait3A_99] : memref<128x64xf32, #tpu.memory_space<vmem>> -> memref<128x64xf32, #tpu.memory_space<vmem>>
      %dma_wait3A_101 = arith.constant 0 : i32
      %dma_wait3A_102 = tpu.memref_slice %arg27[%add3A_66, %dma_wait3A_101] : memref<10112x64xf32, #tpu.memory_space<vmem_shared>> -> memref<128x64xf32, #tpu.memory_space<vmem_shared>>
      tpu.wait_dma2 semaphore(%run_scoped3A : memref<!tpu.dma_semaphore, #tpu.memory_space<semaphore_mem>>) src(%dma_wait3A_102 : memref<128x64xf32, #tpu.memory_space<vmem_shared>>) dst(%dma_wait3A_100 : memref<128x64xf32, #tpu.memory_space<vmem>>)
      tpu.yield
    }) : () -> ()
    %scan3A_67 = arith.constant 0 : i32
    %scan3A_68 = arith.constant 0 : i32
    %scan3A_69 = arith.constant 128 : i32
    %scan3A_70 = arith.addi %scan3A_68, %scan3A_69 : i32
    %scan3A_71 = arith.constant 1 : i32
    scf.for %scan3A_85 = %scan3A_68 to %scan3A_70 step %scan3A_71  : i32 {
      %add3A_86 = arith.constant 384 : i32
      %add3A_87 = arith.addi %add3A_86, %scan3A_85 : i32
      %get3A = arith.index_cast %add3A_87 : i32 to index
      %get3A_88 = tpu.vector_load %arg16[%get3A] {strides = array<i32>} : memref<648xf32, #tpu.memory_space<vmem>>, vector<16xf32>,
      %get3A_89 = vector.shape_cast %get3A_88 : vector<16xf32> to vector<16xf32>
      %slice3A = vector.extract_strided_slice %get3A_89 {offsets = [0], sizes = [1], strides = [1]} : vector<16xf32> to vector<1xf32>
      %squeeze3A = vector.extract %slice3A[0] : f32 from vector<1xf32>
      %get3A_90 = arith.index_cast %scan3A_85 : i32 to index
      %get3A_91 = arith.constant 0 : index
      %get3A_92 = tpu.vector_load %arg15[%get3A_90, %get3A_91] {strides = array<i32>} : memref<128x64xf32, #tpu.memory_space<vmem>>, vector<1x16xf32>,
      %get3A_93 = vector.shape_cast %get3A_92 : vector<1x16xf32> to vector<16xf32>
      %mul3A_94 = vector.broadcast %squeeze3A : f32 to vector<16xf32>
      %mul3A_95 = arith.mulf %get3A_93, %mul3A_94 : vector<16xf32>
      %swap3A = arith.index_cast %scan3A_85 : i32 to index
      %swap3A_96 = arith.constant 0 : index
      %swap3A_97 = tpu.vector_load %arg15[%swap3A, %swap3A_96] {strides = array<i32>} : memref<128x64xf32, #tpu.memory_space<vmem>>, vector<1x16xf32>,
      %swap3A_98 = vector.shape_cast %swap3A_97 : vector<1x16xf32> to vector<16xf32>
      %swap3A_99 = vector.shape_cast %mul3A_95 : vector<16xf32> to vector<1x16xf32>
      tpu.vector_store %arg15[%swap3A, %swap3A_96], %swap3A_99 {strides = array<i32>} : memref<128x64xf32, #tpu.memory_space<vmem>>, vector<1x16xf32>,
      %get3A_100 = arith.index_cast %scan3A_85 : i32 to index
      %get3A_101 = arith.constant 16 : index
      %get3A_102 = tpu.vector_load %arg15[%get3A_100, %get3A_101] {strides = array<i32>} : memref<128x64xf32, #tpu.memory_space<vmem>>, vector<1x16xf32>,
      %get3A_103 = vector.shape_cast %get3A_102 : vector<1x16xf32> to vector<16xf32>
      %mul3A_104 = vector.broadcast %squeeze3A : f32 to vector<16xf32>
      %mul3A_105 = arith.mulf %get3A_103, %mul3A_104 : vector<16xf32>
      %swap3A_106 = arith.index_cast %scan3A_85 : i32 to index
      %swap3A_107 = arith.constant 16 : index
      %swap3A_108 = tpu.vector_load %arg15[%swap3A_106, %swap3A_107] {strides = array<i32>} : memref<128x64xf32, #tpu.memory_space<vmem>>, vector<1x16xf32>,
      %swap3A_109 = vector.shape_cast %swap3A_108 : vector<1x16xf32> to vector<16xf32>
      %swap3A_110 = vector.shape_cast %mul3A_105 : vector<16xf32> to vector<1x16xf32>
      tpu.vector_store %arg15[%swap3A_106, %swap3A_107], %swap3A_110 {strides = array<i32>} : memref<128x64xf32, #tpu.memory_space<vmem>>, vector<1x16xf32>,
      %get3A_111 = arith.index_cast %scan3A_85 : i32 to index
      %get3A_112 = arith.constant 32 : index
      %get3A_113 = tpu.vector_load %arg15[%get3A_111, %get3A_112] {strides = array<i32>} : memref<128x64xf32, #tpu.memory_space<vmem>>, vector<1x16xf32>,
      %get3A_114 = vector.shape_cast %get3A_113 : vector<1x16xf32> to vector<16xf32>
      %mul3A_115 = vector.broadcast %squeeze3A : f32 to vector<16xf32>
      %mul3A_116 = arith.mulf %get3A_114, %mul3A_115 : vector<16xf32>
      %swap3A_117 = arith.index_cast %scan3A_85 : i32 to index
      %swap3A_118 = arith.constant 32 : index
      %swap3A_119 = tpu.vector_load %arg15[%swap3A_117, %swap3A_118] {strides = array<i32>} : memref<128x64xf32, #tpu.memory_space<vmem>>, vector<1x16xf32>,
      %swap3A_120 = vector.shape_cast %swap3A_119 : vector<1x16xf32> to vector<16xf32>
      %swap3A_121 = vector.shape_cast %mul3A_116 : vector<16xf32> to vector<1x16xf32>
      tpu.vector_store %arg15[%swap3A_117, %swap3A_118], %swap3A_121 {strides = array<i32>} : memref<128x64xf32, #tpu.memory_space<vmem>>, vector<1x16xf32>,
      %get3A_122 = arith.index_cast %scan3A_85 : i32 to index
      %get3A_123 = arith.constant 48 : index
      %get3A_124 = tpu.vector_load %arg15[%get3A_122, %get3A_123] {strides = array<i32>} : memref<128x64xf32, #tpu.memory_space<vmem>>, vector<1x16xf32>,
      %get3A_125 = vector.shape_cast %get3A_124 : vector<1x16xf32> to vector<16xf32>
      %mul3A_126 = vector.broadcast %squeeze3A : f32 to vector<16xf32>
      %mul3A_127 = arith.mulf %get3A_125, %mul3A_126 : vector<16xf32>
      %swap3A_128 = arith.index_cast %scan3A_85 : i32 to index
      %swap3A_129 = arith.constant 48 : index
      %swap3A_130 = tpu.vector_load %arg15[%swap3A_128, %swap3A_129] {strides = array<i32>} : memref<128x64xf32, #tpu.memory_space<vmem>>, vector<1x16xf32>,
      %swap3A_131 = vector.shape_cast %swap3A_130 : vector<1x16xf32> to vector<16xf32>
      %swap3A_132 = vector.shape_cast %mul3A_127 : vector<16xf32> to vector<1x16xf32>
      tpu.vector_store %arg15[%swap3A_128, %swap3A_129], %swap3A_132 {strides = array<i32>} : memref<128x64xf32, #tpu.memory_space<vmem>>, vector<1x16xf32>,
    }
    %scan3A_72 = arith.constant 128 : i32
    %add3A_73 = arith.constant 384 : i32
    %add3A_74 = arith.addi %mul3A_0, %add3A_73 : i32
    "tpu.region"() ({
      %run_scoped3A = tpu.sem_alloc : memref<!tpu.dma_semaphore, #tpu.memory_space<semaphore_mem>>
      %dma_start3A = arith.constant 0 : i32
      %dma_start3A_85 = arith.constant 0 : i32
      %dma_start3A_86 = tpu.memref_slice %arg15[%dma_start3A, %dma_start3A_85] : memref<128x64xf32, #tpu.memory_space<vmem>> -> memref<128x64xf32, #tpu.memory_space<vmem>>
      %dma_start3A_87 = arith.constant 0 : i32
      %dma_start3A_88 = tpu.memref_slice %arg7[%arg0, %add3A_74, %dma_start3A_87] : memref<2x10112x64xf32, #tpu.memory_space<hbm>> -> memref<1x128x64xf32, #tpu.memory_space<hbm>>
      %dma_start3A_89 = tpu.memref_squeeze %dma_start3A_88 : memref<1x128x64xf32, #tpu.memory_space<hbm>> -> memref<128x64xf32, #tpu.memory_space<hbm>>
      %dma_start3A_90 = arith.constant 0 : i32
      %dma_start3A_91 = tpu.memref_slice %arg7[%arg0, %add3A_74, %dma_start3A_90] : memref<2x10112x64xf32, #tpu.memory_space<hbm>> -> memref<1x128x64xf32, #tpu.memory_space<hbm>>
      %dma_start3A_92 = tpu.memref_squeeze %dma_start3A_91 : memref<1x128x64xf32, #tpu.memory_space<hbm>> -> memref<128x64xf32, #tpu.memory_space<hbm>>
      %dma_start3A_93 = arith.constant 0 : i32
      %dma_start3A_94 = arith.constant 0 : i32
      %dma_start3A_95 = tpu.memref_slice %arg15[%dma_start3A_93, %dma_start3A_94] : memref<128x64xf32, #tpu.memory_space<vmem>> -> memref<128x64xf32, #tpu.memory_space<vmem>>
      tpu.enqueue_dma source(%dma_start3A_95 : memref<128x64xf32, #tpu.memory_space<vmem>>) target(%dma_start3A_92 : memref<128x64xf32, #tpu.memory_space<hbm>>) target_semaphore(%run_scoped3A : memref<!tpu.dma_semaphore, #tpu.memory_space<semaphore_mem>>)
      %dma_wait3A = arith.constant 0 : i32
      %dma_wait3A_96 = arith.constant 0 : i32
      %dma_wait3A_97 = tpu.memref_slice %arg15[%dma_wait3A, %dma_wait3A_96] : memref<128x64xf32, #tpu.memory_space<vmem>> -> memref<128x64xf32, #tpu.memory_space<vmem>>
      %dma_wait3A_98 = arith.constant 0 : i32
      %dma_wait3A_99 = tpu.memref_slice %arg7[%arg0, %add3A_74, %dma_wait3A_98] : memref<2x10112x64xf32, #tpu.memory_space<hbm>> -> memref<1x128x64xf32, #tpu.memory_space<hbm>>
      %dma_wait3A_100 = tpu.memref_squeeze %dma_wait3A_99 : memref<1x128x64xf32, #tpu.memory_space<hbm>> -> memref<128x64xf32, #tpu.memory_space<hbm>>
      %dma_wait3A_101 = arith.constant 0 : i32
      %dma_wait3A_102 = tpu.memref_slice %arg7[%arg0, %add3A_74, %dma_wait3A_101] : memref<2x10112x64xf32, #tpu.memory_space<hbm>> -> memref<1x128x64xf32, #tpu.memory_space<hbm>>
      %dma_wait3A_103 = tpu.memref_squeeze %dma_wait3A_102 : memref<1x128x64xf32, #tpu.memory_space<hbm>> -> memref<128x64xf32, #tpu.memory_space<hbm>>
      %dma_wait3A_104 = arith.constant 0 : i32
      %dma_wait3A_105 = arith.constant 0 : i32
      %dma_wait3A_106 = tpu.memref_slice %arg15[%dma_wait3A_104, %dma_wait3A_105] : memref<128x64xf32, #tpu.memory_space<vmem>> -> memref<128x64xf32, #tpu.memory_space<vmem>>
      tpu.wait_dma2 semaphore(%run_scoped3A : memref<!tpu.dma_semaphore, #tpu.memory_space<semaphore_mem>>) src(%dma_wait3A_106 : memref<128x64xf32, #tpu.memory_space<vmem>>) dst(%dma_wait3A_103 : memref<128x64xf32, #tpu.memory_space<hbm>>)
      tpu.yield
    }) : () -> ()
    %add3A_75 = arith.constant 512 : i32
    %add3A_76 = arith.addi %mul3A_0, %add3A_75 : i32
    "tpu.region"() ({
      %run_scoped3A = tpu.sem_alloc : memref<!tpu.dma_semaphore, #tpu.memory_space<semaphore_mem>>
      %dma_start3A = arith.constant 0 : i32
      %dma_start3A_85 = arith.constant 0 : i32
      %dma_start3A_86 = tpu.memref_slice %arg15[%dma_start3A, %dma_start3A_85] : memref<128x64xf32, #tpu.memory_space<vmem>> -> memref<120x64xf32, #tpu.memory_space<vmem>>
      %dma_start3A_87 = arith.constant 0 : i32
      %dma_start3A_88 = tpu.memref_slice %arg27[%add3A_76, %dma_start3A_87] : memref<10112x64xf32, #tpu.memory_space<vmem_shared>> -> memref<120x64xf32, #tpu.memory_space<vmem_shared>>
      %dma_start3A_89 = arith.constant 0 : i32
      %dma_start3A_90 = arith.constant 0 : i32
      %dma_start3A_91 = tpu.memref_slice %arg15[%dma_start3A_89, %dma_start3A_90] : memref<128x64xf32, #tpu.memory_space<vmem>> -> memref<120x64xf32, #tpu.memory_space<vmem>>
      %dma_start3A_92 = arith.constant 0 : i32
      %dma_start3A_93 = tpu.memref_slice %arg27[%add3A_76, %dma_start3A_92] : memref<10112x64xf32, #tpu.memory_space<vmem_shared>> -> memref<120x64xf32, #tpu.memory_space<vmem_shared>>
      tpu.enqueue_dma source(%dma_start3A_93 : memref<120x64xf32, #tpu.memory_space<vmem_shared>>) target(%dma_start3A_91 : memref<120x64xf32, #tpu.memory_space<vmem>>) target_semaphore(%run_scoped3A : memref<!tpu.dma_semaphore, #tpu.memory_space<semaphore_mem>>)
      %dma_wait3A = arith.constant 0 : i32
      %dma_wait3A_94 = arith.constant 0 : i32
      %dma_wait3A_95 = tpu.memref_slice %arg15[%dma_wait3A, %dma_wait3A_94] : memref<128x64xf32, #tpu.memory_space<vmem>> -> memref<120x64xf32, #tpu.memory_space<vmem>>
      %dma_wait3A_96 = arith.constant 0 : i32
      %dma_wait3A_97 = tpu.memref_slice %arg27[%add3A_76, %dma_wait3A_96] : memref<10112x64xf32, #tpu.memory_space<vmem_shared>> -> memref<120x64xf32, #tpu.memory_space<vmem_shared>>
      %dma_wait3A_98 = arith.constant 0 : i32
      %dma_wait3A_99 = arith.constant 0 : i32
      %dma_wait3A_100 = tpu.memref_slice %arg15[%dma_wait3A_98, %dma_wait3A_99] : memref<128x64xf32, #tpu.memory_space<vmem>> -> memref<120x64xf32, #tpu.memory_space<vmem>>
      %dma_wait3A_101 = arith.constant 0 : i32
      %dma_wait3A_102 = tpu.memref_slice %arg27[%add3A_76, %dma_wait3A_101] : memref<10112x64xf32, #tpu.memory_space<vmem_shared>> -> memref<120x64xf32, #tpu.memory_space<vmem_shared>>
      tpu.wait_dma2 semaphore(%run_scoped3A : memref<!tpu.dma_semaphore, #tpu.memory_space<semaphore_mem>>) src(%dma_wait3A_102 : memref<120x64xf32, #tpu.memory_space<vmem_shared>>) dst(%dma_wait3A_100 : memref<120x64xf32, #tpu.memory_space<vmem>>)
      tpu.yield
    }) : () -> ()
    %scan3A_77 = arith.constant 0 : i32
    %scan3A_78 = arith.constant 0 : i32
    %scan3A_79 = arith.constant 120 : i32
    %scan3A_80 = arith.addi %scan3A_78, %scan3A_79 : i32
    %scan3A_81 = arith.constant 1 : i32
    scf.for %scan3A_85 = %scan3A_78 to %scan3A_80 step %scan3A_81  : i32 {
      %add3A_86 = arith.constant 512 : i32
      %add3A_87 = arith.addi %add3A_86, %scan3A_85 : i32
      %get3A = arith.index_cast %add3A_87 : i32 to index
      %get3A_88 = tpu.vector_load %arg16[%get3A] {strides = array<i32>} : memref<648xf32, #tpu.memory_space<vmem>>, vector<16xf32>,
      %get3A_89 = vector.shape_cast %get3A_88 : vector<16xf32> to vector<16xf32>
      %slice3A = vector.extract_strided_slice %get3A_89 {offsets = [0], sizes = [1], strides = [1]} : vector<16xf32> to vector<1xf32>
      %squeeze3A = vector.extract %slice3A[0] : f32 from vector<1xf32>
      %get3A_90 = arith.index_cast %scan3A_85 : i32 to index
      %get3A_91 = arith.constant 0 : index
      %get3A_92 = tpu.vector_load %arg15[%get3A_90, %get3A_91] {strides = array<i32>} : memref<128x64xf32, #tpu.memory_space<vmem>>, vector<1x16xf32>,
      %get3A_93 = vector.shape_cast %get3A_92 : vector<1x16xf32> to vector<16xf32>
      %mul3A_94 = vector.broadcast %squeeze3A : f32 to vector<16xf32>
      %mul3A_95 = arith.mulf %get3A_93, %mul3A_94 : vector<16xf32>
      %swap3A = arith.index_cast %scan3A_85 : i32 to index
      %swap3A_96 = arith.constant 0 : index
      %swap3A_97 = tpu.vector_load %arg15[%swap3A, %swap3A_96] {strides = array<i32>} : memref<128x64xf32, #tpu.memory_space<vmem>>, vector<1x16xf32>,
      %swap3A_98 = vector.shape_cast %swap3A_97 : vector<1x16xf32> to vector<16xf32>
      %swap3A_99 = vector.shape_cast %mul3A_95 : vector<16xf32> to vector<1x16xf32>
      tpu.vector_store %arg15[%swap3A, %swap3A_96], %swap3A_99 {strides = array<i32>} : memref<128x64xf32, #tpu.memory_space<vmem>>, vector<1x16xf32>,
      %get3A_100 = arith.index_cast %scan3A_85 : i32 to index
      %get3A_101 = arith.constant 16 : index
      %get3A_102 = tpu.vector_load %arg15[%get3A_100, %get3A_101] {strides = array<i32>} : memref<128x64xf32, #tpu.memory_space<vmem>>, vector<1x16xf32>,
      %get3A_103 = vector.shape_cast %get3A_102 : vector<1x16xf32> to vector<16xf32>
      %mul3A_104 = vector.broadcast %squeeze3A : f32 to vector<16xf32>
      %mul3A_105 = arith.mulf %get3A_103, %mul3A_104 : vector<16xf32>
      %swap3A_106 = arith.index_cast %scan3A_85 : i32 to index
      %swap3A_107 = arith.constant 16 : index
      %swap3A_108 = tpu.vector_load %arg15[%swap3A_106, %swap3A_107] {strides = array<i32>} : memref<128x64xf32, #tpu.memory_space<vmem>>, vector<1x16xf32>,
      %swap3A_109 = vector.shape_cast %swap3A_108 : vector<1x16xf32> to vector<16xf32>
      %swap3A_110 = vector.shape_cast %mul3A_105 : vector<16xf32> to vector<1x16xf32>
      tpu.vector_store %arg15[%swap3A_106, %swap3A_107], %swap3A_110 {strides = array<i32>} : memref<128x64xf32, #tpu.memory_space<vmem>>, vector<1x16xf32>,
      %get3A_111 = arith.index_cast %scan3A_85 : i32 to index
      %get3A_112 = arith.constant 32 : index
      %get3A_113 = tpu.vector_load %arg15[%get3A_111, %get3A_112] {strides = array<i32>} : memref<128x64xf32, #tpu.memory_space<vmem>>, vector<1x16xf32>,
      %get3A_114 = vector.shape_cast %get3A_113 : vector<1x16xf32> to vector<16xf32>
      %mul3A_115 = vector.broadcast %squeeze3A : f32 to vector<16xf32>
      %mul3A_116 = arith.mulf %get3A_114, %mul3A_115 : vector<16xf32>
      %swap3A_117 = arith.index_cast %scan3A_85 : i32 to index
      %swap3A_118 = arith.constant 32 : index
      %swap3A_119 = tpu.vector_load %arg15[%swap3A_117, %swap3A_118] {strides = array<i32>} : memref<128x64xf32, #tpu.memory_space<vmem>>, vector<1x16xf32>,
      %swap3A_120 = vector.shape_cast %swap3A_119 : vector<1x16xf32> to vector<16xf32>
      %swap3A_121 = vector.shape_cast %mul3A_116 : vector<16xf32> to vector<1x16xf32>
      tpu.vector_store %arg15[%swap3A_117, %swap3A_118], %swap3A_121 {strides = array<i32>} : memref<128x64xf32, #tpu.memory_space<vmem>>, vector<1x16xf32>,
      %get3A_122 = arith.index_cast %scan3A_85 : i32 to index
      %get3A_123 = arith.constant 48 : index
      %get3A_124 = tpu.vector_load %arg15[%get3A_122, %get3A_123] {strides = array<i32>} : memref<128x64xf32, #tpu.memory_space<vmem>>, vector<1x16xf32>,
      %get3A_125 = vector.shape_cast %get3A_124 : vector<1x16xf32> to vector<16xf32>
      %mul3A_126 = vector.broadcast %squeeze3A : f32 to vector<16xf32>
      %mul3A_127 = arith.mulf %get3A_125, %mul3A_126 : vector<16xf32>
      %swap3A_128 = arith.index_cast %scan3A_85 : i32 to index
      %swap3A_129 = arith.constant 48 : index
      %swap3A_130 = tpu.vector_load %arg15[%swap3A_128, %swap3A_129] {strides = array<i32>} : memref<128x64xf32, #tpu.memory_space<vmem>>, vector<1x16xf32>,
      %swap3A_131 = vector.shape_cast %swap3A_130 : vector<1x16xf32> to vector<16xf32>
      %swap3A_132 = vector.shape_cast %mul3A_127 : vector<16xf32> to vector<1x16xf32>
      tpu.vector_store %arg15[%swap3A_128, %swap3A_129], %swap3A_132 {strides = array<i32>} : memref<128x64xf32, #tpu.memory_space<vmem>>, vector<1x16xf32>,
    }
    %scan3A_82 = arith.constant 120 : i32
    %add3A_83 = arith.constant 512 : i32
    %add3A_84 = arith.addi %mul3A_0, %add3A_83 : i32
    "tpu.region"() ({
      %run_scoped3A = tpu.sem_alloc : memref<!tpu.dma_semaphore, #tpu.memory_space<semaphore_mem>>
      %dma_start3A = arith.constant 0 : i32
      %dma_start3A_85 = arith.constant 0 : i32
      %dma_start3A_86 = tpu.memref_slice %arg15[%dma_start3A, %dma_start3A_85] : memref<128x64xf32, #tpu.memory_space<vmem>> -> memref<120x64xf32, #tpu.memory_space<vmem>>
      %dma_start3A_87 = arith.constant 0 : i32
      %dma_start3A_88 = tpu.memref_slice %arg7[%arg0, %add3A_84, %dma_start3A_87] : memref<2x10112x64xf32, #tpu.memory_space<hbm>> -> memref<1x120x64xf32, #tpu.memory_space<hbm>>
      %dma_start3A_89 = tpu.memref_squeeze %dma_start3A_88 : memref<1x120x64xf32, #tpu.memory_space<hbm>> -> memref<120x64xf32, #tpu.memory_space<hbm>>
      %dma_start3A_90 = arith.constant 0 : i32
      %dma_start3A_91 = tpu.memref_slice %arg7[%arg0, %add3A_84, %dma_start3A_90] : memref<2x10112x64xf32, #tpu.memory_space<hbm>> -> memref<1x120x64xf32, #tpu.memory_space<hbm>>
      %dma_start3A_92 = tpu.memref_squeeze %dma_start3A_91 : memref<1x120x64xf32, #tpu.memory_space<hbm>> -> memref<120x64xf32, #tpu.memory_space<hbm>>
      %dma_start3A_93 = arith.constant 0 : i32
      %dma_start3A_94 = arith.constant 0 : i32
      %dma_start3A_95 = tpu.memref_slice %arg15[%dma_start3A_93, %dma_start3A_94] : memref<128x64xf32, #tpu.memory_space<vmem>> -> memref<120x64xf32, #tpu.memory_space<vmem>>
      tpu.enqueue_dma source(%dma_start3A_95 : memref<120x64xf32, #tpu.memory_space<vmem>>) target(%dma_start3A_92 : memref<120x64xf32, #tpu.memory_space<hbm>>) target_semaphore(%run_scoped3A : memref<!tpu.dma_semaphore, #tpu.memory_space<semaphore_mem>>)
      %dma_wait3A = arith.constant 0 : i32
      %dma_wait3A_96 = arith.constant 0 : i32
      %dma_wait3A_97 = tpu.memref_slice %arg15[%dma_wait3A, %dma_wait3A_96] : memref<128x64xf32, #tpu.memory_space<vmem>> -> memref<120x64xf32, #tpu.memory_space<vmem>>
      %dma_wait3A_98 = arith.constant 0 : i32
      %dma_wait3A_99 = tpu.memref_slice %arg7[%arg0, %add3A_84, %dma_wait3A_98] : memref<2x10112x64xf32, #tpu.memory_space<hbm>> -> memref<1x120x64xf32, #tpu.memory_space<hbm>>
      %dma_wait3A_100 = tpu.memref_squeeze %dma_wait3A_99 : memref<1x120x64xf32, #tpu.memory_space<hbm>> -> memref<120x64xf32, #tpu.memory_space<hbm>>
      %dma_wait3A_101 = arith.constant 0 : i32
      %dma_wait3A_102 = tpu.memref_slice %arg7[%arg0, %add3A_84, %dma_wait3A_101] : memref<2x10112x64xf32, #tpu.memory_space<hbm>> -> memref<1x120x64xf32, #tpu.memory_space<hbm>>
      %dma_wait3A_103 = tpu.memref_squeeze %dma_wait3A_102 : memref<1x120x64xf32, #tpu.memory_space<hbm>> -> memref<120x64xf32, #tpu.memory_space<hbm>>
      %dma_wait3A_104 = arith.constant 0 : i32
      %dma_wait3A_105 = arith.constant 0 : i32
      %dma_wait3A_106 = tpu.memref_slice %arg15[%dma_wait3A_104, %dma_wait3A_105] : memref<128x64xf32, #tpu.memory_space<vmem>> -> memref<120x64xf32, #tpu.memory_space<vmem>>
      tpu.wait_dma2 semaphore(%run_scoped3A : memref<!tpu.dma_semaphore, #tpu.memory_space<semaphore_mem>>) src(%dma_wait3A_106 : memref<120x64xf32, #tpu.memory_space<vmem>>) dst(%dma_wait3A_103 : memref<120x64xf32, #tpu.memory_space<hbm>>)
      tpu.yield
    }) : () -> ()
    return
  }
}

#map = affine_map<(d0, d1) -> (0, 0)>
module attributes {stable_mosaic.version = 14 : i64} {
  func.func @_deg_body(%arg0: i32, %arg1: i32, %arg2: memref<2512x128xi32, #tpu.memory_space<hbm>>, %arg3: memref<2512x128xi32, #tpu.memory_space<hbm>>, %arg4: memref<2x10112xf32, #tpu.memory_space<hbm>>, %arg5: memref<157x128xi32, #tpu.memory_space<vmem>>, %arg6: memref<128xf32, #tpu.memory_space<vmem>>, %arg7: memref<128xf32, #tpu.memory_space<vmem>>, %arg8: memref<10112xf32, #tpu.memory_space<vmem_shared>>) attributes {dimension_semantics = [#tpu.dimension_semantics<core_parallel>, #tpu.dimension_semantics<subcore_parallel>], iteration_bounds = array<i64: 2, 16>, scalar_prefetch = 0 : i64, scratch_operands = 4 : i64, tpu.core_type = #tpu.core_type<sc_vector_subcore>, window_params = [{transform_indices = #map}, {transform_indices = #map}, {transform_indices = #map}]} {
    %mul3A = arith.constant 632 : i32
    %mul3A_0 = arith.muli %arg1, %mul3A : i32
    %broadcast_in_dim3A = arith.constant 1.000000e+00 : f32
    %broadcast_in_dim3A_1 = vector.broadcast %broadcast_in_dim3A : f32 to vector<16xf32>
    %swap3A = arith.constant 0 : index
    %swap3A_2 = tpu.vector_load %arg6[%swap3A] {strides = array<i32>} : memref<128xf32, #tpu.memory_space<vmem>>, vector<16xf32>,
    %swap3A_3 = vector.shape_cast %swap3A_2 : vector<16xf32> to vector<16xf32>
    %swap3A_4 = vector.shape_cast %broadcast_in_dim3A_1 : vector<16xf32> to vector<16xf32>
    tpu.vector_store %arg6[%swap3A], %swap3A_4 {strides = array<i32>} : memref<128xf32, #tpu.memory_space<vmem>>, vector<16xf32>,
    %broadcast_in_dim3A_5 = arith.constant 0.000000e+00 : f32
    %broadcast_in_dim3A_6 = vector.broadcast %broadcast_in_dim3A_5 : f32 to vector<16xf32>
    %swap3A_7 = arith.constant 0 : index
    %swap3A_8 = tpu.vector_load %arg7[%swap3A_7] {strides = array<i32>} : memref<128xf32, #tpu.memory_space<vmem>>, vector<16xf32>,
    %swap3A_9 = vector.shape_cast %swap3A_8 : vector<16xf32> to vector<16xf32>
    %swap3A_10 = vector.shape_cast %broadcast_in_dim3A_6 : vector<16xf32> to vector<16xf32>
    tpu.vector_store %arg7[%swap3A_7], %swap3A_10 {strides = array<i32>} : memref<128xf32, #tpu.memory_space<vmem>>, vector<16xf32>,
    %broadcast_in_dim3A_11 = arith.constant 1.000000e+00 : f32
    %broadcast_in_dim3A_12 = vector.broadcast %broadcast_in_dim3A_11 : f32 to vector<16xf32>
    %swap3A_13 = arith.constant 16 : index
    %swap3A_14 = tpu.vector_load %arg6[%swap3A_13] {strides = array<i32>} : memref<128xf32, #tpu.memory_space<vmem>>, vector<16xf32>,
    %swap3A_15 = vector.shape_cast %swap3A_14 : vector<16xf32> to vector<16xf32>
    %swap3A_16 = vector.shape_cast %broadcast_in_dim3A_12 : vector<16xf32> to vector<16xf32>
    tpu.vector_store %arg6[%swap3A_13], %swap3A_16 {strides = array<i32>} : memref<128xf32, #tpu.memory_space<vmem>>, vector<16xf32>,
    %broadcast_in_dim3A_17 = arith.constant 0.000000e+00 : f32
    %broadcast_in_dim3A_18 = vector.broadcast %broadcast_in_dim3A_17 : f32 to vector<16xf32>
    %swap3A_19 = arith.constant 16 : index
    %swap3A_20 = tpu.vector_load %arg7[%swap3A_19] {strides = array<i32>} : memref<128xf32, #tpu.memory_space<vmem>>, vector<16xf32>,
    %swap3A_21 = vector.shape_cast %swap3A_20 : vector<16xf32> to vector<16xf32>
    %swap3A_22 = vector.shape_cast %broadcast_in_dim3A_18 : vector<16xf32> to vector<16xf32>
    tpu.vector_store %arg7[%swap3A_19], %swap3A_22 {strides = array<i32>} : memref<128xf32, #tpu.memory_space<vmem>>, vector<16xf32>,
    %broadcast_in_dim3A_23 = arith.constant 1.000000e+00 : f32
    %broadcast_in_dim3A_24 = vector.broadcast %broadcast_in_dim3A_23 : f32 to vector<16xf32>
    %swap3A_25 = arith.constant 32 : index
    %swap3A_26 = tpu.vector_load %arg6[%swap3A_25] {strides = array<i32>} : memref<128xf32, #tpu.memory_space<vmem>>, vector<16xf32>,
    %swap3A_27 = vector.shape_cast %swap3A_26 : vector<16xf32> to vector<16xf32>
    %swap3A_28 = vector.shape_cast %broadcast_in_dim3A_24 : vector<16xf32> to vector<16xf32>
    tpu.vector_store %arg6[%swap3A_25], %swap3A_28 {strides = array<i32>} : memref<128xf32, #tpu.memory_space<vmem>>, vector<16xf32>,
    %broadcast_in_dim3A_29 = arith.constant 0.000000e+00 : f32
    %broadcast_in_dim3A_30 = vector.broadcast %broadcast_in_dim3A_29 : f32 to vector<16xf32>
    %swap3A_31 = arith.constant 32 : index
    %swap3A_32 = tpu.vector_load %arg7[%swap3A_31] {strides = array<i32>} : memref<128xf32, #tpu.memory_space<vmem>>, vector<16xf32>,
    %swap3A_33 = vector.shape_cast %swap3A_32 : vector<16xf32> to vector<16xf32>
    %swap3A_34 = vector.shape_cast %broadcast_in_dim3A_30 : vector<16xf32> to vector<16xf32>
    tpu.vector_store %arg7[%swap3A_31], %swap3A_34 {strides = array<i32>} : memref<128xf32, #tpu.memory_space<vmem>>, vector<16xf32>,
    %broadcast_in_dim3A_35 = arith.constant 1.000000e+00 : f32
    %broadcast_in_dim3A_36 = vector.broadcast %broadcast_in_dim3A_35 : f32 to vector<16xf32>
    %swap3A_37 = arith.constant 48 : index
    %swap3A_38 = tpu.vector_load %arg6[%swap3A_37] {strides = array<i32>} : memref<128xf32, #tpu.memory_space<vmem>>, vector<16xf32>,
    %swap3A_39 = vector.shape_cast %swap3A_38 : vector<16xf32> to vector<16xf32>
    %swap3A_40 = vector.shape_cast %broadcast_in_dim3A_36 : vector<16xf32> to vector<16xf32>
    tpu.vector_store %arg6[%swap3A_37], %swap3A_40 {strides = array<i32>} : memref<128xf32, #tpu.memory_space<vmem>>, vector<16xf32>,
    %broadcast_in_dim3A_41 = arith.constant 0.000000e+00 : f32
    %broadcast_in_dim3A_42 = vector.broadcast %broadcast_in_dim3A_41 : f32 to vector<16xf32>
    %swap3A_43 = arith.constant 48 : index
    %swap3A_44 = tpu.vector_load %arg7[%swap3A_43] {strides = array<i32>} : memref<128xf32, #tpu.memory_space<vmem>>, vector<16xf32>,
    %swap3A_45 = vector.shape_cast %swap3A_44 : vector<16xf32> to vector<16xf32>
    %swap3A_46 = vector.shape_cast %broadcast_in_dim3A_42 : vector<16xf32> to vector<16xf32>
    tpu.vector_store %arg7[%swap3A_43], %swap3A_46 {strides = array<i32>} : memref<128xf32, #tpu.memory_space<vmem>>, vector<16xf32>,
    %broadcast_in_dim3A_47 = arith.constant 1.000000e+00 : f32
    %broadcast_in_dim3A_48 = vector.broadcast %broadcast_in_dim3A_47 : f32 to vector<16xf32>
    %swap3A_49 = arith.constant 64 : index
    %swap3A_50 = tpu.vector_load %arg6[%swap3A_49] {strides = array<i32>} : memref<128xf32, #tpu.memory_space<vmem>>, vector<16xf32>,
    %swap3A_51 = vector.shape_cast %swap3A_50 : vector<16xf32> to vector<16xf32>
    %swap3A_52 = vector.shape_cast %broadcast_in_dim3A_48 : vector<16xf32> to vector<16xf32>
    tpu.vector_store %arg6[%swap3A_49], %swap3A_52 {strides = array<i32>} : memref<128xf32, #tpu.memory_space<vmem>>, vector<16xf32>,
    %broadcast_in_dim3A_53 = arith.constant 0.000000e+00 : f32
    %broadcast_in_dim3A_54 = vector.broadcast %broadcast_in_dim3A_53 : f32 to vector<16xf32>
    %swap3A_55 = arith.constant 64 : index
    %swap3A_56 = tpu.vector_load %arg7[%swap3A_55] {strides = array<i32>} : memref<128xf32, #tpu.memory_space<vmem>>, vector<16xf32>,
    %swap3A_57 = vector.shape_cast %swap3A_56 : vector<16xf32> to vector<16xf32>
    %swap3A_58 = vector.shape_cast %broadcast_in_dim3A_54 : vector<16xf32> to vector<16xf32>
    tpu.vector_store %arg7[%swap3A_55], %swap3A_58 {strides = array<i32>} : memref<128xf32, #tpu.memory_space<vmem>>, vector<16xf32>,
    %broadcast_in_dim3A_59 = arith.constant 1.000000e+00 : f32
    %broadcast_in_dim3A_60 = vector.broadcast %broadcast_in_dim3A_59 : f32 to vector<16xf32>
    %swap3A_61 = arith.constant 80 : index
    %swap3A_62 = tpu.vector_load %arg6[%swap3A_61] {strides = array<i32>} : memref<128xf32, #tpu.memory_space<vmem>>, vector<16xf32>,
    %swap3A_63 = vector.shape_cast %swap3A_62 : vector<16xf32> to vector<16xf32>
    %swap3A_64 = vector.shape_cast %broadcast_in_dim3A_60 : vector<16xf32> to vector<16xf32>
    tpu.vector_store %arg6[%swap3A_61], %swap3A_64 {strides = array<i32>} : memref<128xf32, #tpu.memory_space<vmem>>, vector<16xf32>,
    %broadcast_in_dim3A_65 = arith.constant 0.000000e+00 : f32
    %broadcast_in_dim3A_66 = vector.broadcast %broadcast_in_dim3A_65 : f32 to vector<16xf32>
    %swap3A_67 = arith.constant 80 : index
    %swap3A_68 = tpu.vector_load %arg7[%swap3A_67] {strides = array<i32>} : memref<128xf32, #tpu.memory_space<vmem>>, vector<16xf32>,
    %swap3A_69 = vector.shape_cast %swap3A_68 : vector<16xf32> to vector<16xf32>
    %swap3A_70 = vector.shape_cast %broadcast_in_dim3A_66 : vector<16xf32> to vector<16xf32>
    tpu.vector_store %arg7[%swap3A_67], %swap3A_70 {strides = array<i32>} : memref<128xf32, #tpu.memory_space<vmem>>, vector<16xf32>,
    %broadcast_in_dim3A_71 = arith.constant 1.000000e+00 : f32
    %broadcast_in_dim3A_72 = vector.broadcast %broadcast_in_dim3A_71 : f32 to vector<16xf32>
    %swap3A_73 = arith.constant 96 : index
    %swap3A_74 = tpu.vector_load %arg6[%swap3A_73] {strides = array<i32>} : memref<128xf32, #tpu.memory_space<vmem>>, vector<16xf32>,
    %swap3A_75 = vector.shape_cast %swap3A_74 : vector<16xf32> to vector<16xf32>
    %swap3A_76 = vector.shape_cast %broadcast_in_dim3A_72 : vector<16xf32> to vector<16xf32>
    tpu.vector_store %arg6[%swap3A_73], %swap3A_76 {strides = array<i32>} : memref<128xf32, #tpu.memory_space<vmem>>, vector<16xf32>,
    %broadcast_in_dim3A_77 = arith.constant 0.000000e+00 : f32
    %broadcast_in_dim3A_78 = vector.broadcast %broadcast_in_dim3A_77 : f32 to vector<16xf32>
    %swap3A_79 = arith.constant 96 : index
    %swap3A_80 = tpu.vector_load %arg7[%swap3A_79] {strides = array<i32>} : memref<128xf32, #tpu.memory_space<vmem>>, vector<16xf32>,
    %swap3A_81 = vector.shape_cast %swap3A_80 : vector<16xf32> to vector<16xf32>
    %swap3A_82 = vector.shape_cast %broadcast_in_dim3A_78 : vector<16xf32> to vector<16xf32>
    tpu.vector_store %arg7[%swap3A_79], %swap3A_82 {strides = array<i32>} : memref<128xf32, #tpu.memory_space<vmem>>, vector<16xf32>,
    %broadcast_in_dim3A_83 = arith.constant 1.000000e+00 : f32
    %broadcast_in_dim3A_84 = vector.broadcast %broadcast_in_dim3A_83 : f32 to vector<16xf32>
    %swap3A_85 = arith.constant 112 : index
    %swap3A_86 = tpu.vector_load %arg6[%swap3A_85] {strides = array<i32>} : memref<128xf32, #tpu.memory_space<vmem>>, vector<16xf32>,
    %swap3A_87 = vector.shape_cast %swap3A_86 : vector<16xf32> to vector<16xf32>
    %swap3A_88 = vector.shape_cast %broadcast_in_dim3A_84 : vector<16xf32> to vector<16xf32>
    tpu.vector_store %arg6[%swap3A_85], %swap3A_88 {strides = array<i32>} : memref<128xf32, #tpu.memory_space<vmem>>, vector<16xf32>,
    %broadcast_in_dim3A_89 = arith.constant 0.000000e+00 : f32
    %broadcast_in_dim3A_90 = vector.broadcast %broadcast_in_dim3A_89 : f32 to vector<16xf32>
    %swap3A_91 = arith.constant 112 : index
    %swap3A_92 = tpu.vector_load %arg7[%swap3A_91] {strides = array<i32>} : memref<128xf32, #tpu.memory_space<vmem>>, vector<16xf32>,
    %swap3A_93 = vector.shape_cast %swap3A_92 : vector<16xf32> to vector<16xf32>
    %swap3A_94 = vector.shape_cast %broadcast_in_dim3A_90 : vector<16xf32> to vector<16xf32>
    tpu.vector_store %arg7[%swap3A_91], %swap3A_94 {strides = array<i32>} : memref<128xf32, #tpu.memory_space<vmem>>, vector<16xf32>,
    %add3A = arith.constant 0 : i32
    %add3A_95 = arith.addi %mul3A_0, %add3A : i32
    "tpu.region"() ({
      %run_scoped3A = tpu.sem_alloc : memref<!tpu.dma_semaphore, #tpu.memory_space<semaphore_mem>>
      %dma_start3A = arith.constant 0 : i32
      %dma_start3A_139 = tpu.memref_slice %arg7[%dma_start3A] : memref<128xf32, #tpu.memory_space<vmem>> -> memref<128xf32, #tpu.memory_space<vmem>>
      %dma_start3A_140 = tpu.memref_slice %arg8[%add3A_95] : memref<10112xf32, #tpu.memory_space<vmem_shared>> -> memref<128xf32, #tpu.memory_space<vmem_shared>>
      %dma_start3A_141 = tpu.memref_slice %arg8[%add3A_95] : memref<10112xf32, #tpu.memory_space<vmem_shared>> -> memref<128xf32, #tpu.memory_space<vmem_shared>>
      %dma_start3A_142 = arith.constant 0 : i32
      %dma_start3A_143 = tpu.memref_slice %arg7[%dma_start3A_142] : memref<128xf32, #tpu.memory_space<vmem>> -> memref<128xf32, #tpu.memory_space<vmem>>
      tpu.enqueue_dma source(%dma_start3A_143 : memref<128xf32, #tpu.memory_space<vmem>>) target(%dma_start3A_141 : memref<128xf32, #tpu.memory_space<vmem_shared>>) target_semaphore(%run_scoped3A : memref<!tpu.dma_semaphore, #tpu.memory_space<semaphore_mem>>)
      %dma_wait3A = arith.constant 0 : i32
      %dma_wait3A_144 = tpu.memref_slice %arg7[%dma_wait3A] : memref<128xf32, #tpu.memory_space<vmem>> -> memref<128xf32, #tpu.memory_space<vmem>>
      %dma_wait3A_145 = tpu.memref_slice %arg8[%add3A_95] : memref<10112xf32, #tpu.memory_space<vmem_shared>> -> memref<128xf32, #tpu.memory_space<vmem_shared>>
      %dma_wait3A_146 = tpu.memref_slice %arg8[%add3A_95] : memref<10112xf32, #tpu.memory_space<vmem_shared>> -> memref<128xf32, #tpu.memory_space<vmem_shared>>
      %dma_wait3A_147 = arith.constant 0 : i32
      %dma_wait3A_148 = tpu.memref_slice %arg7[%dma_wait3A_147] : memref<128xf32, #tpu.memory_space<vmem>> -> memref<128xf32, #tpu.memory_space<vmem>>
      tpu.wait_dma2 semaphore(%run_scoped3A : memref<!tpu.dma_semaphore, #tpu.memory_space<semaphore_mem>>) src(%dma_wait3A_148 : memref<128xf32, #tpu.memory_space<vmem>>) dst(%dma_wait3A_146 : memref<128xf32, #tpu.memory_space<vmem_shared>>)
      tpu.yield
    }) : () -> ()
    %add3A_96 = arith.constant 128 : i32
    %add3A_97 = arith.addi %mul3A_0, %add3A_96 : i32
    "tpu.region"() ({
      %run_scoped3A = tpu.sem_alloc : memref<!tpu.dma_semaphore, #tpu.memory_space<semaphore_mem>>
      %dma_start3A = arith.constant 0 : i32
      %dma_start3A_139 = tpu.memref_slice %arg7[%dma_start3A] : memref<128xf32, #tpu.memory_space<vmem>> -> memref<128xf32, #tpu.memory_space<vmem>>
      %dma_start3A_140 = tpu.memref_slice %arg8[%add3A_97] : memref<10112xf32, #tpu.memory_space<vmem_shared>> -> memref<128xf32, #tpu.memory_space<vmem_shared>>
      %dma_start3A_141 = tpu.memref_slice %arg8[%add3A_97] : memref<10112xf32, #tpu.memory_space<vmem_shared>> -> memref<128xf32, #tpu.memory_space<vmem_shared>>
      %dma_start3A_142 = arith.constant 0 : i32
      %dma_start3A_143 = tpu.memref_slice %arg7[%dma_start3A_142] : memref<128xf32, #tpu.memory_space<vmem>> -> memref<128xf32, #tpu.memory_space<vmem>>
      tpu.enqueue_dma source(%dma_start3A_143 : memref<128xf32, #tpu.memory_space<vmem>>) target(%dma_start3A_141 : memref<128xf32, #tpu.memory_space<vmem_shared>>) target_semaphore(%run_scoped3A : memref<!tpu.dma_semaphore, #tpu.memory_space<semaphore_mem>>)
      %dma_wait3A = arith.constant 0 : i32
      %dma_wait3A_144 = tpu.memref_slice %arg7[%dma_wait3A] : memref<128xf32, #tpu.memory_space<vmem>> -> memref<128xf32, #tpu.memory_space<vmem>>
      %dma_wait3A_145 = tpu.memref_slice %arg8[%add3A_97] : memref<10112xf32, #tpu.memory_space<vmem_shared>> -> memref<128xf32, #tpu.memory_space<vmem_shared>>
      %dma_wait3A_146 = tpu.memref_slice %arg8[%add3A_97] : memref<10112xf32, #tpu.memory_space<vmem_shared>> -> memref<128xf32, #tpu.memory_space<vmem_shared>>
      %dma_wait3A_147 = arith.constant 0 : i32
      %dma_wait3A_148 = tpu.memref_slice %arg7[%dma_wait3A_147] : memref<128xf32, #tpu.memory_space<vmem>> -> memref<128xf32, #tpu.memory_space<vmem>>
      tpu.wait_dma2 semaphore(%run_scoped3A : memref<!tpu.dma_semaphore, #tpu.memory_space<semaphore_mem>>) src(%dma_wait3A_148 : memref<128xf32, #tpu.memory_space<vmem>>) dst(%dma_wait3A_146 : memref<128xf32, #tpu.memory_space<vmem_shared>>)
      tpu.yield
    }) : () -> ()
    %add3A_98 = arith.constant 256 : i32
    %add3A_99 = arith.addi %mul3A_0, %add3A_98 : i32
    "tpu.region"() ({
      %run_scoped3A = tpu.sem_alloc : memref<!tpu.dma_semaphore, #tpu.memory_space<semaphore_mem>>
      %dma_start3A = arith.constant 0 : i32
      %dma_start3A_139 = tpu.memref_slice %arg7[%dma_start3A] : memref<128xf32, #tpu.memory_space<vmem>> -> memref<128xf32, #tpu.memory_space<vmem>>
      %dma_start3A_140 = tpu.memref_slice %arg8[%add3A_99] : memref<10112xf32, #tpu.memory_space<vmem_shared>> -> memref<128xf32, #tpu.memory_space<vmem_shared>>
      %dma_start3A_141 = tpu.memref_slice %arg8[%add3A_99] : memref<10112xf32, #tpu.memory_space<vmem_shared>> -> memref<128xf32, #tpu.memory_space<vmem_shared>>
      %dma_start3A_142 = arith.constant 0 : i32
      %dma_start3A_143 = tpu.memref_slice %arg7[%dma_start3A_142] : memref<128xf32, #tpu.memory_space<vmem>> -> memref<128xf32, #tpu.memory_space<vmem>>
      tpu.enqueue_dma source(%dma_start3A_143 : memref<128xf32, #tpu.memory_space<vmem>>) target(%dma_start3A_141 : memref<128xf32, #tpu.memory_space<vmem_shared>>) target_semaphore(%run_scoped3A : memref<!tpu.dma_semaphore, #tpu.memory_space<semaphore_mem>>)
      %dma_wait3A = arith.constant 0 : i32
      %dma_wait3A_144 = tpu.memref_slice %arg7[%dma_wait3A] : memref<128xf32, #tpu.memory_space<vmem>> -> memref<128xf32, #tpu.memory_space<vmem>>
      %dma_wait3A_145 = tpu.memref_slice %arg8[%add3A_99] : memref<10112xf32, #tpu.memory_space<vmem_shared>> -> memref<128xf32, #tpu.memory_space<vmem_shared>>
      %dma_wait3A_146 = tpu.memref_slice %arg8[%add3A_99] : memref<10112xf32, #tpu.memory_space<vmem_shared>> -> memref<128xf32, #tpu.memory_space<vmem_shared>>
      %dma_wait3A_147 = arith.constant 0 : i32
      %dma_wait3A_148 = tpu.memref_slice %arg7[%dma_wait3A_147] : memref<128xf32, #tpu.memory_space<vmem>> -> memref<128xf32, #tpu.memory_space<vmem>>
      tpu.wait_dma2 semaphore(%run_scoped3A : memref<!tpu.dma_semaphore, #tpu.memory_space<semaphore_mem>>) src(%dma_wait3A_148 : memref<128xf32, #tpu.memory_space<vmem>>) dst(%dma_wait3A_146 : memref<128xf32, #tpu.memory_space<vmem_shared>>)
      tpu.yield
    }) : () -> ()
    %add3A_100 = arith.constant 384 : i32
    %add3A_101 = arith.addi %mul3A_0, %add3A_100 : i32
    "tpu.region"() ({
      %run_scoped3A = tpu.sem_alloc : memref<!tpu.dma_semaphore, #tpu.memory_space<semaphore_mem>>
      %dma_start3A = arith.constant 0 : i32
      %dma_start3A_139 = tpu.memref_slice %arg7[%dma_start3A] : memref<128xf32, #tpu.memory_space<vmem>> -> memref<128xf32, #tpu.memory_space<vmem>>
      %dma_start3A_140 = tpu.memref_slice %arg8[%add3A_101] : memref<10112xf32, #tpu.memory_space<vmem_shared>> -> memref<128xf32, #tpu.memory_space<vmem_shared>>
      %dma_start3A_141 = tpu.memref_slice %arg8[%add3A_101] : memref<10112xf32, #tpu.memory_space<vmem_shared>> -> memref<128xf32, #tpu.memory_space<vmem_shared>>
      %dma_start3A_142 = arith.constant 0 : i32
      %dma_start3A_143 = tpu.memref_slice %arg7[%dma_start3A_142] : memref<128xf32, #tpu.memory_space<vmem>> -> memref<128xf32, #tpu.memory_space<vmem>>
      tpu.enqueue_dma source(%dma_start3A_143 : memref<128xf32, #tpu.memory_space<vmem>>) target(%dma_start3A_141 : memref<128xf32, #tpu.memory_space<vmem_shared>>) target_semaphore(%run_scoped3A : memref<!tpu.dma_semaphore, #tpu.memory_space<semaphore_mem>>)
      %dma_wait3A = arith.constant 0 : i32
      %dma_wait3A_144 = tpu.memref_slice %arg7[%dma_wait3A] : memref<128xf32, #tpu.memory_space<vmem>> -> memref<128xf32, #tpu.memory_space<vmem>>
      %dma_wait3A_145 = tpu.memref_slice %arg8[%add3A_101] : memref<10112xf32, #tpu.memory_space<vmem_shared>> -> memref<128xf32, #tpu.memory_space<vmem_shared>>
      %dma_wait3A_146 = tpu.memref_slice %arg8[%add3A_101] : memref<10112xf32, #tpu.memory_space<vmem_shared>> -> memref<128xf32, #tpu.memory_space<vmem_shared>>
      %dma_wait3A_147 = arith.constant 0 : i32
      %dma_wait3A_148 = tpu.memref_slice %arg7[%dma_wait3A_147] : memref<128xf32, #tpu.memory_space<vmem>> -> memref<128xf32, #tpu.memory_space<vmem>>
      tpu.wait_dma2 semaphore(%run_scoped3A : memref<!tpu.dma_semaphore, #tpu.memory_space<semaphore_mem>>) src(%dma_wait3A_148 : memref<128xf32, #tpu.memory_space<vmem>>) dst(%dma_wait3A_146 : memref<128xf32, #tpu.memory_space<vmem_shared>>)
      tpu.yield
    }) : () -> ()
    %add3A_102 = arith.constant 512 : i32
    %add3A_103 = arith.addi %mul3A_0, %add3A_102 : i32
    "tpu.region"() ({
      %run_scoped3A = tpu.sem_alloc : memref<!tpu.dma_semaphore, #tpu.memory_space<semaphore_mem>>
      %dma_start3A = arith.constant 0 : i32
      %dma_start3A_139 = tpu.memref_slice %arg7[%dma_start3A] : memref<128xf32, #tpu.memory_space<vmem>> -> memref<120xf32, #tpu.memory_space<vmem>>
      %dma_start3A_140 = tpu.memref_slice %arg8[%add3A_103] : memref<10112xf32, #tpu.memory_space<vmem_shared>> -> memref<120xf32, #tpu.memory_space<vmem_shared>>
      %dma_start3A_141 = tpu.memref_slice %arg8[%add3A_103] : memref<10112xf32, #tpu.memory_space<vmem_shared>> -> memref<120xf32, #tpu.memory_space<vmem_shared>>
      %dma_start3A_142 = arith.constant 0 : i32
      %dma_start3A_143 = tpu.memref_slice %arg7[%dma_start3A_142] : memref<128xf32, #tpu.memory_space<vmem>> -> memref<120xf32, #tpu.memory_space<vmem>>
      tpu.enqueue_dma source(%dma_start3A_143 : memref<120xf32, #tpu.memory_space<vmem>>) target(%dma_start3A_141 : memref<120xf32, #tpu.memory_space<vmem_shared>>) target_semaphore(%run_scoped3A : memref<!tpu.dma_semaphore, #tpu.memory_space<semaphore_mem>>)
      %dma_wait3A = arith.constant 0 : i32
      %dma_wait3A_144 = tpu.memref_slice %arg7[%dma_wait3A] : memref<128xf32, #tpu.memory_space<vmem>> -> memref<120xf32, #tpu.memory_space<vmem>>
      %dma_wait3A_145 = tpu.memref_slice %arg8[%add3A_103] : memref<10112xf32, #tpu.memory_space<vmem_shared>> -> memref<120xf32, #tpu.memory_space<vmem_shared>>
      %dma_wait3A_146 = tpu.memref_slice %arg8[%add3A_103] : memref<10112xf32, #tpu.memory_space<vmem_shared>> -> memref<120xf32, #tpu.memory_space<vmem_shared>>
      %dma_wait3A_147 = arith.constant 0 : i32
      %dma_wait3A_148 = tpu.memref_slice %arg7[%dma_wait3A_147] : memref<128xf32, #tpu.memory_space<vmem>> -> memref<120xf32, #tpu.memory_space<vmem>>
      tpu.wait_dma2 semaphore(%run_scoped3A : memref<!tpu.dma_semaphore, #tpu.memory_space<semaphore_mem>>) src(%dma_wait3A_148 : memref<120xf32, #tpu.memory_space<vmem>>) dst(%dma_wait3A_146 : memref<120xf32, #tpu.memory_space<vmem_shared>>)
      tpu.yield
    }) : () -> ()
    %mul3A_104 = arith.constant 157 : i32
    %mul3A_105 = arith.muli %arg1, %mul3A_104 : i32
    %eq3A = arith.constant 0 : i32
    %eq3A_106 = arith.cmpi eq, %arg0, %eq3A : i32
    %convert_element_type3A = arith.extui %eq3A_106 : i1 to i32
    %cond3A = arith.constant 0 : i32
    %cond3A_107 = arith.cmpi ne, %convert_element_type3A, %cond3A : i32
    scf.if %cond3A_107 {
      "tpu.region"() ({
        %run_scoped3A = tpu.sem_alloc : memref<!tpu.dma_semaphore, #tpu.memory_space<semaphore_mem>>
        %dma_start3A = arith.constant 0 : i32
        %dma_start3A_139 = tpu.memref_slice %arg2[%mul3A_105, %dma_start3A] : memref<2512x128xi32, #tpu.memory_space<hbm>> -> memref<157x128xi32, #tpu.memory_space<hbm>>
        %dma_start3A_140 = arith.constant 0 : i32
        %dma_start3A_141 = tpu.memref_slice %arg2[%mul3A_105, %dma_start3A_140] : memref<2512x128xi32, #tpu.memory_space<hbm>> -> memref<157x128xi32, #tpu.memory_space<hbm>>
        tpu.enqueue_dma source(%dma_start3A_141 : memref<157x128xi32, #tpu.memory_space<hbm>>) target(%arg5 : memref<157x128xi32, #tpu.memory_space<vmem>>) target_semaphore(%run_scoped3A : memref<!tpu.dma_semaphore, #tpu.memory_space<semaphore_mem>>)
        %dma_wait3A = arith.constant 0 : i32
        %dma_wait3A_142 = tpu.memref_slice %arg2[%mul3A_105, %dma_wait3A] : memref<2512x128xi32, #tpu.memory_space<hbm>> -> memref<157x128xi32, #tpu.memory_space<hbm>>
        %dma_wait3A_143 = arith.constant 0 : i32
        %dma_wait3A_144 = tpu.memref_slice %arg2[%mul3A_105, %dma_wait3A_143] : memref<2512x128xi32, #tpu.memory_space<hbm>> -> memref<157x128xi32, #tpu.memory_space<hbm>>
        tpu.wait_dma2 semaphore(%run_scoped3A : memref<!tpu.dma_semaphore, #tpu.memory_space<semaphore_mem>>) src(%dma_wait3A_144 : memref<157x128xi32, #tpu.memory_space<hbm>>) dst(%arg5 : memref<157x128xi32, #tpu.memory_space<vmem>>)
        tpu.yield
      }) : () -> ()
    } else {
    }
    %eq3A_108 = arith.constant 1 : i32
    %eq3A_109 = arith.cmpi eq, %arg0, %eq3A_108 : i32
    %convert_element_type3A_110 = arith.extui %eq3A_109 : i1 to i32
    %cond3A_111 = arith.constant 0 : i32
    %cond3A_112 = arith.cmpi ne, %convert_element_type3A_110, %cond3A_111 : i32
    scf.if %cond3A_112 {
      "tpu.region"() ({
        %run_scoped3A = tpu.sem_alloc : memref<!tpu.dma_semaphore, #tpu.memory_space<semaphore_mem>>
        %dma_start3A = arith.constant 0 : i32
        %dma_start3A_139 = tpu.memref_slice %arg3[%mul3A_105, %dma_start3A] : memref<2512x128xi32, #tpu.memory_space<hbm>> -> memref<157x128xi32, #tpu.memory_space<hbm>>
        %dma_start3A_140 = arith.constant 0 : i32
        %dma_start3A_141 = tpu.memref_slice %arg3[%mul3A_105, %dma_start3A_140] : memref<2512x128xi32, #tpu.memory_space<hbm>> -> memref<157x128xi32, #tpu.memory_space<hbm>>
        tpu.enqueue_dma source(%dma_start3A_141 : memref<157x128xi32, #tpu.memory_space<hbm>>) target(%arg5 : memref<157x128xi32, #tpu.memory_space<vmem>>) target_semaphore(%run_scoped3A : memref<!tpu.dma_semaphore, #tpu.memory_space<semaphore_mem>>)
        %dma_wait3A = arith.constant 0 : i32
        %dma_wait3A_142 = tpu.memref_slice %arg3[%mul3A_105, %dma_wait3A] : memref<2512x128xi32, #tpu.memory_space<hbm>> -> memref<157x128xi32, #tpu.memory_space<hbm>>
        %dma_wait3A_143 = arith.constant 0 : i32
        %dma_wait3A_144 = tpu.memref_slice %arg3[%mul3A_105, %dma_wait3A_143] : memref<2512x128xi32, #tpu.memory_space<hbm>> -> memref<157x128xi32, #tpu.memory_space<hbm>>
        tpu.wait_dma2 semaphore(%run_scoped3A : memref<!tpu.dma_semaphore, #tpu.memory_space<semaphore_mem>>) src(%dma_wait3A_144 : memref<157x128xi32, #tpu.memory_space<hbm>>) dst(%arg5 : memref<157x128xi32, #tpu.memory_space<vmem>>)
        tpu.yield
      }) : () -> ()
    } else {
    }
    %barrier3A = arith.constant 0 : index
    tpu.barrier barrier_id(%barrier3A)
    %scan3A = arith.constant 0 : i32
    %scan3A_113 = arith.constant 0 : i32
    %scan3A_114 = arith.constant 157 : i32
    %scan3A_115 = arith.addi %scan3A_113, %scan3A_114 : i32
    %scan3A_116 = arith.constant 1 : i32
    scf.for %scan3A_139 = %scan3A_113 to %scan3A_115 step %scan3A_116  : i32 {
      "tpu.region"() ({
        %run_scoped3A = tpu.sem_alloc : memref<!tpu.dma_semaphore, #tpu.memory_space<semaphore_mem>>
        %dma_start3A = arith.constant 0 : i32
        %dma_start3A_140 = tpu.memref_slice %arg5[%scan3A_139, %dma_start3A] : memref<157x128xi32, #tpu.memory_space<vmem>> -> memref<1x128xi32, #tpu.memory_space<vmem>>
        %dma_start3A_141 = tpu.memref_squeeze %dma_start3A_140 : memref<1x128xi32, #tpu.memory_space<vmem>> -> memref<128xi32, #tpu.memory_space<vmem>>
        %dma_start3A_142 = arith.constant 0 : i32
        %dma_start3A_143 = tpu.memref_slice %arg8[%dma_start3A_142] : memref<10112xf32, #tpu.memory_space<vmem_shared>> -> memref<10112xf32, #tpu.memory_space<vmem_shared>>
        tpu.enqueue_indirect_dma source(%arg6 : memref<128xf32, #tpu.memory_space<vmem>>) target(%dma_start3A_143 : memref<10112xf32, #tpu.memory_space<vmem_shared>>) offsets(%dma_start3A_141 : memref<128xi32, #tpu.memory_space<vmem>>) semaphore(%run_scoped3A : memref<!tpu.dma_semaphore, #tpu.memory_space<semaphore_mem>>) {add = true}
        %dma_wait3A = arith.constant 0 : i32
        %dma_wait3A_144 = tpu.memref_slice %arg5[%scan3A_139, %dma_wait3A] : memref<157x128xi32, #tpu.memory_space<vmem>> -> memref<1x128xi32, #tpu.memory_space<vmem>>
        %dma_wait3A_145 = tpu.memref_squeeze %dma_wait3A_144 : memref<1x128xi32, #tpu.memory_space<vmem>> -> memref<128xi32, #tpu.memory_space<vmem>>
        %dma_wait3A_146 = arith.constant 0 : i32
        %dma_wait3A_147 = tpu.memref_slice %arg8[%dma_wait3A_146] : memref<10112xf32, #tpu.memory_space<vmem_shared>> -> memref<10112xf32, #tpu.memory_space<vmem_shared>>
        tpu.wait_indirect_dma semaphore(%run_scoped3A : memref<!tpu.dma_semaphore, #tpu.memory_space<semaphore_mem>>) src(%arg6 : memref<128xf32, #tpu.memory_space<vmem>>) dst(%dma_wait3A_147 : memref<10112xf32, #tpu.memory_space<vmem_shared>>)
        tpu.yield
      }) : () -> ()
    }
    %scan3A_117 = arith.constant 157 : i32
    %barrier3A_118 = arith.constant 0 : index
    tpu.barrier barrier_id(%barrier3A_118)
    %add3A_119 = arith.constant 0 : i32
    %add3A_120 = arith.addi %mul3A_0, %add3A_119 : i32
    "tpu.region"() ({
      %run_scoped3A = tpu.sem_alloc : memref<!tpu.dma_semaphore, #tpu.memory_space<semaphore_mem>>
      %dma_start3A = arith.constant 0 : i32
      %dma_start3A_139 = tpu.memref_slice %arg7[%dma_start3A] : memref<128xf32, #tpu.memory_space<vmem>> -> memref<128xf32, #tpu.memory_space<vmem>>
      %dma_start3A_140 = tpu.memref_slice %arg8[%add3A_120] : memref<10112xf32, #tpu.memory_space<vmem_shared>> -> memref<128xf32, #tpu.memory_space<vmem_shared>>
      %dma_start3A_141 = arith.constant 0 : i32
      %dma_start3A_142 = tpu.memref_slice %arg7[%dma_start3A_141] : memref<128xf32, #tpu.memory_space<vmem>> -> memref<128xf32, #tpu.memory_space<vmem>>
      %dma_start3A_143 = tpu.memref_slice %arg8[%add3A_120] : memref<10112xf32, #tpu.memory_space<vmem_shared>> -> memref<128xf32, #tpu.memory_space<vmem_shared>>
      tpu.enqueue_dma source(%dma_start3A_143 : memref<128xf32, #tpu.memory_space<vmem_shared>>) target(%dma_start3A_142 : memref<128xf32, #tpu.memory_space<vmem>>) target_semaphore(%run_scoped3A : memref<!tpu.dma_semaphore, #tpu.memory_space<semaphore_mem>>)
      %dma_wait3A = arith.constant 0 : i32
      %dma_wait3A_144 = tpu.memref_slice %arg7[%dma_wait3A] : memref<128xf32, #tpu.memory_space<vmem>> -> memref<128xf32, #tpu.memory_space<vmem>>
      %dma_wait3A_145 = tpu.memref_slice %arg8[%add3A_120] : memref<10112xf32, #tpu.memory_space<vmem_shared>> -> memref<128xf32, #tpu.memory_space<vmem_shared>>
      %dma_wait3A_146 = arith.constant 0 : i32
      %dma_wait3A_147 = tpu.memref_slice %arg7[%dma_wait3A_146] : memref<128xf32, #tpu.memory_space<vmem>> -> memref<128xf32, #tpu.memory_space<vmem>>
      %dma_wait3A_148 = tpu.memref_slice %arg8[%add3A_120] : memref<10112xf32, #tpu.memory_space<vmem_shared>> -> memref<128xf32, #tpu.memory_space<vmem_shared>>
      tpu.wait_dma2 semaphore(%run_scoped3A : memref<!tpu.dma_semaphore, #tpu.memory_space<semaphore_mem>>) src(%dma_wait3A_148 : memref<128xf32, #tpu.memory_space<vmem_shared>>) dst(%dma_wait3A_147 : memref<128xf32, #tpu.memory_space<vmem>>)
      tpu.yield
    }) : () -> ()
    %add3A_121 = arith.constant 0 : i32
    %add3A_122 = arith.addi %mul3A_0, %add3A_121 : i32
    "tpu.region"() ({
      %run_scoped3A = tpu.sem_alloc : memref<!tpu.dma_semaphore, #tpu.memory_space<semaphore_mem>>
      %dma_start3A = arith.constant 0 : i32
      %dma_start3A_139 = tpu.memref_slice %arg7[%dma_start3A] : memref<128xf32, #tpu.memory_space<vmem>> -> memref<128xf32, #tpu.memory_space<vmem>>
      %dma_start3A_140 = tpu.memref_slice %arg4[%arg0, %add3A_122] : memref<2x10112xf32, #tpu.memory_space<hbm>> -> memref<1x128xf32, #tpu.memory_space<hbm>>
      %dma_start3A_141 = tpu.memref_squeeze %dma_start3A_140 : memref<1x128xf32, #tpu.memory_space<hbm>> -> memref<128xf32, #tpu.memory_space<hbm>>
      %dma_start3A_142 = tpu.memref_slice %arg4[%arg0, %add3A_122] : memref<2x10112xf32, #tpu.memory_space<hbm>> -> memref<1x128xf32, #tpu.memory_space<hbm>>
      %dma_start3A_143 = tpu.memref_squeeze %dma_start3A_142 : memref<1x128xf32, #tpu.memory_space<hbm>> -> memref<128xf32, #tpu.memory_space<hbm>>
      %dma_start3A_144 = arith.constant 0 : i32
      %dma_start3A_145 = tpu.memref_slice %arg7[%dma_start3A_144] : memref<128xf32, #tpu.memory_space<vmem>> -> memref<128xf32, #tpu.memory_space<vmem>>
      tpu.enqueue_dma source(%dma_start3A_145 : memref<128xf32, #tpu.memory_space<vmem>>) target(%dma_start3A_143 : memref<128xf32, #tpu.memory_space<hbm>>) target_semaphore(%run_scoped3A : memref<!tpu.dma_semaphore, #tpu.memory_space<semaphore_mem>>)
      %dma_wait3A = arith.constant 0 : i32
      %dma_wait3A_146 = tpu.memref_slice %arg7[%dma_wait3A] : memref<128xf32, #tpu.memory_space<vmem>> -> memref<128xf32, #tpu.memory_space<vmem>>
      %dma_wait3A_147 = tpu.memref_slice %arg4[%arg0, %add3A_122] : memref<2x10112xf32, #tpu.memory_space<hbm>> -> memref<1x128xf32, #tpu.memory_space<hbm>>
      %dma_wait3A_148 = tpu.memref_squeeze %dma_wait3A_147 : memref<1x128xf32, #tpu.memory_space<hbm>> -> memref<128xf32, #tpu.memory_space<hbm>>
      %dma_wait3A_149 = tpu.memref_slice %arg4[%arg0, %add3A_122] : memref<2x10112xf32, #tpu.memory_space<hbm>> -> memref<1x128xf32, #tpu.memory_space<hbm>>
      %dma_wait3A_150 = tpu.memref_squeeze %dma_wait3A_149 : memref<1x128xf32, #tpu.memory_space<hbm>> -> memref<128xf32, #tpu.memory_space<hbm>>
      %dma_wait3A_151 = arith.constant 0 : i32
      %dma_wait3A_152 = tpu.memref_slice %arg7[%dma_wait3A_151] : memref<128xf32, #tpu.memory_space<vmem>> -> memref<128xf32, #tpu.memory_space<vmem>>
      tpu.wait_dma2 semaphore(%run_scoped3A : memref<!tpu.dma_semaphore, #tpu.memory_space<semaphore_mem>>) src(%dma_wait3A_152 : memref<128xf32, #tpu.memory_space<vmem>>) dst(%dma_wait3A_150 : memref<128xf32, #tpu.memory_space<hbm>>)
      tpu.yield
    }) : () -> ()
    %add3A_123 = arith.constant 128 : i32
    %add3A_124 = arith.addi %mul3A_0, %add3A_123 : i32
    "tpu.region"() ({
      %run_scoped3A = tpu.sem_alloc : memref<!tpu.dma_semaphore, #tpu.memory_space<semaphore_mem>>
      %dma_start3A = arith.constant 0 : i32
      %dma_start3A_139 = tpu.memref_slice %arg7[%dma_start3A] : memref<128xf32, #tpu.memory_space<vmem>> -> memref<128xf32, #tpu.memory_space<vmem>>
      %dma_start3A_140 = tpu.memref_slice %arg8[%add3A_124] : memref<10112xf32, #tpu.memory_space<vmem_shared>> -> memref<128xf32, #tpu.memory_space<vmem_shared>>
      %dma_start3A_141 = arith.constant 0 : i32
      %dma_start3A_142 = tpu.memref_slice %arg7[%dma_start3A_141] : memref<128xf32, #tpu.memory_space<vmem>> -> memref<128xf32, #tpu.memory_space<vmem>>
      %dma_start3A_143 = tpu.memref_slice %arg8[%add3A_124] : memref<10112xf32, #tpu.memory_space<vmem_shared>> -> memref<128xf32, #tpu.memory_space<vmem_shared>>
      tpu.enqueue_dma source(%dma_start3A_143 : memref<128xf32, #tpu.memory_space<vmem_shared>>) target(%dma_start3A_142 : memref<128xf32, #tpu.memory_space<vmem>>) target_semaphore(%run_scoped3A : memref<!tpu.dma_semaphore, #tpu.memory_space<semaphore_mem>>)
      %dma_wait3A = arith.constant 0 : i32
      %dma_wait3A_144 = tpu.memref_slice %arg7[%dma_wait3A] : memref<128xf32, #tpu.memory_space<vmem>> -> memref<128xf32, #tpu.memory_space<vmem>>
      %dma_wait3A_145 = tpu.memref_slice %arg8[%add3A_124] : memref<10112xf32, #tpu.memory_space<vmem_shared>> -> memref<128xf32, #tpu.memory_space<vmem_shared>>
      %dma_wait3A_146 = arith.constant 0 : i32
      %dma_wait3A_147 = tpu.memref_slice %arg7[%dma_wait3A_146] : memref<128xf32, #tpu.memory_space<vmem>> -> memref<128xf32, #tpu.memory_space<vmem>>
      %dma_wait3A_148 = tpu.memref_slice %arg8[%add3A_124] : memref<10112xf32, #tpu.memory_space<vmem_shared>> -> memref<128xf32, #tpu.memory_space<vmem_shared>>
      tpu.wait_dma2 semaphore(%run_scoped3A : memref<!tpu.dma_semaphore, #tpu.memory_space<semaphore_mem>>) src(%dma_wait3A_148 : memref<128xf32, #tpu.memory_space<vmem_shared>>) dst(%dma_wait3A_147 : memref<128xf32, #tpu.memory_space<vmem>>)
      tpu.yield
    }) : () -> ()
    %add3A_125 = arith.constant 128 : i32
    %add3A_126 = arith.addi %mul3A_0, %add3A_125 : i32
    "tpu.region"() ({
      %run_scoped3A = tpu.sem_alloc : memref<!tpu.dma_semaphore, #tpu.memory_space<semaphore_mem>>
      %dma_start3A = arith.constant 0 : i32
      %dma_start3A_139 = tpu.memref_slice %arg7[%dma_start3A] : memref<128xf32, #tpu.memory_space<vmem>> -> memref<128xf32, #tpu.memory_space<vmem>>
      %dma_start3A_140 = tpu.memref_slice %arg4[%arg0, %add3A_126] : memref<2x10112xf32, #tpu.memory_space<hbm>> -> memref<1x128xf32, #tpu.memory_space<hbm>>
      %dma_start3A_141 = tpu.memref_squeeze %dma_start3A_140 : memref<1x128xf32, #tpu.memory_space<hbm>> -> memref<128xf32, #tpu.memory_space<hbm>>
      %dma_start3A_142 = tpu.memref_slice %arg4[%arg0, %add3A_126] : memref<2x10112xf32, #tpu.memory_space<hbm>> -> memref<1x128xf32, #tpu.memory_space<hbm>>
      %dma_start3A_143 = tpu.memref_squeeze %dma_start3A_142 : memref<1x128xf32, #tpu.memory_space<hbm>> -> memref<128xf32, #tpu.memory_space<hbm>>
      %dma_start3A_144 = arith.constant 0 : i32
      %dma_start3A_145 = tpu.memref_slice %arg7[%dma_start3A_144] : memref<128xf32, #tpu.memory_space<vmem>> -> memref<128xf32, #tpu.memory_space<vmem>>
      tpu.enqueue_dma source(%dma_start3A_145 : memref<128xf32, #tpu.memory_space<vmem>>) target(%dma_start3A_143 : memref<128xf32, #tpu.memory_space<hbm>>) target_semaphore(%run_scoped3A : memref<!tpu.dma_semaphore, #tpu.memory_space<semaphore_mem>>)
      %dma_wait3A = arith.constant 0 : i32
      %dma_wait3A_146 = tpu.memref_slice %arg7[%dma_wait3A] : memref<128xf32, #tpu.memory_space<vmem>> -> memref<128xf32, #tpu.memory_space<vmem>>
      %dma_wait3A_147 = tpu.memref_slice %arg4[%arg0, %add3A_126] : memref<2x10112xf32, #tpu.memory_space<hbm>> -> memref<1x128xf32, #tpu.memory_space<hbm>>
      %dma_wait3A_148 = tpu.memref_squeeze %dma_wait3A_147 : memref<1x128xf32, #tpu.memory_space<hbm>> -> memref<128xf32, #tpu.memory_space<hbm>>
      %dma_wait3A_149 = tpu.memref_slice %arg4[%arg0, %add3A_126] : memref<2x10112xf32, #tpu.memory_space<hbm>> -> memref<1x128xf32, #tpu.memory_space<hbm>>
      %dma_wait3A_150 = tpu.memref_squeeze %dma_wait3A_149 : memref<1x128xf32, #tpu.memory_space<hbm>> -> memref<128xf32, #tpu.memory_space<hbm>>
      %dma_wait3A_151 = arith.constant 0 : i32
      %dma_wait3A_152 = tpu.memref_slice %arg7[%dma_wait3A_151] : memref<128xf32, #tpu.memory_space<vmem>> -> memref<128xf32, #tpu.memory_space<vmem>>
      tpu.wait_dma2 semaphore(%run_scoped3A : memref<!tpu.dma_semaphore, #tpu.memory_space<semaphore_mem>>) src(%dma_wait3A_152 : memref<128xf32, #tpu.memory_space<vmem>>) dst(%dma_wait3A_150 : memref<128xf32, #tpu.memory_space<hbm>>)
      tpu.yield
    }) : () -> ()
    %add3A_127 = arith.constant 256 : i32
    %add3A_128 = arith.addi %mul3A_0, %add3A_127 : i32
    "tpu.region"() ({
      %run_scoped3A = tpu.sem_alloc : memref<!tpu.dma_semaphore, #tpu.memory_space<semaphore_mem>>
      %dma_start3A = arith.constant 0 : i32
      %dma_start3A_139 = tpu.memref_slice %arg7[%dma_start3A] : memref<128xf32, #tpu.memory_space<vmem>> -> memref<128xf32, #tpu.memory_space<vmem>>
      %dma_start3A_140 = tpu.memref_slice %arg8[%add3A_128] : memref<10112xf32, #tpu.memory_space<vmem_shared>> -> memref<128xf32, #tpu.memory_space<vmem_shared>>
      %dma_start3A_141 = arith.constant 0 : i32
      %dma_start3A_142 = tpu.memref_slice %arg7[%dma_start3A_141] : memref<128xf32, #tpu.memory_space<vmem>> -> memref<128xf32, #tpu.memory_space<vmem>>
      %dma_start3A_143 = tpu.memref_slice %arg8[%add3A_128] : memref<10112xf32, #tpu.memory_space<vmem_shared>> -> memref<128xf32, #tpu.memory_space<vmem_shared>>
      tpu.enqueue_dma source(%dma_start3A_143 : memref<128xf32, #tpu.memory_space<vmem_shared>>) target(%dma_start3A_142 : memref<128xf32, #tpu.memory_space<vmem>>) target_semaphore(%run_scoped3A : memref<!tpu.dma_semaphore, #tpu.memory_space<semaphore_mem>>)
      %dma_wait3A = arith.constant 0 : i32
      %dma_wait3A_144 = tpu.memref_slice %arg7[%dma_wait3A] : memref<128xf32, #tpu.memory_space<vmem>> -> memref<128xf32, #tpu.memory_space<vmem>>
      %dma_wait3A_145 = tpu.memref_slice %arg8[%add3A_128] : memref<10112xf32, #tpu.memory_space<vmem_shared>> -> memref<128xf32, #tpu.memory_space<vmem_shared>>
      %dma_wait3A_146 = arith.constant 0 : i32
      %dma_wait3A_147 = tpu.memref_slice %arg7[%dma_wait3A_146] : memref<128xf32, #tpu.memory_space<vmem>> -> memref<128xf32, #tpu.memory_space<vmem>>
      %dma_wait3A_148 = tpu.memref_slice %arg8[%add3A_128] : memref<10112xf32, #tpu.memory_space<vmem_shared>> -> memref<128xf32, #tpu.memory_space<vmem_shared>>
      tpu.wait_dma2 semaphore(%run_scoped3A : memref<!tpu.dma_semaphore, #tpu.memory_space<semaphore_mem>>) src(%dma_wait3A_148 : memref<128xf32, #tpu.memory_space<vmem_shared>>) dst(%dma_wait3A_147 : memref<128xf32, #tpu.memory_space<vmem>>)
      tpu.yield
    }) : () -> ()
    %add3A_129 = arith.constant 256 : i32
    %add3A_130 = arith.addi %mul3A_0, %add3A_129 : i32
    "tpu.region"() ({
      %run_scoped3A = tpu.sem_alloc : memref<!tpu.dma_semaphore, #tpu.memory_space<semaphore_mem>>
      %dma_start3A = arith.constant 0 : i32
      %dma_start3A_139 = tpu.memref_slice %arg7[%dma_start3A] : memref<128xf32, #tpu.memory_space<vmem>> -> memref<128xf32, #tpu.memory_space<vmem>>
      %dma_start3A_140 = tpu.memref_slice %arg4[%arg0, %add3A_130] : memref<2x10112xf32, #tpu.memory_space<hbm>> -> memref<1x128xf32, #tpu.memory_space<hbm>>
      %dma_start3A_141 = tpu.memref_squeeze %dma_start3A_140 : memref<1x128xf32, #tpu.memory_space<hbm>> -> memref<128xf32, #tpu.memory_space<hbm>>
      %dma_start3A_142 = tpu.memref_slice %arg4[%arg0, %add3A_130] : memref<2x10112xf32, #tpu.memory_space<hbm>> -> memref<1x128xf32, #tpu.memory_space<hbm>>
      %dma_start3A_143 = tpu.memref_squeeze %dma_start3A_142 : memref<1x128xf32, #tpu.memory_space<hbm>> -> memref<128xf32, #tpu.memory_space<hbm>>
      %dma_start3A_144 = arith.constant 0 : i32
      %dma_start3A_145 = tpu.memref_slice %arg7[%dma_start3A_144] : memref<128xf32, #tpu.memory_space<vmem>> -> memref<128xf32, #tpu.memory_space<vmem>>
      tpu.enqueue_dma source(%dma_start3A_145 : memref<128xf32, #tpu.memory_space<vmem>>) target(%dma_start3A_143 : memref<128xf32, #tpu.memory_space<hbm>>) target_semaphore(%run_scoped3A : memref<!tpu.dma_semaphore, #tpu.memory_space<semaphore_mem>>)
      %dma_wait3A = arith.constant 0 : i32
      %dma_wait3A_146 = tpu.memref_slice %arg7[%dma_wait3A] : memref<128xf32, #tpu.memory_space<vmem>> -> memref<128xf32, #tpu.memory_space<vmem>>
      %dma_wait3A_147 = tpu.memref_slice %arg4[%arg0, %add3A_130] : memref<2x10112xf32, #tpu.memory_space<hbm>> -> memref<1x128xf32, #tpu.memory_space<hbm>>
      %dma_wait3A_148 = tpu.memref_squeeze %dma_wait3A_147 : memref<1x128xf32, #tpu.memory_space<hbm>> -> memref<128xf32, #tpu.memory_space<hbm>>
      %dma_wait3A_149 = tpu.memref_slice %arg4[%arg0, %add3A_130] : memref<2x10112xf32, #tpu.memory_space<hbm>> -> memref<1x128xf32, #tpu.memory_space<hbm>>
      %dma_wait3A_150 = tpu.memref_squeeze %dma_wait3A_149 : memref<1x128xf32, #tpu.memory_space<hbm>> -> memref<128xf32, #tpu.memory_space<hbm>>
      %dma_wait3A_151 = arith.constant 0 : i32
      %dma_wait3A_152 = tpu.memref_slice %arg7[%dma_wait3A_151] : memref<128xf32, #tpu.memory_space<vmem>> -> memref<128xf32, #tpu.memory_space<vmem>>
      tpu.wait_dma2 semaphore(%run_scoped3A : memref<!tpu.dma_semaphore, #tpu.memory_space<semaphore_mem>>) src(%dma_wait3A_152 : memref<128xf32, #tpu.memory_space<vmem>>) dst(%dma_wait3A_150 : memref<128xf32, #tpu.memory_space<hbm>>)
      tpu.yield
    }) : () -> ()
    %add3A_131 = arith.constant 384 : i32
    %add3A_132 = arith.addi %mul3A_0, %add3A_131 : i32
    "tpu.region"() ({
      %run_scoped3A = tpu.sem_alloc : memref<!tpu.dma_semaphore, #tpu.memory_space<semaphore_mem>>
      %dma_start3A = arith.constant 0 : i32
      %dma_start3A_139 = tpu.memref_slice %arg7[%dma_start3A] : memref<128xf32, #tpu.memory_space<vmem>> -> memref<128xf32, #tpu.memory_space<vmem>>
      %dma_start3A_140 = tpu.memref_slice %arg8[%add3A_132] : memref<10112xf32, #tpu.memory_space<vmem_shared>> -> memref<128xf32, #tpu.memory_space<vmem_shared>>
      %dma_start3A_141 = arith.constant 0 : i32
      %dma_start3A_142 = tpu.memref_slice %arg7[%dma_start3A_141] : memref<128xf32, #tpu.memory_space<vmem>> -> memref<128xf32, #tpu.memory_space<vmem>>
      %dma_start3A_143 = tpu.memref_slice %arg8[%add3A_132] : memref<10112xf32, #tpu.memory_space<vmem_shared>> -> memref<128xf32, #tpu.memory_space<vmem_shared>>
      tpu.enqueue_dma source(%dma_start3A_143 : memref<128xf32, #tpu.memory_space<vmem_shared>>) target(%dma_start3A_142 : memref<128xf32, #tpu.memory_space<vmem>>) target_semaphore(%run_scoped3A : memref<!tpu.dma_semaphore, #tpu.memory_space<semaphore_mem>>)
      %dma_wait3A = arith.constant 0 : i32
      %dma_wait3A_144 = tpu.memref_slice %arg7[%dma_wait3A] : memref<128xf32, #tpu.memory_space<vmem>> -> memref<128xf32, #tpu.memory_space<vmem>>
      %dma_wait3A_145 = tpu.memref_slice %arg8[%add3A_132] : memref<10112xf32, #tpu.memory_space<vmem_shared>> -> memref<128xf32, #tpu.memory_space<vmem_shared>>
      %dma_wait3A_146 = arith.constant 0 : i32
      %dma_wait3A_147 = tpu.memref_slice %arg7[%dma_wait3A_146] : memref<128xf32, #tpu.memory_space<vmem>> -> memref<128xf32, #tpu.memory_space<vmem>>
      %dma_wait3A_148 = tpu.memref_slice %arg8[%add3A_132] : memref<10112xf32, #tpu.memory_space<vmem_shared>> -> memref<128xf32, #tpu.memory_space<vmem_shared>>
      tpu.wait_dma2 semaphore(%run_scoped3A : memref<!tpu.dma_semaphore, #tpu.memory_space<semaphore_mem>>) src(%dma_wait3A_148 : memref<128xf32, #tpu.memory_space<vmem_shared>>) dst(%dma_wait3A_147 : memref<128xf32, #tpu.memory_space<vmem>>)
      tpu.yield
    }) : () -> ()
    %add3A_133 = arith.constant 384 : i32
    %add3A_134 = arith.addi %mul3A_0, %add3A_133 : i32
    "tpu.region"() ({
      %run_scoped3A = tpu.sem_alloc : memref<!tpu.dma_semaphore, #tpu.memory_space<semaphore_mem>>
      %dma_start3A = arith.constant 0 : i32
      %dma_start3A_139 = tpu.memref_slice %arg7[%dma_start3A] : memref<128xf32, #tpu.memory_space<vmem>> -> memref<128xf32, #tpu.memory_space<vmem>>
      %dma_start3A_140 = tpu.memref_slice %arg4[%arg0, %add3A_134] : memref<2x10112xf32, #tpu.memory_space<hbm>> -> memref<1x128xf32, #tpu.memory_space<hbm>>
      %dma_start3A_141 = tpu.memref_squeeze %dma_start3A_140 : memref<1x128xf32, #tpu.memory_space<hbm>> -> memref<128xf32, #tpu.memory_space<hbm>>
      %dma_start3A_142 = tpu.memref_slice %arg4[%arg0, %add3A_134] : memref<2x10112xf32, #tpu.memory_space<hbm>> -> memref<1x128xf32, #tpu.memory_space<hbm>>
      %dma_start3A_143 = tpu.memref_squeeze %dma_start3A_142 : memref<1x128xf32, #tpu.memory_space<hbm>> -> memref<128xf32, #tpu.memory_space<hbm>>
      %dma_start3A_144 = arith.constant 0 : i32
      %dma_start3A_145 = tpu.memref_slice %arg7[%dma_start3A_144] : memref<128xf32, #tpu.memory_space<vmem>> -> memref<128xf32, #tpu.memory_space<vmem>>
      tpu.enqueue_dma source(%dma_start3A_145 : memref<128xf32, #tpu.memory_space<vmem>>) target(%dma_start3A_143 : memref<128xf32, #tpu.memory_space<hbm>>) target_semaphore(%run_scoped3A : memref<!tpu.dma_semaphore, #tpu.memory_space<semaphore_mem>>)
      %dma_wait3A = arith.constant 0 : i32
      %dma_wait3A_146 = tpu.memref_slice %arg7[%dma_wait3A] : memref<128xf32, #tpu.memory_space<vmem>> -> memref<128xf32, #tpu.memory_space<vmem>>
      %dma_wait3A_147 = tpu.memref_slice %arg4[%arg0, %add3A_134] : memref<2x10112xf32, #tpu.memory_space<hbm>> -> memref<1x128xf32, #tpu.memory_space<hbm>>
      %dma_wait3A_148 = tpu.memref_squeeze %dma_wait3A_147 : memref<1x128xf32, #tpu.memory_space<hbm>> -> memref<128xf32, #tpu.memory_space<hbm>>
      %dma_wait3A_149 = tpu.memref_slice %arg4[%arg0, %add3A_134] : memref<2x10112xf32, #tpu.memory_space<hbm>> -> memref<1x128xf32, #tpu.memory_space<hbm>>
      %dma_wait3A_150 = tpu.memref_squeeze %dma_wait3A_149 : memref<1x128xf32, #tpu.memory_space<hbm>> -> memref<128xf32, #tpu.memory_space<hbm>>
      %dma_wait3A_151 = arith.constant 0 : i32
      %dma_wait3A_152 = tpu.memref_slice %arg7[%dma_wait3A_151] : memref<128xf32, #tpu.memory_space<vmem>> -> memref<128xf32, #tpu.memory_space<vmem>>
      tpu.wait_dma2 semaphore(%run_scoped3A : memref<!tpu.dma_semaphore, #tpu.memory_space<semaphore_mem>>) src(%dma_wait3A_152 : memref<128xf32, #tpu.memory_space<vmem>>) dst(%dma_wait3A_150 : memref<128xf32, #tpu.memory_space<hbm>>)
      tpu.yield
    }) : () -> ()
    %add3A_135 = arith.constant 512 : i32
    %add3A_136 = arith.addi %mul3A_0, %add3A_135 : i32
    "tpu.region"() ({
      %run_scoped3A = tpu.sem_alloc : memref<!tpu.dma_semaphore, #tpu.memory_space<semaphore_mem>>
      %dma_start3A = arith.constant 0 : i32
      %dma_start3A_139 = tpu.memref_slice %arg7[%dma_start3A] : memref<128xf32, #tpu.memory_space<vmem>> -> memref<120xf32, #tpu.memory_space<vmem>>
      %dma_start3A_140 = tpu.memref_slice %arg8[%add3A_136] : memref<10112xf32, #tpu.memory_space<vmem_shared>> -> memref<120xf32, #tpu.memory_space<vmem_shared>>
      %dma_start3A_141 = arith.constant 0 : i32
      %dma_start3A_142 = tpu.memref_slice %arg7[%dma_start3A_141] : memref<128xf32, #tpu.memory_space<vmem>> -> memref<120xf32, #tpu.memory_space<vmem>>
      %dma_start3A_143 = tpu.memref_slice %arg8[%add3A_136] : memref<10112xf32, #tpu.memory_space<vmem_shared>> -> memref<120xf32, #tpu.memory_space<vmem_shared>>
      tpu.enqueue_dma source(%dma_start3A_143 : memref<120xf32, #tpu.memory_space<vmem_shared>>) target(%dma_start3A_142 : memref<120xf32, #tpu.memory_space<vmem>>) target_semaphore(%run_scoped3A : memref<!tpu.dma_semaphore, #tpu.memory_space<semaphore_mem>>)
      %dma_wait3A = arith.constant 0 : i32
      %dma_wait3A_144 = tpu.memref_slice %arg7[%dma_wait3A] : memref<128xf32, #tpu.memory_space<vmem>> -> memref<120xf32, #tpu.memory_space<vmem>>
      %dma_wait3A_145 = tpu.memref_slice %arg8[%add3A_136] : memref<10112xf32, #tpu.memory_space<vmem_shared>> -> memref<120xf32, #tpu.memory_space<vmem_shared>>
      %dma_wait3A_146 = arith.constant 0 : i32
      %dma_wait3A_147 = tpu.memref_slice %arg7[%dma_wait3A_146] : memref<128xf32, #tpu.memory_space<vmem>> -> memref<120xf32, #tpu.memory_space<vmem>>
      %dma_wait3A_148 = tpu.memref_slice %arg8[%add3A_136] : memref<10112xf32, #tpu.memory_space<vmem_shared>> -> memref<120xf32, #tpu.memory_space<vmem_shared>>
      tpu.wait_dma2 semaphore(%run_scoped3A : memref<!tpu.dma_semaphore, #tpu.memory_space<semaphore_mem>>) src(%dma_wait3A_148 : memref<120xf32, #tpu.memory_space<vmem_shared>>) dst(%dma_wait3A_147 : memref<120xf32, #tpu.memory_space<vmem>>)
      tpu.yield
    }) : () -> ()
    %add3A_137 = arith.constant 512 : i32
    %add3A_138 = arith.addi %mul3A_0, %add3A_137 : i32
    "tpu.region"() ({
      %run_scoped3A = tpu.sem_alloc : memref<!tpu.dma_semaphore, #tpu.memory_space<semaphore_mem>>
      %dma_start3A = arith.constant 0 : i32
      %dma_start3A_139 = tpu.memref_slice %arg7[%dma_start3A] : memref<128xf32, #tpu.memory_space<vmem>> -> memref<120xf32, #tpu.memory_space<vmem>>
      %dma_start3A_140 = tpu.memref_slice %arg4[%arg0, %add3A_138] : memref<2x10112xf32, #tpu.memory_space<hbm>> -> memref<1x120xf32, #tpu.memory_space<hbm>>
      %dma_start3A_141 = tpu.memref_squeeze %dma_start3A_140 : memref<1x120xf32, #tpu.memory_space<hbm>> -> memref<120xf32, #tpu.memory_space<hbm>>
      %dma_start3A_142 = tpu.memref_slice %arg4[%arg0, %add3A_138] : memref<2x10112xf32, #tpu.memory_space<hbm>> -> memref<1x120xf32, #tpu.memory_space<hbm>>
      %dma_start3A_143 = tpu.memref_squeeze %dma_start3A_142 : memref<1x120xf32, #tpu.memory_space<hbm>> -> memref<120xf32, #tpu.memory_space<hbm>>
      %dma_start3A_144 = arith.constant 0 : i32
      %dma_start3A_145 = tpu.memref_slice %arg7[%dma_start3A_144] : memref<128xf32, #tpu.memory_space<vmem>> -> memref<120xf32, #tpu.memory_space<vmem>>
      tpu.enqueue_dma source(%dma_start3A_145 : memref<120xf32, #tpu.memory_space<vmem>>) target(%dma_start3A_143 : memref<120xf32, #tpu.memory_space<hbm>>) target_semaphore(%run_scoped3A : memref<!tpu.dma_semaphore, #tpu.memory_space<semaphore_mem>>)
      %dma_wait3A = arith.constant 0 : i32
      %dma_wait3A_146 = tpu.memref_slice %arg7[%dma_wait3A] : memref<128xf32, #tpu.memory_space<vmem>> -> memref<120xf32, #tpu.memory_space<vmem>>
      %dma_wait3A_147 = tpu.memref_slice %arg4[%arg0, %add3A_138] : memref<2x10112xf32, #tpu.memory_space<hbm>> -> memref<1x120xf32, #tpu.memory_space<hbm>>
      %dma_wait3A_148 = tpu.memref_squeeze %dma_wait3A_147 : memref<1x120xf32, #tpu.memory_space<hbm>> -> memref<120xf32, #tpu.memory_space<hbm>>
      %dma_wait3A_149 = tpu.memref_slice %arg4[%arg0, %add3A_138] : memref<2x10112xf32, #tpu.memory_space<hbm>> -> memref<1x120xf32, #tpu.memory_space<hbm>>
      %dma_wait3A_150 = tpu.memref_squeeze %dma_wait3A_149 : memref<1x120xf32, #tpu.memory_space<hbm>> -> memref<120xf32, #tpu.memory_space<hbm>>
      %dma_wait3A_151 = arith.constant 0 : i32
      %dma_wait3A_152 = tpu.memref_slice %arg7[%dma_wait3A_151] : memref<128xf32, #tpu.memory_space<vmem>> -> memref<120xf32, #tpu.memory_space<vmem>>
      tpu.wait_dma2 semaphore(%run_scoped3A : memref<!tpu.dma_semaphore, #tpu.memory_space<semaphore_mem>>) src(%dma_wait3A_152 : memref<120xf32, #tpu.memory_space<vmem>>) dst(%dma_wait3A_150 : memref<120xf32, #tpu.memory_space<hbm>>)
      tpu.yield
    }) : () -> ()
    return
  }
}

#map = affine_map<(d0, d1) -> (0, 0)>
#map1 = affine_map<(d0, d1) -> (0)>
#map2 = affine_map<(d0, d1) -> (0, 0, 0)>
module attributes {stable_mosaic.version = 14 : i64} {
  func.func @_mp_body(%arg0: i32, %arg1: i32, %arg2: memref<10112x64xf32, #tpu.memory_space<hbm>>, %arg3: memref<10112x64xf32, #tpu.memory_space<hbm>>, %arg4: memref<2512x128xi32, #tpu.memory_space<hbm>>, %arg5: memref<2512x128xi32, #tpu.memory_space<hbm>>, %arg6: memref<10112xf32, #tpu.memory_space<hbm>>, %arg7: memref<2x10112x64xf32, #tpu.memory_space<hbm>>, %arg8: memref<157x128xi32, #tpu.memory_space<vmem>>, %arg9: memref<157x128xi32, #tpu.memory_space<vmem>>, %arg10: memref<128x64xf32, #tpu.memory_space<vmem>>, %arg11: memref<128x64xf32, #tpu.memory_space<vmem>>, %arg12: memref<128x64xf32, #tpu.memory_space<vmem>>, %arg13: memref<128x64xf32, #tpu.memory_space<vmem>>, %arg14: memref<128x64xf32, #tpu.memory_space<vmem>>, %arg15: memref<128x64xf32, #tpu.memory_space<vmem>>, %arg16: memref<648xf32, #tpu.memory_space<vmem>>, %arg17: memref<!tpu.dma_semaphore, #tpu.memory_space<semaphore_mem>>, %arg18: memref<!tpu.dma_semaphore, #tpu.memory_space<semaphore_mem>>, %arg19: memref<!tpu.dma_semaphore, #tpu.memory_space<semaphore_mem>>, %arg20: memref<!tpu.dma_semaphore, #tpu.memory_space<semaphore_mem>>, %arg21: memref<!tpu.dma_semaphore, #tpu.memory_space<semaphore_mem>>, %arg22: memref<!tpu.dma_semaphore, #tpu.memory_space<semaphore_mem>>, %arg23: memref<!tpu.dma_semaphore, #tpu.memory_space<semaphore_mem>>, %arg24: memref<!tpu.dma_semaphore, #tpu.memory_space<semaphore_mem>>, %arg25: memref<!tpu.dma_semaphore, #tpu.memory_space<semaphore_mem>>, %arg26: memref<!tpu.dma_semaphore, #tpu.memory_space<semaphore_mem>>, %arg27: memref<10112x64xf32, #tpu.memory_space<vmem_shared>>) attributes {dimension_semantics = [#tpu.dimension_semantics<core_parallel>, #tpu.dimension_semantics<subcore_parallel>], iteration_bounds = array<i64: 2, 16>, scalar_prefetch = 0 : i64, scratch_operands = 20 : i64, tpu.core_type = #tpu.core_type<sc_vector_subcore>, window_params = [{transform_indices = #map}, {transform_indices = #map}, {transform_indices = #map}, {transform_indices = #map}, {transform_indices = #map1}, {transform_indices = #map2}]} {
    %mul3A = arith.constant 632 : i32
    %mul3A_0 = arith.muli %arg1, %mul3A : i32
    %mul3A_1 = arith.constant 157 : i32
    %mul3A_2 = arith.muli %arg1, %mul3A_1 : i32
    "tpu.region"() ({
      %run_scoped3A = tpu.sem_alloc : memref<!tpu.dma_semaphore, #tpu.memory_space<semaphore_mem>>
      %dma_start3A = arith.constant 0 : i32
      %dma_start3A_85 = tpu.memref_slice %arg4[%mul3A_2, %dma_start3A] : memref<2512x128xi32, #tpu.memory_space<hbm>> -> memref<157x128xi32, #tpu.memory_space<hbm>>
      %dma_start3A_86 = arith.constant 0 : i32
      %dma_start3A_87 = tpu.memref_slice %arg4[%mul3A_2, %dma_start3A_86] : memref<2512x128xi32, #tpu.memory_space<hbm>> -> memref<157x128xi32, #tpu.memory_space<hbm>>
      tpu.enqueue_dma source(%dma_start3A_87 : memref<157x128xi32, #tpu.memory_space<hbm>>) target(%arg8 : memref<157x128xi32, #tpu.memory_space<vmem>>) target_semaphore(%run_scoped3A : memref<!tpu.dma_semaphore, #tpu.memory_space<semaphore_mem>>)
      %dma_wait3A = arith.constant 0 : i32
      %dma_wait3A_88 = tpu.memref_slice %arg4[%mul3A_2, %dma_wait3A] : memref<2512x128xi32, #tpu.memory_space<hbm>> -> memref<157x128xi32, #tpu.memory_space<hbm>>
      %dma_wait3A_89 = arith.constant 0 : i32
      %dma_wait3A_90 = tpu.memref_slice %arg4[%mul3A_2, %dma_wait3A_89] : memref<2512x128xi32, #tpu.memory_space<hbm>> -> memref<157x128xi32, #tpu.memory_space<hbm>>
      tpu.wait_dma2 semaphore(%run_scoped3A : memref<!tpu.dma_semaphore, #tpu.memory_space<semaphore_mem>>) src(%dma_wait3A_90 : memref<157x128xi32, #tpu.memory_space<hbm>>) dst(%arg8 : memref<157x128xi32, #tpu.memory_space<vmem>>)
      tpu.yield
    }) : () -> ()
    "tpu.region"() ({
      %run_scoped3A = tpu.sem_alloc : memref<!tpu.dma_semaphore, #tpu.memory_space<semaphore_mem>>
      %dma_start3A = arith.constant 0 : i32
      %dma_start3A_85 = tpu.memref_slice %arg5[%mul3A_2, %dma_start3A] : memref<2512x128xi32, #tpu.memory_space<hbm>> -> memref<157x128xi32, #tpu.memory_space<hbm>>
      %dma_start3A_86 = arith.constant 0 : i32
      %dma_start3A_87 = tpu.memref_slice %arg5[%mul3A_2, %dma_start3A_86] : memref<2512x128xi32, #tpu.memory_space<hbm>> -> memref<157x128xi32, #tpu.memory_space<hbm>>
      tpu.enqueue_dma source(%dma_start3A_87 : memref<157x128xi32, #tpu.memory_space<hbm>>) target(%arg9 : memref<157x128xi32, #tpu.memory_space<vmem>>) target_semaphore(%run_scoped3A : memref<!tpu.dma_semaphore, #tpu.memory_space<semaphore_mem>>)
      %dma_wait3A = arith.constant 0 : i32
      %dma_wait3A_88 = tpu.memref_slice %arg5[%mul3A_2, %dma_wait3A] : memref<2512x128xi32, #tpu.memory_space<hbm>> -> memref<157x128xi32, #tpu.memory_space<hbm>>
      %dma_wait3A_89 = arith.constant 0 : i32
      %dma_wait3A_90 = tpu.memref_slice %arg5[%mul3A_2, %dma_wait3A_89] : memref<2512x128xi32, #tpu.memory_space<hbm>> -> memref<157x128xi32, #tpu.memory_space<hbm>>
      tpu.wait_dma2 semaphore(%run_scoped3A : memref<!tpu.dma_semaphore, #tpu.memory_space<semaphore_mem>>) src(%dma_wait3A_90 : memref<157x128xi32, #tpu.memory_space<hbm>>) dst(%arg9 : memref<157x128xi32, #tpu.memory_space<vmem>>)
      tpu.yield
    }) : () -> ()
    "tpu.region"() ({
      %run_scoped3A = tpu.sem_alloc : memref<!tpu.dma_semaphore, #tpu.memory_space<semaphore_mem>>
      %dma_start3A = arith.constant 0 : i32
      %dma_start3A_85 = tpu.memref_slice %arg16[%dma_start3A] : memref<648xf32, #tpu.memory_space<vmem>> -> memref<632xf32, #tpu.memory_space<vmem>>
      %dma_start3A_86 = tpu.memref_slice %arg6[%mul3A_0] : memref<10112xf32, #tpu.memory_space<hbm>> -> memref<632xf32, #tpu.memory_space<hbm>>
      %dma_start3A_87 = arith.constant 0 : i32
      %dma_start3A_88 = tpu.memref_slice %arg16[%dma_start3A_87] : memref<648xf32, #tpu.memory_space<vmem>> -> memref<632xf32, #tpu.memory_space<vmem>>
      %dma_start3A_89 = tpu.memref_slice %arg6[%mul3A_0] : memref<10112xf32, #tpu.memory_space<hbm>> -> memref<632xf32, #tpu.memory_space<hbm>>
      tpu.enqueue_dma source(%dma_start3A_89 : memref<632xf32, #tpu.memory_space<hbm>>) target(%dma_start3A_88 : memref<632xf32, #tpu.memory_space<vmem>>) target_semaphore(%run_scoped3A : memref<!tpu.dma_semaphore, #tpu.memory_space<semaphore_mem>>)
      %dma_wait3A = arith.constant 0 : i32
      %dma_wait3A_90 = tpu.memref_slice %arg16[%dma_wait3A] : memref<648xf32, #tpu.memory_space<vmem>> -> memref<632xf32, #tpu.memory_space<vmem>>
      %dma_wait3A_91 = tpu.memref_slice %arg6[%mul3A_0] : memref<10112xf32, #tpu.memory_space<hbm>> -> memref<632xf32, #tpu.memory_space<hbm>>
      %dma_wait3A_92 = arith.constant 0 : i32
      %dma_wait3A_93 = tpu.memref_slice %arg16[%dma_wait3A_92] : memref<648xf32, #tpu.memory_space<vmem>> -> memref<632xf32, #tpu.memory_space<vmem>>
      %dma_wait3A_94 = tpu.memref_slice %arg6[%mul3A_0] : memref<10112xf32, #tpu.memory_space<hbm>> -> memref<632xf32, #tpu.memory_space<hbm>>
      tpu.wait_dma2 semaphore(%run_scoped3A : memref<!tpu.dma_semaphore, #tpu.memory_space<semaphore_mem>>) src(%dma_wait3A_94 : memref<632xf32, #tpu.memory_space<hbm>>) dst(%dma_wait3A_93 : memref<632xf32, #tpu.memory_space<vmem>>)
      tpu.yield
    }) : () -> ()
    %eq3A = arith.constant 0 : i32
    %eq3A_3 = arith.cmpi eq, %arg0, %eq3A : i32
    %convert_element_type3A = arith.extui %eq3A_3 : i1 to i32
    %cond3A = arith.constant 0 : i32
    %cond3A_4 = arith.cmpi ne, %convert_element_type3A, %cond3A : i32
    scf.if %cond3A_4 {
      %dma_start3A = arith.constant 0 : i32
      %dma_start3A_85 = arith.constant 0 : i32
      %dma_start3A_86 = tpu.memref_slice %arg8[%dma_start3A, %dma_start3A_85] : memref<157x128xi32, #tpu.memory_space<vmem>> -> memref<1x128xi32, #tpu.memory_space<vmem>>
      %dma_start3A_87 = tpu.memref_squeeze %dma_start3A_86 : memref<1x128xi32, #tpu.memory_space<vmem>> -> memref<128xi32, #tpu.memory_space<vmem>>
      %dma_start3A_88 = arith.constant 0 : i32
      %dma_start3A_89 = arith.constant 0 : i32
      %dma_start3A_90 = tpu.memref_slice %arg2[%dma_start3A_88, %dma_start3A_89] : memref<10112x64xf32, #tpu.memory_space<hbm>> -> memref<10112x64xf32, #tpu.memory_space<hbm>>
      tpu.enqueue_indirect_dma source(%dma_start3A_90 : memref<10112x64xf32, #tpu.memory_space<hbm>>) target(%arg10 : memref<128x64xf32, #tpu.memory_space<vmem>>) offsets(%dma_start3A_87 : memref<128xi32, #tpu.memory_space<vmem>>) semaphore(%arg17 : memref<!tpu.dma_semaphore, #tpu.memory_space<semaphore_mem>>)
      %dma_start3A_91 = arith.constant 1 : i32
      %dma_start3A_92 = arith.constant 0 : i32
      %dma_start3A_93 = tpu.memref_slice %arg8[%dma_start3A_91, %dma_start3A_92] : memref<157x128xi32, #tpu.memory_space<vmem>> -> memref<1x128xi32, #tpu.memory_space<vmem>>
      %dma_start3A_94 = tpu.memref_squeeze %dma_start3A_93 : memref<1x128xi32, #tpu.memory_space<vmem>> -> memref<128xi32, #tpu.memory_space<vmem>>
      %dma_start3A_95 = arith.constant 0 : i32
      %dma_start3A_96 = arith.constant 0 : i32
      %dma_start3A_97 = tpu.memref_slice %arg2[%dma_start3A_95, %dma_start3A_96] : memref<10112x64xf32, #tpu.memory_space<hbm>> -> memref<10112x64xf32, #tpu.memory_space<hbm>>
      tpu.enqueue_indirect_dma source(%dma_start3A_97 : memref<10112x64xf32, #tpu.memory_space<hbm>>) target(%arg11 : memref<128x64xf32, #tpu.memory_space<vmem>>) offsets(%dma_start3A_94 : memref<128xi32, #tpu.memory_space<vmem>>) semaphore(%arg18 : memref<!tpu.dma_semaphore, #tpu.memory_space<semaphore_mem>>)
      %dma_start3A_98 = arith.constant 2 : i32
      %dma_start3A_99 = arith.constant 0 : i32
      %dma_start3A_100 = tpu.memref_slice %arg8[%dma_start3A_98, %dma_start3A_99] : memref<157x128xi32, #tpu.memory_space<vmem>> -> memref<1x128xi32, #tpu.memory_space<vmem>>
      %dma_start3A_101 = tpu.memref_squeeze %dma_start3A_100 : memref<1x128xi32, #tpu.memory_space<vmem>> -> memref<128xi32, #tpu.memory_space<vmem>>
      %dma_start3A_102 = arith.constant 0 : i32
      %dma_start3A_103 = arith.constant 0 : i32
      %dma_start3A_104 = tpu.memref_slice %arg2[%dma_start3A_102, %dma_start3A_103] : memref<10112x64xf32, #tpu.memory_space<hbm>> -> memref<10112x64xf32, #tpu.memory_space<hbm>>
      tpu.enqueue_indirect_dma source(%dma_start3A_104 : memref<10112x64xf32, #tpu.memory_space<hbm>>) target(%arg12 : memref<128x64xf32, #tpu.memory_space<vmem>>) offsets(%dma_start3A_101 : memref<128xi32, #tpu.memory_space<vmem>>) semaphore(%arg19 : memref<!tpu.dma_semaphore, #tpu.memory_space<semaphore_mem>>)
      %dma_start3A_105 = arith.constant 3 : i32
      %dma_start3A_106 = arith.constant 0 : i32
      %dma_start3A_107 = tpu.memref_slice %arg8[%dma_start3A_105, %dma_start3A_106] : memref<157x128xi32, #tpu.memory_space<vmem>> -> memref<1x128xi32, #tpu.memory_space<vmem>>
      %dma_start3A_108 = tpu.memref_squeeze %dma_start3A_107 : memref<1x128xi32, #tpu.memory_space<vmem>> -> memref<128xi32, #tpu.memory_space<vmem>>
      %dma_start3A_109 = arith.constant 0 : i32
      %dma_start3A_110 = arith.constant 0 : i32
      %dma_start3A_111 = tpu.memref_slice %arg2[%dma_start3A_109, %dma_start3A_110] : memref<10112x64xf32, #tpu.memory_space<hbm>> -> memref<10112x64xf32, #tpu.memory_space<hbm>>
      tpu.enqueue_indirect_dma source(%dma_start3A_111 : memref<10112x64xf32, #tpu.memory_space<hbm>>) target(%arg13 : memref<128x64xf32, #tpu.memory_space<vmem>>) offsets(%dma_start3A_108 : memref<128xi32, #tpu.memory_space<vmem>>) semaphore(%arg20 : memref<!tpu.dma_semaphore, #tpu.memory_space<semaphore_mem>>)
    } else {
    }
    %eq3A_5 = arith.constant 1 : i32
    %eq3A_6 = arith.cmpi eq, %arg0, %eq3A_5 : i32
    %convert_element_type3A_7 = arith.extui %eq3A_6 : i1 to i32
    %cond3A_8 = arith.constant 0 : i32
    %cond3A_9 = arith.cmpi ne, %convert_element_type3A_7, %cond3A_8 : i32
    scf.if %cond3A_9 {
      %dma_start3A = arith.constant 0 : i32
      %dma_start3A_85 = arith.constant 0 : i32
      %dma_start3A_86 = tpu.memref_slice %arg8[%dma_start3A, %dma_start3A_85] : memref<157x128xi32, #tpu.memory_space<vmem>> -> memref<1x128xi32, #tpu.memory_space<vmem>>
      %dma_start3A_87 = tpu.memref_squeeze %dma_start3A_86 : memref<1x128xi32, #tpu.memory_space<vmem>> -> memref<128xi32, #tpu.memory_space<vmem>>
      %dma_start3A_88 = arith.constant 0 : i32
      %dma_start3A_89 = arith.constant 0 : i32
      %dma_start3A_90 = tpu.memref_slice %arg3[%dma_start3A_88, %dma_start3A_89] : memref<10112x64xf32, #tpu.memory_space<hbm>> -> memref<10112x64xf32, #tpu.memory_space<hbm>>
      tpu.enqueue_indirect_dma source(%dma_start3A_90 : memref<10112x64xf32, #tpu.memory_space<hbm>>) target(%arg10 : memref<128x64xf32, #tpu.memory_space<vmem>>) offsets(%dma_start3A_87 : memref<128xi32, #tpu.memory_space<vmem>>) semaphore(%arg17 : memref<!tpu.dma_semaphore, #tpu.memory_space<semaphore_mem>>)
      %dma_start3A_91 = arith.constant 1 : i32
      %dma_start3A_92 = arith.constant 0 : i32
      %dma_start3A_93 = tpu.memref_slice %arg8[%dma_start3A_91, %dma_start3A_92] : memref<157x128xi32, #tpu.memory_space<vmem>> -> memref<1x128xi32, #tpu.memory_space<vmem>>
      %dma_start3A_94 = tpu.memref_squeeze %dma_start3A_93 : memref<1x128xi32, #tpu.memory_space<vmem>> -> memref<128xi32, #tpu.memory_space<vmem>>
      %dma_start3A_95 = arith.constant 0 : i32
      %dma_start3A_96 = arith.constant 0 : i32
      %dma_start3A_97 = tpu.memref_slice %arg3[%dma_start3A_95, %dma_start3A_96] : memref<10112x64xf32, #tpu.memory_space<hbm>> -> memref<10112x64xf32, #tpu.memory_space<hbm>>
      tpu.enqueue_indirect_dma source(%dma_start3A_97 : memref<10112x64xf32, #tpu.memory_space<hbm>>) target(%arg11 : memref<128x64xf32, #tpu.memory_space<vmem>>) offsets(%dma_start3A_94 : memref<128xi32, #tpu.memory_space<vmem>>) semaphore(%arg18 : memref<!tpu.dma_semaphore, #tpu.memory_space<semaphore_mem>>)
      %dma_start3A_98 = arith.constant 2 : i32
      %dma_start3A_99 = arith.constant 0 : i32
      %dma_start3A_100 = tpu.memref_slice %arg8[%dma_start3A_98, %dma_start3A_99] : memref<157x128xi32, #tpu.memory_space<vmem>> -> memref<1x128xi32, #tpu.memory_space<vmem>>
      %dma_start3A_101 = tpu.memref_squeeze %dma_start3A_100 : memref<1x128xi32, #tpu.memory_space<vmem>> -> memref<128xi32, #tpu.memory_space<vmem>>
      %dma_start3A_102 = arith.constant 0 : i32
      %dma_start3A_103 = arith.constant 0 : i32
      %dma_start3A_104 = tpu.memref_slice %arg3[%dma_start3A_102, %dma_start3A_103] : memref<10112x64xf32, #tpu.memory_space<hbm>> -> memref<10112x64xf32, #tpu.memory_space<hbm>>
      tpu.enqueue_indirect_dma source(%dma_start3A_104 : memref<10112x64xf32, #tpu.memory_space<hbm>>) target(%arg12 : memref<128x64xf32, #tpu.memory_space<vmem>>) offsets(%dma_start3A_101 : memref<128xi32, #tpu.memory_space<vmem>>) semaphore(%arg19 : memref<!tpu.dma_semaphore, #tpu.memory_space<semaphore_mem>>)
      %dma_start3A_105 = arith.constant 3 : i32
      %dma_start3A_106 = arith.constant 0 : i32
      %dma_start3A_107 = tpu.memref_slice %arg8[%dma_start3A_105, %dma_start3A_106] : memref<157x128xi32, #tpu.memory_space<vmem>> -> memref<1x128xi32, #tpu.memory_space<vmem>>
      %dma_start3A_108 = tpu.memref_squeeze %dma_start3A_107 : memref<1x128xi32, #tpu.memory_space<vmem>> -> memref<128xi32, #tpu.memory_space<vmem>>
      %dma_start3A_109 = arith.constant 0 : i32
      %dma_start3A_110 = arith.constant 0 : i32
      %dma_start3A_111 = tpu.memref_slice %arg3[%dma_start3A_109, %dma_start3A_110] : memref<10112x64xf32, #tpu.memory_space<hbm>> -> memref<10112x64xf32, #tpu.memory_space<hbm>>
      tpu.enqueue_indirect_dma source(%dma_start3A_111 : memref<10112x64xf32, #tpu.memory_space<hbm>>) target(%arg13 : memref<128x64xf32, #tpu.memory_space<vmem>>) offsets(%dma_start3A_108 : memref<128xi32, #tpu.memory_space<vmem>>) semaphore(%arg20 : memref<!tpu.dma_semaphore, #tpu.memory_space<semaphore_mem>>)
    } else {
    }
    %scan3A = arith.constant 0 : i32
    %scan3A_10 = arith.constant 0 : i32
    %scan3A_11 = arith.constant 128 : i32
    %scan3A_12 = arith.addi %scan3A_10, %scan3A_11 : i32
    %scan3A_13 = arith.constant 1 : i32
    scf.for %scan3A_85 = %scan3A_10 to %scan3A_12 step %scan3A_13  : i32 {
      %broadcast_in_dim3A = arith.constant 0.000000e+00 : f32
      %broadcast_in_dim3A_86 = vector.broadcast %broadcast_in_dim3A : f32 to vector<16xf32>
      %swap3A = arith.index_cast %scan3A_85 : i32 to index
      %swap3A_87 = arith.constant 0 : index
      %swap3A_88 = tpu.vector_load %arg15[%swap3A, %swap3A_87] {strides = array<i32>} : memref<128x64xf32, #tpu.memory_space<vmem>>, vector<1x16xf32>,
      %swap3A_89 = vector.shape_cast %swap3A_88 : vector<1x16xf32> to vector<16xf32>
      %swap3A_90 = vector.shape_cast %broadcast_in_dim3A_86 : vector<16xf32> to vector<1x16xf32>
      tpu.vector_store %arg15[%swap3A, %swap3A_87], %swap3A_90 {strides = array<i32>} : memref<128x64xf32, #tpu.memory_space<vmem>>, vector<1x16xf32>,
      %broadcast_in_dim3A_91 = arith.constant 0.000000e+00 : f32
      %broadcast_in_dim3A_92 = vector.broadcast %broadcast_in_dim3A_91 : f32 to vector<16xf32>
      %swap3A_93 = arith.index_cast %scan3A_85 : i32 to index
      %swap3A_94 = arith.constant 16 : index
      %swap3A_95 = tpu.vector_load %arg15[%swap3A_93, %swap3A_94] {strides = array<i32>} : memref<128x64xf32, #tpu.memory_space<vmem>>, vector<1x16xf32>,
      %swap3A_96 = vector.shape_cast %swap3A_95 : vector<1x16xf32> to vector<16xf32>
      %swap3A_97 = vector.shape_cast %broadcast_in_dim3A_92 : vector<16xf32> to vector<1x16xf32>
      tpu.vector_store %arg15[%swap3A_93, %swap3A_94], %swap3A_97 {strides = array<i32>} : memref<128x64xf32, #tpu.memory_space<vmem>>, vector<1x16xf32>,
      %broadcast_in_dim3A_98 = arith.constant 0.000000e+00 : f32
      %broadcast_in_dim3A_99 = vector.broadcast %broadcast_in_dim3A_98 : f32 to vector<16xf32>
      %swap3A_100 = arith.index_cast %scan3A_85 : i32 to index
      %swap3A_101 = arith.constant 32 : index
      %swap3A_102 = tpu.vector_load %arg15[%swap3A_100, %swap3A_101] {strides = array<i32>} : memref<128x64xf32, #tpu.memory_space<vmem>>, vector<1x16xf32>,
      %swap3A_103 = vector.shape_cast %swap3A_102 : vector<1x16xf32> to vector<16xf32>
      %swap3A_104 = vector.shape_cast %broadcast_in_dim3A_99 : vector<16xf32> to vector<1x16xf32>
      tpu.vector_store %arg15[%swap3A_100, %swap3A_101], %swap3A_104 {strides = array<i32>} : memref<128x64xf32, #tpu.memory_space<vmem>>, vector<1x16xf32>,
      %broadcast_in_dim3A_105 = arith.constant 0.000000e+00 : f32
      %broadcast_in_dim3A_106 = vector.broadcast %broadcast_in_dim3A_105 : f32 to vector<16xf32>
      %swap3A_107 = arith.index_cast %scan3A_85 : i32 to index
      %swap3A_108 = arith.constant 48 : index
      %swap3A_109 = tpu.vector_load %arg15[%swap3A_107, %swap3A_108] {strides = array<i32>} : memref<128x64xf32, #tpu.memory_space<vmem>>, vector<1x16xf32>,
      %swap3A_110 = vector.shape_cast %swap3A_109 : vector<1x16xf32> to vector<16xf32>
      %swap3A_111 = vector.shape_cast %broadcast_in_dim3A_106 : vector<16xf32> to vector<1x16xf32>
      tpu.vector_store %arg15[%swap3A_107, %swap3A_108], %swap3A_111 {strides = array<i32>} : memref<128x64xf32, #tpu.memory_space<vmem>>, vector<1x16xf32>,
    }
    %scan3A_14 = arith.constant 128 : i32
    %add3A = arith.constant 0 : i32
    %add3A_15 = arith.addi %mul3A_0, %add3A : i32
    "tpu.region"() ({
      %run_scoped3A = tpu.sem_alloc : memref<!tpu.dma_semaphore, #tpu.memory_space<semaphore_mem>>
      %dma_start3A = arith.constant 0 : i32
      %dma_start3A_85 = arith.constant 0 : i32
      %dma_start3A_86 = tpu.memref_slice %arg15[%dma_start3A, %dma_start3A_85] : memref<128x64xf32, #tpu.memory_space<vmem>> -> memref<128x64xf32, #tpu.memory_space<vmem>>
      %dma_start3A_87 = arith.constant 0 : i32
      %dma_start3A_88 = tpu.memref_slice %arg27[%add3A_15, %dma_start3A_87] : memref<10112x64xf32, #tpu.memory_space<vmem_shared>> -> memref<128x64xf32, #tpu.memory_space<vmem_shared>>
      %dma_start3A_89 = arith.constant 0 : i32
      %dma_start3A_90 = tpu.memref_slice %arg27[%add3A_15, %dma_start3A_89] : memref<10112x64xf32, #tpu.memory_space<vmem_shared>> -> memref<128x64xf32, #tpu.memory_space<vmem_shared>>
      %dma_start3A_91 = arith.constant 0 : i32
      %dma_start3A_92 = arith.constant 0 : i32
      %dma_start3A_93 = tpu.memref_slice %arg15[%dma_start3A_91, %dma_start3A_92] : memref<128x64xf32, #tpu.memory_space<vmem>> -> memref<128x64xf32, #tpu.memory_space<vmem>>
      tpu.enqueue_dma source(%dma_start3A_93 : memref<128x64xf32, #tpu.memory_space<vmem>>) target(%dma_start3A_90 : memref<128x64xf32, #tpu.memory_space<vmem_shared>>) target_semaphore(%run_scoped3A : memref<!tpu.dma_semaphore, #tpu.memory_space<semaphore_mem>>)
      %dma_wait3A = arith.constant 0 : i32
      %dma_wait3A_94 = arith.constant 0 : i32
      %dma_wait3A_95 = tpu.memref_slice %arg15[%dma_wait3A, %dma_wait3A_94] : memref<128x64xf32, #tpu.memory_space<vmem>> -> memref<128x64xf32, #tpu.memory_space<vmem>>
      %dma_wait3A_96 = arith.constant 0 : i32
      %dma_wait3A_97 = tpu.memref_slice %arg27[%add3A_15, %dma_wait3A_96] : memref<10112x64xf32, #tpu.memory_space<vmem_shared>> -> memref<128x64xf32, #tpu.memory_space<vmem_shared>>
      %dma_wait3A_98 = arith.constant 0 : i32
      %dma_wait3A_99 = tpu.memref_slice %arg27[%add3A_15, %dma_wait3A_98] : memref<10112x64xf32, #tpu.memory_space<vmem_shared>> -> memref<128x64xf32, #tpu.memory_space<vmem_shared>>
      %dma_wait3A_100 = arith.constant 0 : i32
      %dma_wait3A_101 = arith.constant 0 : i32
      %dma_wait3A_102 = tpu.memref_slice %arg15[%dma_wait3A_100, %dma_wait3A_101] : memref<128x64xf32, #tpu.memory_space<vmem>> -> memref<128x64xf32, #tpu.memory_space<vmem>>
      tpu.wait_dma2 semaphore(%run_scoped3A : memref<!tpu.dma_semaphore, #tpu.memory_space<semaphore_mem>>) src(%dma_wait3A_102 : memref<128x64xf32, #tpu.memory_space<vmem>>) dst(%dma_wait3A_99 : memref<128x64xf32, #tpu.memory_space<vmem_shared>>)
      tpu.yield
    }) : () -> ()
    %add3A_16 = arith.constant 128 : i32
    %add3A_17 = arith.addi %mul3A_0, %add3A_16 : i32
    "tpu.region"() ({
      %run_scoped3A = tpu.sem_alloc : memref<!tpu.dma_semaphore, #tpu.memory_space<semaphore_mem>>
      %dma_start3A = arith.constant 0 : i32
      %dma_start3A_85 = arith.constant 0 : i32
      %dma_start3A_86 = tpu.memref_slice %arg15[%dma_start3A, %dma_start3A_85] : memref<128x64xf32, #tpu.memory_space<vmem>> -> memref<128x64xf32, #tpu.memory_space<vmem>>
      %dma_start3A_87 = arith.constant 0 : i32
      %dma_start3A_88 = tpu.memref_slice %arg27[%add3A_17, %dma_start3A_87] : memref<10112x64xf32, #tpu.memory_space<vmem_shared>> -> memref<128x64xf32, #tpu.memory_space<vmem_shared>>
      %dma_start3A_89 = arith.constant 0 : i32
      %dma_start3A_90 = tpu.memref_slice %arg27[%add3A_17, %dma_start3A_89] : memref<10112x64xf32, #tpu.memory_space<vmem_shared>> -> memref<128x64xf32, #tpu.memory_space<vmem_shared>>
      %dma_start3A_91 = arith.constant 0 : i32
      %dma_start3A_92 = arith.constant 0 : i32
      %dma_start3A_93 = tpu.memref_slice %arg15[%dma_start3A_91, %dma_start3A_92] : memref<128x64xf32, #tpu.memory_space<vmem>> -> memref<128x64xf32, #tpu.memory_space<vmem>>
      tpu.enqueue_dma source(%dma_start3A_93 : memref<128x64xf32, #tpu.memory_space<vmem>>) target(%dma_start3A_90 : memref<128x64xf32, #tpu.memory_space<vmem_shared>>) target_semaphore(%run_scoped3A : memref<!tpu.dma_semaphore, #tpu.memory_space<semaphore_mem>>)
      %dma_wait3A = arith.constant 0 : i32
      %dma_wait3A_94 = arith.constant 0 : i32
      %dma_wait3A_95 = tpu.memref_slice %arg15[%dma_wait3A, %dma_wait3A_94] : memref<128x64xf32, #tpu.memory_space<vmem>> -> memref<128x64xf32, #tpu.memory_space<vmem>>
      %dma_wait3A_96 = arith.constant 0 : i32
      %dma_wait3A_97 = tpu.memref_slice %arg27[%add3A_17, %dma_wait3A_96] : memref<10112x64xf32, #tpu.memory_space<vmem_shared>> -> memref<128x64xf32, #tpu.memory_space<vmem_shared>>
      %dma_wait3A_98 = arith.constant 0 : i32
      %dma_wait3A_99 = tpu.memref_slice %arg27[%add3A_17, %dma_wait3A_98] : memref<10112x64xf32, #tpu.memory_space<vmem_shared>> -> memref<128x64xf32, #tpu.memory_space<vmem_shared>>
      %dma_wait3A_100 = arith.constant 0 : i32
      %dma_wait3A_101 = arith.constant 0 : i32
      %dma_wait3A_102 = tpu.memref_slice %arg15[%dma_wait3A_100, %dma_wait3A_101] : memref<128x64xf32, #tpu.memory_space<vmem>> -> memref<128x64xf32, #tpu.memory_space<vmem>>
      tpu.wait_dma2 semaphore(%run_scoped3A : memref<!tpu.dma_semaphore, #tpu.memory_space<semaphore_mem>>) src(%dma_wait3A_102 : memref<128x64xf32, #tpu.memory_space<vmem>>) dst(%dma_wait3A_99 : memref<128x64xf32, #tpu.memory_space<vmem_shared>>)
      tpu.yield
    }) : () -> ()
    %add3A_18 = arith.constant 256 : i32
    %add3A_19 = arith.addi %mul3A_0, %add3A_18 : i32
    "tpu.region"() ({
      %run_scoped3A = tpu.sem_alloc : memref<!tpu.dma_semaphore, #tpu.memory_space<semaphore_mem>>
      %dma_start3A = arith.constant 0 : i32
      %dma_start3A_85 = arith.constant 0 : i32
      %dma_start3A_86 = tpu.memref_slice %arg15[%dma_start3A, %dma_start3A_85] : memref<128x64xf32, #tpu.memory_space<vmem>> -> memref<128x64xf32, #tpu.memory_space<vmem>>
      %dma_start3A_87 = arith.constant 0 : i32
      %dma_start3A_88 = tpu.memref_slice %arg27[%add3A_19, %dma_start3A_87] : memref<10112x64xf32, #tpu.memory_space<vmem_shared>> -> memref<128x64xf32, #tpu.memory_space<vmem_shared>>
      %dma_start3A_89 = arith.constant 0 : i32
      %dma_start3A_90 = tpu.memref_slice %arg27[%add3A_19, %dma_start3A_89] : memref<10112x64xf32, #tpu.memory_space<vmem_shared>> -> memref<128x64xf32, #tpu.memory_space<vmem_shared>>
      %dma_start3A_91 = arith.constant 0 : i32
      %dma_start3A_92 = arith.constant 0 : i32
      %dma_start3A_93 = tpu.memref_slice %arg15[%dma_start3A_91, %dma_start3A_92] : memref<128x64xf32, #tpu.memory_space<vmem>> -> memref<128x64xf32, #tpu.memory_space<vmem>>
      tpu.enqueue_dma source(%dma_start3A_93 : memref<128x64xf32, #tpu.memory_space<vmem>>) target(%dma_start3A_90 : memref<128x64xf32, #tpu.memory_space<vmem_shared>>) target_semaphore(%run_scoped3A : memref<!tpu.dma_semaphore, #tpu.memory_space<semaphore_mem>>)
      %dma_wait3A = arith.constant 0 : i32
      %dma_wait3A_94 = arith.constant 0 : i32
      %dma_wait3A_95 = tpu.memref_slice %arg15[%dma_wait3A, %dma_wait3A_94] : memref<128x64xf32, #tpu.memory_space<vmem>> -> memref<128x64xf32, #tpu.memory_space<vmem>>
      %dma_wait3A_96 = arith.constant 0 : i32
      %dma_wait3A_97 = tpu.memref_slice %arg27[%add3A_19, %dma_wait3A_96] : memref<10112x64xf32, #tpu.memory_space<vmem_shared>> -> memref<128x64xf32, #tpu.memory_space<vmem_shared>>
      %dma_wait3A_98 = arith.constant 0 : i32
      %dma_wait3A_99 = tpu.memref_slice %arg27[%add3A_19, %dma_wait3A_98] : memref<10112x64xf32, #tpu.memory_space<vmem_shared>> -> memref<128x64xf32, #tpu.memory_space<vmem_shared>>
      %dma_wait3A_100 = arith.constant 0 : i32
      %dma_wait3A_101 = arith.constant 0 : i32
      %dma_wait3A_102 = tpu.memref_slice %arg15[%dma_wait3A_100, %dma_wait3A_101] : memref<128x64xf32, #tpu.memory_space<vmem>> -> memref<128x64xf32, #tpu.memory_space<vmem>>
      tpu.wait_dma2 semaphore(%run_scoped3A : memref<!tpu.dma_semaphore, #tpu.memory_space<semaphore_mem>>) src(%dma_wait3A_102 : memref<128x64xf32, #tpu.memory_space<vmem>>) dst(%dma_wait3A_99 : memref<128x64xf32, #tpu.memory_space<vmem_shared>>)
      tpu.yield
    }) : () -> ()
    %add3A_20 = arith.constant 384 : i32
    %add3A_21 = arith.addi %mul3A_0, %add3A_20 : i32
    "tpu.region"() ({
      %run_scoped3A = tpu.sem_alloc : memref<!tpu.dma_semaphore, #tpu.memory_space<semaphore_mem>>
      %dma_start3A = arith.constant 0 : i32
      %dma_start3A_85 = arith.constant 0 : i32
      %dma_start3A_86 = tpu.memref_slice %arg15[%dma_start3A, %dma_start3A_85] : memref<128x64xf32, #tpu.memory_space<vmem>> -> memref<128x64xf32, #tpu.memory_space<vmem>>
      %dma_start3A_87 = arith.constant 0 : i32
      %dma_start3A_88 = tpu.memref_slice %arg27[%add3A_21, %dma_start3A_87] : memref<10112x64xf32, #tpu.memory_space<vmem_shared>> -> memref<128x64xf32, #tpu.memory_space<vmem_shared>>
      %dma_start3A_89 = arith.constant 0 : i32
      %dma_start3A_90 = tpu.memref_slice %arg27[%add3A_21, %dma_start3A_89] : memref<10112x64xf32, #tpu.memory_space<vmem_shared>> -> memref<128x64xf32, #tpu.memory_space<vmem_shared>>
      %dma_start3A_91 = arith.constant 0 : i32
      %dma_start3A_92 = arith.constant 0 : i32
      %dma_start3A_93 = tpu.memref_slice %arg15[%dma_start3A_91, %dma_start3A_92] : memref<128x64xf32, #tpu.memory_space<vmem>> -> memref<128x64xf32, #tpu.memory_space<vmem>>
      tpu.enqueue_dma source(%dma_start3A_93 : memref<128x64xf32, #tpu.memory_space<vmem>>) target(%dma_start3A_90 : memref<128x64xf32, #tpu.memory_space<vmem_shared>>) target_semaphore(%run_scoped3A : memref<!tpu.dma_semaphore, #tpu.memory_space<semaphore_mem>>)
      %dma_wait3A = arith.constant 0 : i32
      %dma_wait3A_94 = arith.constant 0 : i32
      %dma_wait3A_95 = tpu.memref_slice %arg15[%dma_wait3A, %dma_wait3A_94] : memref<128x64xf32, #tpu.memory_space<vmem>> -> memref<128x64xf32, #tpu.memory_space<vmem>>
      %dma_wait3A_96 = arith.constant 0 : i32
      %dma_wait3A_97 = tpu.memref_slice %arg27[%add3A_21, %dma_wait3A_96] : memref<10112x64xf32, #tpu.memory_space<vmem_shared>> -> memref<128x64xf32, #tpu.memory_space<vmem_shared>>
      %dma_wait3A_98 = arith.constant 0 : i32
      %dma_wait3A_99 = tpu.memref_slice %arg27[%add3A_21, %dma_wait3A_98] : memref<10112x64xf32, #tpu.memory_space<vmem_shared>> -> memref<128x64xf32, #tpu.memory_space<vmem_shared>>
      %dma_wait3A_100 = arith.constant 0 : i32
      %dma_wait3A_101 = arith.constant 0 : i32
      %dma_wait3A_102 = tpu.memref_slice %arg15[%dma_wait3A_100, %dma_wait3A_101] : memref<128x64xf32, #tpu.memory_space<vmem>> -> memref<128x64xf32, #tpu.memory_space<vmem>>
      tpu.wait_dma2 semaphore(%run_scoped3A : memref<!tpu.dma_semaphore, #tpu.memory_space<semaphore_mem>>) src(%dma_wait3A_102 : memref<128x64xf32, #tpu.memory_space<vmem>>) dst(%dma_wait3A_99 : memref<128x64xf32, #tpu.memory_space<vmem_shared>>)
      tpu.yield
    }) : () -> ()
    %add3A_22 = arith.constant 512 : i32
    %add3A_23 = arith.addi %mul3A_0, %add3A_22 : i32
    "tpu.region"() ({
      %run_scoped3A = tpu.sem_alloc : memref<!tpu.dma_semaphore, #tpu.memory_space<semaphore_mem>>
      %dma_start3A = arith.constant 0 : i32
      %dma_start3A_85 = arith.constant 0 : i32
      %dma_start3A_86 = tpu.memref_slice %arg15[%dma_start3A, %dma_start3A_85] : memref<128x64xf32, #tpu.memory_space<vmem>> -> memref<120x64xf32, #tpu.memory_space<vmem>>
      %dma_start3A_87 = arith.constant 0 : i32
      %dma_start3A_88 = tpu.memref_slice %arg27[%add3A_23, %dma_start3A_87] : memref<10112x64xf32, #tpu.memory_space<vmem_shared>> -> memref<120x64xf32, #tpu.memory_space<vmem_shared>>
      %dma_start3A_89 = arith.constant 0 : i32
      %dma_start3A_90 = tpu.memref_slice %arg27[%add3A_23, %dma_start3A_89] : memref<10112x64xf32, #tpu.memory_space<vmem_shared>> -> memref<120x64xf32, #tpu.memory_space<vmem_shared>>
      %dma_start3A_91 = arith.constant 0 : i32
      %dma_start3A_92 = arith.constant 0 : i32
      %dma_start3A_93 = tpu.memref_slice %arg15[%dma_start3A_91, %dma_start3A_92] : memref<128x64xf32, #tpu.memory_space<vmem>> -> memref<120x64xf32, #tpu.memory_space<vmem>>
      tpu.enqueue_dma source(%dma_start3A_93 : memref<120x64xf32, #tpu.memory_space<vmem>>) target(%dma_start3A_90 : memref<120x64xf32, #tpu.memory_space<vmem_shared>>) target_semaphore(%run_scoped3A : memref<!tpu.dma_semaphore, #tpu.memory_space<semaphore_mem>>)
      %dma_wait3A = arith.constant 0 : i32
      %dma_wait3A_94 = arith.constant 0 : i32
      %dma_wait3A_95 = tpu.memref_slice %arg15[%dma_wait3A, %dma_wait3A_94] : memref<128x64xf32, #tpu.memory_space<vmem>> -> memref<120x64xf32, #tpu.memory_space<vmem>>
      %dma_wait3A_96 = arith.constant 0 : i32
      %dma_wait3A_97 = tpu.memref_slice %arg27[%add3A_23, %dma_wait3A_96] : memref<10112x64xf32, #tpu.memory_space<vmem_shared>> -> memref<120x64xf32, #tpu.memory_space<vmem_shared>>
      %dma_wait3A_98 = arith.constant 0 : i32
      %dma_wait3A_99 = tpu.memref_slice %arg27[%add3A_23, %dma_wait3A_98] : memref<10112x64xf32, #tpu.memory_space<vmem_shared>> -> memref<120x64xf32, #tpu.memory_space<vmem_shared>>
      %dma_wait3A_100 = arith.constant 0 : i32
      %dma_wait3A_101 = arith.constant 0 : i32
      %dma_wait3A_102 = tpu.memref_slice %arg15[%dma_wait3A_100, %dma_wait3A_101] : memref<128x64xf32, #tpu.memory_space<vmem>> -> memref<120x64xf32, #tpu.memory_space<vmem>>
      tpu.wait_dma2 semaphore(%run_scoped3A : memref<!tpu.dma_semaphore, #tpu.memory_space<semaphore_mem>>) src(%dma_wait3A_102 : memref<120x64xf32, #tpu.memory_space<vmem>>) dst(%dma_wait3A_99 : memref<120x64xf32, #tpu.memory_space<vmem_shared>>)
      tpu.yield
    }) : () -> ()
    %barrier3A = arith.constant 0 : index
    tpu.barrier barrier_id(%barrier3A)
    %eq3A_24 = arith.constant 0 : i32
    %eq3A_25 = arith.cmpi eq, %arg0, %eq3A_24 : i32
    %convert_element_type3A_26 = arith.extui %eq3A_25 : i1 to i32
    %cond3A_27 = arith.constant 0 : i32
    %cond3A_28 = arith.cmpi ne, %convert_element_type3A_26, %cond3A_27 : i32
    scf.if %cond3A_28 {
      %scan3A_85 = arith.constant 0 : i32
      %scan3A_86 = arith.constant 0 : i32
      %scan3A_87 = arith.constant 32 : i32
      %scan3A_88 = arith.addi %scan3A_86, %scan3A_87 : i32
      %scan3A_89 = arith.constant 1 : i32
      scf.for %scan3A_125 = %scan3A_86 to %scan3A_88 step %scan3A_89  : i32 {
        %mul3A_126 = arith.constant 5 : i32
        %mul3A_127 = arith.muli %scan3A_125, %mul3A_126 : i32
        %add3A_128 = arith.constant 0 : i32
        %add3A_129 = arith.addi %mul3A_127, %add3A_128 : i32
        %lt3A = arith.constant 157 : i32
        %lt3A_130 = arith.cmpi slt, %add3A_129, %lt3A : i32
        %convert_element_type3A_131 = arith.extui %lt3A_130 : i1 to i32
        %cond3A_132 = arith.constant 0 : i32
        %cond3A_133 = arith.cmpi ne, %convert_element_type3A_131, %cond3A_132 : i32
        scf.if %cond3A_133 {
          %add3A_170 = arith.constant 4 : i32
          %add3A_171 = arith.addi %add3A_129, %add3A_170 : i32
          %lt3A_172 = arith.constant 157 : i32
          %lt3A_173 = arith.cmpi slt, %add3A_171, %lt3A_172 : i32
          %convert_element_type3A_174 = arith.extui %lt3A_173 : i1 to i32
          %cond3A_175 = arith.constant 0 : i32
          %cond3A_176 = arith.cmpi ne, %convert_element_type3A_174, %cond3A_175 : i32
          scf.if %cond3A_176 {
            %add3A_188 = arith.constant 4 : i32
            %add3A_189 = arith.addi %add3A_129, %add3A_188 : i32
            %sub3A = arith.constant 5 : i32
            %sub3A_190 = arith.subi %add3A_189, %sub3A : i32
            %ge3A = arith.constant 0 : i32
            %ge3A_191 = arith.cmpi sge, %sub3A_190, %ge3A : i32
            %convert_element_type3A_192 = arith.extui %ge3A_191 : i1 to i32
            %cond3A_193 = arith.constant 0 : i32
            %cond3A_194 = arith.cmpi ne, %convert_element_type3A_192, %cond3A_193 : i32
            scf.if %cond3A_194 {
              %dma_wait3A_203 = arith.constant 0 : i32
              %dma_wait3A_204 = arith.constant 0 : i32
              %dma_wait3A_205 = tpu.memref_slice %arg9[%dma_wait3A_203, %dma_wait3A_204] : memref<157x128xi32, #tpu.memory_space<vmem>> -> memref<1x128xi32, #tpu.memory_space<vmem>>
              %dma_wait3A_206 = tpu.memref_squeeze %dma_wait3A_205 : memref<1x128xi32, #tpu.memory_space<vmem>> -> memref<128xi32, #tpu.memory_space<vmem>>
              %dma_wait3A_207 = arith.constant 0 : i32
              %dma_wait3A_208 = arith.constant 0 : i32
              %dma_wait3A_209 = tpu.memref_slice %arg27[%dma_wait3A_207, %dma_wait3A_208] : memref<10112x64xf32, #tpu.memory_space<vmem_shared>> -> memref<10112x64xf32, #tpu.memory_space<vmem_shared>>
              tpu.wait_indirect_dma semaphore(%arg26 : memref<!tpu.dma_semaphore, #tpu.memory_space<semaphore_mem>>) src(%arg14 : memref<128x64xf32, #tpu.memory_space<vmem>>) dst(%dma_wait3A_209 : memref<10112x64xf32, #tpu.memory_space<vmem_shared>>)
            } else {
            }
            %add3A_195 = arith.constant 4 : i32
            %add3A_196 = arith.addi %add3A_129, %add3A_195 : i32
            %dma_start3A_197 = arith.constant 0 : i32
            %dma_start3A_198 = tpu.memref_slice %arg8[%add3A_196, %dma_start3A_197] : memref<157x128xi32, #tpu.memory_space<vmem>> -> memref<1x128xi32, #tpu.memory_space<vmem>>
            %dma_start3A_199 = tpu.memref_squeeze %dma_start3A_198 : memref<1x128xi32, #tpu.memory_space<vmem>> -> memref<128xi32, #tpu.memory_space<vmem>>
            %dma_start3A_200 = arith.constant 0 : i32
            %dma_start3A_201 = arith.constant 0 : i32
            %dma_start3A_202 = tpu.memref_slice %arg2[%dma_start3A_200, %dma_start3A_201] : memref<10112x64xf32, #tpu.memory_space<hbm>> -> memref<10112x64xf32, #tpu.memory_space<hbm>>
            tpu.enqueue_indirect_dma source(%dma_start3A_202 : memref<10112x64xf32, #tpu.memory_space<hbm>>) target(%arg14 : memref<128x64xf32, #tpu.memory_space<vmem>>) offsets(%dma_start3A_199 : memref<128xi32, #tpu.memory_space<vmem>>) semaphore(%arg21 : memref<!tpu.dma_semaphore, #tpu.memory_space<semaphore_mem>>)
          } else {
          }
          %dma_wait3A_177 = arith.constant 0 : i32
          %dma_wait3A_178 = tpu.memref_slice %arg8[%add3A_129, %dma_wait3A_177] : memref<157x128xi32, #tpu.memory_space<vmem>> -> memref<1x128xi32, #tpu.memory_space<vmem>>
          %dma_wait3A_179 = tpu.memref_squeeze %dma_wait3A_178 : memref<1x128xi32, #tpu.memory_space<vmem>> -> memref<128xi32, #tpu.memory_space<vmem>>
          %dma_wait3A_180 = arith.constant 0 : i32
          %dma_wait3A_181 = arith.constant 0 : i32
          %dma_wait3A_182 = tpu.memref_slice %arg2[%dma_wait3A_180, %dma_wait3A_181] : memref<10112x64xf32, #tpu.memory_space<hbm>> -> memref<10112x64xf32, #tpu.memory_space<hbm>>
          tpu.wait_indirect_dma semaphore(%arg17 : memref<!tpu.dma_semaphore, #tpu.memory_space<semaphore_mem>>) src(%dma_wait3A_182 : memref<10112x64xf32, #tpu.memory_space<hbm>>) dst(%arg10 : memref<128x64xf32, #tpu.memory_space<vmem>>)
          %dma_start3A = arith.constant 0 : i32
          %dma_start3A_183 = tpu.memref_slice %arg9[%add3A_129, %dma_start3A] : memref<157x128xi32, #tpu.memory_space<vmem>> -> memref<1x128xi32, #tpu.memory_space<vmem>>
          %dma_start3A_184 = tpu.memref_squeeze %dma_start3A_183 : memref<1x128xi32, #tpu.memory_space<vmem>> -> memref<128xi32, #tpu.memory_space<vmem>>
          %dma_start3A_185 = arith.constant 0 : i32
          %dma_start3A_186 = arith.constant 0 : i32
          %dma_start3A_187 = tpu.memref_slice %arg27[%dma_start3A_185, %dma_start3A_186] : memref<10112x64xf32, #tpu.memory_space<vmem_shared>> -> memref<10112x64xf32, #tpu.memory_space<vmem_shared>>
          tpu.enqueue_indirect_dma source(%arg10 : memref<128x64xf32, #tpu.memory_space<vmem>>) target(%dma_start3A_187 : memref<10112x64xf32, #tpu.memory_space<vmem_shared>>) offsets(%dma_start3A_184 : memref<128xi32, #tpu.memory_space<vmem>>) semaphore(%arg22 : memref<!tpu.dma_semaphore, #tpu.memory_space<semaphore_mem>>) {add = true}
        } else {
        }
        %mul3A_134 = arith.constant 5 : i32
        %mul3A_135 = arith.muli %scan3A_125, %mul3A_134 : i32
        %add3A_136 = arith.constant 1 : i32
        %add3A_137 = arith.addi %mul3A_135, %add3A_136 : i32
        %lt3A_138 = arith.constant 157 : i32
        %lt3A_139 = arith.cmpi slt, %add3A_137, %lt3A_138 : i32
        %convert_element_type3A_140 = arith.extui %lt3A_139 : i1 to i32
        %cond3A_141 = arith.constant 0 : i32
        %cond3A_142 = arith.cmpi ne, %convert_element_type3A_140, %cond3A_141 : i32
        scf.if %cond3A_142 {
          %add3A_170 = arith.constant 4 : i32
          %add3A_171 = arith.addi %add3A_137, %add3A_170 : i32
          %lt3A_172 = arith.constant 157 : i32
          %lt3A_173 = arith.cmpi slt, %add3A_171, %lt3A_172 : i32
          %convert_element_type3A_174 = arith.extui %lt3A_173 : i1 to i32
          %cond3A_175 = arith.constant 0 : i32
          %cond3A_176 = arith.cmpi ne, %convert_element_type3A_174, %cond3A_175 : i32
          scf.if %cond3A_176 {
            %add3A_188 = arith.constant 4 : i32
            %add3A_189 = arith.addi %add3A_137, %add3A_188 : i32
            %sub3A = arith.constant 5 : i32
            %sub3A_190 = arith.subi %add3A_189, %sub3A : i32
            %ge3A = arith.constant 0 : i32
            %ge3A_191 = arith.cmpi sge, %sub3A_190, %ge3A : i32
            %convert_element_type3A_192 = arith.extui %ge3A_191 : i1 to i32
            %cond3A_193 = arith.constant 0 : i32
            %cond3A_194 = arith.cmpi ne, %convert_element_type3A_192, %cond3A_193 : i32
            scf.if %cond3A_194 {
              %dma_wait3A_203 = arith.constant 0 : i32
              %dma_wait3A_204 = arith.constant 0 : i32
              %dma_wait3A_205 = tpu.memref_slice %arg9[%dma_wait3A_203, %dma_wait3A_204] : memref<157x128xi32, #tpu.memory_space<vmem>> -> memref<1x128xi32, #tpu.memory_space<vmem>>
              %dma_wait3A_206 = tpu.memref_squeeze %dma_wait3A_205 : memref<1x128xi32, #tpu.memory_space<vmem>> -> memref<128xi32, #tpu.memory_space<vmem>>
              %dma_wait3A_207 = arith.constant 0 : i32
              %dma_wait3A_208 = arith.constant 0 : i32
              %dma_wait3A_209 = tpu.memref_slice %arg27[%dma_wait3A_207, %dma_wait3A_208] : memref<10112x64xf32, #tpu.memory_space<vmem_shared>> -> memref<10112x64xf32, #tpu.memory_space<vmem_shared>>
              tpu.wait_indirect_dma semaphore(%arg22 : memref<!tpu.dma_semaphore, #tpu.memory_space<semaphore_mem>>) src(%arg10 : memref<128x64xf32, #tpu.memory_space<vmem>>) dst(%dma_wait3A_209 : memref<10112x64xf32, #tpu.memory_space<vmem_shared>>)
            } else {
            }
            %add3A_195 = arith.constant 4 : i32
            %add3A_196 = arith.addi %add3A_137, %add3A_195 : i32
            %dma_start3A_197 = arith.constant 0 : i32
            %dma_start3A_198 = tpu.memref_slice %arg8[%add3A_196, %dma_start3A_197] : memref<157x128xi32, #tpu.memory_space<vmem>> -> memref<1x128xi32, #tpu.memory_space<vmem>>
            %dma_start3A_199 = tpu.memref_squeeze %dma_start3A_198 : memref<1x128xi32, #tpu.memory_space<vmem>> -> memref<128xi32, #tpu.memory_space<vmem>>
            %dma_start3A_200 = arith.constant 0 : i32
            %dma_start3A_201 = arith.constant 0 : i32
            %dma_start3A_202 = tpu.memref_slice %arg2[%dma_start3A_200, %dma_start3A_201] : memref<10112x64xf32, #tpu.memory_space<hbm>> -> memref<10112x64xf32, #tpu.memory_space<hbm>>
            tpu.enqueue_indirect_dma source(%dma_start3A_202 : memref<10112x64xf32, #tpu.memory_space<hbm>>) target(%arg10 : memref<128x64xf32, #tpu.memory_space<vmem>>) offsets(%dma_start3A_199 : memref<128xi32, #tpu.memory_space<vmem>>) semaphore(%arg17 : memref<!tpu.dma_semaphore, #tpu.memory_space<semaphore_mem>>)
          } else {
          }
          %dma_wait3A_177 = arith.constant 0 : i32
          %dma_wait3A_178 = tpu.memref_slice %arg8[%add3A_137, %dma_wait3A_177] : memref<157x128xi32, #tpu.memory_space<vmem>> -> memref<1x128xi32, #tpu.memory_space<vmem>>
          %dma_wait3A_179 = tpu.memref_squeeze %dma_wait3A_178 : memref<1x128xi32, #tpu.memory_space<vmem>> -> memref<128xi32, #tpu.memory_space<vmem>>
          %dma_wait3A_180 = arith.constant 0 : i32
          %dma_wait3A_181 = arith.constant 0 : i32
          %dma_wait3A_182 = tpu.memref_slice %arg2[%dma_wait3A_180, %dma_wait3A_181] : memref<10112x64xf32, #tpu.memory_space<hbm>> -> memref<10112x64xf32, #tpu.memory_space<hbm>>
          tpu.wait_indirect_dma semaphore(%arg18 : memref<!tpu.dma_semaphore, #tpu.memory_space<semaphore_mem>>) src(%dma_wait3A_182 : memref<10112x64xf32, #tpu.memory_space<hbm>>) dst(%arg11 : memref<128x64xf32, #tpu.memory_space<vmem>>)
          %dma_start3A = arith.constant 0 : i32
          %dma_start3A_183 = tpu.memref_slice %arg9[%add3A_137, %dma_start3A] : memref<157x128xi32, #tpu.memory_space<vmem>> -> memref<1x128xi32, #tpu.memory_space<vmem>>
          %dma_start3A_184 = tpu.memref_squeeze %dma_start3A_183 : memref<1x128xi32, #tpu.memory_space<vmem>> -> memref<128xi32, #tpu.memory_space<vmem>>
          %dma_start3A_185 = arith.constant 0 : i32
          %dma_start3A_186 = arith.constant 0 : i32
          %dma_start3A_187 = tpu.memref_slice %arg27[%dma_start3A_185, %dma_start3A_186] : memref<10112x64xf32, #tpu.memory_space<vmem_shared>> -> memref<10112x64xf32, #tpu.memory_space<vmem_shared>>
          tpu.enqueue_indirect_dma source(%arg11 : memref<128x64xf32, #tpu.memory_space<vmem>>) target(%dma_start3A_187 : memref<10112x64xf32, #tpu.memory_space<vmem_shared>>) offsets(%dma_start3A_184 : memref<128xi32, #tpu.memory_space<vmem>>) semaphore(%arg23 : memref<!tpu.dma_semaphore, #tpu.memory_space<semaphore_mem>>) {add = true}
        } else {
        }
        %mul3A_143 = arith.constant 5 : i32
        %mul3A_144 = arith.muli %scan3A_125, %mul3A_143 : i32
        %add3A_145 = arith.constant 2 : i32
        %add3A_146 = arith.addi %mul3A_144, %add3A_145 : i32
        %lt3A_147 = arith.constant 157 : i32
        %lt3A_148 = arith.cmpi slt, %add3A_146, %lt3A_147 : i32
        %convert_element_type3A_149 = arith.extui %lt3A_148 : i1 to i32
        %cond3A_150 = arith.constant 0 : i32
        %cond3A_151 = arith.cmpi ne, %convert_element_type3A_149, %cond3A_150 : i32
        scf.if %cond3A_151 {
          %add3A_170 = arith.constant 4 : i32
          %add3A_171 = arith.addi %add3A_146, %add3A_170 : i32
          %lt3A_172 = arith.constant 157 : i32
          %lt3A_173 = arith.cmpi slt, %add3A_171, %lt3A_172 : i32
          %convert_element_type3A_174 = arith.extui %lt3A_173 : i1 to i32
          %cond3A_175 = arith.constant 0 : i32
          %cond3A_176 = arith.cmpi ne, %convert_element_type3A_174, %cond3A_175 : i32
          scf.if %cond3A_176 {
            %add3A_188 = arith.constant 4 : i32
            %add3A_189 = arith.addi %add3A_146, %add3A_188 : i32
            %sub3A = arith.constant 5 : i32
            %sub3A_190 = arith.subi %add3A_189, %sub3A : i32
            %ge3A = arith.constant 0 : i32
            %ge3A_191 = arith.cmpi sge, %sub3A_190, %ge3A : i32
            %convert_element_type3A_192 = arith.extui %ge3A_191 : i1 to i32
            %cond3A_193 = arith.constant 0 : i32
            %cond3A_194 = arith.cmpi ne, %convert_element_type3A_192, %cond3A_193 : i32
            scf.if %cond3A_194 {
              %dma_wait3A_203 = arith.constant 0 : i32
              %dma_wait3A_204 = arith.constant 0 : i32
              %dma_wait3A_205 = tpu.memref_slice %arg9[%dma_wait3A_203, %dma_wait3A_204] : memref<157x128xi32, #tpu.memory_space<vmem>> -> memref<1x128xi32, #tpu.memory_space<vmem>>
              %dma_wait3A_206 = tpu.memref_squeeze %dma_wait3A_205 : memref<1x128xi32, #tpu.memory_space<vmem>> -> memref<128xi32, #tpu.memory_space<vmem>>
              %dma_wait3A_207 = arith.constant 0 : i32
              %dma_wait3A_208 = arith.constant 0 : i32
              %dma_wait3A_209 = tpu.memref_slice %arg27[%dma_wait3A_207, %dma_wait3A_208] : memref<10112x64xf32, #tpu.memory_space<vmem_shared>> -> memref<10112x64xf32, #tpu.memory_space<vmem_shared>>
              tpu.wait_indirect_dma semaphore(%arg23 : memref<!tpu.dma_semaphore, #tpu.memory_space<semaphore_mem>>) src(%arg11 : memref<128x64xf32, #tpu.memory_space<vmem>>) dst(%dma_wait3A_209 : memref<10112x64xf32, #tpu.memory_space<vmem_shared>>)
            } else {
            }
            %add3A_195 = arith.constant 4 : i32
            %add3A_196 = arith.addi %add3A_146, %add3A_195 : i32
            %dma_start3A_197 = arith.constant 0 : i32
            %dma_start3A_198 = tpu.memref_slice %arg8[%add3A_196, %dma_start3A_197] : memref<157x128xi32, #tpu.memory_space<vmem>> -> memref<1x128xi32, #tpu.memory_space<vmem>>
            %dma_start3A_199 = tpu.memref_squeeze %dma_start3A_198 : memref<1x128xi32, #tpu.memory_space<vmem>> -> memref<128xi32, #tpu.memory_space<vmem>>
            %dma_start3A_200 = arith.constant 0 : i32
            %dma_start3A_201 = arith.constant 0 : i32
            %dma_start3A_202 = tpu.memref_slice %arg2[%dma_start3A_200, %dma_start3A_201] : memref<10112x64xf32, #tpu.memory_space<hbm>> -> memref<10112x64xf32, #tpu.memory_space<hbm>>
            tpu.enqueue_indirect_dma source(%dma_start3A_202 : memref<10112x64xf32, #tpu.memory_space<hbm>>) target(%arg11 : memref<128x64xf32, #tpu.memory_space<vmem>>) offsets(%dma_start3A_199 : memref<128xi32, #tpu.memory_space<vmem>>) semaphore(%arg18 : memref<!tpu.dma_semaphore, #tpu.memory_space<semaphore_mem>>)
          } else {
          }
          %dma_wait3A_177 = arith.constant 0 : i32
          %dma_wait3A_178 = tpu.memref_slice %arg8[%add3A_146, %dma_wait3A_177] : memref<157x128xi32, #tpu.memory_space<vmem>> -> memref<1x128xi32, #tpu.memory_space<vmem>>
          %dma_wait3A_179 = tpu.memref_squeeze %dma_wait3A_178 : memref<1x128xi32, #tpu.memory_space<vmem>> -> memref<128xi32, #tpu.memory_space<vmem>>
          %dma_wait3A_180 = arith.constant 0 : i32
          %dma_wait3A_181 = arith.constant 0 : i32
          %dma_wait3A_182 = tpu.memref_slice %arg2[%dma_wait3A_180, %dma_wait3A_181] : memref<10112x64xf32, #tpu.memory_space<hbm>> -> memref<10112x64xf32, #tpu.memory_space<hbm>>
          tpu.wait_indirect_dma semaphore(%arg19 : memref<!tpu.dma_semaphore, #tpu.memory_space<semaphore_mem>>) src(%dma_wait3A_182 : memref<10112x64xf32, #tpu.memory_space<hbm>>) dst(%arg12 : memref<128x64xf32, #tpu.memory_space<vmem>>)
          %dma_start3A = arith.constant 0 : i32
          %dma_start3A_183 = tpu.memref_slice %arg9[%add3A_146, %dma_start3A] : memref<157x128xi32, #tpu.memory_space<vmem>> -> memref<1x128xi32, #tpu.memory_space<vmem>>
          %dma_start3A_184 = tpu.memref_squeeze %dma_start3A_183 : memref<1x128xi32, #tpu.memory_space<vmem>> -> memref<128xi32, #tpu.memory_space<vmem>>
          %dma_start3A_185 = arith.constant 0 : i32
          %dma_start3A_186 = arith.constant 0 : i32
          %dma_start3A_187 = tpu.memref_slice %arg27[%dma_start3A_185, %dma_start3A_186] : memref<10112x64xf32, #tpu.memory_space<vmem_shared>> -> memref<10112x64xf32, #tpu.memory_space<vmem_shared>>
          tpu.enqueue_indirect_dma source(%arg12 : memref<128x64xf32, #tpu.memory_space<vmem>>) target(%dma_start3A_187 : memref<10112x64xf32, #tpu.memory_space<vmem_shared>>) offsets(%dma_start3A_184 : memref<128xi32, #tpu.memory_space<vmem>>) semaphore(%arg24 : memref<!tpu.dma_semaphore, #tpu.memory_space<semaphore_mem>>) {add = true}
        } else {
        }
        %mul3A_152 = arith.constant 5 : i32
        %mul3A_153 = arith.muli %scan3A_125, %mul3A_152 : i32
        %add3A_154 = arith.constant 3 : i32
        %add3A_155 = arith.addi %mul3A_153, %add3A_154 : i32
        %lt3A_156 = arith.constant 157 : i32
        %lt3A_157 = arith.cmpi slt, %add3A_155, %lt3A_156 : i32
        %convert_element_type3A_158 = arith.extui %lt3A_157 : i1 to i32
        %cond3A_159 = arith.constant 0 : i32
        %cond3A_160 = arith.cmpi ne, %convert_element_type3A_158, %cond3A_159 : i32
        scf.if %cond3A_160 {
          %add3A_170 = arith.constant 4 : i32
          %add3A_171 = arith.addi %add3A_155, %add3A_170 : i32
          %lt3A_172 = arith.constant 157 : i32
          %lt3A_173 = arith.cmpi slt, %add3A_171, %lt3A_172 : i32
          %convert_element_type3A_174 = arith.extui %lt3A_173 : i1 to i32
          %cond3A_175 = arith.constant 0 : i32
          %cond3A_176 = arith.cmpi ne, %convert_element_type3A_174, %cond3A_175 : i32
          scf.if %cond3A_176 {
            %add3A_188 = arith.constant 4 : i32
            %add3A_189 = arith.addi %add3A_155, %add3A_188 : i32
            %sub3A = arith.constant 5 : i32
            %sub3A_190 = arith.subi %add3A_189, %sub3A : i32
            %ge3A = arith.constant 0 : i32
            %ge3A_191 = arith.cmpi sge, %sub3A_190, %ge3A : i32
            %convert_element_type3A_192 = arith.extui %ge3A_191 : i1 to i32
            %cond3A_193 = arith.constant 0 : i32
            %cond3A_194 = arith.cmpi ne, %convert_element_type3A_192, %cond3A_193 : i32
            scf.if %cond3A_194 {
              %dma_wait3A_203 = arith.constant 0 : i32
              %dma_wait3A_204 = arith.constant 0 : i32
              %dma_wait3A_205 = tpu.memref_slice %arg9[%dma_wait3A_203, %dma_wait3A_204] : memref<157x128xi32, #tpu.memory_space<vmem>> -> memref<1x128xi32, #tpu.memory_space<vmem>>
              %dma_wait3A_206 = tpu.memref_squeeze %dma_wait3A_205 : memref<1x128xi32, #tpu.memory_space<vmem>> -> memref<128xi32, #tpu.memory_space<vmem>>
              %dma_wait3A_207 = arith.constant 0 : i32
              %dma_wait3A_208 = arith.constant 0 : i32
              %dma_wait3A_209 = tpu.memref_slice %arg27[%dma_wait3A_207, %dma_wait3A_208] : memref<10112x64xf32, #tpu.memory_space<vmem_shared>> -> memref<10112x64xf32, #tpu.memory_space<vmem_shared>>
              tpu.wait_indirect_dma semaphore(%arg24 : memref<!tpu.dma_semaphore, #tpu.memory_space<semaphore_mem>>) src(%arg12 : memref<128x64xf32, #tpu.memory_space<vmem>>) dst(%dma_wait3A_209 : memref<10112x64xf32, #tpu.memory_space<vmem_shared>>)
            } else {
            }
            %add3A_195 = arith.constant 4 : i32
            %add3A_196 = arith.addi %add3A_155, %add3A_195 : i32
            %dma_start3A_197 = arith.constant 0 : i32
            %dma_start3A_198 = tpu.memref_slice %arg8[%add3A_196, %dma_start3A_197] : memref<157x128xi32, #tpu.memory_space<vmem>> -> memref<1x128xi32, #tpu.memory_space<vmem>>
            %dma_start3A_199 = tpu.memref_squeeze %dma_start3A_198 : memref<1x128xi32, #tpu.memory_space<vmem>> -> memref<128xi32, #tpu.memory_space<vmem>>
            %dma_start3A_200 = arith.constant 0 : i32
            %dma_start3A_201 = arith.constant 0 : i32
            %dma_start3A_202 = tpu.memref_slice %arg2[%dma_start3A_200, %dma_start3A_201] : memref<10112x64xf32, #tpu.memory_space<hbm>> -> memref<10112x64xf32, #tpu.memory_space<hbm>>
            tpu.enqueue_indirect_dma source(%dma_start3A_202 : memref<10112x64xf32, #tpu.memory_space<hbm>>) target(%arg12 : memref<128x64xf32, #tpu.memory_space<vmem>>) offsets(%dma_start3A_199 : memref<128xi32, #tpu.memory_space<vmem>>) semaphore(%arg19 : memref<!tpu.dma_semaphore, #tpu.memory_space<semaphore_mem>>)
          } else {
          }
          %dma_wait3A_177 = arith.constant 0 : i32
          %dma_wait3A_178 = tpu.memref_slice %arg8[%add3A_155, %dma_wait3A_177] : memref<157x128xi32, #tpu.memory_space<vmem>> -> memref<1x128xi32, #tpu.memory_space<vmem>>
          %dma_wait3A_179 = tpu.memref_squeeze %dma_wait3A_178 : memref<1x128xi32, #tpu.memory_space<vmem>> -> memref<128xi32, #tpu.memory_space<vmem>>
          %dma_wait3A_180 = arith.constant 0 : i32
          %dma_wait3A_181 = arith.constant 0 : i32
          %dma_wait3A_182 = tpu.memref_slice %arg2[%dma_wait3A_180, %dma_wait3A_181] : memref<10112x64xf32, #tpu.memory_space<hbm>> -> memref<10112x64xf32, #tpu.memory_space<hbm>>
          tpu.wait_indirect_dma semaphore(%arg20 : memref<!tpu.dma_semaphore, #tpu.memory_space<semaphore_mem>>) src(%dma_wait3A_182 : memref<10112x64xf32, #tpu.memory_space<hbm>>) dst(%arg13 : memref<128x64xf32, #tpu.memory_space<vmem>>)
          %dma_start3A = arith.constant 0 : i32
          %dma_start3A_183 = tpu.memref_slice %arg9[%add3A_155, %dma_start3A] : memref<157x128xi32, #tpu.memory_space<vmem>> -> memref<1x128xi32, #tpu.memory_space<vmem>>
          %dma_start3A_184 = tpu.memref_squeeze %dma_start3A_183 : memref<1x128xi32, #tpu.memory_space<vmem>> -> memref<128xi32, #tpu.memory_space<vmem>>
          %dma_start3A_185 = arith.constant 0 : i32
          %dma_start3A_186 = arith.constant 0 : i32
          %dma_start3A_187 = tpu.memref_slice %arg27[%dma_start3A_185, %dma_start3A_186] : memref<10112x64xf32, #tpu.memory_space<vmem_shared>> -> memref<10112x64xf32, #tpu.memory_space<vmem_shared>>
          tpu.enqueue_indirect_dma source(%arg13 : memref<128x64xf32, #tpu.memory_space<vmem>>) target(%dma_start3A_187 : memref<10112x64xf32, #tpu.memory_space<vmem_shared>>) offsets(%dma_start3A_184 : memref<128xi32, #tpu.memory_space<vmem>>) semaphore(%arg25 : memref<!tpu.dma_semaphore, #tpu.memory_space<semaphore_mem>>) {add = true}
        } else {
        }
        %mul3A_161 = arith.constant 5 : i32
        %mul3A_162 = arith.muli %scan3A_125, %mul3A_161 : i32
        %add3A_163 = arith.constant 4 : i32
        %add3A_164 = arith.addi %mul3A_162, %add3A_163 : i32
        %lt3A_165 = arith.constant 157 : i32
        %lt3A_166 = arith.cmpi slt, %add3A_164, %lt3A_165 : i32
        %convert_element_type3A_167 = arith.extui %lt3A_166 : i1 to i32
        %cond3A_168 = arith.constant 0 : i32
        %cond3A_169 = arith.cmpi ne, %convert_element_type3A_167, %cond3A_168 : i32
        scf.if %cond3A_169 {
          %add3A_170 = arith.constant 4 : i32
          %add3A_171 = arith.addi %add3A_164, %add3A_170 : i32
          %lt3A_172 = arith.constant 157 : i32
          %lt3A_173 = arith.cmpi slt, %add3A_171, %lt3A_172 : i32
          %convert_element_type3A_174 = arith.extui %lt3A_173 : i1 to i32
          %cond3A_175 = arith.constant 0 : i32
          %cond3A_176 = arith.cmpi ne, %convert_element_type3A_174, %cond3A_175 : i32
          scf.if %cond3A_176 {
            %add3A_188 = arith.constant 4 : i32
            %add3A_189 = arith.addi %add3A_164, %add3A_188 : i32
            %sub3A = arith.constant 5 : i32
            %sub3A_190 = arith.subi %add3A_189, %sub3A : i32
            %ge3A = arith.constant 0 : i32
            %ge3A_191 = arith.cmpi sge, %sub3A_190, %ge3A : i32
            %convert_element_type3A_192 = arith.extui %ge3A_191 : i1 to i32
            %cond3A_193 = arith.constant 0 : i32
            %cond3A_194 = arith.cmpi ne, %convert_element_type3A_192, %cond3A_193 : i32
            scf.if %cond3A_194 {
              %dma_wait3A_203 = arith.constant 0 : i32
              %dma_wait3A_204 = arith.constant 0 : i32
              %dma_wait3A_205 = tpu.memref_slice %arg9[%dma_wait3A_203, %dma_wait3A_204] : memref<157x128xi32, #tpu.memory_space<vmem>> -> memref<1x128xi32, #tpu.memory_space<vmem>>
              %dma_wait3A_206 = tpu.memref_squeeze %dma_wait3A_205 : memref<1x128xi32, #tpu.memory_space<vmem>> -> memref<128xi32, #tpu.memory_space<vmem>>
              %dma_wait3A_207 = arith.constant 0 : i32
              %dma_wait3A_208 = arith.constant 0 : i32
              %dma_wait3A_209 = tpu.memref_slice %arg27[%dma_wait3A_207, %dma_wait3A_208] : memref<10112x64xf32, #tpu.memory_space<vmem_shared>> -> memref<10112x64xf32, #tpu.memory_space<vmem_shared>>
              tpu.wait_indirect_dma semaphore(%arg25 : memref<!tpu.dma_semaphore, #tpu.memory_space<semaphore_mem>>) src(%arg13 : memref<128x64xf32, #tpu.memory_space<vmem>>) dst(%dma_wait3A_209 : memref<10112x64xf32, #tpu.memory_space<vmem_shared>>)
            } else {
            }
            %add3A_195 = arith.constant 4 : i32
            %add3A_196 = arith.addi %add3A_164, %add3A_195 : i32
            %dma_start3A_197 = arith.constant 0 : i32
            %dma_start3A_198 = tpu.memref_slice %arg8[%add3A_196, %dma_start3A_197] : memref<157x128xi32, #tpu.memory_space<vmem>> -> memref<1x128xi32, #tpu.memory_space<vmem>>
            %dma_start3A_199 = tpu.memref_squeeze %dma_start3A_198 : memref<1x128xi32, #tpu.memory_space<vmem>> -> memref<128xi32, #tpu.memory_space<vmem>>
            %dma_start3A_200 = arith.constant 0 : i32
            %dma_start3A_201 = arith.constant 0 : i32
            %dma_start3A_202 = tpu.memref_slice %arg2[%dma_start3A_200, %dma_start3A_201] : memref<10112x64xf32, #tpu.memory_space<hbm>> -> memref<10112x64xf32, #tpu.memory_space<hbm>>
            tpu.enqueue_indirect_dma source(%dma_start3A_202 : memref<10112x64xf32, #tpu.memory_space<hbm>>) target(%arg13 : memref<128x64xf32, #tpu.memory_space<vmem>>) offsets(%dma_start3A_199 : memref<128xi32, #tpu.memory_space<vmem>>) semaphore(%arg20 : memref<!tpu.dma_semaphore, #tpu.memory_space<semaphore_mem>>)
          } else {
          }
          %dma_wait3A_177 = arith.constant 0 : i32
          %dma_wait3A_178 = tpu.memref_slice %arg8[%add3A_164, %dma_wait3A_177] : memref<157x128xi32, #tpu.memory_space<vmem>> -> memref<1x128xi32, #tpu.memory_space<vmem>>
          %dma_wait3A_179 = tpu.memref_squeeze %dma_wait3A_178 : memref<1x128xi32, #tpu.memory_space<vmem>> -> memref<128xi32, #tpu.memory_space<vmem>>
          %dma_wait3A_180 = arith.constant 0 : i32
          %dma_wait3A_181 = arith.constant 0 : i32
          %dma_wait3A_182 = tpu.memref_slice %arg2[%dma_wait3A_180, %dma_wait3A_181] : memref<10112x64xf32, #tpu.memory_space<hbm>> -> memref<10112x64xf32, #tpu.memory_space<hbm>>
          tpu.wait_indirect_dma semaphore(%arg21 : memref<!tpu.dma_semaphore, #tpu.memory_space<semaphore_mem>>) src(%dma_wait3A_182 : memref<10112x64xf32, #tpu.memory_space<hbm>>) dst(%arg14 : memref<128x64xf32, #tpu.memory_space<vmem>>)
          %dma_start3A = arith.constant 0 : i32
          %dma_start3A_183 = tpu.memref_slice %arg9[%add3A_164, %dma_start3A] : memref<157x128xi32, #tpu.memory_space<vmem>> -> memref<1x128xi32, #tpu.memory_space<vmem>>
          %dma_start3A_184 = tpu.memref_squeeze %dma_start3A_183 : memref<1x128xi32, #tpu.memory_space<vmem>> -> memref<128xi32, #tpu.memory_space<vmem>>
          %dma_start3A_185 = arith.constant 0 : i32
          %dma_start3A_186 = arith.constant 0 : i32
          %dma_start3A_187 = tpu.memref_slice %arg27[%dma_start3A_185, %dma_start3A_186] : memref<10112x64xf32, #tpu.memory_space<vmem_shared>> -> memref<10112x64xf32, #tpu.memory_space<vmem_shared>>
          tpu.enqueue_indirect_dma source(%arg14 : memref<128x64xf32, #tpu.memory_space<vmem>>) target(%dma_start3A_187 : memref<10112x64xf32, #tpu.memory_space<vmem_shared>>) offsets(%dma_start3A_184 : memref<128xi32, #tpu.memory_space<vmem>>) semaphore(%arg26 : memref<!tpu.dma_semaphore, #tpu.memory_space<semaphore_mem>>) {add = true}
        } else {
        }
      }
      %scan3A_90 = arith.constant 32 : i32
      %dma_wait3A = arith.constant 0 : i32
      %dma_wait3A_91 = arith.constant 0 : i32
      %dma_wait3A_92 = tpu.memref_slice %arg9[%dma_wait3A, %dma_wait3A_91] : memref<157x128xi32, #tpu.memory_space<vmem>> -> memref<1x128xi32, #tpu.memory_space<vmem>>
      %dma_wait3A_93 = tpu.memref_squeeze %dma_wait3A_92 : memref<1x128xi32, #tpu.memory_space<vmem>> -> memref<128xi32, #tpu.memory_space<vmem>>
      %dma_wait3A_94 = arith.constant 0 : i32
      %dma_wait3A_95 = arith.constant 0 : i32
      %dma_wait3A_96 = tpu.memref_slice %arg27[%dma_wait3A_94, %dma_wait3A_95] : memref<10112x64xf32, #tpu.memory_space<vmem_shared>> -> memref<10112x64xf32, #tpu.memory_space<vmem_shared>>
      tpu.wait_indirect_dma semaphore(%arg22 : memref<!tpu.dma_semaphore, #tpu.memory_space<semaphore_mem>>) src(%arg10 : memref<128x64xf32, #tpu.memory_space<vmem>>) dst(%dma_wait3A_96 : memref<10112x64xf32, #tpu.memory_space<vmem_shared>>)
      %dma_wait3A_97 = arith.constant 0 : i32
      %dma_wait3A_98 = arith.constant 0 : i32
      %dma_wait3A_99 = tpu.memref_slice %arg9[%dma_wait3A_97, %dma_wait3A_98] : memref<157x128xi32, #tpu.memory_space<vmem>> -> memref<1x128xi32, #tpu.memory_space<vmem>>
      %dma_wait3A_100 = tpu.memref_squeeze %dma_wait3A_99 : memref<1x128xi32, #tpu.memory_space<vmem>> -> memref<128xi32, #tpu.memory_space<vmem>>
      %dma_wait3A_101 = arith.constant 0 : i32
      %dma_wait3A_102 = arith.constant 0 : i32
      %dma_wait3A_103 = tpu.memref_slice %arg27[%dma_wait3A_101, %dma_wait3A_102] : memref<10112x64xf32, #tpu.memory_space<vmem_shared>> -> memref<10112x64xf32, #tpu.memory_space<vmem_shared>>
      tpu.wait_indirect_dma semaphore(%arg23 : memref<!tpu.dma_semaphore, #tpu.memory_space<semaphore_mem>>) src(%arg11 : memref<128x64xf32, #tpu.memory_space<vmem>>) dst(%dma_wait3A_103 : memref<10112x64xf32, #tpu.memory_space<vmem_shared>>)
      %dma_wait3A_104 = arith.constant 0 : i32
      %dma_wait3A_105 = arith.constant 0 : i32
      %dma_wait3A_106 = tpu.memref_slice %arg9[%dma_wait3A_104, %dma_wait3A_105] : memref<157x128xi32, #tpu.memory_space<vmem>> -> memref<1x128xi32, #tpu.memory_space<vmem>>
      %dma_wait3A_107 = tpu.memref_squeeze %dma_wait3A_106 : memref<1x128xi32, #tpu.memory_space<vmem>> -> memref<128xi32, #tpu.memory_space<vmem>>
      %dma_wait3A_108 = arith.constant 0 : i32
      %dma_wait3A_109 = arith.constant 0 : i32
      %dma_wait3A_110 = tpu.memref_slice %arg27[%dma_wait3A_108, %dma_wait3A_109] : memref<10112x64xf32, #tpu.memory_space<vmem_shared>> -> memref<10112x64xf32, #tpu.memory_space<vmem_shared>>
      tpu.wait_indirect_dma semaphore(%arg24 : memref<!tpu.dma_semaphore, #tpu.memory_space<semaphore_mem>>) src(%arg12 : memref<128x64xf32, #tpu.memory_space<vmem>>) dst(%dma_wait3A_110 : memref<10112x64xf32, #tpu.memory_space<vmem_shared>>)
      %dma_wait3A_111 = arith.constant 0 : i32
      %dma_wait3A_112 = arith.constant 0 : i32
      %dma_wait3A_113 = tpu.memref_slice %arg9[%dma_wait3A_111, %dma_wait3A_112] : memref<157x128xi32, #tpu.memory_space<vmem>> -> memref<1x128xi32, #tpu.memory_space<vmem>>
      %dma_wait3A_114 = tpu.memref_squeeze %dma_wait3A_113 : memref<1x128xi32, #tpu.memory_space<vmem>> -> memref<128xi32, #tpu.memory_space<vmem>>
      %dma_wait3A_115 = arith.constant 0 : i32
      %dma_wait3A_116 = arith.constant 0 : i32
      %dma_wait3A_117 = tpu.memref_slice %arg27[%dma_wait3A_115, %dma_wait3A_116] : memref<10112x64xf32, #tpu.memory_space<vmem_shared>> -> memref<10112x64xf32, #tpu.memory_space<vmem_shared>>
      tpu.wait_indirect_dma semaphore(%arg25 : memref<!tpu.dma_semaphore, #tpu.memory_space<semaphore_mem>>) src(%arg13 : memref<128x64xf32, #tpu.memory_space<vmem>>) dst(%dma_wait3A_117 : memref<10112x64xf32, #tpu.memory_space<vmem_shared>>)
      %dma_wait3A_118 = arith.constant 0 : i32
      %dma_wait3A_119 = arith.constant 0 : i32
      %dma_wait3A_120 = tpu.memref_slice %arg9[%dma_wait3A_118, %dma_wait3A_119] : memref<157x128xi32, #tpu.memory_space<vmem>> -> memref<1x128xi32, #tpu.memory_space<vmem>>
      %dma_wait3A_121 = tpu.memref_squeeze %dma_wait3A_120 : memref<1x128xi32, #tpu.memory_space<vmem>> -> memref<128xi32, #tpu.memory_space<vmem>>
      %dma_wait3A_122 = arith.constant 0 : i32
      %dma_wait3A_123 = arith.constant 0 : i32
      %dma_wait3A_124 = tpu.memref_slice %arg27[%dma_wait3A_122, %dma_wait3A_123] : memref<10112x64xf32, #tpu.memory_space<vmem_shared>> -> memref<10112x64xf32, #tpu.memory_space<vmem_shared>>
      tpu.wait_indirect_dma semaphore(%arg26 : memref<!tpu.dma_semaphore, #tpu.memory_space<semaphore_mem>>) src(%arg14 : memref<128x64xf32, #tpu.memory_space<vmem>>) dst(%dma_wait3A_124 : memref<10112x64xf32, #tpu.memory_space<vmem_shared>>)
    } else {
    }
    %eq3A_29 = arith.constant 1 : i32
    %eq3A_30 = arith.cmpi eq, %arg0, %eq3A_29 : i32
    %convert_element_type3A_31 = arith.extui %eq3A_30 : i1 to i32
    %cond3A_32 = arith.constant 0 : i32
    %cond3A_33 = arith.cmpi ne, %convert_element_type3A_31, %cond3A_32 : i32
    scf.if %cond3A_33 {
      %scan3A_85 = arith.constant 0 : i32
      %scan3A_86 = arith.constant 0 : i32
      %scan3A_87 = arith.constant 32 : i32
      %scan3A_88 = arith.addi %scan3A_86, %scan3A_87 : i32
      %scan3A_89 = arith.constant 1 : i32
      scf.for %scan3A_125 = %scan3A_86 to %scan3A_88 step %scan3A_89  : i32 {
        %mul3A_126 = arith.constant 5 : i32
        %mul3A_127 = arith.muli %scan3A_125, %mul3A_126 : i32
        %add3A_128 = arith.constant 0 : i32
        %add3A_129 = arith.addi %mul3A_127, %add3A_128 : i32
        %lt3A = arith.constant 157 : i32
        %lt3A_130 = arith.cmpi slt, %add3A_129, %lt3A : i32
        %convert_element_type3A_131 = arith.extui %lt3A_130 : i1 to i32
        %cond3A_132 = arith.constant 0 : i32
        %cond3A_133 = arith.cmpi ne, %convert_element_type3A_131, %cond3A_132 : i32
        scf.if %cond3A_133 {
          %add3A_170 = arith.constant 4 : i32
          %add3A_171 = arith.addi %add3A_129, %add3A_170 : i32
          %lt3A_172 = arith.constant 157 : i32
          %lt3A_173 = arith.cmpi slt, %add3A_171, %lt3A_172 : i32
          %convert_element_type3A_174 = arith.extui %lt3A_173 : i1 to i32
          %cond3A_175 = arith.constant 0 : i32
          %cond3A_176 = arith.cmpi ne, %convert_element_type3A_174, %cond3A_175 : i32
          scf.if %cond3A_176 {
            %add3A_188 = arith.constant 4 : i32
            %add3A_189 = arith.addi %add3A_129, %add3A_188 : i32
            %sub3A = arith.constant 5 : i32
            %sub3A_190 = arith.subi %add3A_189, %sub3A : i32
            %ge3A = arith.constant 0 : i32
            %ge3A_191 = arith.cmpi sge, %sub3A_190, %ge3A : i32
            %convert_element_type3A_192 = arith.extui %ge3A_191 : i1 to i32
            %cond3A_193 = arith.constant 0 : i32
            %cond3A_194 = arith.cmpi ne, %convert_element_type3A_192, %cond3A_193 : i32
            scf.if %cond3A_194 {
              %dma_wait3A_203 = arith.constant 0 : i32
              %dma_wait3A_204 = arith.constant 0 : i32
              %dma_wait3A_205 = tpu.memref_slice %arg9[%dma_wait3A_203, %dma_wait3A_204] : memref<157x128xi32, #tpu.memory_space<vmem>> -> memref<1x128xi32, #tpu.memory_space<vmem>>
              %dma_wait3A_206 = tpu.memref_squeeze %dma_wait3A_205 : memref<1x128xi32, #tpu.memory_space<vmem>> -> memref<128xi32, #tpu.memory_space<vmem>>
              %dma_wait3A_207 = arith.constant 0 : i32
              %dma_wait3A_208 = arith.constant 0 : i32
              %dma_wait3A_209 = tpu.memref_slice %arg27[%dma_wait3A_207, %dma_wait3A_208] : memref<10112x64xf32, #tpu.memory_space<vmem_shared>> -> memref<10112x64xf32, #tpu.memory_space<vmem_shared>>
              tpu.wait_indirect_dma semaphore(%arg26 : memref<!tpu.dma_semaphore, #tpu.memory_space<semaphore_mem>>) src(%arg14 : memref<128x64xf32, #tpu.memory_space<vmem>>) dst(%dma_wait3A_209 : memref<10112x64xf32, #tpu.memory_space<vmem_shared>>)
            } else {
            }
            %add3A_195 = arith.constant 4 : i32
            %add3A_196 = arith.addi %add3A_129, %add3A_195 : i32
            %dma_start3A_197 = arith.constant 0 : i32
            %dma_start3A_198 = tpu.memref_slice %arg8[%add3A_196, %dma_start3A_197] : memref<157x128xi32, #tpu.memory_space<vmem>> -> memref<1x128xi32, #tpu.memory_space<vmem>>
            %dma_start3A_199 = tpu.memref_squeeze %dma_start3A_198 : memref<1x128xi32, #tpu.memory_space<vmem>> -> memref<128xi32, #tpu.memory_space<vmem>>
            %dma_start3A_200 = arith.constant 0 : i32
            %dma_start3A_201 = arith.constant 0 : i32
            %dma_start3A_202 = tpu.memref_slice %arg3[%dma_start3A_200, %dma_start3A_201] : memref<10112x64xf32, #tpu.memory_space<hbm>> -> memref<10112x64xf32, #tpu.memory_space<hbm>>
            tpu.enqueue_indirect_dma source(%dma_start3A_202 : memref<10112x64xf32, #tpu.memory_space<hbm>>) target(%arg14 : memref<128x64xf32, #tpu.memory_space<vmem>>) offsets(%dma_start3A_199 : memref<128xi32, #tpu.memory_space<vmem>>) semaphore(%arg21 : memref<!tpu.dma_semaphore, #tpu.memory_space<semaphore_mem>>)
          } else {
          }
          %dma_wait3A_177 = arith.constant 0 : i32
          %dma_wait3A_178 = tpu.memref_slice %arg8[%add3A_129, %dma_wait3A_177] : memref<157x128xi32, #tpu.memory_space<vmem>> -> memref<1x128xi32, #tpu.memory_space<vmem>>
          %dma_wait3A_179 = tpu.memref_squeeze %dma_wait3A_178 : memref<1x128xi32, #tpu.memory_space<vmem>> -> memref<128xi32, #tpu.memory_space<vmem>>
          %dma_wait3A_180 = arith.constant 0 : i32
          %dma_wait3A_181 = arith.constant 0 : i32
          %dma_wait3A_182 = tpu.memref_slice %arg3[%dma_wait3A_180, %dma_wait3A_181] : memref<10112x64xf32, #tpu.memory_space<hbm>> -> memref<10112x64xf32, #tpu.memory_space<hbm>>
          tpu.wait_indirect_dma semaphore(%arg17 : memref<!tpu.dma_semaphore, #tpu.memory_space<semaphore_mem>>) src(%dma_wait3A_182 : memref<10112x64xf32, #tpu.memory_space<hbm>>) dst(%arg10 : memref<128x64xf32, #tpu.memory_space<vmem>>)
          %dma_start3A = arith.constant 0 : i32
          %dma_start3A_183 = tpu.memref_slice %arg9[%add3A_129, %dma_start3A] : memref<157x128xi32, #tpu.memory_space<vmem>> -> memref<1x128xi32, #tpu.memory_space<vmem>>
          %dma_start3A_184 = tpu.memref_squeeze %dma_start3A_183 : memref<1x128xi32, #tpu.memory_space<vmem>> -> memref<128xi32, #tpu.memory_space<vmem>>
          %dma_start3A_185 = arith.constant 0 : i32
          %dma_start3A_186 = arith.constant 0 : i32
          %dma_start3A_187 = tpu.memref_slice %arg27[%dma_start3A_185, %dma_start3A_186] : memref<10112x64xf32, #tpu.memory_space<vmem_shared>> -> memref<10112x64xf32, #tpu.memory_space<vmem_shared>>
          tpu.enqueue_indirect_dma source(%arg10 : memref<128x64xf32, #tpu.memory_space<vmem>>) target(%dma_start3A_187 : memref<10112x64xf32, #tpu.memory_space<vmem_shared>>) offsets(%dma_start3A_184 : memref<128xi32, #tpu.memory_space<vmem>>) semaphore(%arg22 : memref<!tpu.dma_semaphore, #tpu.memory_space<semaphore_mem>>) {add = true}
        } else {
        }
        %mul3A_134 = arith.constant 5 : i32
        %mul3A_135 = arith.muli %scan3A_125, %mul3A_134 : i32
        %add3A_136 = arith.constant 1 : i32
        %add3A_137 = arith.addi %mul3A_135, %add3A_136 : i32
        %lt3A_138 = arith.constant 157 : i32
        %lt3A_139 = arith.cmpi slt, %add3A_137, %lt3A_138 : i32
        %convert_element_type3A_140 = arith.extui %lt3A_139 : i1 to i32
        %cond3A_141 = arith.constant 0 : i32
        %cond3A_142 = arith.cmpi ne, %convert_element_type3A_140, %cond3A_141 : i32
        scf.if %cond3A_142 {
          %add3A_170 = arith.constant 4 : i32
          %add3A_171 = arith.addi %add3A_137, %add3A_170 : i32
          %lt3A_172 = arith.constant 157 : i32
          %lt3A_173 = arith.cmpi slt, %add3A_171, %lt3A_172 : i32
          %convert_element_type3A_174 = arith.extui %lt3A_173 : i1 to i32
          %cond3A_175 = arith.constant 0 : i32
          %cond3A_176 = arith.cmpi ne, %convert_element_type3A_174, %cond3A_175 : i32
          scf.if %cond3A_176 {
            %add3A_188 = arith.constant 4 : i32
            %add3A_189 = arith.addi %add3A_137, %add3A_188 : i32
            %sub3A = arith.constant 5 : i32
            %sub3A_190 = arith.subi %add3A_189, %sub3A : i32
            %ge3A = arith.constant 0 : i32
            %ge3A_191 = arith.cmpi sge, %sub3A_190, %ge3A : i32
            %convert_element_type3A_192 = arith.extui %ge3A_191 : i1 to i32
            %cond3A_193 = arith.constant 0 : i32
            %cond3A_194 = arith.cmpi ne, %convert_element_type3A_192, %cond3A_193 : i32
            scf.if %cond3A_194 {
              %dma_wait3A_203 = arith.constant 0 : i32
              %dma_wait3A_204 = arith.constant 0 : i32
              %dma_wait3A_205 = tpu.memref_slice %arg9[%dma_wait3A_203, %dma_wait3A_204] : memref<157x128xi32, #tpu.memory_space<vmem>> -> memref<1x128xi32, #tpu.memory_space<vmem>>
              %dma_wait3A_206 = tpu.memref_squeeze %dma_wait3A_205 : memref<1x128xi32, #tpu.memory_space<vmem>> -> memref<128xi32, #tpu.memory_space<vmem>>
              %dma_wait3A_207 = arith.constant 0 : i32
              %dma_wait3A_208 = arith.constant 0 : i32
              %dma_wait3A_209 = tpu.memref_slice %arg27[%dma_wait3A_207, %dma_wait3A_208] : memref<10112x64xf32, #tpu.memory_space<vmem_shared>> -> memref<10112x64xf32, #tpu.memory_space<vmem_shared>>
              tpu.wait_indirect_dma semaphore(%arg22 : memref<!tpu.dma_semaphore, #tpu.memory_space<semaphore_mem>>) src(%arg10 : memref<128x64xf32, #tpu.memory_space<vmem>>) dst(%dma_wait3A_209 : memref<10112x64xf32, #tpu.memory_space<vmem_shared>>)
            } else {
            }
            %add3A_195 = arith.constant 4 : i32
            %add3A_196 = arith.addi %add3A_137, %add3A_195 : i32
            %dma_start3A_197 = arith.constant 0 : i32
            %dma_start3A_198 = tpu.memref_slice %arg8[%add3A_196, %dma_start3A_197] : memref<157x128xi32, #tpu.memory_space<vmem>> -> memref<1x128xi32, #tpu.memory_space<vmem>>
            %dma_start3A_199 = tpu.memref_squeeze %dma_start3A_198 : memref<1x128xi32, #tpu.memory_space<vmem>> -> memref<128xi32, #tpu.memory_space<vmem>>
            %dma_start3A_200 = arith.constant 0 : i32
            %dma_start3A_201 = arith.constant 0 : i32
            %dma_start3A_202 = tpu.memref_slice %arg3[%dma_start3A_200, %dma_start3A_201] : memref<10112x64xf32, #tpu.memory_space<hbm>> -> memref<10112x64xf32, #tpu.memory_space<hbm>>
            tpu.enqueue_indirect_dma source(%dma_start3A_202 : memref<10112x64xf32, #tpu.memory_space<hbm>>) target(%arg10 : memref<128x64xf32, #tpu.memory_space<vmem>>) offsets(%dma_start3A_199 : memref<128xi32, #tpu.memory_space<vmem>>) semaphore(%arg17 : memref<!tpu.dma_semaphore, #tpu.memory_space<semaphore_mem>>)
          } else {
          }
          %dma_wait3A_177 = arith.constant 0 : i32
          %dma_wait3A_178 = tpu.memref_slice %arg8[%add3A_137, %dma_wait3A_177] : memref<157x128xi32, #tpu.memory_space<vmem>> -> memref<1x128xi32, #tpu.memory_space<vmem>>
          %dma_wait3A_179 = tpu.memref_squeeze %dma_wait3A_178 : memref<1x128xi32, #tpu.memory_space<vmem>> -> memref<128xi32, #tpu.memory_space<vmem>>
          %dma_wait3A_180 = arith.constant 0 : i32
          %dma_wait3A_181 = arith.constant 0 : i32
          %dma_wait3A_182 = tpu.memref_slice %arg3[%dma_wait3A_180, %dma_wait3A_181] : memref<10112x64xf32, #tpu.memory_space<hbm>> -> memref<10112x64xf32, #tpu.memory_space<hbm>>
          tpu.wait_indirect_dma semaphore(%arg18 : memref<!tpu.dma_semaphore, #tpu.memory_space<semaphore_mem>>) src(%dma_wait3A_182 : memref<10112x64xf32, #tpu.memory_space<hbm>>) dst(%arg11 : memref<128x64xf32, #tpu.memory_space<vmem>>)
          %dma_start3A = arith.constant 0 : i32
          %dma_start3A_183 = tpu.memref_slice %arg9[%add3A_137, %dma_start3A] : memref<157x128xi32, #tpu.memory_space<vmem>> -> memref<1x128xi32, #tpu.memory_space<vmem>>
          %dma_start3A_184 = tpu.memref_squeeze %dma_start3A_183 : memref<1x128xi32, #tpu.memory_space<vmem>> -> memref<128xi32, #tpu.memory_space<vmem>>
          %dma_start3A_185 = arith.constant 0 : i32
          %dma_start3A_186 = arith.constant 0 : i32
          %dma_start3A_187 = tpu.memref_slice %arg27[%dma_start3A_185, %dma_start3A_186] : memref<10112x64xf32, #tpu.memory_space<vmem_shared>> -> memref<10112x64xf32, #tpu.memory_space<vmem_shared>>
          tpu.enqueue_indirect_dma source(%arg11 : memref<128x64xf32, #tpu.memory_space<vmem>>) target(%dma_start3A_187 : memref<10112x64xf32, #tpu.memory_space<vmem_shared>>) offsets(%dma_start3A_184 : memref<128xi32, #tpu.memory_space<vmem>>) semaphore(%arg23 : memref<!tpu.dma_semaphore, #tpu.memory_space<semaphore_mem>>) {add = true}
        } else {
        }
        %mul3A_143 = arith.constant 5 : i32
        %mul3A_144 = arith.muli %scan3A_125, %mul3A_143 : i32
        %add3A_145 = arith.constant 2 : i32
        %add3A_146 = arith.addi %mul3A_144, %add3A_145 : i32
        %lt3A_147 = arith.constant 157 : i32
        %lt3A_148 = arith.cmpi slt, %add3A_146, %lt3A_147 : i32
        %convert_element_type3A_149 = arith.extui %lt3A_148 : i1 to i32
        %cond3A_150 = arith.constant 0 : i32
        %cond3A_151 = arith.cmpi ne, %convert_element_type3A_149, %cond3A_150 : i32
        scf.if %cond3A_151 {
          %add3A_170 = arith.constant 4 : i32
          %add3A_171 = arith.addi %add3A_146, %add3A_170 : i32
          %lt3A_172 = arith.constant 157 : i32
          %lt3A_173 = arith.cmpi slt, %add3A_171, %lt3A_172 : i32
          %convert_element_type3A_174 = arith.extui %lt3A_173 : i1 to i32
          %cond3A_175 = arith.constant 0 : i32
          %cond3A_176 = arith.cmpi ne, %convert_element_type3A_174, %cond3A_175 : i32
          scf.if %cond3A_176 {
            %add3A_188 = arith.constant 4 : i32
            %add3A_189 = arith.addi %add3A_146, %add3A_188 : i32
            %sub3A = arith.constant 5 : i32
            %sub3A_190 = arith.subi %add3A_189, %sub3A : i32
            %ge3A = arith.constant 0 : i32
            %ge3A_191 = arith.cmpi sge, %sub3A_190, %ge3A : i32
            %convert_element_type3A_192 = arith.extui %ge3A_191 : i1 to i32
            %cond3A_193 = arith.constant 0 : i32
            %cond3A_194 = arith.cmpi ne, %convert_element_type3A_192, %cond3A_193 : i32
            scf.if %cond3A_194 {
              %dma_wait3A_203 = arith.constant 0 : i32
              %dma_wait3A_204 = arith.constant 0 : i32
              %dma_wait3A_205 = tpu.memref_slice %arg9[%dma_wait3A_203, %dma_wait3A_204] : memref<157x128xi32, #tpu.memory_space<vmem>> -> memref<1x128xi32, #tpu.memory_space<vmem>>
              %dma_wait3A_206 = tpu.memref_squeeze %dma_wait3A_205 : memref<1x128xi32, #tpu.memory_space<vmem>> -> memref<128xi32, #tpu.memory_space<vmem>>
              %dma_wait3A_207 = arith.constant 0 : i32
              %dma_wait3A_208 = arith.constant 0 : i32
              %dma_wait3A_209 = tpu.memref_slice %arg27[%dma_wait3A_207, %dma_wait3A_208] : memref<10112x64xf32, #tpu.memory_space<vmem_shared>> -> memref<10112x64xf32, #tpu.memory_space<vmem_shared>>
              tpu.wait_indirect_dma semaphore(%arg23 : memref<!tpu.dma_semaphore, #tpu.memory_space<semaphore_mem>>) src(%arg11 : memref<128x64xf32, #tpu.memory_space<vmem>>) dst(%dma_wait3A_209 : memref<10112x64xf32, #tpu.memory_space<vmem_shared>>)
            } else {
            }
            %add3A_195 = arith.constant 4 : i32
            %add3A_196 = arith.addi %add3A_146, %add3A_195 : i32
            %dma_start3A_197 = arith.constant 0 : i32
            %dma_start3A_198 = tpu.memref_slice %arg8[%add3A_196, %dma_start3A_197] : memref<157x128xi32, #tpu.memory_space<vmem>> -> memref<1x128xi32, #tpu.memory_space<vmem>>
            %dma_start3A_199 = tpu.memref_squeeze %dma_start3A_198 : memref<1x128xi32, #tpu.memory_space<vmem>> -> memref<128xi32, #tpu.memory_space<vmem>>
            %dma_start3A_200 = arith.constant 0 : i32
            %dma_start3A_201 = arith.constant 0 : i32
            %dma_start3A_202 = tpu.memref_slice %arg3[%dma_start3A_200, %dma_start3A_201] : memref<10112x64xf32, #tpu.memory_space<hbm>> -> memref<10112x64xf32, #tpu.memory_space<hbm>>
            tpu.enqueue_indirect_dma source(%dma_start3A_202 : memref<10112x64xf32, #tpu.memory_space<hbm>>) target(%arg11 : memref<128x64xf32, #tpu.memory_space<vmem>>) offsets(%dma_start3A_199 : memref<128xi32, #tpu.memory_space<vmem>>) semaphore(%arg18 : memref<!tpu.dma_semaphore, #tpu.memory_space<semaphore_mem>>)
          } else {
          }
          %dma_wait3A_177 = arith.constant 0 : i32
          %dma_wait3A_178 = tpu.memref_slice %arg8[%add3A_146, %dma_wait3A_177] : memref<157x128xi32, #tpu.memory_space<vmem>> -> memref<1x128xi32, #tpu.memory_space<vmem>>
          %dma_wait3A_179 = tpu.memref_squeeze %dma_wait3A_178 : memref<1x128xi32, #tpu.memory_space<vmem>> -> memref<128xi32, #tpu.memory_space<vmem>>
          %dma_wait3A_180 = arith.constant 0 : i32
          %dma_wait3A_181 = arith.constant 0 : i32
          %dma_wait3A_182 = tpu.memref_slice %arg3[%dma_wait3A_180, %dma_wait3A_181] : memref<10112x64xf32, #tpu.memory_space<hbm>> -> memref<10112x64xf32, #tpu.memory_space<hbm>>
          tpu.wait_indirect_dma semaphore(%arg19 : memref<!tpu.dma_semaphore, #tpu.memory_space<semaphore_mem>>) src(%dma_wait3A_182 : memref<10112x64xf32, #tpu.memory_space<hbm>>) dst(%arg12 : memref<128x64xf32, #tpu.memory_space<vmem>>)
          %dma_start3A = arith.constant 0 : i32
          %dma_start3A_183 = tpu.memref_slice %arg9[%add3A_146, %dma_start3A] : memref<157x128xi32, #tpu.memory_space<vmem>> -> memref<1x128xi32, #tpu.memory_space<vmem>>
          %dma_start3A_184 = tpu.memref_squeeze %dma_start3A_183 : memref<1x128xi32, #tpu.memory_space<vmem>> -> memref<128xi32, #tpu.memory_space<vmem>>
          %dma_start3A_185 = arith.constant 0 : i32
          %dma_start3A_186 = arith.constant 0 : i32
          %dma_start3A_187 = tpu.memref_slice %arg27[%dma_start3A_185, %dma_start3A_186] : memref<10112x64xf32, #tpu.memory_space<vmem_shared>> -> memref<10112x64xf32, #tpu.memory_space<vmem_shared>>
          tpu.enqueue_indirect_dma source(%arg12 : memref<128x64xf32, #tpu.memory_space<vmem>>) target(%dma_start3A_187 : memref<10112x64xf32, #tpu.memory_space<vmem_shared>>) offsets(%dma_start3A_184 : memref<128xi32, #tpu.memory_space<vmem>>) semaphore(%arg24 : memref<!tpu.dma_semaphore, #tpu.memory_space<semaphore_mem>>) {add = true}
        } else {
        }
        %mul3A_152 = arith.constant 5 : i32
        %mul3A_153 = arith.muli %scan3A_125, %mul3A_152 : i32
        %add3A_154 = arith.constant 3 : i32
        %add3A_155 = arith.addi %mul3A_153, %add3A_154 : i32
        %lt3A_156 = arith.constant 157 : i32
        %lt3A_157 = arith.cmpi slt, %add3A_155, %lt3A_156 : i32
        %convert_element_type3A_158 = arith.extui %lt3A_157 : i1 to i32
        %cond3A_159 = arith.constant 0 : i32
        %cond3A_160 = arith.cmpi ne, %convert_element_type3A_158, %cond3A_159 : i32
        scf.if %cond3A_160 {
          %add3A_170 = arith.constant 4 : i32
          %add3A_171 = arith.addi %add3A_155, %add3A_170 : i32
          %lt3A_172 = arith.constant 157 : i32
          %lt3A_173 = arith.cmpi slt, %add3A_171, %lt3A_172 : i32
          %convert_element_type3A_174 = arith.extui %lt3A_173 : i1 to i32
          %cond3A_175 = arith.constant 0 : i32
          %cond3A_176 = arith.cmpi ne, %convert_element_type3A_174, %cond3A_175 : i32
          scf.if %cond3A_176 {
            %add3A_188 = arith.constant 4 : i32
            %add3A_189 = arith.addi %add3A_155, %add3A_188 : i32
            %sub3A = arith.constant 5 : i32
            %sub3A_190 = arith.subi %add3A_189, %sub3A : i32
            %ge3A = arith.constant 0 : i32
            %ge3A_191 = arith.cmpi sge, %sub3A_190, %ge3A : i32
            %convert_element_type3A_192 = arith.extui %ge3A_191 : i1 to i32
            %cond3A_193 = arith.constant 0 : i32
            %cond3A_194 = arith.cmpi ne, %convert_element_type3A_192, %cond3A_193 : i32
            scf.if %cond3A_194 {
              %dma_wait3A_203 = arith.constant 0 : i32
              %dma_wait3A_204 = arith.constant 0 : i32
              %dma_wait3A_205 = tpu.memref_slice %arg9[%dma_wait3A_203, %dma_wait3A_204] : memref<157x128xi32, #tpu.memory_space<vmem>> -> memref<1x128xi32, #tpu.memory_space<vmem>>
              %dma_wait3A_206 = tpu.memref_squeeze %dma_wait3A_205 : memref<1x128xi32, #tpu.memory_space<vmem>> -> memref<128xi32, #tpu.memory_space<vmem>>
              %dma_wait3A_207 = arith.constant 0 : i32
              %dma_wait3A_208 = arith.constant 0 : i32
              %dma_wait3A_209 = tpu.memref_slice %arg27[%dma_wait3A_207, %dma_wait3A_208] : memref<10112x64xf32, #tpu.memory_space<vmem_shared>> -> memref<10112x64xf32, #tpu.memory_space<vmem_shared>>
              tpu.wait_indirect_dma semaphore(%arg24 : memref<!tpu.dma_semaphore, #tpu.memory_space<semaphore_mem>>) src(%arg12 : memref<128x64xf32, #tpu.memory_space<vmem>>) dst(%dma_wait3A_209 : memref<10112x64xf32, #tpu.memory_space<vmem_shared>>)
            } else {
            }
            %add3A_195 = arith.constant 4 : i32
            %add3A_196 = arith.addi %add3A_155, %add3A_195 : i32
            %dma_start3A_197 = arith.constant 0 : i32
            %dma_start3A_198 = tpu.memref_slice %arg8[%add3A_196, %dma_start3A_197] : memref<157x128xi32, #tpu.memory_space<vmem>> -> memref<1x128xi32, #tpu.memory_space<vmem>>
            %dma_start3A_199 = tpu.memref_squeeze %dma_start3A_198 : memref<1x128xi32, #tpu.memory_space<vmem>> -> memref<128xi32, #tpu.memory_space<vmem>>
            %dma_start3A_200 = arith.constant 0 : i32
            %dma_start3A_201 = arith.constant 0 : i32
            %dma_start3A_202 = tpu.memref_slice %arg3[%dma_start3A_200, %dma_start3A_201] : memref<10112x64xf32, #tpu.memory_space<hbm>> -> memref<10112x64xf32, #tpu.memory_space<hbm>>
            tpu.enqueue_indirect_dma source(%dma_start3A_202 : memref<10112x64xf32, #tpu.memory_space<hbm>>) target(%arg12 : memref<128x64xf32, #tpu.memory_space<vmem>>) offsets(%dma_start3A_199 : memref<128xi32, #tpu.memory_space<vmem>>) semaphore(%arg19 : memref<!tpu.dma_semaphore, #tpu.memory_space<semaphore_mem>>)
          } else {
          }
          %dma_wait3A_177 = arith.constant 0 : i32
          %dma_wait3A_178 = tpu.memref_slice %arg8[%add3A_155, %dma_wait3A_177] : memref<157x128xi32, #tpu.memory_space<vmem>> -> memref<1x128xi32, #tpu.memory_space<vmem>>
          %dma_wait3A_179 = tpu.memref_squeeze %dma_wait3A_178 : memref<1x128xi32, #tpu.memory_space<vmem>> -> memref<128xi32, #tpu.memory_space<vmem>>
          %dma_wait3A_180 = arith.constant 0 : i32
          %dma_wait3A_181 = arith.constant 0 : i32
          %dma_wait3A_182 = tpu.memref_slice %arg3[%dma_wait3A_180, %dma_wait3A_181] : memref<10112x64xf32, #tpu.memory_space<hbm>> -> memref<10112x64xf32, #tpu.memory_space<hbm>>
          tpu.wait_indirect_dma semaphore(%arg20 : memref<!tpu.dma_semaphore, #tpu.memory_space<semaphore_mem>>) src(%dma_wait3A_182 : memref<10112x64xf32, #tpu.memory_space<hbm>>) dst(%arg13 : memref<128x64xf32, #tpu.memory_space<vmem>>)
          %dma_start3A = arith.constant 0 : i32
          %dma_start3A_183 = tpu.memref_slice %arg9[%add3A_155, %dma_start3A] : memref<157x128xi32, #tpu.memory_space<vmem>> -> memref<1x128xi32, #tpu.memory_space<vmem>>
          %dma_start3A_184 = tpu.memref_squeeze %dma_start3A_183 : memref<1x128xi32, #tpu.memory_space<vmem>> -> memref<128xi32, #tpu.memory_space<vmem>>
          %dma_start3A_185 = arith.constant 0 : i32
          %dma_start3A_186 = arith.constant 0 : i32
          %dma_start3A_187 = tpu.memref_slice %arg27[%dma_start3A_185, %dma_start3A_186] : memref<10112x64xf32, #tpu.memory_space<vmem_shared>> -> memref<10112x64xf32, #tpu.memory_space<vmem_shared>>
          tpu.enqueue_indirect_dma source(%arg13 : memref<128x64xf32, #tpu.memory_space<vmem>>) target(%dma_start3A_187 : memref<10112x64xf32, #tpu.memory_space<vmem_shared>>) offsets(%dma_start3A_184 : memref<128xi32, #tpu.memory_space<vmem>>) semaphore(%arg25 : memref<!tpu.dma_semaphore, #tpu.memory_space<semaphore_mem>>) {add = true}
        } else {
        }
        %mul3A_161 = arith.constant 5 : i32
        %mul3A_162 = arith.muli %scan3A_125, %mul3A_161 : i32
        %add3A_163 = arith.constant 4 : i32
        %add3A_164 = arith.addi %mul3A_162, %add3A_163 : i32
        %lt3A_165 = arith.constant 157 : i32
        %lt3A_166 = arith.cmpi slt, %add3A_164, %lt3A_165 : i32
        %convert_element_type3A_167 = arith.extui %lt3A_166 : i1 to i32
        %cond3A_168 = arith.constant 0 : i32
        %cond3A_169 = arith.cmpi ne, %convert_element_type3A_167, %cond3A_168 : i32
        scf.if %cond3A_169 {
          %add3A_170 = arith.constant 4 : i32
          %add3A_171 = arith.addi %add3A_164, %add3A_170 : i32
          %lt3A_172 = arith.constant 157 : i32
          %lt3A_173 = arith.cmpi slt, %add3A_171, %lt3A_172 : i32
          %convert_element_type3A_174 = arith.extui %lt3A_173 : i1 to i32
          %cond3A_175 = arith.constant 0 : i32
          %cond3A_176 = arith.cmpi ne, %convert_element_type3A_174, %cond3A_175 : i32
          scf.if %cond3A_176 {
            %add3A_188 = arith.constant 4 : i32
            %add3A_189 = arith.addi %add3A_164, %add3A_188 : i32
            %sub3A = arith.constant 5 : i32
            %sub3A_190 = arith.subi %add3A_189, %sub3A : i32
            %ge3A = arith.constant 0 : i32
            %ge3A_191 = arith.cmpi sge, %sub3A_190, %ge3A : i32
            %convert_element_type3A_192 = arith.extui %ge3A_191 : i1 to i32
            %cond3A_193 = arith.constant 0 : i32
            %cond3A_194 = arith.cmpi ne, %convert_element_type3A_192, %cond3A_193 : i32
            scf.if %cond3A_194 {
              %dma_wait3A_203 = arith.constant 0 : i32
              %dma_wait3A_204 = arith.constant 0 : i32
              %dma_wait3A_205 = tpu.memref_slice %arg9[%dma_wait3A_203, %dma_wait3A_204] : memref<157x128xi32, #tpu.memory_space<vmem>> -> memref<1x128xi32, #tpu.memory_space<vmem>>
              %dma_wait3A_206 = tpu.memref_squeeze %dma_wait3A_205 : memref<1x128xi32, #tpu.memory_space<vmem>> -> memref<128xi32, #tpu.memory_space<vmem>>
              %dma_wait3A_207 = arith.constant 0 : i32
              %dma_wait3A_208 = arith.constant 0 : i32
              %dma_wait3A_209 = tpu.memref_slice %arg27[%dma_wait3A_207, %dma_wait3A_208] : memref<10112x64xf32, #tpu.memory_space<vmem_shared>> -> memref<10112x64xf32, #tpu.memory_space<vmem_shared>>
              tpu.wait_indirect_dma semaphore(%arg25 : memref<!tpu.dma_semaphore, #tpu.memory_space<semaphore_mem>>) src(%arg13 : memref<128x64xf32, #tpu.memory_space<vmem>>) dst(%dma_wait3A_209 : memref<10112x64xf32, #tpu.memory_space<vmem_shared>>)
            } else {
            }
            %add3A_195 = arith.constant 4 : i32
            %add3A_196 = arith.addi %add3A_164, %add3A_195 : i32
            %dma_start3A_197 = arith.constant 0 : i32
            %dma_start3A_198 = tpu.memref_slice %arg8[%add3A_196, %dma_start3A_197] : memref<157x128xi32, #tpu.memory_space<vmem>> -> memref<1x128xi32, #tpu.memory_space<vmem>>
            %dma_start3A_199 = tpu.memref_squeeze %dma_start3A_198 : memref<1x128xi32, #tpu.memory_space<vmem>> -> memref<128xi32, #tpu.memory_space<vmem>>
            %dma_start3A_200 = arith.constant 0 : i32
            %dma_start3A_201 = arith.constant 0 : i32
            %dma_start3A_202 = tpu.memref_slice %arg3[%dma_start3A_200, %dma_start3A_201] : memref<10112x64xf32, #tpu.memory_space<hbm>> -> memref<10112x64xf32, #tpu.memory_space<hbm>>
            tpu.enqueue_indirect_dma source(%dma_start3A_202 : memref<10112x64xf32, #tpu.memory_space<hbm>>) target(%arg13 : memref<128x64xf32, #tpu.memory_space<vmem>>) offsets(%dma_start3A_199 : memref<128xi32, #tpu.memory_space<vmem>>) semaphore(%arg20 : memref<!tpu.dma_semaphore, #tpu.memory_space<semaphore_mem>>)
          } else {
          }
          %dma_wait3A_177 = arith.constant 0 : i32
          %dma_wait3A_178 = tpu.memref_slice %arg8[%add3A_164, %dma_wait3A_177] : memref<157x128xi32, #tpu.memory_space<vmem>> -> memref<1x128xi32, #tpu.memory_space<vmem>>
          %dma_wait3A_179 = tpu.memref_squeeze %dma_wait3A_178 : memref<1x128xi32, #tpu.memory_space<vmem>> -> memref<128xi32, #tpu.memory_space<vmem>>
          %dma_wait3A_180 = arith.constant 0 : i32
          %dma_wait3A_181 = arith.constant 0 : i32
          %dma_wait3A_182 = tpu.memref_slice %arg3[%dma_wait3A_180, %dma_wait3A_181] : memref<10112x64xf32, #tpu.memory_space<hbm>> -> memref<10112x64xf32, #tpu.memory_space<hbm>>
          tpu.wait_indirect_dma semaphore(%arg21 : memref<!tpu.dma_semaphore, #tpu.memory_space<semaphore_mem>>) src(%dma_wait3A_182 : memref<10112x64xf32, #tpu.memory_space<hbm>>) dst(%arg14 : memref<128x64xf32, #tpu.memory_space<vmem>>)
          %dma_start3A = arith.constant 0 : i32
          %dma_start3A_183 = tpu.memref_slice %arg9[%add3A_164, %dma_start3A] : memref<157x128xi32, #tpu.memory_space<vmem>> -> memref<1x128xi32, #tpu.memory_space<vmem>>
          %dma_start3A_184 = tpu.memref_squeeze %dma_start3A_183 : memref<1x128xi32, #tpu.memory_space<vmem>> -> memref<128xi32, #tpu.memory_space<vmem>>
          %dma_start3A_185 = arith.constant 0 : i32
          %dma_start3A_186 = arith.constant 0 : i32
          %dma_start3A_187 = tpu.memref_slice %arg27[%dma_start3A_185, %dma_start3A_186] : memref<10112x64xf32, #tpu.memory_space<vmem_shared>> -> memref<10112x64xf32, #tpu.memory_space<vmem_shared>>
          tpu.enqueue_indirect_dma source(%arg14 : memref<128x64xf32, #tpu.memory_space<vmem>>) target(%dma_start3A_187 : memref<10112x64xf32, #tpu.memory_space<vmem_shared>>) offsets(%dma_start3A_184 : memref<128xi32, #tpu.memory_space<vmem>>) semaphore(%arg26 : memref<!tpu.dma_semaphore, #tpu.memory_space<semaphore_mem>>) {add = true}
        } else {
        }
      }
      %scan3A_90 = arith.constant 32 : i32
      %dma_wait3A = arith.constant 0 : i32
      %dma_wait3A_91 = arith.constant 0 : i32
      %dma_wait3A_92 = tpu.memref_slice %arg9[%dma_wait3A, %dma_wait3A_91] : memref<157x128xi32, #tpu.memory_space<vmem>> -> memref<1x128xi32, #tpu.memory_space<vmem>>
      %dma_wait3A_93 = tpu.memref_squeeze %dma_wait3A_92 : memref<1x128xi32, #tpu.memory_space<vmem>> -> memref<128xi32, #tpu.memory_space<vmem>>
      %dma_wait3A_94 = arith.constant 0 : i32
      %dma_wait3A_95 = arith.constant 0 : i32
      %dma_wait3A_96 = tpu.memref_slice %arg27[%dma_wait3A_94, %dma_wait3A_95] : memref<10112x64xf32, #tpu.memory_space<vmem_shared>> -> memref<10112x64xf32, #tpu.memory_space<vmem_shared>>
      tpu.wait_indirect_dma semaphore(%arg22 : memref<!tpu.dma_semaphore, #tpu.memory_space<semaphore_mem>>) src(%arg10 : memref<128x64xf32, #tpu.memory_space<vmem>>) dst(%dma_wait3A_96 : memref<10112x64xf32, #tpu.memory_space<vmem_shared>>)
      %dma_wait3A_97 = arith.constant 0 : i32
      %dma_wait3A_98 = arith.constant 0 : i32
      %dma_wait3A_99 = tpu.memref_slice %arg9[%dma_wait3A_97, %dma_wait3A_98] : memref<157x128xi32, #tpu.memory_space<vmem>> -> memref<1x128xi32, #tpu.memory_space<vmem>>
      %dma_wait3A_100 = tpu.memref_squeeze %dma_wait3A_99 : memref<1x128xi32, #tpu.memory_space<vmem>> -> memref<128xi32, #tpu.memory_space<vmem>>
      %dma_wait3A_101 = arith.constant 0 : i32
      %dma_wait3A_102 = arith.constant 0 : i32
      %dma_wait3A_103 = tpu.memref_slice %arg27[%dma_wait3A_101, %dma_wait3A_102] : memref<10112x64xf32, #tpu.memory_space<vmem_shared>> -> memref<10112x64xf32, #tpu.memory_space<vmem_shared>>
      tpu.wait_indirect_dma semaphore(%arg23 : memref<!tpu.dma_semaphore, #tpu.memory_space<semaphore_mem>>) src(%arg11 : memref<128x64xf32, #tpu.memory_space<vmem>>) dst(%dma_wait3A_103 : memref<10112x64xf32, #tpu.memory_space<vmem_shared>>)
      %dma_wait3A_104 = arith.constant 0 : i32
      %dma_wait3A_105 = arith.constant 0 : i32
      %dma_wait3A_106 = tpu.memref_slice %arg9[%dma_wait3A_104, %dma_wait3A_105] : memref<157x128xi32, #tpu.memory_space<vmem>> -> memref<1x128xi32, #tpu.memory_space<vmem>>
      %dma_wait3A_107 = tpu.memref_squeeze %dma_wait3A_106 : memref<1x128xi32, #tpu.memory_space<vmem>> -> memref<128xi32, #tpu.memory_space<vmem>>
      %dma_wait3A_108 = arith.constant 0 : i32
      %dma_wait3A_109 = arith.constant 0 : i32
      %dma_wait3A_110 = tpu.memref_slice %arg27[%dma_wait3A_108, %dma_wait3A_109] : memref<10112x64xf32, #tpu.memory_space<vmem_shared>> -> memref<10112x64xf32, #tpu.memory_space<vmem_shared>>
      tpu.wait_indirect_dma semaphore(%arg24 : memref<!tpu.dma_semaphore, #tpu.memory_space<semaphore_mem>>) src(%arg12 : memref<128x64xf32, #tpu.memory_space<vmem>>) dst(%dma_wait3A_110 : memref<10112x64xf32, #tpu.memory_space<vmem_shared>>)
      %dma_wait3A_111 = arith.constant 0 : i32
      %dma_wait3A_112 = arith.constant 0 : i32
      %dma_wait3A_113 = tpu.memref_slice %arg9[%dma_wait3A_111, %dma_wait3A_112] : memref<157x128xi32, #tpu.memory_space<vmem>> -> memref<1x128xi32, #tpu.memory_space<vmem>>
      %dma_wait3A_114 = tpu.memref_squeeze %dma_wait3A_113 : memref<1x128xi32, #tpu.memory_space<vmem>> -> memref<128xi32, #tpu.memory_space<vmem>>
      %dma_wait3A_115 = arith.constant 0 : i32
      %dma_wait3A_116 = arith.constant 0 : i32
      %dma_wait3A_117 = tpu.memref_slice %arg27[%dma_wait3A_115, %dma_wait3A_116] : memref<10112x64xf32, #tpu.memory_space<vmem_shared>> -> memref<10112x64xf32, #tpu.memory_space<vmem_shared>>
      tpu.wait_indirect_dma semaphore(%arg25 : memref<!tpu.dma_semaphore, #tpu.memory_space<semaphore_mem>>) src(%arg13 : memref<128x64xf32, #tpu.memory_space<vmem>>) dst(%dma_wait3A_117 : memref<10112x64xf32, #tpu.memory_space<vmem_shared>>)
      %dma_wait3A_118 = arith.constant 0 : i32
      %dma_wait3A_119 = arith.constant 0 : i32
      %dma_wait3A_120 = tpu.memref_slice %arg9[%dma_wait3A_118, %dma_wait3A_119] : memref<157x128xi32, #tpu.memory_space<vmem>> -> memref<1x128xi32, #tpu.memory_space<vmem>>
      %dma_wait3A_121 = tpu.memref_squeeze %dma_wait3A_120 : memref<1x128xi32, #tpu.memory_space<vmem>> -> memref<128xi32, #tpu.memory_space<vmem>>
      %dma_wait3A_122 = arith.constant 0 : i32
      %dma_wait3A_123 = arith.constant 0 : i32
      %dma_wait3A_124 = tpu.memref_slice %arg27[%dma_wait3A_122, %dma_wait3A_123] : memref<10112x64xf32, #tpu.memory_space<vmem_shared>> -> memref<10112x64xf32, #tpu.memory_space<vmem_shared>>
      tpu.wait_indirect_dma semaphore(%arg26 : memref<!tpu.dma_semaphore, #tpu.memory_space<semaphore_mem>>) src(%arg14 : memref<128x64xf32, #tpu.memory_space<vmem>>) dst(%dma_wait3A_124 : memref<10112x64xf32, #tpu.memory_space<vmem_shared>>)
    } else {
    }
    %barrier3A_34 = arith.constant 0 : index
    tpu.barrier barrier_id(%barrier3A_34)
    %add3A_35 = arith.constant 0 : i32
    %add3A_36 = arith.addi %mul3A_0, %add3A_35 : i32
    "tpu.region"() ({
      %run_scoped3A = tpu.sem_alloc : memref<!tpu.dma_semaphore, #tpu.memory_space<semaphore_mem>>
      %dma_start3A = arith.constant 0 : i32
      %dma_start3A_85 = arith.constant 0 : i32
      %dma_start3A_86 = tpu.memref_slice %arg15[%dma_start3A, %dma_start3A_85] : memref<128x64xf32, #tpu.memory_space<vmem>> -> memref<128x64xf32, #tpu.memory_space<vmem>>
      %dma_start3A_87 = arith.constant 0 : i32
      %dma_start3A_88 = tpu.memref_slice %arg27[%add3A_36, %dma_start3A_87] : memref<10112x64xf32, #tpu.memory_space<vmem_shared>> -> memref<128x64xf32, #tpu.memory_space<vmem_shared>>
      %dma_start3A_89 = arith.constant 0 : i32
      %dma_start3A_90 = arith.constant 0 : i32
      %dma_start3A_91 = tpu.memref_slice %arg15[%dma_start3A_89, %dma_start3A_90] : memref<128x64xf32, #tpu.memory_space<vmem>> -> memref<128x64xf32, #tpu.memory_space<vmem>>
      %dma_start3A_92 = arith.constant 0 : i32
      %dma_start3A_93 = tpu.memref_slice %arg27[%add3A_36, %dma_start3A_92] : memref<10112x64xf32, #tpu.memory_space<vmem_shared>> -> memref<128x64xf32, #tpu.memory_space<vmem_shared>>
      tpu.enqueue_dma source(%dma_start3A_93 : memref<128x64xf32, #tpu.memory_space<vmem_shared>>) target(%dma_start3A_91 : memref<128x64xf32, #tpu.memory_space<vmem>>) target_semaphore(%run_scoped3A : memref<!tpu.dma_semaphore, #tpu.memory_space<semaphore_mem>>)
      %dma_wait3A = arith.constant 0 : i32
      %dma_wait3A_94 = arith.constant 0 : i32
      %dma_wait3A_95 = tpu.memref_slice %arg15[%dma_wait3A, %dma_wait3A_94] : memref<128x64xf32, #tpu.memory_space<vmem>> -> memref<128x64xf32, #tpu.memory_space<vmem>>
      %dma_wait3A_96 = arith.constant 0 : i32
      %dma_wait3A_97 = tpu.memref_slice %arg27[%add3A_36, %dma_wait3A_96] : memref<10112x64xf32, #tpu.memory_space<vmem_shared>> -> memref<128x64xf32, #tpu.memory_space<vmem_shared>>
      %dma_wait3A_98 = arith.constant 0 : i32
      %dma_wait3A_99 = arith.constant 0 : i32
      %dma_wait3A_100 = tpu.memref_slice %arg15[%dma_wait3A_98, %dma_wait3A_99] : memref<128x64xf32, #tpu.memory_space<vmem>> -> memref<128x64xf32, #tpu.memory_space<vmem>>
      %dma_wait3A_101 = arith.constant 0 : i32
      %dma_wait3A_102 = tpu.memref_slice %arg27[%add3A_36, %dma_wait3A_101] : memref<10112x64xf32, #tpu.memory_space<vmem_shared>> -> memref<128x64xf32, #tpu.memory_space<vmem_shared>>
      tpu.wait_dma2 semaphore(%run_scoped3A : memref<!tpu.dma_semaphore, #tpu.memory_space<semaphore_mem>>) src(%dma_wait3A_102 : memref<128x64xf32, #tpu.memory_space<vmem_shared>>) dst(%dma_wait3A_100 : memref<128x64xf32, #tpu.memory_space<vmem>>)
      tpu.yield
    }) : () -> ()
    %scan3A_37 = arith.constant 0 : i32
    %scan3A_38 = arith.constant 0 : i32
    %scan3A_39 = arith.constant 128 : i32
    %scan3A_40 = arith.addi %scan3A_38, %scan3A_39 : i32
    %scan3A_41 = arith.constant 1 : i32
    scf.for %scan3A_85 = %scan3A_38 to %scan3A_40 step %scan3A_41  : i32 {
      %add3A_86 = arith.constant 0 : i32
      %add3A_87 = arith.addi %add3A_86, %scan3A_85 : i32
      %get3A = arith.index_cast %add3A_87 : i32 to index
      %get3A_88 = tpu.vector_load %arg16[%get3A] {strides = array<i32>} : memref<648xf32, #tpu.memory_space<vmem>>, vector<16xf32>,
      %get3A_89 = vector.shape_cast %get3A_88 : vector<16xf32> to vector<16xf32>
      %slice3A = vector.extract_strided_slice %get3A_89 {offsets = [0], sizes = [1], strides = [1]} : vector<16xf32> to vector<1xf32>
      %squeeze3A = vector.extract %slice3A[0] : f32 from vector<1xf32>
      %get3A_90 = arith.index_cast %scan3A_85 : i32 to index
      %get3A_91 = arith.constant 0 : index
      %get3A_92 = tpu.vector_load %arg15[%get3A_90, %get3A_91] {strides = array<i32>} : memref<128x64xf32, #tpu.memory_space<vmem>>, vector<1x16xf32>,
      %get3A_93 = vector.shape_cast %get3A_92 : vector<1x16xf32> to vector<16xf32>
      %mul3A_94 = vector.broadcast %squeeze3A : f32 to vector<16xf32>
      %mul3A_95 = arith.mulf %get3A_93, %mul3A_94 : vector<16xf32>
      %swap3A = arith.index_cast %scan3A_85 : i32 to index
      %swap3A_96 = arith.constant 0 : index
      %swap3A_97 = tpu.vector_load %arg15[%swap3A, %swap3A_96] {strides = array<i32>} : memref<128x64xf32, #tpu.memory_space<vmem>>, vector<1x16xf32>,
      %swap3A_98 = vector.shape_cast %swap3A_97 : vector<1x16xf32> to vector<16xf32>
      %swap3A_99 = vector.shape_cast %mul3A_95 : vector<16xf32> to vector<1x16xf32>
      tpu.vector_store %arg15[%swap3A, %swap3A_96], %swap3A_99 {strides = array<i32>} : memref<128x64xf32, #tpu.memory_space<vmem>>, vector<1x16xf32>,
      %get3A_100 = arith.index_cast %scan3A_85 : i32 to index
      %get3A_101 = arith.constant 16 : index
      %get3A_102 = tpu.vector_load %arg15[%get3A_100, %get3A_101] {strides = array<i32>} : memref<128x64xf32, #tpu.memory_space<vmem>>, vector<1x16xf32>,
      %get3A_103 = vector.shape_cast %get3A_102 : vector<1x16xf32> to vector<16xf32>
      %mul3A_104 = vector.broadcast %squeeze3A : f32 to vector<16xf32>
      %mul3A_105 = arith.mulf %get3A_103, %mul3A_104 : vector<16xf32>
      %swap3A_106 = arith.index_cast %scan3A_85 : i32 to index
      %swap3A_107 = arith.constant 16 : index
      %swap3A_108 = tpu.vector_load %arg15[%swap3A_106, %swap3A_107] {strides = array<i32>} : memref<128x64xf32, #tpu.memory_space<vmem>>, vector<1x16xf32>,
      %swap3A_109 = vector.shape_cast %swap3A_108 : vector<1x16xf32> to vector<16xf32>
      %swap3A_110 = vector.shape_cast %mul3A_105 : vector<16xf32> to vector<1x16xf32>
      tpu.vector_store %arg15[%swap3A_106, %swap3A_107], %swap3A_110 {strides = array<i32>} : memref<128x64xf32, #tpu.memory_space<vmem>>, vector<1x16xf32>,
      %get3A_111 = arith.index_cast %scan3A_85 : i32 to index
      %get3A_112 = arith.constant 32 : index
      %get3A_113 = tpu.vector_load %arg15[%get3A_111, %get3A_112] {strides = array<i32>} : memref<128x64xf32, #tpu.memory_space<vmem>>, vector<1x16xf32>,
      %get3A_114 = vector.shape_cast %get3A_113 : vector<1x16xf32> to vector<16xf32>
      %mul3A_115 = vector.broadcast %squeeze3A : f32 to vector<16xf32>
      %mul3A_116 = arith.mulf %get3A_114, %mul3A_115 : vector<16xf32>
      %swap3A_117 = arith.index_cast %scan3A_85 : i32 to index
      %swap3A_118 = arith.constant 32 : index
      %swap3A_119 = tpu.vector_load %arg15[%swap3A_117, %swap3A_118] {strides = array<i32>} : memref<128x64xf32, #tpu.memory_space<vmem>>, vector<1x16xf32>,
      %swap3A_120 = vector.shape_cast %swap3A_119 : vector<1x16xf32> to vector<16xf32>
      %swap3A_121 = vector.shape_cast %mul3A_116 : vector<16xf32> to vector<1x16xf32>
      tpu.vector_store %arg15[%swap3A_117, %swap3A_118], %swap3A_121 {strides = array<i32>} : memref<128x64xf32, #tpu.memory_space<vmem>>, vector<1x16xf32>,
      %get3A_122 = arith.index_cast %scan3A_85 : i32 to index
      %get3A_123 = arith.constant 48 : index
      %get3A_124 = tpu.vector_load %arg15[%get3A_122, %get3A_123] {strides = array<i32>} : memref<128x64xf32, #tpu.memory_space<vmem>>, vector<1x16xf32>,
      %get3A_125 = vector.shape_cast %get3A_124 : vector<1x16xf32> to vector<16xf32>
      %mul3A_126 = vector.broadcast %squeeze3A : f32 to vector<16xf32>
      %mul3A_127 = arith.mulf %get3A_125, %mul3A_126 : vector<16xf32>
      %swap3A_128 = arith.index_cast %scan3A_85 : i32 to index
      %swap3A_129 = arith.constant 48 : index
      %swap3A_130 = tpu.vector_load %arg15[%swap3A_128, %swap3A_129] {strides = array<i32>} : memref<128x64xf32, #tpu.memory_space<vmem>>, vector<1x16xf32>,
      %swap3A_131 = vector.shape_cast %swap3A_130 : vector<1x16xf32> to vector<16xf32>
      %swap3A_132 = vector.shape_cast %mul3A_127 : vector<16xf32> to vector<1x16xf32>
      tpu.vector_store %arg15[%swap3A_128, %swap3A_129], %swap3A_132 {strides = array<i32>} : memref<128x64xf32, #tpu.memory_space<vmem>>, vector<1x16xf32>,
    }
    %scan3A_42 = arith.constant 128 : i32
    %add3A_43 = arith.constant 0 : i32
    %add3A_44 = arith.addi %mul3A_0, %add3A_43 : i32
    "tpu.region"() ({
      %run_scoped3A = tpu.sem_alloc : memref<!tpu.dma_semaphore, #tpu.memory_space<semaphore_mem>>
      %dma_start3A = arith.constant 0 : i32
      %dma_start3A_85 = arith.constant 0 : i32
      %dma_start3A_86 = tpu.memref_slice %arg15[%dma_start3A, %dma_start3A_85] : memref<128x64xf32, #tpu.memory_space<vmem>> -> memref<128x64xf32, #tpu.memory_space<vmem>>
      %dma_start3A_87 = arith.constant 0 : i32
      %dma_start3A_88 = tpu.memref_slice %arg7[%arg0, %add3A_44, %dma_start3A_87] : memref<2x10112x64xf32, #tpu.memory_space<hbm>> -> memref<1x128x64xf32, #tpu.memory_space<hbm>>
      %dma_start3A_89 = tpu.memref_squeeze %dma_start3A_88 : memref<1x128x64xf32, #tpu.memory_space<hbm>> -> memref<128x64xf32, #tpu.memory_space<hbm>>
      %dma_start3A_90 = arith.constant 0 : i32
      %dma_start3A_91 = tpu.memref_slice %arg7[%arg0, %add3A_44, %dma_start3A_90] : memref<2x10112x64xf32, #tpu.memory_space<hbm>> -> memref<1x128x64xf32, #tpu.memory_space<hbm>>
      %dma_start3A_92 = tpu.memref_squeeze %dma_start3A_91 : memref<1x128x64xf32, #tpu.memory_space<hbm>> -> memref<128x64xf32, #tpu.memory_space<hbm>>
      %dma_start3A_93 = arith.constant 0 : i32
      %dma_start3A_94 = arith.constant 0 : i32
      %dma_start3A_95 = tpu.memref_slice %arg15[%dma_start3A_93, %dma_start3A_94] : memref<128x64xf32, #tpu.memory_space<vmem>> -> memref<128x64xf32, #tpu.memory_space<vmem>>
      tpu.enqueue_dma source(%dma_start3A_95 : memref<128x64xf32, #tpu.memory_space<vmem>>) target(%dma_start3A_92 : memref<128x64xf32, #tpu.memory_space<hbm>>) target_semaphore(%run_scoped3A : memref<!tpu.dma_semaphore, #tpu.memory_space<semaphore_mem>>)
      %dma_wait3A = arith.constant 0 : i32
      %dma_wait3A_96 = arith.constant 0 : i32
      %dma_wait3A_97 = tpu.memref_slice %arg15[%dma_wait3A, %dma_wait3A_96] : memref<128x64xf32, #tpu.memory_space<vmem>> -> memref<128x64xf32, #tpu.memory_space<vmem>>
      %dma_wait3A_98 = arith.constant 0 : i32
      %dma_wait3A_99 = tpu.memref_slice %arg7[%arg0, %add3A_44, %dma_wait3A_98] : memref<2x10112x64xf32, #tpu.memory_space<hbm>> -> memref<1x128x64xf32, #tpu.memory_space<hbm>>
      %dma_wait3A_100 = tpu.memref_squeeze %dma_wait3A_99 : memref<1x128x64xf32, #tpu.memory_space<hbm>> -> memref<128x64xf32, #tpu.memory_space<hbm>>
      %dma_wait3A_101 = arith.constant 0 : i32
      %dma_wait3A_102 = tpu.memref_slice %arg7[%arg0, %add3A_44, %dma_wait3A_101] : memref<2x10112x64xf32, #tpu.memory_space<hbm>> -> memref<1x128x64xf32, #tpu.memory_space<hbm>>
      %dma_wait3A_103 = tpu.memref_squeeze %dma_wait3A_102 : memref<1x128x64xf32, #tpu.memory_space<hbm>> -> memref<128x64xf32, #tpu.memory_space<hbm>>
      %dma_wait3A_104 = arith.constant 0 : i32
      %dma_wait3A_105 = arith.constant 0 : i32
      %dma_wait3A_106 = tpu.memref_slice %arg15[%dma_wait3A_104, %dma_wait3A_105] : memref<128x64xf32, #tpu.memory_space<vmem>> -> memref<128x64xf32, #tpu.memory_space<vmem>>
      tpu.wait_dma2 semaphore(%run_scoped3A : memref<!tpu.dma_semaphore, #tpu.memory_space<semaphore_mem>>) src(%dma_wait3A_106 : memref<128x64xf32, #tpu.memory_space<vmem>>) dst(%dma_wait3A_103 : memref<128x64xf32, #tpu.memory_space<hbm>>)
      tpu.yield
    }) : () -> ()
    %add3A_45 = arith.constant 128 : i32
    %add3A_46 = arith.addi %mul3A_0, %add3A_45 : i32
    "tpu.region"() ({
      %run_scoped3A = tpu.sem_alloc : memref<!tpu.dma_semaphore, #tpu.memory_space<semaphore_mem>>
      %dma_start3A = arith.constant 0 : i32
      %dma_start3A_85 = arith.constant 0 : i32
      %dma_start3A_86 = tpu.memref_slice %arg15[%dma_start3A, %dma_start3A_85] : memref<128x64xf32, #tpu.memory_space<vmem>> -> memref<128x64xf32, #tpu.memory_space<vmem>>
      %dma_start3A_87 = arith.constant 0 : i32
      %dma_start3A_88 = tpu.memref_slice %arg27[%add3A_46, %dma_start3A_87] : memref<10112x64xf32, #tpu.memory_space<vmem_shared>> -> memref<128x64xf32, #tpu.memory_space<vmem_shared>>
      %dma_start3A_89 = arith.constant 0 : i32
      %dma_start3A_90 = arith.constant 0 : i32
      %dma_start3A_91 = tpu.memref_slice %arg15[%dma_start3A_89, %dma_start3A_90] : memref<128x64xf32, #tpu.memory_space<vmem>> -> memref<128x64xf32, #tpu.memory_space<vmem>>
      %dma_start3A_92 = arith.constant 0 : i32
      %dma_start3A_93 = tpu.memref_slice %arg27[%add3A_46, %dma_start3A_92] : memref<10112x64xf32, #tpu.memory_space<vmem_shared>> -> memref<128x64xf32, #tpu.memory_space<vmem_shared>>
      tpu.enqueue_dma source(%dma_start3A_93 : memref<128x64xf32, #tpu.memory_space<vmem_shared>>) target(%dma_start3A_91 : memref<128x64xf32, #tpu.memory_space<vmem>>) target_semaphore(%run_scoped3A : memref<!tpu.dma_semaphore, #tpu.memory_space<semaphore_mem>>)
      %dma_wait3A = arith.constant 0 : i32
      %dma_wait3A_94 = arith.constant 0 : i32
      %dma_wait3A_95 = tpu.memref_slice %arg15[%dma_wait3A, %dma_wait3A_94] : memref<128x64xf32, #tpu.memory_space<vmem>> -> memref<128x64xf32, #tpu.memory_space<vmem>>
      %dma_wait3A_96 = arith.constant 0 : i32
      %dma_wait3A_97 = tpu.memref_slice %arg27[%add3A_46, %dma_wait3A_96] : memref<10112x64xf32, #tpu.memory_space<vmem_shared>> -> memref<128x64xf32, #tpu.memory_space<vmem_shared>>
      %dma_wait3A_98 = arith.constant 0 : i32
      %dma_wait3A_99 = arith.constant 0 : i32
      %dma_wait3A_100 = tpu.memref_slice %arg15[%dma_wait3A_98, %dma_wait3A_99] : memref<128x64xf32, #tpu.memory_space<vmem>> -> memref<128x64xf32, #tpu.memory_space<vmem>>
      %dma_wait3A_101 = arith.constant 0 : i32
      %dma_wait3A_102 = tpu.memref_slice %arg27[%add3A_46, %dma_wait3A_101] : memref<10112x64xf32, #tpu.memory_space<vmem_shared>> -> memref<128x64xf32, #tpu.memory_space<vmem_shared>>
      tpu.wait_dma2 semaphore(%run_scoped3A : memref<!tpu.dma_semaphore, #tpu.memory_space<semaphore_mem>>) src(%dma_wait3A_102 : memref<128x64xf32, #tpu.memory_space<vmem_shared>>) dst(%dma_wait3A_100 : memref<128x64xf32, #tpu.memory_space<vmem>>)
      tpu.yield
    }) : () -> ()
    %scan3A_47 = arith.constant 0 : i32
    %scan3A_48 = arith.constant 0 : i32
    %scan3A_49 = arith.constant 128 : i32
    %scan3A_50 = arith.addi %scan3A_48, %scan3A_49 : i32
    %scan3A_51 = arith.constant 1 : i32
    scf.for %scan3A_85 = %scan3A_48 to %scan3A_50 step %scan3A_51  : i32 {
      %add3A_86 = arith.constant 128 : i32
      %add3A_87 = arith.addi %add3A_86, %scan3A_85 : i32
      %get3A = arith.index_cast %add3A_87 : i32 to index
      %get3A_88 = tpu.vector_load %arg16[%get3A] {strides = array<i32>} : memref<648xf32, #tpu.memory_space<vmem>>, vector<16xf32>,
      %get3A_89 = vector.shape_cast %get3A_88 : vector<16xf32> to vector<16xf32>
      %slice3A = vector.extract_strided_slice %get3A_89 {offsets = [0], sizes = [1], strides = [1]} : vector<16xf32> to vector<1xf32>
      %squeeze3A = vector.extract %slice3A[0] : f32 from vector<1xf32>
      %get3A_90 = arith.index_cast %scan3A_85 : i32 to index
      %get3A_91 = arith.constant 0 : index
      %get3A_92 = tpu.vector_load %arg15[%get3A_90, %get3A_91] {strides = array<i32>} : memref<128x64xf32, #tpu.memory_space<vmem>>, vector<1x16xf32>,
      %get3A_93 = vector.shape_cast %get3A_92 : vector<1x16xf32> to vector<16xf32>
      %mul3A_94 = vector.broadcast %squeeze3A : f32 to vector<16xf32>
      %mul3A_95 = arith.mulf %get3A_93, %mul3A_94 : vector<16xf32>
      %swap3A = arith.index_cast %scan3A_85 : i32 to index
      %swap3A_96 = arith.constant 0 : index
      %swap3A_97 = tpu.vector_load %arg15[%swap3A, %swap3A_96] {strides = array<i32>} : memref<128x64xf32, #tpu.memory_space<vmem>>, vector<1x16xf32>,
      %swap3A_98 = vector.shape_cast %swap3A_97 : vector<1x16xf32> to vector<16xf32>
      %swap3A_99 = vector.shape_cast %mul3A_95 : vector<16xf32> to vector<1x16xf32>
      tpu.vector_store %arg15[%swap3A, %swap3A_96], %swap3A_99 {strides = array<i32>} : memref<128x64xf32, #tpu.memory_space<vmem>>, vector<1x16xf32>,
      %get3A_100 = arith.index_cast %scan3A_85 : i32 to index
      %get3A_101 = arith.constant 16 : index
      %get3A_102 = tpu.vector_load %arg15[%get3A_100, %get3A_101] {strides = array<i32>} : memref<128x64xf32, #tpu.memory_space<vmem>>, vector<1x16xf32>,
      %get3A_103 = vector.shape_cast %get3A_102 : vector<1x16xf32> to vector<16xf32>
      %mul3A_104 = vector.broadcast %squeeze3A : f32 to vector<16xf32>
      %mul3A_105 = arith.mulf %get3A_103, %mul3A_104 : vector<16xf32>
      %swap3A_106 = arith.index_cast %scan3A_85 : i32 to index
      %swap3A_107 = arith.constant 16 : index
      %swap3A_108 = tpu.vector_load %arg15[%swap3A_106, %swap3A_107] {strides = array<i32>} : memref<128x64xf32, #tpu.memory_space<vmem>>, vector<1x16xf32>,
      %swap3A_109 = vector.shape_cast %swap3A_108 : vector<1x16xf32> to vector<16xf32>
      %swap3A_110 = vector.shape_cast %mul3A_105 : vector<16xf32> to vector<1x16xf32>
      tpu.vector_store %arg15[%swap3A_106, %swap3A_107], %swap3A_110 {strides = array<i32>} : memref<128x64xf32, #tpu.memory_space<vmem>>, vector<1x16xf32>,
      %get3A_111 = arith.index_cast %scan3A_85 : i32 to index
      %get3A_112 = arith.constant 32 : index
      %get3A_113 = tpu.vector_load %arg15[%get3A_111, %get3A_112] {strides = array<i32>} : memref<128x64xf32, #tpu.memory_space<vmem>>, vector<1x16xf32>,
      %get3A_114 = vector.shape_cast %get3A_113 : vector<1x16xf32> to vector<16xf32>
      %mul3A_115 = vector.broadcast %squeeze3A : f32 to vector<16xf32>
      %mul3A_116 = arith.mulf %get3A_114, %mul3A_115 : vector<16xf32>
      %swap3A_117 = arith.index_cast %scan3A_85 : i32 to index
      %swap3A_118 = arith.constant 32 : index
      %swap3A_119 = tpu.vector_load %arg15[%swap3A_117, %swap3A_118] {strides = array<i32>} : memref<128x64xf32, #tpu.memory_space<vmem>>, vector<1x16xf32>,
      %swap3A_120 = vector.shape_cast %swap3A_119 : vector<1x16xf32> to vector<16xf32>
      %swap3A_121 = vector.shape_cast %mul3A_116 : vector<16xf32> to vector<1x16xf32>
      tpu.vector_store %arg15[%swap3A_117, %swap3A_118], %swap3A_121 {strides = array<i32>} : memref<128x64xf32, #tpu.memory_space<vmem>>, vector<1x16xf32>,
      %get3A_122 = arith.index_cast %scan3A_85 : i32 to index
      %get3A_123 = arith.constant 48 : index
      %get3A_124 = tpu.vector_load %arg15[%get3A_122, %get3A_123] {strides = array<i32>} : memref<128x64xf32, #tpu.memory_space<vmem>>, vector<1x16xf32>,
      %get3A_125 = vector.shape_cast %get3A_124 : vector<1x16xf32> to vector<16xf32>
      %mul3A_126 = vector.broadcast %squeeze3A : f32 to vector<16xf32>
      %mul3A_127 = arith.mulf %get3A_125, %mul3A_126 : vector<16xf32>
      %swap3A_128 = arith.index_cast %scan3A_85 : i32 to index
      %swap3A_129 = arith.constant 48 : index
      %swap3A_130 = tpu.vector_load %arg15[%swap3A_128, %swap3A_129] {strides = array<i32>} : memref<128x64xf32, #tpu.memory_space<vmem>>, vector<1x16xf32>,
      %swap3A_131 = vector.shape_cast %swap3A_130 : vector<1x16xf32> to vector<16xf32>
      %swap3A_132 = vector.shape_cast %mul3A_127 : vector<16xf32> to vector<1x16xf32>
      tpu.vector_store %arg15[%swap3A_128, %swap3A_129], %swap3A_132 {strides = array<i32>} : memref<128x64xf32, #tpu.memory_space<vmem>>, vector<1x16xf32>,
    }
    %scan3A_52 = arith.constant 128 : i32
    %add3A_53 = arith.constant 128 : i32
    %add3A_54 = arith.addi %mul3A_0, %add3A_53 : i32
    "tpu.region"() ({
      %run_scoped3A = tpu.sem_alloc : memref<!tpu.dma_semaphore, #tpu.memory_space<semaphore_mem>>
      %dma_start3A = arith.constant 0 : i32
      %dma_start3A_85 = arith.constant 0 : i32
      %dma_start3A_86 = tpu.memref_slice %arg15[%dma_start3A, %dma_start3A_85] : memref<128x64xf32, #tpu.memory_space<vmem>> -> memref<128x64xf32, #tpu.memory_space<vmem>>
      %dma_start3A_87 = arith.constant 0 : i32
      %dma_start3A_88 = tpu.memref_slice %arg7[%arg0, %add3A_54, %dma_start3A_87] : memref<2x10112x64xf32, #tpu.memory_space<hbm>> -> memref<1x128x64xf32, #tpu.memory_space<hbm>>
      %dma_start3A_89 = tpu.memref_squeeze %dma_start3A_88 : memref<1x128x64xf32, #tpu.memory_space<hbm>> -> memref<128x64xf32, #tpu.memory_space<hbm>>
      %dma_start3A_90 = arith.constant 0 : i32
      %dma_start3A_91 = tpu.memref_slice %arg7[%arg0, %add3A_54, %dma_start3A_90] : memref<2x10112x64xf32, #tpu.memory_space<hbm>> -> memref<1x128x64xf32, #tpu.memory_space<hbm>>
      %dma_start3A_92 = tpu.memref_squeeze %dma_start3A_91 : memref<1x128x64xf32, #tpu.memory_space<hbm>> -> memref<128x64xf32, #tpu.memory_space<hbm>>
      %dma_start3A_93 = arith.constant 0 : i32
      %dma_start3A_94 = arith.constant 0 : i32
      %dma_start3A_95 = tpu.memref_slice %arg15[%dma_start3A_93, %dma_start3A_94] : memref<128x64xf32, #tpu.memory_space<vmem>> -> memref<128x64xf32, #tpu.memory_space<vmem>>
      tpu.enqueue_dma source(%dma_start3A_95 : memref<128x64xf32, #tpu.memory_space<vmem>>) target(%dma_start3A_92 : memref<128x64xf32, #tpu.memory_space<hbm>>) target_semaphore(%run_scoped3A : memref<!tpu.dma_semaphore, #tpu.memory_space<semaphore_mem>>)
      %dma_wait3A = arith.constant 0 : i32
      %dma_wait3A_96 = arith.constant 0 : i32
      %dma_wait3A_97 = tpu.memref_slice %arg15[%dma_wait3A, %dma_wait3A_96] : memref<128x64xf32, #tpu.memory_space<vmem>> -> memref<128x64xf32, #tpu.memory_space<vmem>>
      %dma_wait3A_98 = arith.constant 0 : i32
      %dma_wait3A_99 = tpu.memref_slice %arg7[%arg0, %add3A_54, %dma_wait3A_98] : memref<2x10112x64xf32, #tpu.memory_space<hbm>> -> memref<1x128x64xf32, #tpu.memory_space<hbm>>
      %dma_wait3A_100 = tpu.memref_squeeze %dma_wait3A_99 : memref<1x128x64xf32, #tpu.memory_space<hbm>> -> memref<128x64xf32, #tpu.memory_space<hbm>>
      %dma_wait3A_101 = arith.constant 0 : i32
      %dma_wait3A_102 = tpu.memref_slice %arg7[%arg0, %add3A_54, %dma_wait3A_101] : memref<2x10112x64xf32, #tpu.memory_space<hbm>> -> memref<1x128x64xf32, #tpu.memory_space<hbm>>
      %dma_wait3A_103 = tpu.memref_squeeze %dma_wait3A_102 : memref<1x128x64xf32, #tpu.memory_space<hbm>> -> memref<128x64xf32, #tpu.memory_space<hbm>>
      %dma_wait3A_104 = arith.constant 0 : i32
      %dma_wait3A_105 = arith.constant 0 : i32
      %dma_wait3A_106 = tpu.memref_slice %arg15[%dma_wait3A_104, %dma_wait3A_105] : memref<128x64xf32, #tpu.memory_space<vmem>> -> memref<128x64xf32, #tpu.memory_space<vmem>>
      tpu.wait_dma2 semaphore(%run_scoped3A : memref<!tpu.dma_semaphore, #tpu.memory_space<semaphore_mem>>) src(%dma_wait3A_106 : memref<128x64xf32, #tpu.memory_space<vmem>>) dst(%dma_wait3A_103 : memref<128x64xf32, #tpu.memory_space<hbm>>)
      tpu.yield
    }) : () -> ()
    %add3A_55 = arith.constant 256 : i32
    %add3A_56 = arith.addi %mul3A_0, %add3A_55 : i32
    "tpu.region"() ({
      %run_scoped3A = tpu.sem_alloc : memref<!tpu.dma_semaphore, #tpu.memory_space<semaphore_mem>>
      %dma_start3A = arith.constant 0 : i32
      %dma_start3A_85 = arith.constant 0 : i32
      %dma_start3A_86 = tpu.memref_slice %arg15[%dma_start3A, %dma_start3A_85] : memref<128x64xf32, #tpu.memory_space<vmem>> -> memref<128x64xf32, #tpu.memory_space<vmem>>
      %dma_start3A_87 = arith.constant 0 : i32
      %dma_start3A_88 = tpu.memref_slice %arg27[%add3A_56, %dma_start3A_87] : memref<10112x64xf32, #tpu.memory_space<vmem_shared>> -> memref<128x64xf32, #tpu.memory_space<vmem_shared>>
      %dma_start3A_89 = arith.constant 0 : i32
      %dma_start3A_90 = arith.constant 0 : i32
      %dma_start3A_91 = tpu.memref_slice %arg15[%dma_start3A_89, %dma_start3A_90] : memref<128x64xf32, #tpu.memory_space<vmem>> -> memref<128x64xf32, #tpu.memory_space<vmem>>
      %dma_start3A_92 = arith.constant 0 : i32
      %dma_start3A_93 = tpu.memref_slice %arg27[%add3A_56, %dma_start3A_92] : memref<10112x64xf32, #tpu.memory_space<vmem_shared>> -> memref<128x64xf32, #tpu.memory_space<vmem_shared>>
      tpu.enqueue_dma source(%dma_start3A_93 : memref<128x64xf32, #tpu.memory_space<vmem_shared>>) target(%dma_start3A_91 : memref<128x64xf32, #tpu.memory_space<vmem>>) target_semaphore(%run_scoped3A : memref<!tpu.dma_semaphore, #tpu.memory_space<semaphore_mem>>)
      %dma_wait3A = arith.constant 0 : i32
      %dma_wait3A_94 = arith.constant 0 : i32
      %dma_wait3A_95 = tpu.memref_slice %arg15[%dma_wait3A, %dma_wait3A_94] : memref<128x64xf32, #tpu.memory_space<vmem>> -> memref<128x64xf32, #tpu.memory_space<vmem>>
      %dma_wait3A_96 = arith.constant 0 : i32
      %dma_wait3A_97 = tpu.memref_slice %arg27[%add3A_56, %dma_wait3A_96] : memref<10112x64xf32, #tpu.memory_space<vmem_shared>> -> memref<128x64xf32, #tpu.memory_space<vmem_shared>>
      %dma_wait3A_98 = arith.constant 0 : i32
      %dma_wait3A_99 = arith.constant 0 : i32
      %dma_wait3A_100 = tpu.memref_slice %arg15[%dma_wait3A_98, %dma_wait3A_99] : memref<128x64xf32, #tpu.memory_space<vmem>> -> memref<128x64xf32, #tpu.memory_space<vmem>>
      %dma_wait3A_101 = arith.constant 0 : i32
      %dma_wait3A_102 = tpu.memref_slice %arg27[%add3A_56, %dma_wait3A_101] : memref<10112x64xf32, #tpu.memory_space<vmem_shared>> -> memref<128x64xf32, #tpu.memory_space<vmem_shared>>
      tpu.wait_dma2 semaphore(%run_scoped3A : memref<!tpu.dma_semaphore, #tpu.memory_space<semaphore_mem>>) src(%dma_wait3A_102 : memref<128x64xf32, #tpu.memory_space<vmem_shared>>) dst(%dma_wait3A_100 : memref<128x64xf32, #tpu.memory_space<vmem>>)
      tpu.yield
    }) : () -> ()
    %scan3A_57 = arith.constant 0 : i32
    %scan3A_58 = arith.constant 0 : i32
    %scan3A_59 = arith.constant 128 : i32
    %scan3A_60 = arith.addi %scan3A_58, %scan3A_59 : i32
    %scan3A_61 = arith.constant 1 : i32
    scf.for %scan3A_85 = %scan3A_58 to %scan3A_60 step %scan3A_61  : i32 {
      %add3A_86 = arith.constant 256 : i32
      %add3A_87 = arith.addi %add3A_86, %scan3A_85 : i32
      %get3A = arith.index_cast %add3A_87 : i32 to index
      %get3A_88 = tpu.vector_load %arg16[%get3A] {strides = array<i32>} : memref<648xf32, #tpu.memory_space<vmem>>, vector<16xf32>,
      %get3A_89 = vector.shape_cast %get3A_88 : vector<16xf32> to vector<16xf32>
      %slice3A = vector.extract_strided_slice %get3A_89 {offsets = [0], sizes = [1], strides = [1]} : vector<16xf32> to vector<1xf32>
      %squeeze3A = vector.extract %slice3A[0] : f32 from vector<1xf32>
      %get3A_90 = arith.index_cast %scan3A_85 : i32 to index
      %get3A_91 = arith.constant 0 : index
      %get3A_92 = tpu.vector_load %arg15[%get3A_90, %get3A_91] {strides = array<i32>} : memref<128x64xf32, #tpu.memory_space<vmem>>, vector<1x16xf32>,
      %get3A_93 = vector.shape_cast %get3A_92 : vector<1x16xf32> to vector<16xf32>
      %mul3A_94 = vector.broadcast %squeeze3A : f32 to vector<16xf32>
      %mul3A_95 = arith.mulf %get3A_93, %mul3A_94 : vector<16xf32>
      %swap3A = arith.index_cast %scan3A_85 : i32 to index
      %swap3A_96 = arith.constant 0 : index
      %swap3A_97 = tpu.vector_load %arg15[%swap3A, %swap3A_96] {strides = array<i32>} : memref<128x64xf32, #tpu.memory_space<vmem>>, vector<1x16xf32>,
      %swap3A_98 = vector.shape_cast %swap3A_97 : vector<1x16xf32> to vector<16xf32>
      %swap3A_99 = vector.shape_cast %mul3A_95 : vector<16xf32> to vector<1x16xf32>
      tpu.vector_store %arg15[%swap3A, %swap3A_96], %swap3A_99 {strides = array<i32>} : memref<128x64xf32, #tpu.memory_space<vmem>>, vector<1x16xf32>,
      %get3A_100 = arith.index_cast %scan3A_85 : i32 to index
      %get3A_101 = arith.constant 16 : index
      %get3A_102 = tpu.vector_load %arg15[%get3A_100, %get3A_101] {strides = array<i32>} : memref<128x64xf32, #tpu.memory_space<vmem>>, vector<1x16xf32>,
      %get3A_103 = vector.shape_cast %get3A_102 : vector<1x16xf32> to vector<16xf32>
      %mul3A_104 = vector.broadcast %squeeze3A : f32 to vector<16xf32>
      %mul3A_105 = arith.mulf %get3A_103, %mul3A_104 : vector<16xf32>
      %swap3A_106 = arith.index_cast %scan3A_85 : i32 to index
      %swap3A_107 = arith.constant 16 : index
      %swap3A_108 = tpu.vector_load %arg15[%swap3A_106, %swap3A_107] {strides = array<i32>} : memref<128x64xf32, #tpu.memory_space<vmem>>, vector<1x16xf32>,
      %swap3A_109 = vector.shape_cast %swap3A_108 : vector<1x16xf32> to vector<16xf32>
      %swap3A_110 = vector.shape_cast %mul3A_105 : vector<16xf32> to vector<1x16xf32>
      tpu.vector_store %arg15[%swap3A_106, %swap3A_107], %swap3A_110 {strides = array<i32>} : memref<128x64xf32, #tpu.memory_space<vmem>>, vector<1x16xf32>,
      %get3A_111 = arith.index_cast %scan3A_85 : i32 to index
      %get3A_112 = arith.constant 32 : index
      %get3A_113 = tpu.vector_load %arg15[%get3A_111, %get3A_112] {strides = array<i32>} : memref<128x64xf32, #tpu.memory_space<vmem>>, vector<1x16xf32>,
      %get3A_114 = vector.shape_cast %get3A_113 : vector<1x16xf32> to vector<16xf32>
      %mul3A_115 = vector.broadcast %squeeze3A : f32 to vector<16xf32>
      %mul3A_116 = arith.mulf %get3A_114, %mul3A_115 : vector<16xf32>
      %swap3A_117 = arith.index_cast %scan3A_85 : i32 to index
      %swap3A_118 = arith.constant 32 : index
      %swap3A_119 = tpu.vector_load %arg15[%swap3A_117, %swap3A_118] {strides = array<i32>} : memref<128x64xf32, #tpu.memory_space<vmem>>, vector<1x16xf32>,
      %swap3A_120 = vector.shape_cast %swap3A_119 : vector<1x16xf32> to vector<16xf32>
      %swap3A_121 = vector.shape_cast %mul3A_116 : vector<16xf32> to vector<1x16xf32>
      tpu.vector_store %arg15[%swap3A_117, %swap3A_118], %swap3A_121 {strides = array<i32>} : memref<128x64xf32, #tpu.memory_space<vmem>>, vector<1x16xf32>,
      %get3A_122 = arith.index_cast %scan3A_85 : i32 to index
      %get3A_123 = arith.constant 48 : index
      %get3A_124 = tpu.vector_load %arg15[%get3A_122, %get3A_123] {strides = array<i32>} : memref<128x64xf32, #tpu.memory_space<vmem>>, vector<1x16xf32>,
      %get3A_125 = vector.shape_cast %get3A_124 : vector<1x16xf32> to vector<16xf32>
      %mul3A_126 = vector.broadcast %squeeze3A : f32 to vector<16xf32>
      %mul3A_127 = arith.mulf %get3A_125, %mul3A_126 : vector<16xf32>
      %swap3A_128 = arith.index_cast %scan3A_85 : i32 to index
      %swap3A_129 = arith.constant 48 : index
      %swap3A_130 = tpu.vector_load %arg15[%swap3A_128, %swap3A_129] {strides = array<i32>} : memref<128x64xf32, #tpu.memory_space<vmem>>, vector<1x16xf32>,
      %swap3A_131 = vector.shape_cast %swap3A_130 : vector<1x16xf32> to vector<16xf32>
      %swap3A_132 = vector.shape_cast %mul3A_127 : vector<16xf32> to vector<1x16xf32>
      tpu.vector_store %arg15[%swap3A_128, %swap3A_129], %swap3A_132 {strides = array<i32>} : memref<128x64xf32, #tpu.memory_space<vmem>>, vector<1x16xf32>,
    }
    %scan3A_62 = arith.constant 128 : i32
    %add3A_63 = arith.constant 256 : i32
    %add3A_64 = arith.addi %mul3A_0, %add3A_63 : i32
    "tpu.region"() ({
      %run_scoped3A = tpu.sem_alloc : memref<!tpu.dma_semaphore, #tpu.memory_space<semaphore_mem>>
      %dma_start3A = arith.constant 0 : i32
      %dma_start3A_85 = arith.constant 0 : i32
      %dma_start3A_86 = tpu.memref_slice %arg15[%dma_start3A, %dma_start3A_85] : memref<128x64xf32, #tpu.memory_space<vmem>> -> memref<128x64xf32, #tpu.memory_space<vmem>>
      %dma_start3A_87 = arith.constant 0 : i32
      %dma_start3A_88 = tpu.memref_slice %arg7[%arg0, %add3A_64, %dma_start3A_87] : memref<2x10112x64xf32, #tpu.memory_space<hbm>> -> memref<1x128x64xf32, #tpu.memory_space<hbm>>
      %dma_start3A_89 = tpu.memref_squeeze %dma_start3A_88 : memref<1x128x64xf32, #tpu.memory_space<hbm>> -> memref<128x64xf32, #tpu.memory_space<hbm>>
      %dma_start3A_90 = arith.constant 0 : i32
      %dma_start3A_91 = tpu.memref_slice %arg7[%arg0, %add3A_64, %dma_start3A_90] : memref<2x10112x64xf32, #tpu.memory_space<hbm>> -> memref<1x128x64xf32, #tpu.memory_space<hbm>>
      %dma_start3A_92 = tpu.memref_squeeze %dma_start3A_91 : memref<1x128x64xf32, #tpu.memory_space<hbm>> -> memref<128x64xf32, #tpu.memory_space<hbm>>
      %dma_start3A_93 = arith.constant 0 : i32
      %dma_start3A_94 = arith.constant 0 : i32
      %dma_start3A_95 = tpu.memref_slice %arg15[%dma_start3A_93, %dma_start3A_94] : memref<128x64xf32, #tpu.memory_space<vmem>> -> memref<128x64xf32, #tpu.memory_space<vmem>>
      tpu.enqueue_dma source(%dma_start3A_95 : memref<128x64xf32, #tpu.memory_space<vmem>>) target(%dma_start3A_92 : memref<128x64xf32, #tpu.memory_space<hbm>>) target_semaphore(%run_scoped3A : memref<!tpu.dma_semaphore, #tpu.memory_space<semaphore_mem>>)
      %dma_wait3A = arith.constant 0 : i32
      %dma_wait3A_96 = arith.constant 0 : i32
      %dma_wait3A_97 = tpu.memref_slice %arg15[%dma_wait3A, %dma_wait3A_96] : memref<128x64xf32, #tpu.memory_space<vmem>> -> memref<128x64xf32, #tpu.memory_space<vmem>>
      %dma_wait3A_98 = arith.constant 0 : i32
      %dma_wait3A_99 = tpu.memref_slice %arg7[%arg0, %add3A_64, %dma_wait3A_98] : memref<2x10112x64xf32, #tpu.memory_space<hbm>> -> memref<1x128x64xf32, #tpu.memory_space<hbm>>
      %dma_wait3A_100 = tpu.memref_squeeze %dma_wait3A_99 : memref<1x128x64xf32, #tpu.memory_space<hbm>> -> memref<128x64xf32, #tpu.memory_space<hbm>>
      %dma_wait3A_101 = arith.constant 0 : i32
      %dma_wait3A_102 = tpu.memref_slice %arg7[%arg0, %add3A_64, %dma_wait3A_101] : memref<2x10112x64xf32, #tpu.memory_space<hbm>> -> memref<1x128x64xf32, #tpu.memory_space<hbm>>
      %dma_wait3A_103 = tpu.memref_squeeze %dma_wait3A_102 : memref<1x128x64xf32, #tpu.memory_space<hbm>> -> memref<128x64xf32, #tpu.memory_space<hbm>>
      %dma_wait3A_104 = arith.constant 0 : i32
      %dma_wait3A_105 = arith.constant 0 : i32
      %dma_wait3A_106 = tpu.memref_slice %arg15[%dma_wait3A_104, %dma_wait3A_105] : memref<128x64xf32, #tpu.memory_space<vmem>> -> memref<128x64xf32, #tpu.memory_space<vmem>>
      tpu.wait_dma2 semaphore(%run_scoped3A : memref<!tpu.dma_semaphore, #tpu.memory_space<semaphore_mem>>) src(%dma_wait3A_106 : memref<128x64xf32, #tpu.memory_space<vmem>>) dst(%dma_wait3A_103 : memref<128x64xf32, #tpu.memory_space<hbm>>)
      tpu.yield
    }) : () -> ()
    %add3A_65 = arith.constant 384 : i32
    %add3A_66 = arith.addi %mul3A_0, %add3A_65 : i32
    "tpu.region"() ({
      %run_scoped3A = tpu.sem_alloc : memref<!tpu.dma_semaphore, #tpu.memory_space<semaphore_mem>>
      %dma_start3A = arith.constant 0 : i32
      %dma_start3A_85 = arith.constant 0 : i32
      %dma_start3A_86 = tpu.memref_slice %arg15[%dma_start3A, %dma_start3A_85] : memref<128x64xf32, #tpu.memory_space<vmem>> -> memref<128x64xf32, #tpu.memory_space<vmem>>
      %dma_start3A_87 = arith.constant 0 : i32
      %dma_start3A_88 = tpu.memref_slice %arg27[%add3A_66, %dma_start3A_87] : memref<10112x64xf32, #tpu.memory_space<vmem_shared>> -> memref<128x64xf32, #tpu.memory_space<vmem_shared>>
      %dma_start3A_89 = arith.constant 0 : i32
      %dma_start3A_90 = arith.constant 0 : i32
      %dma_start3A_91 = tpu.memref_slice %arg15[%dma_start3A_89, %dma_start3A_90] : memref<128x64xf32, #tpu.memory_space<vmem>> -> memref<128x64xf32, #tpu.memory_space<vmem>>
      %dma_start3A_92 = arith.constant 0 : i32
      %dma_start3A_93 = tpu.memref_slice %arg27[%add3A_66, %dma_start3A_92] : memref<10112x64xf32, #tpu.memory_space<vmem_shared>> -> memref<128x64xf32, #tpu.memory_space<vmem_shared>>
      tpu.enqueue_dma source(%dma_start3A_93 : memref<128x64xf32, #tpu.memory_space<vmem_shared>>) target(%dma_start3A_91 : memref<128x64xf32, #tpu.memory_space<vmem>>) target_semaphore(%run_scoped3A : memref<!tpu.dma_semaphore, #tpu.memory_space<semaphore_mem>>)
      %dma_wait3A = arith.constant 0 : i32
      %dma_wait3A_94 = arith.constant 0 : i32
      %dma_wait3A_95 = tpu.memref_slice %arg15[%dma_wait3A, %dma_wait3A_94] : memref<128x64xf32, #tpu.memory_space<vmem>> -> memref<128x64xf32, #tpu.memory_space<vmem>>
      %dma_wait3A_96 = arith.constant 0 : i32
      %dma_wait3A_97 = tpu.memref_slice %arg27[%add3A_66, %dma_wait3A_96] : memref<10112x64xf32, #tpu.memory_space<vmem_shared>> -> memref<128x64xf32, #tpu.memory_space<vmem_shared>>
      %dma_wait3A_98 = arith.constant 0 : i32
      %dma_wait3A_99 = arith.constant 0 : i32
      %dma_wait3A_100 = tpu.memref_slice %arg15[%dma_wait3A_98, %dma_wait3A_99] : memref<128x64xf32, #tpu.memory_space<vmem>> -> memref<128x64xf32, #tpu.memory_space<vmem>>
      %dma_wait3A_101 = arith.constant 0 : i32
      %dma_wait3A_102 = tpu.memref_slice %arg27[%add3A_66, %dma_wait3A_101] : memref<10112x64xf32, #tpu.memory_space<vmem_shared>> -> memref<128x64xf32, #tpu.memory_space<vmem_shared>>
      tpu.wait_dma2 semaphore(%run_scoped3A : memref<!tpu.dma_semaphore, #tpu.memory_space<semaphore_mem>>) src(%dma_wait3A_102 : memref<128x64xf32, #tpu.memory_space<vmem_shared>>) dst(%dma_wait3A_100 : memref<128x64xf32, #tpu.memory_space<vmem>>)
      tpu.yield
    }) : () -> ()
    %scan3A_67 = arith.constant 0 : i32
    %scan3A_68 = arith.constant 0 : i32
    %scan3A_69 = arith.constant 128 : i32
    %scan3A_70 = arith.addi %scan3A_68, %scan3A_69 : i32
    %scan3A_71 = arith.constant 1 : i32
    scf.for %scan3A_85 = %scan3A_68 to %scan3A_70 step %scan3A_71  : i32 {
      %add3A_86 = arith.constant 384 : i32
      %add3A_87 = arith.addi %add3A_86, %scan3A_85 : i32
      %get3A = arith.index_cast %add3A_87 : i32 to index
      %get3A_88 = tpu.vector_load %arg16[%get3A] {strides = array<i32>} : memref<648xf32, #tpu.memory_space<vmem>>, vector<16xf32>,
      %get3A_89 = vector.shape_cast %get3A_88 : vector<16xf32> to vector<16xf32>
      %slice3A = vector.extract_strided_slice %get3A_89 {offsets = [0], sizes = [1], strides = [1]} : vector<16xf32> to vector<1xf32>
      %squeeze3A = vector.extract %slice3A[0] : f32 from vector<1xf32>
      %get3A_90 = arith.index_cast %scan3A_85 : i32 to index
      %get3A_91 = arith.constant 0 : index
      %get3A_92 = tpu.vector_load %arg15[%get3A_90, %get3A_91] {strides = array<i32>} : memref<128x64xf32, #tpu.memory_space<vmem>>, vector<1x16xf32>,
      %get3A_93 = vector.shape_cast %get3A_92 : vector<1x16xf32> to vector<16xf32>
      %mul3A_94 = vector.broadcast %squeeze3A : f32 to vector<16xf32>
      %mul3A_95 = arith.mulf %get3A_93, %mul3A_94 : vector<16xf32>
      %swap3A = arith.index_cast %scan3A_85 : i32 to index
      %swap3A_96 = arith.constant 0 : index
      %swap3A_97 = tpu.vector_load %arg15[%swap3A, %swap3A_96] {strides = array<i32>} : memref<128x64xf32, #tpu.memory_space<vmem>>, vector<1x16xf32>,
      %swap3A_98 = vector.shape_cast %swap3A_97 : vector<1x16xf32> to vector<16xf32>
      %swap3A_99 = vector.shape_cast %mul3A_95 : vector<16xf32> to vector<1x16xf32>
      tpu.vector_store %arg15[%swap3A, %swap3A_96], %swap3A_99 {strides = array<i32>} : memref<128x64xf32, #tpu.memory_space<vmem>>, vector<1x16xf32>,
      %get3A_100 = arith.index_cast %scan3A_85 : i32 to index
      %get3A_101 = arith.constant 16 : index
      %get3A_102 = tpu.vector_load %arg15[%get3A_100, %get3A_101] {strides = array<i32>} : memref<128x64xf32, #tpu.memory_space<vmem>>, vector<1x16xf32>,
      %get3A_103 = vector.shape_cast %get3A_102 : vector<1x16xf32> to vector<16xf32>
      %mul3A_104 = vector.broadcast %squeeze3A : f32 to vector<16xf32>
      %mul3A_105 = arith.mulf %get3A_103, %mul3A_104 : vector<16xf32>
      %swap3A_106 = arith.index_cast %scan3A_85 : i32 to index
      %swap3A_107 = arith.constant 16 : index
      %swap3A_108 = tpu.vector_load %arg15[%swap3A_106, %swap3A_107] {strides = array<i32>} : memref<128x64xf32, #tpu.memory_space<vmem>>, vector<1x16xf32>,
      %swap3A_109 = vector.shape_cast %swap3A_108 : vector<1x16xf32> to vector<16xf32>
      %swap3A_110 = vector.shape_cast %mul3A_105 : vector<16xf32> to vector<1x16xf32>
      tpu.vector_store %arg15[%swap3A_106, %swap3A_107], %swap3A_110 {strides = array<i32>} : memref<128x64xf32, #tpu.memory_space<vmem>>, vector<1x16xf32>,
      %get3A_111 = arith.index_cast %scan3A_85 : i32 to index
      %get3A_112 = arith.constant 32 : index
      %get3A_113 = tpu.vector_load %arg15[%get3A_111, %get3A_112] {strides = array<i32>} : memref<128x64xf32, #tpu.memory_space<vmem>>, vector<1x16xf32>,
      %get3A_114 = vector.shape_cast %get3A_113 : vector<1x16xf32> to vector<16xf32>
      %mul3A_115 = vector.broadcast %squeeze3A : f32 to vector<16xf32>
      %mul3A_116 = arith.mulf %get3A_114, %mul3A_115 : vector<16xf32>
      %swap3A_117 = arith.index_cast %scan3A_85 : i32 to index
      %swap3A_118 = arith.constant 32 : index
      %swap3A_119 = tpu.vector_load %arg15[%swap3A_117, %swap3A_118] {strides = array<i32>} : memref<128x64xf32, #tpu.memory_space<vmem>>, vector<1x16xf32>,
      %swap3A_120 = vector.shape_cast %swap3A_119 : vector<1x16xf32> to vector<16xf32>
      %swap3A_121 = vector.shape_cast %mul3A_116 : vector<16xf32> to vector<1x16xf32>
      tpu.vector_store %arg15[%swap3A_117, %swap3A_118], %swap3A_121 {strides = array<i32>} : memref<128x64xf32, #tpu.memory_space<vmem>>, vector<1x16xf32>,
      %get3A_122 = arith.index_cast %scan3A_85 : i32 to index
      %get3A_123 = arith.constant 48 : index
      %get3A_124 = tpu.vector_load %arg15[%get3A_122, %get3A_123] {strides = array<i32>} : memref<128x64xf32, #tpu.memory_space<vmem>>, vector<1x16xf32>,
      %get3A_125 = vector.shape_cast %get3A_124 : vector<1x16xf32> to vector<16xf32>
      %mul3A_126 = vector.broadcast %squeeze3A : f32 to vector<16xf32>
      %mul3A_127 = arith.mulf %get3A_125, %mul3A_126 : vector<16xf32>
      %swap3A_128 = arith.index_cast %scan3A_85 : i32 to index
      %swap3A_129 = arith.constant 48 : index
      %swap3A_130 = tpu.vector_load %arg15[%swap3A_128, %swap3A_129] {strides = array<i32>} : memref<128x64xf32, #tpu.memory_space<vmem>>, vector<1x16xf32>,
      %swap3A_131 = vector.shape_cast %swap3A_130 : vector<1x16xf32> to vector<16xf32>
      %swap3A_132 = vector.shape_cast %mul3A_127 : vector<16xf32> to vector<1x16xf32>
      tpu.vector_store %arg15[%swap3A_128, %swap3A_129], %swap3A_132 {strides = array<i32>} : memref<128x64xf32, #tpu.memory_space<vmem>>, vector<1x16xf32>,
    }
    %scan3A_72 = arith.constant 128 : i32
    %add3A_73 = arith.constant 384 : i32
    %add3A_74 = arith.addi %mul3A_0, %add3A_73 : i32
    "tpu.region"() ({
      %run_scoped3A = tpu.sem_alloc : memref<!tpu.dma_semaphore, #tpu.memory_space<semaphore_mem>>
      %dma_start3A = arith.constant 0 : i32
      %dma_start3A_85 = arith.constant 0 : i32
      %dma_start3A_86 = tpu.memref_slice %arg15[%dma_start3A, %dma_start3A_85] : memref<128x64xf32, #tpu.memory_space<vmem>> -> memref<128x64xf32, #tpu.memory_space<vmem>>
      %dma_start3A_87 = arith.constant 0 : i32
      %dma_start3A_88 = tpu.memref_slice %arg7[%arg0, %add3A_74, %dma_start3A_87] : memref<2x10112x64xf32, #tpu.memory_space<hbm>> -> memref<1x128x64xf32, #tpu.memory_space<hbm>>
      %dma_start3A_89 = tpu.memref_squeeze %dma_start3A_88 : memref<1x128x64xf32, #tpu.memory_space<hbm>> -> memref<128x64xf32, #tpu.memory_space<hbm>>
      %dma_start3A_90 = arith.constant 0 : i32
      %dma_start3A_91 = tpu.memref_slice %arg7[%arg0, %add3A_74, %dma_start3A_90] : memref<2x10112x64xf32, #tpu.memory_space<hbm>> -> memref<1x128x64xf32, #tpu.memory_space<hbm>>
      %dma_start3A_92 = tpu.memref_squeeze %dma_start3A_91 : memref<1x128x64xf32, #tpu.memory_space<hbm>> -> memref<128x64xf32, #tpu.memory_space<hbm>>
      %dma_start3A_93 = arith.constant 0 : i32
      %dma_start3A_94 = arith.constant 0 : i32
      %dma_start3A_95 = tpu.memref_slice %arg15[%dma_start3A_93, %dma_start3A_94] : memref<128x64xf32, #tpu.memory_space<vmem>> -> memref<128x64xf32, #tpu.memory_space<vmem>>
      tpu.enqueue_dma source(%dma_start3A_95 : memref<128x64xf32, #tpu.memory_space<vmem>>) target(%dma_start3A_92 : memref<128x64xf32, #tpu.memory_space<hbm>>) target_semaphore(%run_scoped3A : memref<!tpu.dma_semaphore, #tpu.memory_space<semaphore_mem>>)
      %dma_wait3A = arith.constant 0 : i32
      %dma_wait3A_96 = arith.constant 0 : i32
      %dma_wait3A_97 = tpu.memref_slice %arg15[%dma_wait3A, %dma_wait3A_96] : memref<128x64xf32, #tpu.memory_space<vmem>> -> memref<128x64xf32, #tpu.memory_space<vmem>>
      %dma_wait3A_98 = arith.constant 0 : i32
      %dma_wait3A_99 = tpu.memref_slice %arg7[%arg0, %add3A_74, %dma_wait3A_98] : memref<2x10112x64xf32, #tpu.memory_space<hbm>> -> memref<1x128x64xf32, #tpu.memory_space<hbm>>
      %dma_wait3A_100 = tpu.memref_squeeze %dma_wait3A_99 : memref<1x128x64xf32, #tpu.memory_space<hbm>> -> memref<128x64xf32, #tpu.memory_space<hbm>>
      %dma_wait3A_101 = arith.constant 0 : i32
      %dma_wait3A_102 = tpu.memref_slice %arg7[%arg0, %add3A_74, %dma_wait3A_101] : memref<2x10112x64xf32, #tpu.memory_space<hbm>> -> memref<1x128x64xf32, #tpu.memory_space<hbm>>
      %dma_wait3A_103 = tpu.memref_squeeze %dma_wait3A_102 : memref<1x128x64xf32, #tpu.memory_space<hbm>> -> memref<128x64xf32, #tpu.memory_space<hbm>>
      %dma_wait3A_104 = arith.constant 0 : i32
      %dma_wait3A_105 = arith.constant 0 : i32
      %dma_wait3A_106 = tpu.memref_slice %arg15[%dma_wait3A_104, %dma_wait3A_105] : memref<128x64xf32, #tpu.memory_space<vmem>> -> memref<128x64xf32, #tpu.memory_space<vmem>>
      tpu.wait_dma2 semaphore(%run_scoped3A : memref<!tpu.dma_semaphore, #tpu.memory_space<semaphore_mem>>) src(%dma_wait3A_106 : memref<128x64xf32, #tpu.memory_space<vmem>>) dst(%dma_wait3A_103 : memref<128x64xf32, #tpu.memory_space<hbm>>)
      tpu.yield
    }) : () -> ()
    %add3A_75 = arith.constant 512 : i32
    %add3A_76 = arith.addi %mul3A_0, %add3A_75 : i32
    "tpu.region"() ({
      %run_scoped3A = tpu.sem_alloc : memref<!tpu.dma_semaphore, #tpu.memory_space<semaphore_mem>>
      %dma_start3A = arith.constant 0 : i32
      %dma_start3A_85 = arith.constant 0 : i32
      %dma_start3A_86 = tpu.memref_slice %arg15[%dma_start3A, %dma_start3A_85] : memref<128x64xf32, #tpu.memory_space<vmem>> -> memref<120x64xf32, #tpu.memory_space<vmem>>
      %dma_start3A_87 = arith.constant 0 : i32
      %dma_start3A_88 = tpu.memref_slice %arg27[%add3A_76, %dma_start3A_87] : memref<10112x64xf32, #tpu.memory_space<vmem_shared>> -> memref<120x64xf32, #tpu.memory_space<vmem_shared>>
      %dma_start3A_89 = arith.constant 0 : i32
      %dma_start3A_90 = arith.constant 0 : i32
      %dma_start3A_91 = tpu.memref_slice %arg15[%dma_start3A_89, %dma_start3A_90] : memref<128x64xf32, #tpu.memory_space<vmem>> -> memref<120x64xf32, #tpu.memory_space<vmem>>
      %dma_start3A_92 = arith.constant 0 : i32
      %dma_start3A_93 = tpu.memref_slice %arg27[%add3A_76, %dma_start3A_92] : memref<10112x64xf32, #tpu.memory_space<vmem_shared>> -> memref<120x64xf32, #tpu.memory_space<vmem_shared>>
      tpu.enqueue_dma source(%dma_start3A_93 : memref<120x64xf32, #tpu.memory_space<vmem_shared>>) target(%dma_start3A_91 : memref<120x64xf32, #tpu.memory_space<vmem>>) target_semaphore(%run_scoped3A : memref<!tpu.dma_semaphore, #tpu.memory_space<semaphore_mem>>)
      %dma_wait3A = arith.constant 0 : i32
      %dma_wait3A_94 = arith.constant 0 : i32
      %dma_wait3A_95 = tpu.memref_slice %arg15[%dma_wait3A, %dma_wait3A_94] : memref<128x64xf32, #tpu.memory_space<vmem>> -> memref<120x64xf32, #tpu.memory_space<vmem>>
      %dma_wait3A_96 = arith.constant 0 : i32
      %dma_wait3A_97 = tpu.memref_slice %arg27[%add3A_76, %dma_wait3A_96] : memref<10112x64xf32, #tpu.memory_space<vmem_shared>> -> memref<120x64xf32, #tpu.memory_space<vmem_shared>>
      %dma_wait3A_98 = arith.constant 0 : i32
      %dma_wait3A_99 = arith.constant 0 : i32
      %dma_wait3A_100 = tpu.memref_slice %arg15[%dma_wait3A_98, %dma_wait3A_99] : memref<128x64xf32, #tpu.memory_space<vmem>> -> memref<120x64xf32, #tpu.memory_space<vmem>>
      %dma_wait3A_101 = arith.constant 0 : i32
      %dma_wait3A_102 = tpu.memref_slice %arg27[%add3A_76, %dma_wait3A_101] : memref<10112x64xf32, #tpu.memory_space<vmem_shared>> -> memref<120x64xf32, #tpu.memory_space<vmem_shared>>
      tpu.wait_dma2 semaphore(%run_scoped3A : memref<!tpu.dma_semaphore, #tpu.memory_space<semaphore_mem>>) src(%dma_wait3A_102 : memref<120x64xf32, #tpu.memory_space<vmem_shared>>) dst(%dma_wait3A_100 : memref<120x64xf32, #tpu.memory_space<vmem>>)
      tpu.yield
    }) : () -> ()
    %scan3A_77 = arith.constant 0 : i32
    %scan3A_78 = arith.constant 0 : i32
    %scan3A_79 = arith.constant 120 : i32
    %scan3A_80 = arith.addi %scan3A_78, %scan3A_79 : i32
    %scan3A_81 = arith.constant 1 : i32
    scf.for %scan3A_85 = %scan3A_78 to %scan3A_80 step %scan3A_81  : i32 {
      %add3A_86 = arith.constant 512 : i32
      %add3A_87 = arith.addi %add3A_86, %scan3A_85 : i32
      %get3A = arith.index_cast %add3A_87 : i32 to index
      %get3A_88 = tpu.vector_load %arg16[%get3A] {strides = array<i32>} : memref<648xf32, #tpu.memory_space<vmem>>, vector<16xf32>,
      %get3A_89 = vector.shape_cast %get3A_88 : vector<16xf32> to vector<16xf32>
      %slice3A = vector.extract_strided_slice %get3A_89 {offsets = [0], sizes = [1], strides = [1]} : vector<16xf32> to vector<1xf32>
      %squeeze3A = vector.extract %slice3A[0] : f32 from vector<1xf32>
      %get3A_90 = arith.index_cast %scan3A_85 : i32 to index
      %get3A_91 = arith.constant 0 : index
      %get3A_92 = tpu.vector_load %arg15[%get3A_90, %get3A_91] {strides = array<i32>} : memref<128x64xf32, #tpu.memory_space<vmem>>, vector<1x16xf32>,
      %get3A_93 = vector.shape_cast %get3A_92 : vector<1x16xf32> to vector<16xf32>
      %mul3A_94 = vector.broadcast %squeeze3A : f32 to vector<16xf32>
      %mul3A_95 = arith.mulf %get3A_93, %mul3A_94 : vector<16xf32>
      %swap3A = arith.index_cast %scan3A_85 : i32 to index
      %swap3A_96 = arith.constant 0 : index
      %swap3A_97 = tpu.vector_load %arg15[%swap3A, %swap3A_96] {strides = array<i32>} : memref<128x64xf32, #tpu.memory_space<vmem>>, vector<1x16xf32>,
      %swap3A_98 = vector.shape_cast %swap3A_97 : vector<1x16xf32> to vector<16xf32>
      %swap3A_99 = vector.shape_cast %mul3A_95 : vector<16xf32> to vector<1x16xf32>
      tpu.vector_store %arg15[%swap3A, %swap3A_96], %swap3A_99 {strides = array<i32>} : memref<128x64xf32, #tpu.memory_space<vmem>>, vector<1x16xf32>,
      %get3A_100 = arith.index_cast %scan3A_85 : i32 to index
      %get3A_101 = arith.constant 16 : index
      %get3A_102 = tpu.vector_load %arg15[%get3A_100, %get3A_101] {strides = array<i32>} : memref<128x64xf32, #tpu.memory_space<vmem>>, vector<1x16xf32>,
      %get3A_103 = vector.shape_cast %get3A_102 : vector<1x16xf32> to vector<16xf32>
      %mul3A_104 = vector.broadcast %squeeze3A : f32 to vector<16xf32>
      %mul3A_105 = arith.mulf %get3A_103, %mul3A_104 : vector<16xf32>
      %swap3A_106 = arith.index_cast %scan3A_85 : i32 to index
      %swap3A_107 = arith.constant 16 : index
      %swap3A_108 = tpu.vector_load %arg15[%swap3A_106, %swap3A_107] {strides = array<i32>} : memref<128x64xf32, #tpu.memory_space<vmem>>, vector<1x16xf32>,
      %swap3A_109 = vector.shape_cast %swap3A_108 : vector<1x16xf32> to vector<16xf32>
      %swap3A_110 = vector.shape_cast %mul3A_105 : vector<16xf32> to vector<1x16xf32>
      tpu.vector_store %arg15[%swap3A_106, %swap3A_107], %swap3A_110 {strides = array<i32>} : memref<128x64xf32, #tpu.memory_space<vmem>>, vector<1x16xf32>,
      %get3A_111 = arith.index_cast %scan3A_85 : i32 to index
      %get3A_112 = arith.constant 32 : index
      %get3A_113 = tpu.vector_load %arg15[%get3A_111, %get3A_112] {strides = array<i32>} : memref<128x64xf32, #tpu.memory_space<vmem>>, vector<1x16xf32>,
      %get3A_114 = vector.shape_cast %get3A_113 : vector<1x16xf32> to vector<16xf32>
      %mul3A_115 = vector.broadcast %squeeze3A : f32 to vector<16xf32>
      %mul3A_116 = arith.mulf %get3A_114, %mul3A_115 : vector<16xf32>
      %swap3A_117 = arith.index_cast %scan3A_85 : i32 to index
      %swap3A_118 = arith.constant 32 : index
      %swap3A_119 = tpu.vector_load %arg15[%swap3A_117, %swap3A_118] {strides = array<i32>} : memref<128x64xf32, #tpu.memory_space<vmem>>, vector<1x16xf32>,
      %swap3A_120 = vector.shape_cast %swap3A_119 : vector<1x16xf32> to vector<16xf32>
      %swap3A_121 = vector.shape_cast %mul3A_116 : vector<16xf32> to vector<1x16xf32>
      tpu.vector_store %arg15[%swap3A_117, %swap3A_118], %swap3A_121 {strides = array<i32>} : memref<128x64xf32, #tpu.memory_space<vmem>>, vector<1x16xf32>,
      %get3A_122 = arith.index_cast %scan3A_85 : i32 to index
      %get3A_123 = arith.constant 48 : index
      %get3A_124 = tpu.vector_load %arg15[%get3A_122, %get3A_123] {strides = array<i32>} : memref<128x64xf32, #tpu.memory_space<vmem>>, vector<1x16xf32>,
      %get3A_125 = vector.shape_cast %get3A_124 : vector<1x16xf32> to vector<16xf32>
      %mul3A_126 = vector.broadcast %squeeze3A : f32 to vector<16xf32>
      %mul3A_127 = arith.mulf %get3A_125, %mul3A_126 : vector<16xf32>
      %swap3A_128 = arith.index_cast %scan3A_85 : i32 to index
      %swap3A_129 = arith.constant 48 : index
      %swap3A_130 = tpu.vector_load %arg15[%swap3A_128, %swap3A_129] {strides = array<i32>} : memref<128x64xf32, #tpu.memory_space<vmem>>, vector<1x16xf32>,
      %swap3A_131 = vector.shape_cast %swap3A_130 : vector<1x16xf32> to vector<16xf32>
      %swap3A_132 = vector.shape_cast %mul3A_127 : vector<16xf32> to vector<1x16xf32>
      tpu.vector_store %arg15[%swap3A_128, %swap3A_129], %swap3A_132 {strides = array<i32>} : memref<128x64xf32, #tpu.memory_space<vmem>>, vector<1x16xf32>,
    }
    %scan3A_82 = arith.constant 120 : i32
    %add3A_83 = arith.constant 512 : i32
    %add3A_84 = arith.addi %mul3A_0, %add3A_83 : i32
    "tpu.region"() ({
      %run_scoped3A = tpu.sem_alloc : memref<!tpu.dma_semaphore, #tpu.memory_space<semaphore_mem>>
      %dma_start3A = arith.constant 0 : i32
      %dma_start3A_85 = arith.constant 0 : i32
      %dma_start3A_86 = tpu.memref_slice %arg15[%dma_start3A, %dma_start3A_85] : memref<128x64xf32, #tpu.memory_space<vmem>> -> memref<120x64xf32, #tpu.memory_space<vmem>>
      %dma_start3A_87 = arith.constant 0 : i32
      %dma_start3A_88 = tpu.memref_slice %arg7[%arg0, %add3A_84, %dma_start3A_87] : memref<2x10112x64xf32, #tpu.memory_space<hbm>> -> memref<1x120x64xf32, #tpu.memory_space<hbm>>
      %dma_start3A_89 = tpu.memref_squeeze %dma_start3A_88 : memref<1x120x64xf32, #tpu.memory_space<hbm>> -> memref<120x64xf32, #tpu.memory_space<hbm>>
      %dma_start3A_90 = arith.constant 0 : i32
      %dma_start3A_91 = tpu.memref_slice %arg7[%arg0, %add3A_84, %dma_start3A_90] : memref<2x10112x64xf32, #tpu.memory_space<hbm>> -> memref<1x120x64xf32, #tpu.memory_space<hbm>>
      %dma_start3A_92 = tpu.memref_squeeze %dma_start3A_91 : memref<1x120x64xf32, #tpu.memory_space<hbm>> -> memref<120x64xf32, #tpu.memory_space<hbm>>
      %dma_start3A_93 = arith.constant 0 : i32
      %dma_start3A_94 = arith.constant 0 : i32
      %dma_start3A_95 = tpu.memref_slice %arg15[%dma_start3A_93, %dma_start3A_94] : memref<128x64xf32, #tpu.memory_space<vmem>> -> memref<120x64xf32, #tpu.memory_space<vmem>>
      tpu.enqueue_dma source(%dma_start3A_95 : memref<120x64xf32, #tpu.memory_space<vmem>>) target(%dma_start3A_92 : memref<120x64xf32, #tpu.memory_space<hbm>>) target_semaphore(%run_scoped3A : memref<!tpu.dma_semaphore, #tpu.memory_space<semaphore_mem>>)
      %dma_wait3A = arith.constant 0 : i32
      %dma_wait3A_96 = arith.constant 0 : i32
      %dma_wait3A_97 = tpu.memref_slice %arg15[%dma_wait3A, %dma_wait3A_96] : memref<128x64xf32, #tpu.memory_space<vmem>> -> memref<120x64xf32, #tpu.memory_space<vmem>>
      %dma_wait3A_98 = arith.constant 0 : i32
      %dma_wait3A_99 = tpu.memref_slice %arg7[%arg0, %add3A_84, %dma_wait3A_98] : memref<2x10112x64xf32, #tpu.memory_space<hbm>> -> memref<1x120x64xf32, #tpu.memory_space<hbm>>
      %dma_wait3A_100 = tpu.memref_squeeze %dma_wait3A_99 : memref<1x120x64xf32, #tpu.memory_space<hbm>> -> memref<120x64xf32, #tpu.memory_space<hbm>>
      %dma_wait3A_101 = arith.constant 0 : i32
      %dma_wait3A_102 = tpu.memref_slice %arg7[%arg0, %add3A_84, %dma_wait3A_101] : memref<2x10112x64xf32, #tpu.memory_space<hbm>> -> memref<1x120x64xf32, #tpu.memory_space<hbm>>
      %dma_wait3A_103 = tpu.memref_squeeze %dma_wait3A_102 : memref<1x120x64xf32, #tpu.memory_space<hbm>> -> memref<120x64xf32, #tpu.memory_space<hbm>>
      %dma_wait3A_104 = arith.constant 0 : i32
      %dma_wait3A_105 = arith.constant 0 : i32
      %dma_wait3A_106 = tpu.memref_slice %arg15[%dma_wait3A_104, %dma_wait3A_105] : memref<128x64xf32, #tpu.memory_space<vmem>> -> memref<120x64xf32, #tpu.memory_space<vmem>>
      tpu.wait_dma2 semaphore(%run_scoped3A : memref<!tpu.dma_semaphore, #tpu.memory_space<semaphore_mem>>) src(%dma_wait3A_106 : memref<120x64xf32, #tpu.memory_space<vmem>>) dst(%dma_wait3A_103 : memref<120x64xf32, #tpu.memory_space<hbm>>)
      tpu.yield
    }) : () -> ()
    return
  }
}

module attributes {stable_mosaic.version = 14 : i64} {
  func.func @_pre_body(%arg0: i32, %arg1: memref<2528x128xf32, #tpu.memory_space<vmem>>, %arg2: memref<2528x1xf32, #tpu.memory_space<vmem>>, %arg3: memref<1x10112xf32, #tpu.memory_space<vmem>>, %arg4: memref<2528x64xf32, #tpu.memory_space<vmem>>, %arg5: memref<2528x64xf32, #tpu.memory_space<vmem>>, %arg6: memref<1x10112xf32, #tpu.memory_space<vmem>>) attributes {dimension_semantics = [#tpu.dimension_semantics<arbitrary>], iteration_bounds = array<i64: 4>, scalar_prefetch = 0 : i64, scratch_operands = 0 : i64, tpu.core_type = #tpu.core_type<tc>, window_params = [{transform_indices = @transform_0, window_bounds = array<i64: 2528, 128>}, {transform_indices = @transform_1, window_bounds = array<i64: 2528, 1>}, {pipeline_mode = #tpu.pipeline_mode<synchronous>, transform_indices = @transform_2, window_bounds = array<i64: 1, 10112>}, {transform_indices = @transform_3, window_bounds = array<i64: 2528, 64>}, {transform_indices = @transform_4, window_bounds = array<i64: 2528, 64>}, {pipeline_mode = #tpu.pipeline_mode<synchronous>, transform_indices = @transform_5, window_bounds = array<i64: 1, 10112>}]} {
    %get3A = arith.constant 0 : index
    %get3A_0 = arith.constant 0 : index
    %get3A_1 = vector.load %arg2[%get3A, %get3A_0] : memref<2528x1xf32, #tpu.memory_space<vmem>>, vector<2528x1xf32>
    %max3A = arith.constant 1.000000e+00 : f32
    %max3A_2 = vector.broadcast %max3A : f32 to vector<2528x1xf32>
    %max3A_3 = arith.maximumf %get3A_1, %max3A_2 : vector<2528x1xf32>
    %rsqrt3A = math.rsqrt %max3A_3 : vector<2528x1xf32>
    %get3A_4 = arith.constant 0 : index
    %get3A_5 = arith.constant 0 : index
    %get3A_6 = vector.load %arg1[%get3A_4, %get3A_5] : memref<2528x128xf32, #tpu.memory_space<vmem>>, vector<2528x128xf32>
    %mul3A = vector.broadcast %rsqrt3A : vector<2528x1xf32> to vector<2528x128xf32>
    %mul3A_7 = arith.mulf %get3A_6, %mul3A : vector<2528x128xf32>
    %slice3A = vector.extract_strided_slice %mul3A_7 {offsets = [0, 0], sizes = [2528, 64], strides = [1, 1]} : vector<2528x128xf32> to vector<2528x64xf32>
    %swap3A = arith.constant 0 : index
    %swap3A_8 = arith.constant 0 : index
    %swap3A_9 = vector.load %arg4[%swap3A, %swap3A_8] : memref<2528x64xf32, #tpu.memory_space<vmem>>, vector<2528x64xf32>
    tpu.vector_store %arg4[%swap3A, %swap3A_8], %slice3A {strides = array<i32>} : memref<2528x64xf32, #tpu.memory_space<vmem>>, vector<2528x64xf32>,
    %slice3A_10 = vector.extract_strided_slice %mul3A_7 {offsets = [0, 64], sizes = [2528, 64], strides = [1, 1]} : vector<2528x128xf32> to vector<2528x64xf32>
    %swap3A_11 = arith.constant 0 : index
    %swap3A_12 = arith.constant 0 : index
    %swap3A_13 = vector.load %arg5[%swap3A_11, %swap3A_12] : memref<2528x64xf32, #tpu.memory_space<vmem>>, vector<2528x64xf32>
    tpu.vector_store %arg5[%swap3A_11, %swap3A_12], %slice3A_10 {strides = array<i32>} : memref<2528x64xf32, #tpu.memory_space<vmem>>, vector<2528x64xf32>,
    %get3A_14 = arith.constant 0 : index
    %get3A_15 = arith.constant 0 : index
    %get3A_16 = vector.load %arg3[%get3A_14, %get3A_15] : memref<1x10112xf32, #tpu.memory_space<vmem>>, vector<1x10112xf32>
    %max3A_17 = arith.constant 1.000000e+00 : f32
    %max3A_18 = vector.broadcast %max3A_17 : f32 to vector<1x10112xf32>
    %max3A_19 = arith.maximumf %get3A_16, %max3A_18 : vector<1x10112xf32>
    %rsqrt3A_20 = math.rsqrt %max3A_19 : vector<1x10112xf32>
    %swap3A_21 = arith.constant 0 : index
    %swap3A_22 = arith.constant 0 : index
    %swap3A_23 = vector.load %arg6[%swap3A_21, %swap3A_22] : memref<1x10112xf32, #tpu.memory_space<vmem>>, vector<1x10112xf32>
    tpu.vector_store %arg6[%swap3A_21, %swap3A_22], %rsqrt3A_20 {strides = array<i32>} : memref<1x10112xf32, #tpu.memory_space<vmem>>, vector<1x10112xf32>,
    return
  }
  func.func @transform_0(%arg0: i32) -> (i32, i32) {
    %c0_i32 = arith.constant 0 : i32
    %c0_i32_0 = arith.constant 0 : i32
    return %arg0, %c0_i32 : i32, i32
  }
  func.func @transform_1(%arg0: i32) -> (i32, i32) {
    %c0_i32 = arith.constant 0 : i32
    %c0_i32_0 = arith.constant 0 : i32
    return %arg0, %c0_i32 : i32, i32
  }
  func.func @transform_2(%arg0: i32) -> (i32, i32) {
    %c0_i32 = arith.constant 0 : i32
    %c0_i32_0 = arith.constant 0 : i32
    %c0_i32_1 = arith.constant 0 : i32
    return %c0_i32, %c0_i32_0 : i32, i32
  }
  func.func @transform_3(%arg0: i32) -> (i32, i32) {
    %c0_i32 = arith.constant 0 : i32
    %c0_i32_0 = arith.constant 0 : i32
    return %arg0, %c0_i32 : i32, i32
  }
  func.func @transform_4(%arg0: i32) -> (i32, i32) {
    %c0_i32 = arith.constant 0 : i32
    %c0_i32_0 = arith.constant 0 : i32
    return %arg0, %c0_i32 : i32, i32
  }
  func.func @transform_5(%arg0: i32) -> (i32, i32) {
    %c0_i32 = arith.constant 0 : i32
    %c0_i32_0 = arith.constant 0 : i32
    %c0_i32_1 = arith.constant 0 : i32
    return %c0_i32, %c0_i32_0 : i32, i32
  }
}

module attributes {stable_mosaic.version = 14 : i64} {
  func.func @_layer1_body(%arg0: i32, %arg1: memref<2528x64xf32, #tpu.memory_space<vmem>>, %arg2: memref<2528x64xf32, #tpu.memory_space<vmem>>, %arg3: memref<128x128xf32, #tpu.memory_space<vmem>>, %arg4: memref<1x128xf32, #tpu.memory_space<vmem>>, %arg5: memref<2528x1xf32, #tpu.memory_space<vmem>>, %arg6: memref<2528x64xf32, #tpu.memory_space<vmem>>, %arg7: memref<2528x64xf32, #tpu.memory_space<vmem>>) attributes {dimension_semantics = [#tpu.dimension_semantics<arbitrary>], iteration_bounds = array<i64: 4>, scalar_prefetch = 0 : i64, scratch_operands = 0 : i64, tpu.core_type = #tpu.core_type<tc>, window_params = [{transform_indices = @transform_0, window_bounds = array<i64: 2528, 64>}, {transform_indices = @transform_1, window_bounds = array<i64: 2528, 64>}, {pipeline_mode = #tpu.pipeline_mode<synchronous>, transform_indices = @transform_2, window_bounds = array<i64: 128, 128>}, {pipeline_mode = #tpu.pipeline_mode<synchronous>, transform_indices = @transform_3, window_bounds = array<i64: 1, 128>}, {transform_indices = @transform_4, window_bounds = array<i64: 2528, 1>}, {transform_indices = @transform_5, window_bounds = array<i64: 2528, 64>}, {transform_indices = @transform_6, window_bounds = array<i64: 2528, 64>}]} {
    %get3A = arith.constant 0 : index
    %get3A_0 = arith.constant 0 : index
    %get3A_1 = vector.load %arg1[%get3A, %get3A_0] : memref<2528x64xf32, #tpu.memory_space<vmem>>, vector<2528x64xf32>
    %get3A_2 = arith.constant 0 : index
    %get3A_3 = arith.constant 0 : index
    %get3A_4 = vector.load %arg3[%get3A_2, %get3A_3] : memref<128x128xf32, #tpu.memory_space<vmem>>, vector<64x128xf32>
    %dot_general3A = arith.constant dense<0.000000e+00> : vector<2528x128xf32>
    %dot_general3A_5 = tpu.matmul %get3A_1, %get3A_4, %dot_general3A {dimension_numbers = #tpu.dot_dimension_numbers<[1], [0], [0], [1], [0, 0, 1, 1], [], []>, precision = #tpu.contract_precision<fp32>, transpose_lhs_hint = false} : vector<2528x64xf32>, vector<64x128xf32>, vector<2528x128xf32> -> vector<2528x128xf32>
    %get3A_6 = arith.constant 0 : index
    %get3A_7 = arith.constant 0 : index
    %get3A_8 = vector.load %arg2[%get3A_6, %get3A_7] : memref<2528x64xf32, #tpu.memory_space<vmem>>, vector<2528x64xf32>
    %get3A_9 = arith.constant 64 : index
    %get3A_10 = arith.constant 0 : index
    %get3A_11 = vector.load %arg3[%get3A_9, %get3A_10] : memref<128x128xf32, #tpu.memory_space<vmem>>, vector<64x128xf32>
    %dot_general3A_12 = arith.constant dense<0.000000e+00> : vector<2528x128xf32>
    %dot_general3A_13 = tpu.matmul %get3A_8, %get3A_11, %dot_general3A_12 {dimension_numbers = #tpu.dot_dimension_numbers<[1], [0], [0], [1], [0, 0, 1, 1], [], []>, precision = #tpu.contract_precision<fp32>, transpose_lhs_hint = false} : vector<2528x64xf32>, vector<64x128xf32>, vector<2528x128xf32> -> vector<2528x128xf32>
    %add3A = arith.addf %dot_general3A_5, %dot_general3A_13 : vector<2528x128xf32>
    %get3A_14 = arith.constant 0 : index
    %get3A_15 = arith.constant 0 : index
    %get3A_16 = vector.load %arg4[%get3A_14, %get3A_15] : memref<1x128xf32, #tpu.memory_space<vmem>>, vector<1x128xf32>
    %add3A_17 = vector.broadcast %get3A_16 : vector<1x128xf32> to vector<2528x128xf32>
    %add3A_18 = arith.addf %add3A, %add3A_17 : vector<2528x128xf32>
    %max3A = arith.constant 0.000000e+00 : f32
    %max3A_19 = vector.broadcast %max3A : f32 to vector<2528x128xf32>
    %max3A_20 = arith.maximumf %add3A_18, %max3A_19 : vector<2528x128xf32>
    %get3A_21 = arith.constant 0 : index
    %get3A_22 = arith.constant 0 : index
    %get3A_23 = vector.load %arg5[%get3A_21, %get3A_22] : memref<2528x1xf32, #tpu.memory_space<vmem>>, vector<2528x1xf32>
    %max3A_24 = arith.constant 1.000000e+00 : f32
    %max3A_25 = vector.broadcast %max3A_24 : f32 to vector<2528x1xf32>
    %max3A_26 = arith.maximumf %get3A_23, %max3A_25 : vector<2528x1xf32>
    %rsqrt3A = math.rsqrt %max3A_26 : vector<2528x1xf32>
    %mul3A = arith.constant 2528 : i32
    %mul3A_27 = arith.muli %arg0, %mul3A : i32
    %iota3A = tpu.iota {dimensions = array<i32: 0>} : vector<2528x1xi32>
    %add3A_28 = vector.broadcast %mul3A_27 : i32 to vector<2528x1xi32>
    %add3A_29 = arith.addi %add3A_28, %iota3A : vector<2528x1xi32>
    %lt3A = arith.constant 10000 : i32
    %lt3A_30 = vector.broadcast %lt3A : i32 to vector<2528x1xi32>
    %lt3A_31 = arith.cmpi slt, %add3A_29, %lt3A_30 : vector<2528x1xi32>
    %mul3A_32 = vector.broadcast %rsqrt3A : vector<2528x1xf32> to vector<2528x128xf32>
    %mul3A_33 = arith.mulf %max3A_20, %mul3A_32 : vector<2528x128xf32>
    %jit3A = arith.constant 0.000000e+00 : f32
    %broadcast_in_dim3A = vector.shape_cast %lt3A_31 : vector<2528x1xi1> to vector<2528x1xi1>
    %broadcast_in_dim3A_34 = vector.broadcast %broadcast_in_dim3A : vector<2528x1xi1> to vector<2528x128xi1>
    %broadcast_in_dim3A_35 = vector.broadcast %jit3A : f32 to vector<2528x128xf32>
    %select_n3A = arith.select %broadcast_in_dim3A_34, %mul3A_33, %broadcast_in_dim3A_35 : vector<2528x128xi1>, vector<2528x128xf32>
    %slice3A = vector.extract_strided_slice %select_n3A {offsets = [0, 0], sizes = [2528, 64], strides = [1, 1]} : vector<2528x128xf32> to vector<2528x64xf32>
    %swap3A = arith.constant 0 : index
    %swap3A_36 = arith.constant 0 : index
    %swap3A_37 = vector.load %arg6[%swap3A, %swap3A_36] : memref<2528x64xf32, #tpu.memory_space<vmem>>, vector<2528x64xf32>
    tpu.vector_store %arg6[%swap3A, %swap3A_36], %slice3A {strides = array<i32>} : memref<2528x64xf32, #tpu.memory_space<vmem>>, vector<2528x64xf32>,
    %slice3A_38 = vector.extract_strided_slice %select_n3A {offsets = [0, 64], sizes = [2528, 64], strides = [1, 1]} : vector<2528x128xf32> to vector<2528x64xf32>
    %swap3A_39 = arith.constant 0 : index
    %swap3A_40 = arith.constant 0 : index
    %swap3A_41 = vector.load %arg7[%swap3A_39, %swap3A_40] : memref<2528x64xf32, #tpu.memory_space<vmem>>, vector<2528x64xf32>
    tpu.vector_store %arg7[%swap3A_39, %swap3A_40], %slice3A_38 {strides = array<i32>} : memref<2528x64xf32, #tpu.memory_space<vmem>>, vector<2528x64xf32>,
    return
  }
  func.func @transform_0(%arg0: i32) -> (i32, i32) {
    %c0_i32 = arith.constant 0 : i32
    %c0_i32_0 = arith.constant 0 : i32
    return %arg0, %c0_i32 : i32, i32
  }
  func.func @transform_1(%arg0: i32) -> (i32, i32) {
    %c0_i32 = arith.constant 0 : i32
    %c0_i32_0 = arith.constant 0 : i32
    return %arg0, %c0_i32 : i32, i32
  }
  func.func @transform_2(%arg0: i32) -> (i32, i32) {
    %c0_i32 = arith.constant 0 : i32
    %c0_i32_0 = arith.constant 0 : i32
    %c0_i32_1 = arith.constant 0 : i32
    return %c0_i32, %c0_i32_0 : i32, i32
  }
  func.func @transform_3(%arg0: i32) -> (i32, i32) {
    %c0_i32 = arith.constant 0 : i32
    %c0_i32_0 = arith.constant 0 : i32
    %c0_i32_1 = arith.constant 0 : i32
    return %c0_i32, %c0_i32_0 : i32, i32
  }
  func.func @transform_4(%arg0: i32) -> (i32, i32) {
    %c0_i32 = arith.constant 0 : i32
    %c0_i32_0 = arith.constant 0 : i32
    return %arg0, %c0_i32 : i32, i32
  }
  func.func @transform_5(%arg0: i32) -> (i32, i32) {
    %c0_i32 = arith.constant 0 : i32
    %c0_i32_0 = arith.constant 0 : i32
    return %arg0, %c0_i32 : i32, i32
  }
  func.func @transform_6(%arg0: i32) -> (i32, i32) {
    %c0_i32 = arith.constant 0 : i32
    %c0_i32_0 = arith.constant 0 : i32
    return %arg0, %c0_i32 : i32, i32
  }
}

module attributes {stable_mosaic.version = 14 : i64} {
  func.func @_layer2_body(%arg0: i32, %arg1: memref<2528x64xf32, #tpu.memory_space<vmem>>, %arg2: memref<2528x64xf32, #tpu.memory_space<vmem>>, %arg3: memref<128x128xf32, #tpu.memory_space<vmem>>, %arg4: memref<1x128xf32, #tpu.memory_space<vmem>>, %arg5: memref<2528x128xf32, #tpu.memory_space<vmem>>) attributes {dimension_semantics = [#tpu.dimension_semantics<arbitrary>], iteration_bounds = array<i64: 4>, scalar_prefetch = 0 : i64, scratch_operands = 0 : i64, tpu.core_type = #tpu.core_type<tc>, window_params = [{transform_indices = @transform_0, window_bounds = array<i64: 2528, 64>}, {transform_indices = @transform_1, window_bounds = array<i64: 2528, 64>}, {pipeline_mode = #tpu.pipeline_mode<synchronous>, transform_indices = @transform_2, window_bounds = array<i64: 128, 128>}, {pipeline_mode = #tpu.pipeline_mode<synchronous>, transform_indices = @transform_3, window_bounds = array<i64: 1, 128>}, {transform_indices = @transform_4, window_bounds = array<i64: 2528, 128>}]} {
    %get3A = arith.constant 0 : index
    %get3A_0 = arith.constant 0 : index
    %get3A_1 = vector.load %arg1[%get3A, %get3A_0] : memref<2528x64xf32, #tpu.memory_space<vmem>>, vector<2528x64xf32>
    %get3A_2 = arith.constant 0 : index
    %get3A_3 = arith.constant 0 : index
    %get3A_4 = vector.load %arg3[%get3A_2, %get3A_3] : memref<128x128xf32, #tpu.memory_space<vmem>>, vector<64x128xf32>
    %dot_general3A = arith.constant dense<0.000000e+00> : vector<2528x128xf32>
    %dot_general3A_5 = tpu.matmul %get3A_1, %get3A_4, %dot_general3A {dimension_numbers = #tpu.dot_dimension_numbers<[1], [0], [0], [1], [0, 0, 1, 1], [], []>, precision = #tpu.contract_precision<fp32>, transpose_lhs_hint = false} : vector<2528x64xf32>, vector<64x128xf32>, vector<2528x128xf32> -> vector<2528x128xf32>
    %get3A_6 = arith.constant 0 : index
    %get3A_7 = arith.constant 0 : index
    %get3A_8 = vector.load %arg2[%get3A_6, %get3A_7] : memref<2528x64xf32, #tpu.memory_space<vmem>>, vector<2528x64xf32>
    %get3A_9 = arith.constant 64 : index
    %get3A_10 = arith.constant 0 : index
    %get3A_11 = vector.load %arg3[%get3A_9, %get3A_10] : memref<128x128xf32, #tpu.memory_space<vmem>>, vector<64x128xf32>
    %dot_general3A_12 = arith.constant dense<0.000000e+00> : vector<2528x128xf32>
    %dot_general3A_13 = tpu.matmul %get3A_8, %get3A_11, %dot_general3A_12 {dimension_numbers = #tpu.dot_dimension_numbers<[1], [0], [0], [1], [0, 0, 1, 1], [], []>, precision = #tpu.contract_precision<fp32>, transpose_lhs_hint = false} : vector<2528x64xf32>, vector<64x128xf32>, vector<2528x128xf32> -> vector<2528x128xf32>
    %add3A = arith.addf %dot_general3A_5, %dot_general3A_13 : vector<2528x128xf32>
    %get3A_14 = arith.constant 0 : index
    %get3A_15 = arith.constant 0 : index
    %get3A_16 = vector.load %arg4[%get3A_14, %get3A_15] : memref<1x128xf32, #tpu.memory_space<vmem>>, vector<1x128xf32>
    %add3A_17 = vector.broadcast %get3A_16 : vector<1x128xf32> to vector<2528x128xf32>
    %add3A_18 = arith.addf %add3A, %add3A_17 : vector<2528x128xf32>
    %swap3A = arith.constant 0 : index
    %swap3A_19 = arith.constant 0 : index
    %swap3A_20 = vector.load %arg5[%swap3A, %swap3A_19] : memref<2528x128xf32, #tpu.memory_space<vmem>>, vector<2528x128xf32>
    tpu.vector_store %arg5[%swap3A, %swap3A_19], %add3A_18 {strides = array<i32>} : memref<2528x128xf32, #tpu.memory_space<vmem>>, vector<2528x128xf32>,
    return
  }
  func.func @transform_0(%arg0: i32) -> (i32, i32) {
    %c0_i32 = arith.constant 0 : i32
    %c0_i32_0 = arith.constant 0 : i32
    return %arg0, %c0_i32 : i32, i32
  }
  func.func @transform_1(%arg0: i32) -> (i32, i32) {
    %c0_i32 = arith.constant 0 : i32
    %c0_i32_0 = arith.constant 0 : i32
    return %arg0, %c0_i32 : i32, i32
  }
  func.func @transform_2(%arg0: i32) -> (i32, i32) {
    %c0_i32 = arith.constant 0 : i32
    %c0_i32_0 = arith.constant 0 : i32
    %c0_i32_1 = arith.constant 0 : i32
    return %c0_i32, %c0_i32_0 : i32, i32
  }
  func.func @transform_3(%arg0: i32) -> (i32, i32) {
    %c0_i32 = arith.constant 0 : i32
    %c0_i32_0 = arith.constant 0 : i32
    %c0_i32_1 = arith.constant 0 : i32
    return %c0_i32, %c0_i32_0 : i32, i32
  }
  func.func @transform_4(%arg0: i32) -> (i32, i32) {
    %c0_i32 = arith.constant 0 : i32
    %c0_i32_0 = arith.constant 0 : i32
    return %arg0, %c0_i32 : i32, i32
  }
}

</mosaic_0001>

<sc_bundles>
// kernel: kernel.11.cloned.1.call-start
scs
__scs_entry_jumppad:
0x0: {  	(pc) =	sbr.rel $0x88, $3  }
0x1: {  	(tag) =	ssettag $0x0;
	lr =	simm.s32 $0x1  }
0x2: {  	[smem:$0x3F9B] =	sst lr;
	_ =	strace $0xD0000000  }
0x3: {  	_ = 	snop  }
0x4: {  	_ = 	snop  }
0x5: {  	_ = 	snop  }
0x6: {  	_ = 	snop  }
0x7: {  	_ = 	snop  }
__scs_overlays_trampoline_lowered:
0x8: {  	[smem:$0x3FAA] =	sst s0  }
0x9: {  	[smem:$0x3FAB] =	sst s1  }
0xa: {  	[smem:$0x3FAC] =	sst s2  }
0xb: {  	[smem:$0x3FAD] =	sst s3  }
0xc: {  	[smem:$0x3FAE] =	sst s4  }
0xd: {  	[smem:$0x3FAF] =	sst s5  }
0xe: {  	[smem:$0x3FB0] =	sst s6  }
0xf: {  	[smem:$0x3FB1] =	sst s7  }
0x10: {  	[smem:$0x3FB2] =	sst s8  }
0x11: {  	[smem:$0x3FB3] =	sst s9;
	s0 =	simm.s32 @!p0 $0x0  }
0x12: {  	s1 =	sld [smem:$0x3F99];
	s0 =	simm.s32 @p0 $0x1  }
0x13: {  	[smem:$0x3FB4] =	sst s0;
	s0 =	simm.s32 @!p1 $0x0  }
0x14: {  	s2 =	sld [smem:$0x3F98];
	s0 =	simm.s32 @p1 $0x1  }
0x15: {  	[smem:$0x3FB5] =	sst s0;
	s0 =	simm.s32 @!p2 $0x0  }
0x16: {  	s3 =	sld [smem:$0x3FDB];
	s0 =	simm.s32 @p2 $0x1  }
0x17: {  	s4 =	simm.s32 $0x1BF5;
	[smem:$0x3FB7] =	sst s0  }
0x18: {  	s0 =	sld [smem:$0x3F9A];
	_ =	swait.ge [sflag:s4], $0x0  }
0x19: {  	s7 =	sld [smem:$0x3F9B]  }
0x1a: {  	s8 =	sadd.s32 $0xFFFFE003, lr  }
0x1b: {  	s9 =	sadd.s32 $0xFFFFFEF7, lr;
	s5 =	simm.s32 $0xFFFFFFFF;
	p2 =	slt.u32 s8, $0xFFFFF086  }
0x1c: {  	p1 =	slt.u32 s9, $0xF7A;
	s5 =	simm.s32 @!p2 $0x0  }
0x1d: {  	s5 =	simm.s32 @p1 $0x1;
	p0 =	seq.s32 s7, s2  }
0x1e: {  	s7 =	smul.u32 @!p0 $0xF7A, s2;
	p2 =	seq.s32 @!p0 s5, $0x0  }
0x1f: {  	s9 =	smul.u32 $0xF7A, s1;
	s8 =	simm.s32 @!p0 $0x1BF5;
	p2 =	por !p2, p0  }
0x20: {  	[sflag:s8] =	ssyncset.s32 @!p0 $0xFFFFF086;
	s6 =	sadd.s32 @!p0 s3, s7;
	s7 =	simm.s32 @!p0 $0x108  }
0x21: {  	s3 =	sadd.s32 s3, s9;
	s6 =	sadd.s32 @!p0 $0x88, s6;
	s7 =	simm.s32 @p2 $0x1082  }
0x22: {  	[simem:s7], [sflag:s8] =	dma.local @!p0 [hbm:s6], $0xF7A  }
0x23: {  	s9 =	sor.u32 $0xD0000000, s2;
	s6 =	simm.s32 $0x108;
	_ =	swait.ge @!p0 [sflag:s8], $0x0  }
0x24: {  	s3 =	sadd.s32 $0x88, s3;
	s6 =	simm.s32 @!p1 $0x1082;
	[sflag:s4] =	ssyncset.s32 $0xFFFFF086  }
0x25: {  	[simem:s6], [sflag:s4] =	dma.local [hbm:s3], $0xF7A  }
0x26: {  	[smem:$0x3F9B] =	sst s1;
	(tag) =	ssettag s2;
	_ =	strace s9  }
0x27: {  	s1 =	sld [smem:$0x3FAB]  }
0x28: {  	s2 =	sld [smem:$0x3FAC]  }
0x29: {  	s4 =	sld [smem:$0x3FAE]  }
0x2a: {  	p0 =	seq.s32 s5, $0x0;
	s5 =	sld [smem:$0x3FAF]  }
0x2b: {  	s6 =	sld [smem:$0x3FB0]  }
0x2c: {  	s7 =	sld [smem:$0x3FB1]  }
0x2d: {  	s3 =	simm.s32 $0x108;
	s8 =	sld [smem:$0x3FB2]  }
0x2e: {  	s3 =	simm.s32 @!p0 $0x1082;
	s9 =	sld [smem:$0x3FB3]  }
0x2f: {  	lr =	sadd.s32 s0, s3;
	s0 =	sld [smem:$0x3FAA]  }
0x30: {  	s3 =	sld [smem:$0x3FAD]  }
0x31: {  	[smem:$0x3FB6] =	sst s10  }
0x32: {  	s10 =	sld [smem:$0x3FB4];
	_ =	sdelay $0x3  }
0x33: {  	p0 =	seq.s32 s10, $0x1;
	s10 =	sld [smem:$0x3FB6];
	_ =	sdelay $0x3  }
0x34: {  	[smem:$0x3FB6] =	sst s10  }
0x35: {  	s10 =	sld [smem:$0x3FB5];
	_ =	sdelay $0x3  }
0x36: {  	p1 =	seq.s32 s10, $0x1;
	s10 =	sld [smem:$0x3FB6];
	_ =	sdelay $0x3  }
0x37: {  	[smem:$0x3FB6] =	sst s10  }
0x38: {  	s10 =	sld [smem:$0x3FB7]  }
0x39: {  	_ = 	snop;
	(pc) =	sbr.ind lr, $3  }
0x3a: {  	_ = 	snop  }
0x3b: {  	_ = 	snop  }
0x3c: {  	p2 =	seq.s32 s10, $0x1;
	s10 =	sld [smem:$0x3FB6]  }
0x3d: {  	_ =	shalt  }
0x3e: {  	_ =	shalt  }
0x3f: {  	_ =	shalt  }
0x40: {  	_ =	shalt  }
0x41: {  	_ =	shalt  }
0x42: {  	_ =	shalt  }
0x43: {  	_ =	shalt  }
0x44: {  	_ =	shalt  }
0x45: {  	_ =	shalt  }
0x46: {  	_ =	shalt  }
0x47: {  	_ =	shalt  }
0x48: {  	_ =	shalt  }
0x49: {  	_ =	shalt  }
0x4a: {  	_ =	shalt  }
0x4b: {  	_ =	shalt  }
0x4c: {  	_ =	shalt  }
0x4d: {  	_ =	shalt  }
0x4e: {  	_ =	shalt  }
0x4f: {  	_ =	shalt  }
0x50: {  	_ =	shalt  }
0x51: {  	_ =	shalt  }
0x52: {  	_ =	shalt  }
0x53: {  	_ =	shalt  }
0x54: {  	_ =	shalt  }
0x55: {  	_ =	shalt  }
0x56: {  	_ =	shalt  }
0x57: {  	_ =	shalt  }
0x58: {  	_ =	shalt  }
0x59: {  	_ =	shalt  }
0x5a: {  	_ =	shalt  }
0x5b: {  	_ =	shalt  }
0x5c: {  	_ =	shalt  }
0x5d: {  	_ =	shalt  }
0x5e: {  	_ =	shalt  }
0x5f: {  	_ =	shalt  }
0x60: {  	_ =	shalt  }
0x61: {  	_ =	shalt  }
0x62: {  	_ =	shalt  }
0x63: {  	_ =	shalt  }
0x64: {  	_ =	shalt  }
0x65: {  	_ =	shalt  }
0x66: {  	_ =	shalt  }
0x67: {  	_ =	shalt  }
0x68: {  	_ =	shalt  }
0x69: {  	_ =	shalt  }
0x6a: {  	_ =	shalt  }
0x6b: {  	_ =	shalt  }
0x6c: {  	_ =	shalt  }
0x6d: {  	_ =	shalt  }
0x6e: {  	_ =	shalt  }
0x6f: {  	_ =	shalt  }
0x70: {  	_ =	shalt  }
0x71: {  	_ =	shalt  }
0x72: {  	_ =	shalt  }
0x73: {  	_ =	shalt  }
0x74: {  	_ =	shalt  }
0x75: {  	_ =	shalt  }
0x76: {  	_ =	shalt  }
0x77: {  	_ =	shalt  }
0x78: {  	_ =	shalt  }
0x79: {  	_ =	shalt  }
0x7a: {  	_ =	shalt  }
0x7b: {  	_ =	shalt  }
0x7c: {  	_ =	shalt  }
0x7d: {  	_ =	shalt  }
0x7e: {  	_ =	shalt  }
0x7f: {  	_ =	shalt  }
0x80: {  	_ =	shalt  }
0x81: {  	_ =	shalt  }
0x82: {  	_ =	shalt  }
0x83: {  	_ =	shalt  }
0x84: {  	_ =	shalt  }
0x85: {  	_ =	shalt  }
0x86: {  	_ =	shalt  }
0x87: {  	_ =	shalt  }
.Lfunc_end0:
.L_simem_size_0:
called_computation.1_lowered:
.L_overlay_start_0:
0x88: {  	s2 =	sld [smem:$0x3FD9]  }
0x89: {  	s3 =	sld [smem:$0x3FFE];
	_ =	sdelay $0x1  }
0x8a: {  	s1 =	srdreg.scid  }
0x8b: {  	s0 =	sand.u32 $0x1, s1  }
0x8c: {  	s17 =	sshll.u32 s0, $0xA;
	s2 =	sadd.s32 s3, s2  }
0x8d: {  	s2 =	sadd.s32 s2, s17  }
0x8e: {  	[smem:$0x3FC2] =	sst s2  }
0x8f: {  	_ = 	snop  }
0x90: {  	s2 =	sld [smem:$0x3FD0];
	(tm) =	ssettm $0x1  }
0x91: {  	s18 =	sld [smem:$0x3FFB];
	_ =	sdelay $0x3  }
0x92: {  	_ =	strace s18  }
0x93: {  	s3 =	sld [smem:$0x3FFC];
	_ =	sdelay $0x3  }
0x94: {  	_ =	strace s3  }
0x95: {  	s3 =	sld [smem:$0x3FFD];
	_ =	sdelay $0x3  }
0x96: {  	_ =	strace s3  }
0x97: {  	_ =	strace $0x8FFFFFFF  }
0x98: {  	s19 =	sld [smem:$0x3FDB];
	_ =	sdelay $0x1  }
0x99: {  	s4 =	simm.s32 $_scs_section_size  }
0x9a: {  	s5 =	simm.s32 $_size__tile_overlayer_lowered;
	s6 =	simm.s32 $_tile_overlayer_lowered  }
0x9b: {  	s22 =	simm.s32 $0x1BFF;
	s21 =	sshll.u32 s6, $0x1;
	s3 =	sadd.s32 s4, s19  }
0x9c: {  	s7 =	simm.s32 $0x0;
	s20 =	sshll.u32 s5, $0x1;
	s5 =	sadd.s32 s21, s3  }
0x9d: {  	[timem:s7], [sflag:s22] =	dma.local [hbm:s5], s20  }
0x9e: {  	_ =	swait.ge [sflag:s22], s20  }
0x9f: {  	s4 =	ssub.s32 $0x0, s20;
	[sflag:s22] =	ssyncset.done $0x0  }
0xa0: {  	[sflag:s22] =	ssyncadd.s32 s4;
	_ =	sdelay $0x1  }
0xa1: {  	s23 =	simm.s32 $0x1B8B  }
0xa2: {  	_ =	swait.ge [sflag:s23], $0x1  }
0xa3: {  	[sflag:s23] =	ssyncset.done $0x0  }
0xa4: {  	s25 =	simm.s32 $0x1B8E;
	s24 =	sld [smem:$0x3FFE];
	[sflag:s23] =	ssyncadd.s32 $0xFFFFFFFF  }
0xa5: {  	s26 =	simm.s32 $execute0_lowered;
	[smem:$0x3FD2] =	sst s25  }
0xa6: {  	s5 =	sshll.u32 s26, $0x1;
	_ =	strace $0x80000049;
	[dreg:$0x1] =	wrdreg $0xFFFFFFFF  }
0xa7: {  	s28 =	simm.s32 $_size_execute0_lowered;
	s3 =	sadd.s32 s3, s5;
	[dreg:$0x0] =	wrdreg $0x0  }
0xa8: {  	s5 =	sshll.u32 s28, $0x1;
	[dreg:$0x2] =	wrdreg s3  }
0xa9: {  	[dreg:$0x3] =	wrdreg s5  }
0xaa: {  	[dreg:$0x4] =	wrdreg $0xC0  }
0xab: {  	_ =	task [dreg:s7], $0x5FFFF  }
0xac: {  	[dreg:$0x1] =	wrdreg $0xFFFFFFFF  }
0xad: {  	[dreg:$0x0] =	wrdreg $0x60  }
0xae: {  	[dreg:$0x2] =	wrdreg s2  }
0xaf: {  	[dreg:$0x3] =	wrdreg s24  }
0xb0: {  	[dreg:$0x4] =	wrdreg $0x15F880  }
0xb1: {  	[dreg:$0x5] =	wrdreg $0x9  }
0xb2: {  	_ =	task.clear_ibuf [dreg:s7], $0x6FFFF;
	_ =	strace $0x90000049  }
0xb3: {  	s29 =	simm.s32 $0x9;
	_ =	strace $0x8000004B  }
0xb4: {  	_ =	swait.ge [sflag:s29], $0x1  }
0xb5: {  	[sflag:s29] =	ssyncadd.s32 $0xFFFFFFFF  }
0xb6: {  	_ =	strace $0x9000004B  }
0xb7: {  	_ =	sfence  }
0xb8: {  	s30 =	sld [smem:$0x0];
	_ =	sdelay $0x2  }
0xb9: {  	s31 =	sshll.u32 s1, $0xD;
	s1 =	sshrl.u32 s1, $0x2  }
0xba: {  	s3 =	sand.u32 $0x4000, s31;
	s1 =	sadd.s32 s1, s30  }
0xbb: {  	s0 =	sor.u32 s3, s0;
	s1 =	sshll.u32 s1, $0x11  }
0xbc: {  	s0 =	sor.u32 s1, s0  }
0xbd: {  	s0 =	sadd.s32 $0x8F2B, s0  }
0xbe: {  	[sflag:s0] =	ssyncadd.remote.s32 $0x1  }
0xbf: {  	_ =	sfence.sel $0xFFFF  }
0xc0: {  	[dreg:$0x0] =	wrdreg $0xFFFFFFFF;
	(pc) =	sbr.abs _section_cstart, $3  }
0xc1: {  	[dreg:$0x1] =	wrdreg $0xFFFFFFFF  }
0xc2: {  	_ =	task.clear_ibuf [dreg:s7], $0x2FFFF;
	_ =	strace $0x9FFFFFFF  }
0xc3: {  	(tm) =	ssettm $0x7FFFFFFF  }
tec
execute0_lowered:
.L_overlay_start_1:
0x0: {  	(tag) =	ssettag $0x1  }
0x1: {  	s2 =	rddreg [dreg:$0x0]  }
0x2: {  	s0 =	rddreg [dreg:$0x1]  }
0x3: {  	s3 =	rddreg [dreg:$0x2];
	s10 =	stileid.u32  }
0x4: {  	s4 =	simm.s32 $0x0;
	s5 =	srdreg.scid;
	s29 =	simm.s32 $0xDD00  }
0x5: {  	s31 =	simm.s32 $0xFD00;
	s28 =	simm.s32 $0x2;
	s1 =	smul.u32 $0x9D0, s10  }
0x6: {  	s30 =	simm.s32 $0x7;
	[smem:$0x7FF] =	sst s4;
	s6 =	smul.u32 $0x4F, s10  }
0x7: {  	s7 =	sand.u32 $0x1, s5;
	s5 =	sadd.s32 $0x3DA00, s0;
	s13 =	smul.u32 $0x9E00, s10  }
0x8: {  	_ =	strace $0x8000004A;
	s8 =	ssub.s32 $0x2, s7;
	p0 =	seq.s32 s7, $0x0  }
0x9: {  	s1 =	sadd.s32 s1, s0;
	s6 =	sadd.s32 s6, s0;
	s9 =	sshrl.u32 s8, $0x1  }
0xa: {  	s0 =	sadd.s32 $0x51C00, s0;
	s17 =	sadd.s32 s13, s3;
	s18 =	sadd.s32 $0x2000, s13  }
0xb: {  	s19 =	sadd.s32 $0x4000, s13;
	s14 =	sadd.s32 $0x6000, s13;
	s8 =	ssub.s32 s8, s9  }
0xc: {  	s15 =	sadd.s32 $0xC400, s1;
	s1 =	sadd.s32 $0x2600, s1;
	[dreg:$0x7] =	wrdreg s17  }
0xd: {  	s16 =	sadd.s32 $0x51600, s6;
	s20 =	sadd.s32 s18, s3;
	[dreg:$0x4] =	wrdreg s15  }
0xe: {  	s11 =	sadd.s32 s19, s3;
	s12 =	sadd.s32 s14, s3;
	[dreg:$0x5] =	wrdreg s1  }
0xf: {  	s6 =	simm.s32 $0x3;
	s17 =	simm.s32 $0x0;
	[dreg:$0x6] =	wrdreg s16  }
0x10: {  	s15 =	smul.u32 $0x9E000, s7;
	[dreg:$0x8] =	wrdreg s20;
	s16 =	sadd.s32 $0x8000, s13  }
0x11: {  	s26 =	smax.u32 s8, $0x1;
	s20 =	smov.u32 s5;
	s8 =	simm.s32 $0x4  }
0x12: {  	[dreg:$0xe] =	wrdreg s26;
	s20 =	smov.u32 @p0 s2;
	p0 =	sne.s32 s7, $0x0  }
0x13: {  	s26 =	simm.s32 $0xBD00;
	s7 =	simm.s32 $0x8;
	s9 =	sadd.s32 s13, s15  }
0x14: {  	s1 =	sadd.s32 s15, s18;
	s13 =	sadd.s32 s16, s3;
	s21 =	sadd.s32 s15, s19  }
0x15: {  	s22 =	sadd.s32 s15, s14;
	s23 =	sadd.s32 s15, s16;
	s14 =	simm.s32 $0x9  }
0x16: {  	s15 =	simm.s32 $0x5;
	s16 =	simm.s32 $0xA;
	s9 =	sshrl.u32 s9, $0x3  }
0x17: {  	s1 =	sshrl.u32 s1, $0x3;
	s24 =	sshrl.u32 s22, $0x3;
	s25 =	sshrl.u32 s23, $0x3  }
0x18: {  	s22 =	simm.s32 $0x1;
	s23 =	simm.s32 $0x6;
	s1 =	sadd.s32 s0, s1  }
0x19: {  	s9 =	sadd.s32 s0, s9;
	[dreg:$0xa] =	wrdreg s1;
	s1 =	sshrl.u32 s21, $0x3  }
0x1a: {  	[dreg:$0x9] =	wrdreg s9;
	s21 =	simm.s32 $0xB;
	s1 =	sadd.s32 s0, s1  }
0x1b: {  	[dreg:$0xb] =	wrdreg s1;
	s1 =	sadd.s32 s0, s24;
	s0 =	sadd.s32 s0, s25  }
0x1c: {  	s24 =	simm.s32 $0x80;
	s25 =	simm.s32 $0x9D00;
	[dreg:$0xc] =	wrdreg s1  }
0x1d: {  	v0 =	vimm.f32 $0.0e+00;
	[dreg:$0xd] =	wrdreg s0;
	s0 =	simm.s32 $0x13D00;
	s1 =	simm.s32 $0x11D00  }
.LBB2_1:
0x1e: {  	s9 =	rddreg [dreg:$0x4]  }
0x1f: {  	[tilespmem:s4], [sflag:$0xB] =	stream.linear.gather [hbm4b:s9+s4], $0x4E80, $0x38;
	[tilespmem:$0x1FD88] =	vst v63  }
0x20: {  	_ =	swait.ge [sflag:s21], $0x4E80  }
0x21: {  	[sflag:s21] =	ssyncset.done $0x0  }
0x22: {  	s10 =	simm.s32 $0x4E80;
	s19 =	rddreg [dreg:$0x5];
	[sflag:s21] =	ssyncadd.s32 $0xFFFFB180  }
0x23: {  	[tilespmem:s10], [sflag:$0xB] =	stream.linear.gather [hbm4b:s19+s4], $0x4E80, $0x38;
	[tilespmem:$0x1FD88] =	vst v63  }
0x24: {  	_ =	swait.ge [sflag:s21], $0x4E80  }
0x25: {  	[sflag:s21] =	ssyncset.done $0x0  }
0x26: {  	s19 =	simm.s32 $0x15D00;
	s18 =	rddreg [dreg:$0x6];
	[sflag:s21] =	ssyncadd.s32 $0xFFFFB180  }
0x27: {  	[tilespmem:s19], [sflag:$0xB] =	stream.linear.gather [hbm4b:s18+s4], $0x278, $0x38;
	[tilespmem:$0x1FD88] =	vst v63  }
0x28: {  	_ =	swait.ge [sflag:s21], $0x278  }
0x29: {  	[sflag:s21] =	ssyncset.done $0x0  }
0x2a: {  	[sflag:s21] =	ssyncadd.s32 $0xFFFFFD88  }
0x2b: {  	[tilespmem:s25], [sflag:$0x1] =	stream.indirect.gather [hbm4b:s20+s24], $0x40, s4, s24, $0xb8;
	[tilespmem:$0x1FD88] =	vst v63  }
0x2c: {  	_ = 	snop  }
0x2d: {  	[tilespmem:s26], [sflag:$0x2] =	stream.indirect.gather [hbm4b:s20+s24], $0x40, s24, s24, $0xb8;
	[tilespmem:$0x1FD88] =	vst v63  }
0x2e: {  	s18 =	simm.s32 $0x100  }
0x2f: {  	[tilespmem:s29], [sflag:$0x3] =	stream.indirect.gather [hbm4b:s20+s24], $0x40, s18, s24, $0xb8;
	[tilespmem:$0x1FD88] =	vst v63  }
0x30: {  	s9 =	simm.s32 $0x0;
	s19 =	simm.s32 $0x180;
	s18 =	simm.s32 $0x100  }
0x31: {  	[tilespmem:s31], [sflag:$0x4] =	stream.indirect.gather [hbm4b:s20+s24], $0x40, s19, s24, $0xb8;
	[tilespmem:$0x1FD88] =	vst v63  }
.LBB2_2:
0x32: {  	p1 =	sne.s32 s18, $0x7F00;
	[tilespmem:s9+$0x13D30] =	vst v0;
	s19 =	smov.u32 s18;
	s18 =	sadd.s32 $0x100, s18  }
.Ltmp0:
0x33: {  	[tilespmem:s9+$0x13D20] =	vst v0;
	(pc) =	sbr.rel @p1 .LBB2_2-.Ltmp0, $3  }
0x34: {  	[tilespmem:s9+$0x13D00] =	vst v0  }
0x35: {  	[tilespmem:s9+$0x13D10] =	vst v0;
	_ =	sdelay $0x1  }
0x36: {  	s9 =	sshra.s32 s19, $0x2  }
0x37: {  	[tilespmem:s9+$0x13D30] =	vst v0  }
0x38: {  	[tilespmem:s9+$0x13D20] =	vst v0  }
0x39: {  	[tilespmem:s9+$0x13D00] =	vst v0  }
0x3a: {  	[tilespmem:s9+$0x13D10] =	vst v0;
	s18 =	rddreg [dreg:$0x7]  }
0x3b: {  	[spmem:s18] =	stream.linear.scatter [tilespmem:s0], [sflag:$0xB], $0x2000, $0x38;
	[tilespmem:$0x1FD88] =	vst v63  }
0x3c: {  	_ =	swait.ge [sflag:s21], $0x2000  }
0x3d: {  	[sflag:s21] =	ssyncset.done $0x0  }
0x3e: {  	s19 =	rddreg [dreg:$0x8];
	[sflag:s21] =	ssyncadd.s32 $0xFFFFE000  }
0x3f: {  	[spmem:s19] =	stream.linear.scatter [tilespmem:s0], [sflag:$0xB], $0x2000, $0x38;
	[tilespmem:$0x1FD88] =	vst v63  }
0x40: {  	_ =	swait.ge [sflag:s21], $0x2000  }
0x41: {  	[sflag:s21] =	ssyncset.done $0x0  }
0x42: {  	[sflag:s21] =	ssyncadd.s32 $0xFFFFE000  }
0x43: {  	[spmem:s11] =	stream.linear.scatter [tilespmem:s0], [sflag:$0xB], $0x2000, $0x38;
	[tilespmem:$0x1FD88] =	vst v63  }
0x44: {  	_ =	swait.ge [sflag:s21], $0x2000  }
0x45: {  	[sflag:s21] =	ssyncset.done $0x0  }
0x46: {  	[sflag:s21] =	ssyncadd.s32 $0xFFFFE000  }
0x47: {  	[spmem:s12] =	stream.linear.scatter [tilespmem:s0], [sflag:$0xB], $0x2000, $0x38;
	[tilespmem:$0x1FD88] =	vst v63  }
0x48: {  	_ =	swait.ge [sflag:s21], $0x2000  }
0x49: {  	[sflag:s21] =	ssyncset.done $0x0  }
0x4a: {  	[sflag:s21] =	ssyncadd.s32 $0xFFFFE000  }
0x4b: {  	[spmem:s13] =	stream.linear.scatter [tilespmem:s0], [sflag:$0xB], $0x1E00, $0x38;
	[tilespmem:$0x1FD88] =	vst v63  }
.Ltmp1:
0x4c: {  	_ =	swait.ge [sflag:s21], $0x1E00;
	(pc) =	sbr.rel @p0 .LBB2_10-.Ltmp1, $4  }
.Ltmp2:
0x4d: {  	[sflag:s21] =	ssyncset.done $0x0;
	(pc) =	sbr.rel @!p0 .LBB2_4-.Ltmp2, $4  }
0x4e: {  	[sflag:s21] =	ssyncadd.s32 $0xFFFFE200  }
0x4f: {  	[bflag:$0x0] =	sbarrier.arrive $0xFFFF  }
0x50: {  	s9 =	simm.s32 $0x0;
	s18 =	simm.s32 $0x0;
	s19 =	simm.s32 $0x0  }
0x51: {  	_ = 	snop  }
.LBB2_7:
0x52: {  	s9 =	sshra.s32 s18, $0x2  }
0x53: {  	s9 =	sadd.s32 $0x200, s9  }
0x54: {  	[tilespmem:s1], [sflag:$0x5] =	stream.indirect.gather [hbm4b:s2+s24], $0x40, s9, s24, $0xb8;
	[tilespmem:$0x1FD88] =	vst v63  }
0x55: {  	s9 =	smov.u32 s18  }
.LBB2_8:
0x56: {  	_ =	swait.ge [sflag:s22], $0x2000  }
0x57: {  	s9 =	sshra.s32 s9, $0x2;
	[sflag:s22] =	ssyncset.done $0x0  }
0x58: {  	s10 =	sadd.s32 $0x4E80, s9;
	[sflag:s22] =	ssyncadd.s32 $0xFFFFE000  }
0x59: {  	[spmem:s3] =	stream.indirect.scatter.add.f32 [tilespmem:s25], [sflag:$0x6], $0x40, s10, s24, $0xb8;
	[tilespmem:$0x1FD88] =	vst v63  }
0x5a: {  	_ =	swait.ge [sflag:s23], $0x2000  }
0x5b: {  	[sflag:s23] =	ssyncset.done $0x0  }
0x5c: {  	s10 =	sadd.s32 $0x280, s9;
	[sflag:s23] =	ssyncadd.s32 $0xFFFFE000  }
0x5d: {  	[tilespmem:s25], [sflag:$0x1] =	stream.indirect.gather [hbm4b:s2+s24], $0x40, s10, s24, $0xb8;
	[tilespmem:$0x1FD88] =	vst v63  }
0x5e: {  	_ =	swait.ge [sflag:s28], $0x2000  }
0x5f: {  	[sflag:s28] =	ssyncset.done $0x0  }
0x60: {  	s10 =	sadd.s32 $0x4F00, s9;
	[sflag:s28] =	ssyncadd.s32 $0xFFFFE000  }
0x61: {  	[spmem:s3] =	stream.indirect.scatter.add.f32 [tilespmem:s26], [sflag:$0x7], $0x40, s10, s24, $0xb8;
	[tilespmem:$0x1FD88] =	vst v63  }
0x62: {  	_ =	swait.ge [sflag:s30], $0x2000  }
0x63: {  	[sflag:s30] =	ssyncset.done $0x0  }
0x64: {  	s10 =	sadd.s32 $0x300, s9;
	[sflag:s30] =	ssyncadd.s32 $0xFFFFE000  }
0x65: {  	[tilespmem:s26], [sflag:$0x2] =	stream.indirect.gather [hbm4b:s2+s24], $0x40, s10, s24, $0xb8;
	[tilespmem:$0x1FD88] =	vst v63  }
0x66: {  	_ =	swait.ge [sflag:s6], $0x2000  }
0x67: {  	[sflag:s6] =	ssyncset.done $0x0  }
0x68: {  	s10 =	sadd.s32 $0x4F80, s9;
	[sflag:s6] =	ssyncadd.s32 $0xFFFFE000  }
0x69: {  	[spmem:s3] =	stream.indirect.scatter.add.f32 [tilespmem:s29], [sflag:$0x8], $0x40, s10, s24, $0xb8;
	[tilespmem:$0x1FD88] =	vst v63  }
0x6a: {  	_ =	swait.ge [sflag:s7], $0x2000  }
0x6b: {  	[sflag:s7] =	ssyncset.done $0x0  }
0x6c: {  	s10 =	sadd.s32 $0x380, s9;
	[sflag:s7] =	ssyncadd.s32 $0xFFFFE000  }
0x6d: {  	[tilespmem:s29], [sflag:$0x3] =	stream.indirect.gather [hbm4b:s2+s24], $0x40, s10, s24, $0xb8;
	[tilespmem:$0x1FD88] =	vst v63  }
0x6e: {  	_ =	swait.ge [sflag:s8], $0x2000  }
0x6f: {  	[sflag:s8] =	ssyncset.done $0x0  }
0x70: {  	s10 =	sadd.s32 $0x5000, s9;
	[sflag:s8] =	ssyncadd.s32 $0xFFFFE000  }
0x71: {  	[spmem:s3] =	stream.indirect.scatter.add.f32 [tilespmem:s31], [sflag:$0x9], $0x40, s10, s24, $0xb8;
	[tilespmem:$0x1FD88] =	vst v63  }
0x72: {  	_ =	swait.ge [sflag:s14], $0x2000  }
0x73: {  	s18 =	sadd.s32 $0xA00, s18;
	[sflag:s14] =	ssyncset.done $0x0  }
0x74: {  	p1 =	seq.s32 s18, $0x12C00;
	s10 =	sadd.s32 $0x400, s9;
	[sflag:s14] =	ssyncadd.s32 $0xFFFFE000  }
0x75: {  	[tilespmem:s31], [sflag:$0x4] =	stream.indirect.gather [hbm4b:s2+s24], $0x40, s10, s24, $0xb8;
	[tilespmem:$0x1FD88] =	vst v63  }
.Ltmp3:
0x76: {  	_ = 	snop;
	(pc) =	sbr.rel @p1 .LBB2_9-.Ltmp3, $4  }
0x77: {  	_ =	swait.ge [sflag:s15], $0x2000  }
0x78: {  	[sflag:s15] =	ssyncset.done $0x0  }
0x79: {  	s19 =	sadd.s32 $0x1, s19;
	s9 =	sadd.s32 $0x5080, s9;
	[sflag:s15] =	ssyncadd.s32 $0xFFFFE000  }
0x7a: {  	[spmem:s3] =	stream.indirect.scatter.add.f32 [tilespmem:s1], [sflag:$0xA], $0x40, s9, s24, $0xb8;
	[tilespmem:$0x1FD88] =	vst v63  }
.LBB2_4:
0x7b: {  	p1 =	seq.s32 s19, $0x0  }
.Ltmp4:
0x7c: {  	_ = 	snop;
	(pc) =	sbr.rel @p1 .LBB2_7-.Ltmp4, $1  }
0x7d: {  	_ =	sdelay $0x3  }
0x7e: {  	p1 =	seq.s32 s19, $0x1F  }
.Ltmp5:
0x7f: {  	_ = 	snop;
	(pc) =	sbr.rel @p1 .LBB2_8-.Ltmp5, $2  }
0x80: {  	_ =	sdelay $0x2  }
0x81: {  	s9 =	simm.s32 $0x13600  }
.Ltmp6:
0x82: {  	(pc) =	sbr.rel .LBB2_7-.Ltmp6, $4  }
0x83: {  	_ = 	snop  }
0x84: {  	_ =	swait.ge [sflag:s16], $0x2000  }
0x85: {  	[sflag:s16] =	ssyncset.done $0x0  }
0x86: {  	[sflag:s16] =	ssyncadd.s32 $0xFFFFE000  }
.LBB2_13:
0x87: {  	s10 =	sshra.s32 s18, $0x2  }
0x88: {  	s19 =	smov.u32 s18;
	s10 =	sadd.s32 $0x200, s10  }
0x89: {  	[tilespmem:s1], [sflag:$0x5] =	stream.indirect.gather [hbm4b:s5+s24], $0x40, s10, s24, $0xb8;
	[tilespmem:$0x1FD88] =	vst v63  }
.LBB2_14:
0x8a: {  	_ =	swait.ge [sflag:s22], $0x2000  }
0x8b: {  	s10 =	sshra.s32 s19, $0x2;
	[sflag:s22] =	ssyncset.done $0x0  }
0x8c: {  	s19 =	sadd.s32 $0x4E80, s10;
	[sflag:s22] =	ssyncadd.s32 $0xFFFFE000  }
0x8d: {  	[spmem:s3] =	stream.indirect.scatter.add.f32 [tilespmem:s25], [sflag:$0x6], $0x40, s19, s24, $0xb8;
	[tilespmem:$0x1FD88] =	vst v63  }
0x8e: {  	_ =	swait.ge [sflag:s23], $0x2000  }
0x8f: {  	[sflag:s23] =	ssyncset.done $0x0  }
0x90: {  	s19 =	sadd.s32 $0x280, s10;
	[sflag:s23] =	ssyncadd.s32 $0xFFFFE000  }
0x91: {  	[tilespmem:s25], [sflag:$0x1] =	stream.indirect.gather [hbm4b:s5+s24], $0x40, s19, s24, $0xb8;
	[tilespmem:$0x1FD88] =	vst v63  }
0x92: {  	_ =	swait.ge [sflag:s28], $0x2000  }
0x93: {  	[sflag:s28] =	ssyncset.done $0x0  }
0x94: {  	s19 =	sadd.s32 $0x4F00, s10;
	[sflag:s28] =	ssyncadd.s32 $0xFFFFE000  }
0x95: {  	[spmem:s3] =	stream.indirect.scatter.add.f32 [tilespmem:s26], [sflag:$0x7], $0x40, s19, s24, $0xb8;
	[tilespmem:$0x1FD88] =	vst v63  }
0x96: {  	_ =	swait.ge [sflag:s30], $0x2000  }
0x97: {  	[sflag:s30] =	ssyncset.done $0x0  }
0x98: {  	s19 =	sadd.s32 $0x300, s10;
	[sflag:s30] =	ssyncadd.s32 $0xFFFFE000  }
0x99: {  	[tilespmem:s26], [sflag:$0x2] =	stream.indirect.gather [hbm4b:s5+s24], $0x40, s19, s24, $0xb8;
	[tilespmem:$0x1FD88] =	vst v63  }
0x9a: {  	_ =	swait.ge [sflag:s6], $0x2000  }
0x9b: {  	[sflag:s6] =	ssyncset.done $0x0  }
0x9c: {  	s19 =	sadd.s32 $0x4F80, s10;
	[sflag:s6] =	ssyncadd.s32 $0xFFFFE000  }
0x9d: {  	[spmem:s3] =	stream.indirect.scatter.add.f32 [tilespmem:s29], [sflag:$0x8], $0x40, s19, s24, $0xb8;
	[tilespmem:$0x1FD88] =	vst v63  }
0x9e: {  	_ =	swait.ge [sflag:s7], $0x2000  }
0x9f: {  	[sflag:s7] =	ssyncset.done $0x0  }
0xa0: {  	s19 =	sadd.s32 $0x380, s10;
	[sflag:s7] =	ssyncadd.s32 $0xFFFFE000  }
0xa1: {  	[tilespmem:s29], [sflag:$0x3] =	stream.indirect.gather [hbm4b:s5+s24], $0x40, s19, s24, $0xb8;
	[tilespmem:$0x1FD88] =	vst v63  }
0xa2: {  	_ =	swait.ge [sflag:s8], $0x2000  }
0xa3: {  	[sflag:s8] =	ssyncset.done $0x0  }
0xa4: {  	s19 =	sadd.s32 $0x5000, s10;
	[sflag:s8] =	ssyncadd.s32 $0xFFFFE000  }
0xa5: {  	[spmem:s3] =	stream.indirect.scatter.add.f32 [tilespmem:s31], [sflag:$0x9], $0x40, s19, s24, $0xb8;
	[tilespmem:$0x1FD88] =	vst v63  }
0xa6: {  	_ =	swait.ge [sflag:s14], $0x2000  }
0xa7: {  	s18 =	sadd.s32 $0xA00, s18;
	[sflag:s14] =	ssyncset.done $0x0  }
0xa8: {  	p1 =	seq.s32 s18, $0x12C00;
	s19 =	sadd.s32 $0x400, s10;
	[sflag:s14] =	ssyncadd.s32 $0xFFFFE000  }
0xa9: {  	[tilespmem:s31], [sflag:$0x4] =	stream.indirect.gather [hbm4b:s5+s24], $0x40, s19, s24, $0xb8;
	[tilespmem:$0x1FD88] =	vst v63  }
.Ltmp7:
0xaa: {  	_ = 	snop;
	(pc) =	sbr.rel @p1 .LBB2_15-.Ltmp7, $4  }
0xab: {  	_ =	swait.ge [sflag:s15], $0x2000  }
0xac: {  	[sflag:s15] =	ssyncset.done $0x0  }
0xad: {  	s9 =	sadd.s32 $0x1, s9;
	s10 =	sadd.s32 $0x5080, s10;
	[sflag:s15] =	ssyncadd.s32 $0xFFFFE000  }
0xae: {  	[spmem:s3] =	stream.indirect.scatter.add.f32 [tilespmem:s1], [sflag:$0xA], $0x40, s10, s24, $0xb8;
	[tilespmem:$0x1FD88] =	vst v63  }
.LBB2_10:
0xaf: {  	p1 =	seq.s32 s9, $0x0  }
.Ltmp8:
0xb0: {  	_ = 	snop;
	(pc) =	sbr.rel @p1 .LBB2_13-.Ltmp8, $1  }
0xb1: {  	_ =	sdelay $0x3  }
0xb2: {  	p1 =	seq.s32 s9, $0x1F  }
.Ltmp9:
0xb3: {  	_ = 	snop;
	(pc) =	sbr.rel @p1 .LBB2_14-.Ltmp9, $2  }
0xb4: {  	_ =	sdelay $0x2  }
0xb5: {  	s19 =	simm.s32 $0x13600  }
.Ltmp10:
0xb6: {  	(pc) =	sbr.rel .LBB2_13-.Ltmp10, $4  }
0xb7: {  	_ = 	snop  }
0xb8: {  	_ =	swait.ge [sflag:s16], $0x2000  }
0xb9: {  	[sflag:s16] =	ssyncset.done $0x0  }
0xba: {  	[sflag:s16] =	ssyncadd.s32 $0xFFFFE000  }
.LBB2_9:
0xbb: {  	_ =	swait.ge [sflag:s16], $0x2000  }
0xbc: {  	s9 =	sshra.s32 s18, $0x2;
	[sflag:s16] =	ssyncset.done $0x0  }
0xbd: {  	s10 =	sadd.s32 $0x200, s9;
	[sflag:s16] =	ssyncadd.s32 $0xFFFFE000  }
0xbe: {  	[tilespmem:s1], [sflag:$0x5] =	stream.indirect.gather [hbm4b:s2+s24], $0x40, s10, s24, $0xb8;
	[tilespmem:$0x1FD88] =	vst v63  }
0xbf: {  	_ =	swait.ge [sflag:s22], $0x2000  }
0xc0: {  	[sflag:s22] =	ssyncset.done $0x0  }
0xc1: {  	s18 =	sadd.s32 $0x4E80, s9;
	[sflag:s22] =	ssyncadd.s32 $0xFFFFE000  }
0xc2: {  	[spmem:s3] =	stream.indirect.scatter.add.f32 [tilespmem:s25], [sflag:$0x6], $0x40, s18, s24, $0xb8;
	[tilespmem:$0x1FD88] =	vst v63  }
0xc3: {  	_ =	swait.ge [sflag:s23], $0x2000  }
0xc4: {  	[sflag:s23] =	ssyncset.done $0x0  }
0xc5: {  	s19 =	sadd.s32 $0x280, s9;
	[sflag:s23] =	ssyncadd.s32 $0xFFFFE000  }
0xc6: {  	[tilespmem:s25], [sflag:$0x1] =	stream.indirect.gather [hbm4b:s2+s24], $0x40, s19, s24, $0xb8;
	[tilespmem:$0x1FD88] =	vst v63  }
0xc7: {  	_ =	swait.ge [sflag:s28], $0x2000  }
0xc8: {  	[sflag:s28] =	ssyncset.done $0x0  }
0xc9: {  	s18 =	sadd.s32 $0x4F00, s9;
	[sflag:s28] =	ssyncadd.s32 $0xFFFFE000  }
0xca: {  	[spmem:s3] =	stream.indirect.scatter.add.f32 [tilespmem:s26], [sflag:$0x7], $0x40, s18, s24, $0xb8;
	[tilespmem:$0x1FD88] =	vst v63  }
0xcb: {  	_ =	swait.ge [sflag:s30], $0x2000  }
0xcc: {  	[sflag:s30] =	ssyncset.done $0x0  }
0xcd: {  	s19 =	sadd.s32 $0x300, s9;
	[sflag:s30] =	ssyncadd.s32 $0xFFFFE000  }
0xce: {  	[tilespmem:s26], [sflag:$0x2] =	stream.indirect.gather [hbm4b:s2+s24], $0x40, s19, s24, $0xb8;
	[tilespmem:$0x1FD88] =	vst v63  }
0xcf: {  	_ =	swait.ge [sflag:s6], $0x2000  }
0xd0: {  	[sflag:s6] =	ssyncset.done $0x0  }
0xd1: {  	s18 =	sadd.s32 $0x4F80, s9;
	[sflag:s6] =	ssyncadd.s32 $0xFFFFE000  }
0xd2: {  	[spmem:s3] =	stream.indirect.scatter.add.f32 [tilespmem:s29], [sflag:$0x8], $0x40, s18, s24, $0xb8;
	[tilespmem:$0x1FD88] =	vst v63  }
0xd3: {  	_ =	swait.ge [sflag:s8], $0x2000  }
0xd4: {  	[sflag:s8] =	ssyncset.done $0x0  }
0xd5: {  	s19 =	sadd.s32 $0x5000, s9;
	[sflag:s8] =	ssyncadd.s32 $0xFFFFE000  }
0xd6: {  	[spmem:s3] =	stream.indirect.scatter.add.f32 [tilespmem:s31], [sflag:$0x9], $0x40, s19, s24, $0xb8;
	[tilespmem:$0x1FD88] =	vst v63  }
.Ltmp11:
0xd7: {  	_ = 	snop;
	(pc) =	sbr.rel .LBB2_16-.Ltmp11, $4  }
0xd8: {  	_ =	swait.ge [sflag:s15], $0x2000  }
0xd9: {  	[sflag:s15] =	ssyncset.done $0x0  }
0xda: {  	s9 =	sadd.s32 $0x5080, s9;
	[sflag:s15] =	ssyncadd.s32 $0xFFFFE000  }
0xdb: {  	[spmem:s3] =	stream.indirect.scatter.add.f32 [tilespmem:s1], [sflag:$0xA], $0x40, s9, s24, $0xb8;
	[tilespmem:$0x1FD88] =	vst v63  }
.LBB2_15:
0xdc: {  	_ =	swait.ge [sflag:s16], $0x2000  }
0xdd: {  	s9 =	sshra.s32 s18, $0x2;
	[sflag:s16] =	ssyncset.done $0x0  }
0xde: {  	s10 =	sadd.s32 $0x200, s9;
	[sflag:s16] =	ssyncadd.s32 $0xFFFFE000  }
0xdf: {  	[tilespmem:s1], [sflag:$0x5] =	stream.indirect.gather [hbm4b:s5+s24], $0x40, s10, s24, $0xb8;
	[tilespmem:$0x1FD88] =	vst v63  }
0xe0: {  	_ =	swait.ge [sflag:s22], $0x2000  }
0xe1: {  	[sflag:s22] =	ssyncset.done $0x0  }
0xe2: {  	s18 =	sadd.s32 $0x4E80, s9;
	[sflag:s22] =	ssyncadd.s32 $0xFFFFE000  }
0xe3: {  	[spmem:s3] =	stream.indirect.scatter.add.f32 [tilespmem:s25], [sflag:$0x6], $0x40, s18, s24, $0xb8;
	[tilespmem:$0x1FD88] =	vst v63  }
0xe4: {  	_ =	swait.ge [sflag:s23], $0x2000  }
0xe5: {  	[sflag:s23] =	ssyncset.done $0x0  }
0xe6: {  	s19 =	sadd.s32 $0x280, s9;
	[sflag:s23] =	ssyncadd.s32 $0xFFFFE000  }
0xe7: {  	[tilespmem:s25], [sflag:$0x1] =	stream.indirect.gather [hbm4b:s5+s24], $0x40, s19, s24, $0xb8;
	[tilespmem:$0x1FD88] =	vst v63  }
0xe8: {  	_ =	swait.ge [sflag:s28], $0x2000  }
0xe9: {  	[sflag:s28] =	ssyncset.done $0x0  }
0xea: {  	s18 =	sadd.s32 $0x4F00, s9;
	[sflag:s28] =	ssyncadd.s32 $0xFFFFE000  }
0xeb: {  	[spmem:s3] =	stream.indirect.scatter.add.f32 [tilespmem:s26], [sflag:$0x7], $0x40, s18, s24, $0xb8;
	[tilespmem:$0x1FD88] =	vst v63  }
0xec: {  	_ =	swait.ge [sflag:s30], $0x2000  }
0xed: {  	[sflag:s30] =	ssyncset.done $0x0  }
0xee: {  	s19 =	sadd.s32 $0x300, s9;
	[sflag:s30] =	ssyncadd.s32 $0xFFFFE000  }
0xef: {  	[tilespmem:s26], [sflag:$0x2] =	stream.indirect.gather [hbm4b:s5+s24], $0x40, s19, s24, $0xb8;
	[tilespmem:$0x1FD88] =	vst v63  }
0xf0: {  	_ =	swait.ge [sflag:s6], $0x2000  }
0xf1: {  	[sflag:s6] =	ssyncset.done $0x0  }
0xf2: {  	s18 =	sadd.s32 $0x4F80, s9;
	[sflag:s6] =	ssyncadd.s32 $0xFFFFE000  }
0xf3: {  	[spmem:s3] =	stream.indirect.scatter.add.f32 [tilespmem:s29], [sflag:$0x8], $0x40, s18, s24, $0xb8;
	[tilespmem:$0x1FD88] =	vst v63  }
0xf4: {  	_ =	swait.ge [sflag:s8], $0x2000  }
0xf5: {  	[sflag:s8] =	ssyncset.done $0x0  }
0xf6: {  	s19 =	sadd.s32 $0x5000, s9;
	[sflag:s8] =	ssyncadd.s32 $0xFFFFE000  }
0xf7: {  	[spmem:s3] =	stream.indirect.scatter.add.f32 [tilespmem:s31], [sflag:$0x9], $0x40, s19, s24, $0xb8;
	[tilespmem:$0x1FD88] =	vst v63  }
0xf8: {  	_ =	swait.ge [sflag:s15], $0x2000  }
0xf9: {  	[sflag:s15] =	ssyncset.done $0x0  }
0xfa: {  	s9 =	sadd.s32 $0x5080, s9;
	[sflag:s15] =	ssyncadd.s32 $0xFFFFE000  }
0xfb: {  	[spmem:s3] =	stream.indirect.scatter.add.f32 [tilespmem:s1], [sflag:$0xA], $0x40, s9, s24, $0xb8;
	[tilespmem:$0x1FD88] =	vst v63  }
.LBB2_16:
0xfc: {  	_ =	swait.ge [sflag:s22], $0x2000  }
0xfd: {  	[sflag:s22] =	ssyncset.done $0x0  }
0xfe: {  	s9 =	simm.s32 $0x9C00;
	[sflag:s22] =	ssyncadd.s32 $0xFFFFE000  }
0xff: {  	[spmem:s3] =	stream.indirect.scatter.add.f32 [tilespmem:s25], [sflag:$0x6], $0x40, s9, s24, $0xb8;
	[tilespmem:$0x1FD88] =	vst v63  }
0x100: {  	_ =	swait.ge [sflag:s28], $0x2000  }
0x101: {  	[sflag:s28] =	ssyncset.done $0x0  }
0x102: {  	s18 =	simm.s32 $0x9C80;
	[sflag:s28] =	ssyncadd.s32 $0xFFFFE000  }
0x103: {  	[spmem:s3] =	stream.indirect.scatter.add.f32 [tilespmem:s26], [sflag:$0x7], $0x40, s18, s24, $0xb8;
	[tilespmem:$0x1FD88] =	vst v63  }
0x104: {  	_ =	swait.ge [sflag:s23], $0x2000  }
0x105: {  	[sflag:s23] =	ssyncset.done $0x0  }
0x106: {  	[sflag:s23] =	ssyncadd.s32 $0xFFFFE000  }
0x107: {  	_ =	swait.ge [sflag:s30], $0x2000  }
0x108: {  	[sflag:s30] =	ssyncset.done $0x0  }
0x109: {  	[sflag:s30] =	ssyncadd.s32 $0xFFFFE000  }
0x10a: {  	_ =	swait.ge [sflag:s7], $0x2000  }
0x10b: {  	[sflag:s7] =	ssyncset.done $0x0  }
0x10c: {  	[sflag:s7] =	ssyncadd.s32 $0xFFFFE000  }
0x10d: {  	_ =	swait.ge [sflag:s14], $0x2000  }
0x10e: {  	[sflag:s14] =	ssyncset.done $0x0  }
0x10f: {  	[sflag:s14] =	ssyncadd.s32 $0xFFFFE000  }
0x110: {  	_ =	swait.ge [sflag:s16], $0x2000  }
0x111: {  	[sflag:s16] =	ssyncset.done $0x0  }
0x112: {  	[sflag:s16] =	ssyncadd.s32 $0xFFFFE000  }
0x113: {  	[bflag:$0x0] =	sbarrier.arrive $0xFFFF  }
0x114: {  	s19 =	rddreg [dreg:$0x7]  }
0x115: {  	[tilespmem:s0], [sflag:$0xB] =	stream.linear.gather [spmem:s19], $0x2000, $0x38;
	[tilespmem:$0x1FD88] =	vst v63  }
0x116: {  	_ =	swait.ge [sflag:s21], $0x2000  }
0x117: {  	[sflag:s21] =	ssyncset.done $0x0  }
0x118: {  	s9 =	simm.s32 $0x13D20;
	[sflag:s21] =	ssyncadd.s32 $0xFFFFE000  }
0x119: {  	v1 =	vld [tilespmem:s9+$0xFFFFFFF0]  }
0x11a: {  	s10 =	simm.s32 $0x0;
	v3 =	vld [tilespmem:s9+$0x10]  }
0x11b: {  	v5 =	vld.msk [tilespmem:s10+$0x15D00 ss:$0x0], $0xffff  }
0x11c: {  	v2 =	vld [tilespmem:s9+$0xFFFFFFE0]  }
0x11d: {  	v6 =	vld [tilespmem:s9+$0x0];
	_ =	sdelay $0x3  }
0x11e: {  	v2 =	vmul.f32 v5, v2;
	v4 =	vmul.f32 v3, v5  }
0x11f: {  	s18 =	simm.s32 $0x4;
	s19 =	simm.s32 $0x13D20;
	v3 =	vmul.f32 v1, v5;
	v1 =	vmul.f32 v6, v5  }
.LBB2_17:
0x120: {  	p1 =	sne.s32 s18, $0x1FC  }
0x121: {  	[tilespmem:s9+$0x10] =	vst v4;
	s19 =	sadd.s32 $0x40, s19;
	s10 =	smov.u32 s18;
	s18 =	sadd.s32 $0x4, s18  }
0x122: {  	[tilespmem:s9+$0xFFFFFFE0] =	vst v2  }
0x123: {  	v5 =	vld [tilespmem:s19+$0xFFFFFFF0];
	[tilespmem:s9+$0xFFFFFFF0] =	vst v3  }
0x124: {  	s10 =	sshra.s32 s10, $0x2;
	v3 =	vld [tilespmem:s19+$0x10];
	[tilespmem:s9+$0x0] =	vst v1;
	s9 =	smov.u32 s19  }
0x125: {  	v1 =	vld.msk [tilespmem:s10+$0x15D00 ss:$0x0], $0xffff  }
0x126: {  	v2 =	vld [tilespmem:s19+$0xFFFFFFE0]  }
0x127: {  	v6 =	vld [tilespmem:s19+$0x0]  }
.Ltmp12:
0x128: {  	(pc) =	sbr.rel @p1 .LBB2_17-.Ltmp12, $3  }
0x129: {  	_ =	sdelay $0x1  }
0x12a: {  	v4 =	vmul.f32 v3, v1;
	v2 =	vmul.f32 v1, v2  }
0x12b: {  	v3 =	vmul.f32 v5, v1;
	v1 =	vmul.f32 v6, v1  }
0x12c: {  	[tilespmem:s9+$0x10] =	vst v4  }
0x12d: {  	[tilespmem:s9+$0xFFFFFFE0] =	vst v2  }
0x12e: {  	[tilespmem:s9+$0xFFFFFFF0] =	vst v3  }
0x12f: {  	s10 =	simm.s32 $0x0;
	s18 =	rddreg [dreg:$0x9];
	[tilespmem:s9+$0x0] =	vst v1  }
0x130: {  	[hbm4b:s18+s10] =	stream.linear.scatter [tilespmem:s0], [sflag:$0xB], $0x2000, $0x38;
	[tilespmem:$0x1FD88] =	vst v63  }
0x131: {  	_ =	swait.ge [sflag:s21], $0x2000  }
0x132: {  	[sflag:s21] =	ssyncset.done $0x0  }
0x133: {  	s19 =	rddreg [dreg:$0x8];
	[sflag:s21] =	ssyncadd.s32 $0xFFFFE000  }
0x134: {  	[tilespmem:s0], [sflag:$0xB] =	stream.linear.gather [spmem:s19], $0x2000, $0x38;
	[tilespmem:$0x1FD88] =	vst v63  }
0x135: {  	_ =	swait.ge [sflag:s21], $0x2000  }
0x136: {  	[sflag:s21] =	ssyncset.done $0x0  }
0x137: {  	s9 =	simm.s32 $0x13D20;
	[sflag:s21] =	ssyncadd.s32 $0xFFFFE000  }
0x138: {  	s10 =	sand.u32 $0x7F, s10;
	v1 =	vld [tilespmem:s9+$0xFFFFFFF0]  }
0x139: {  	s10 =	sor.u32 $0x15D80, s10;
	v3 =	vld [tilespmem:s9+$0x10]  }
0x13a: {  	v5 =	vld.msk [tilespmem:s10+$0x0 ss:$0x0], $0xffff  }
0x13b: {  	v2 =	vld [tilespmem:s9+$0xFFFFFFE0]  }
0x13c: {  	v6 =	vld [tilespmem:s9+$0x0];
	_ =	sdelay $0x3  }
0x13d: {  	v2 =	vmul.f32 v5, v2;
	v4 =	vmul.f32 v3, v5  }
0x13e: {  	s18 =	simm.s32 $0x1;
	s19 =	simm.s32 $0x13D20;
	v3 =	vmul.f32 v1, v5;
	v1 =	vmul.f32 v6, v5  }
.LBB2_19:
0x13f: {  	p1 =	sne.s32 s18, $0x7F  }
0x140: {  	[tilespmem:s9+$0x10] =	vst v4;
	s19 =	sadd.s32 $0x40, s19;
	s10 =	smov.u32 s18;
	s18 =	sadd.s32 $0x1, s18  }
0x141: {  	[tilespmem:s9+$0xFFFFFFE0] =	vst v2  }
0x142: {  	s10 =	sand.u32 $0x7F, s10;
	v5 =	vld [tilespmem:s19+$0xFFFFFFF0];
	[tilespmem:s9+$0xFFFFFFF0] =	vst v3  }
0x143: {  	s10 =	sor.u32 $0x15D80, s10;
	v3 =	vld [tilespmem:s19+$0x10];
	[tilespmem:s9+$0x0] =	vst v1;
	s9 =	smov.u32 s19  }
0x144: {  	v1 =	vld.msk [tilespmem:s10+$0x0 ss:$0x0], $0xffff  }
0x145: {  	v2 =	vld [tilespmem:s19+$0xFFFFFFE0]  }
0x146: {  	v6 =	vld [tilespmem:s19+$0x0]  }
.Ltmp13:
0x147: {  	(pc) =	sbr.rel @p1 .LBB2_19-.Ltmp13, $3  }
0x148: {  	_ =	sdelay $0x1  }
0x149: {  	v4 =	vmul.f32 v3, v1;
	v2 =	vmul.f32 v1, v2  }
0x14a: {  	v3 =	vmul.f32 v5, v1;
	v1 =	vmul.f32 v6, v1  }
0x14b: {  	[tilespmem:s9+$0x10] =	vst v4  }
0x14c: {  	[tilespmem:s9+$0xFFFFFFE0] =	vst v2  }
0x14d: {  	[tilespmem:s9+$0xFFFFFFF0] =	vst v3  }
0x14e: {  	s10 =	simm.s32 $0x0;
	s19 =	rddreg [dreg:$0xa];
	[tilespmem:s9+$0x0] =	vst v1  }
0x14f: {  	[hbm4b:s19+s10] =	stream.linear.scatter [tilespmem:s0], [sflag:$0xB], $0x2000, $0x38;
	[tilespmem:$0x1FD88] =	vst v63  }
0x150: {  	_ =	swait.ge [sflag:s21], $0x2000  }
0x151: {  	[sflag:s21] =	ssyncset.done $0x0  }
0x152: {  	[sflag:s21] =	ssyncadd.s32 $0xFFFFE000  }
0x153: {  	[tilespmem:s0], [sflag:$0xB] =	stream.linear.gather [spmem:s11], $0x2000, $0x38;
	[tilespmem:$0x1FD88] =	vst v63  }
0x154: {  	_ =	swait.ge [sflag:s21], $0x2000  }
0x155: {  	[sflag:s21] =	ssyncset.done $0x0  }
0x156: {  	s9 =	simm.s32 $0x13D20;
	[sflag:s21] =	ssyncadd.s32 $0xFFFFE000  }
0x157: {  	s10 =	sand.u32 $0x7F, s10;
	v1 =	vld [tilespmem:s9+$0xFFFFFFF0]  }
0x158: {  	s10 =	sor.u32 $0x15E00, s10;
	v3 =	vld [tilespmem:s9+$0x10]  }
0x159: {  	v5 =	vld.msk [tilespmem:s10+$0x0 ss:$0x0], $0xffff  }
0x15a: {  	v2 =	vld [tilespmem:s9+$0xFFFFFFE0]  }
0x15b: {  	v6 =	vld [tilespmem:s9+$0x0];
	_ =	sdelay $0x3  }
0x15c: {  	v2 =	vmul.f32 v5, v2;
	v4 =	vmul.f32 v3, v5  }
0x15d: {  	s18 =	simm.s32 $0x1;
	s19 =	simm.s32 $0x13D20;
	v3 =	vmul.f32 v1, v5;
	v1 =	vmul.f32 v6, v5  }
.LBB2_21:
0x15e: {  	p1 =	sne.s32 s18, $0x7F  }
0x15f: {  	[tilespmem:s9+$0x10] =	vst v4;
	s19 =	sadd.s32 $0x40, s19;
	s10 =	smov.u32 s18;
	s18 =	sadd.s32 $0x1, s18  }
0x160: {  	[tilespmem:s9+$0xFFFFFFE0] =	vst v2  }
0x161: {  	s10 =	sand.u32 $0x7F, s10;
	v5 =	vld [tilespmem:s19+$0xFFFFFFF0];
	[tilespmem:s9+$0xFFFFFFF0] =	vst v3  }
0x162: {  	s10 =	sor.u32 $0x15E00, s10;
	v3 =	vld [tilespmem:s19+$0x10];
	[tilespmem:s9+$0x0] =	vst v1;
	s9 =	smov.u32 s19  }
0x163: {  	v1 =	vld.msk [tilespmem:s10+$0x0 ss:$0x0], $0xffff  }
0x164: {  	v2 =	vld [tilespmem:s19+$0xFFFFFFE0]  }
0x165: {  	v6 =	vld [tilespmem:s19+$0x0]  }
.Ltmp14:
0x166: {  	(pc) =	sbr.rel @p1 .LBB2_21-.Ltmp14, $3  }
0x167: {  	_ =	sdelay $0x1  }
0x168: {  	v4 =	vmul.f32 v3, v1;
	v2 =	vmul.f32 v1, v2  }
0x169: {  	v3 =	vmul.f32 v5, v1;
	v1 =	vmul.f32 v6, v1  }
0x16a: {  	[tilespmem:s9+$0x10] =	vst v4  }
0x16b: {  	[tilespmem:s9+$0xFFFFFFE0] =	vst v2  }
0x16c: {  	[tilespmem:s9+$0xFFFFFFF0] =	vst v3  }
0x16d: {  	s10 =	simm.s32 $0x0;
	s19 =	rddreg [dreg:$0xb];
	[tilespmem:s9+$0x0] =	vst v1  }
0x16e: {  	[hbm4b:s19+s10] =	stream.linear.scatter [tilespmem:s0], [sflag:$0xB], $0x2000, $0x38;
	[tilespmem:$0x1FD88] =	vst v63  }
0x16f: {  	_ =	swait.ge [sflag:s21], $0x2000  }
0x170: {  	[sflag:s21] =	ssyncset.done $0x0  }
0x171: {  	[sflag:s21] =	ssyncadd.s32 $0xFFFFE000  }
0x172: {  	[tilespmem:s0], [sflag:$0xB] =	stream.linear.gather [spmem:s12], $0x2000, $0x38;
	[tilespmem:$0x1FD88] =	vst v63  }
0x173: {  	_ =	swait.ge [sflag:s21], $0x2000  }
0x174: {  	[sflag:s21] =	ssyncset.done $0x0  }
0x175: {  	s9 =	simm.s32 $0x13D20;
	[sflag:s21] =	ssyncadd.s32 $0xFFFFE000  }
0x176: {  	s10 =	sand.u32 $0x7F, s10;
	v1 =	vld [tilespmem:s9+$0xFFFFFFF0]  }
0x177: {  	s10 =	sor.u32 $0x15E80, s10;
	v3 =	vld [tilespmem:s9+$0x10]  }
0x178: {  	v5 =	vld.msk [tilespmem:s10+$0x0 ss:$0x0], $0xffff  }
0x179: {  	v2 =	vld [tilespmem:s9+$0xFFFFFFE0]  }
0x17a: {  	v6 =	vld [tilespmem:s9+$0x0];
	_ =	sdelay $0x3  }
0x17b: {  	v2 =	vmul.f32 v5, v2;
	v4 =	vmul.f32 v3, v5  }
0x17c: {  	s18 =	simm.s32 $0x1;
	s19 =	simm.s32 $0x13D20;
	v3 =	vmul.f32 v1, v5;
	v1 =	vmul.f32 v6, v5  }
.LBB2_23:
0x17d: {  	p1 =	sne.s32 s18, $0x7F  }
0x17e: {  	[tilespmem:s9+$0x10] =	vst v4;
	s19 =	sadd.s32 $0x40, s19;
	s10 =	smov.u32 s18;
	s18 =	sadd.s32 $0x1, s18  }
0x17f: {  	[tilespmem:s9+$0xFFFFFFE0] =	vst v2  }
0x180: {  	s10 =	sand.u32 $0x7F, s10;
	v5 =	vld [tilespmem:s19+$0xFFFFFFF0];
	[tilespmem:s9+$0xFFFFFFF0] =	vst v3  }
0x181: {  	s10 =	sor.u32 $0x15E80, s10;
	v3 =	vld [tilespmem:s19+$0x10];
	[tilespmem:s9+$0x0] =	vst v1;
	s9 =	smov.u32 s19  }
0x182: {  	v1 =	vld.msk [tilespmem:s10+$0x0 ss:$0x0], $0xffff  }
0x183: {  	v2 =	vld [tilespmem:s19+$0xFFFFFFE0]  }
0x184: {  	v6 =	vld [tilespmem:s19+$0x0]  }
.Ltmp15:
0x185: {  	(pc) =	sbr.rel @p1 .LBB2_23-.Ltmp15, $3  }
0x186: {  	_ =	sdelay $0x1  }
0x187: {  	v4 =	vmul.f32 v3, v1;
	v2 =	vmul.f32 v1, v2  }
0x188: {  	v3 =	vmul.f32 v5, v1;
	v1 =	vmul.f32 v6, v1  }
0x189: {  	[tilespmem:s9+$0x10] =	vst v4  }
0x18a: {  	[tilespmem:s9+$0xFFFFFFE0] =	vst v2  }
0x18b: {  	[tilespmem:s9+$0xFFFFFFF0] =	vst v3  }
0x18c: {  	s10 =	simm.s32 $0x0;
	s19 =	rddreg [dreg:$0xc];
	[tilespmem:s9+$0x0] =	vst v1  }
0x18d: {  	[hbm4b:s19+s10] =	stream.linear.scatter [tilespmem:s0], [sflag:$0xB], $0x2000, $0x38;
	[tilespmem:$0x1FD88] =	vst v63  }
0x18e: {  	_ =	swait.ge [sflag:s21], $0x2000  }
0x18f: {  	[sflag:s21] =	ssyncset.done $0x0  }
0x190: {  	[sflag:s21] =	ssyncadd.s32 $0xFFFFE000  }
0x191: {  	[tilespmem:s0], [sflag:$0xB] =	stream.linear.gather [spmem:s13], $0x1E00, $0x38;
	[tilespmem:$0x1FD88] =	vst v63  }
0x192: {  	_ =	swait.ge [sflag:s21], $0x1E00  }
0x193: {  	[sflag:s21] =	ssyncset.done $0x0  }
0x194: {  	s9 =	simm.s32 $0x13D20;
	[sflag:s21] =	ssyncadd.s32 $0xFFFFE200  }
0x195: {  	s10 =	sand.u32 $0x7F, s10;
	v1 =	vld [tilespmem:s9+$0xFFFFFFF0]  }
0x196: {  	s10 =	sor.u32 $0x15F00, s10;
	v3 =	vld [tilespmem:s9+$0x10]  }
0x197: {  	v5 =	vld.msk [tilespmem:s10+$0x0 ss:$0x0], $0xffff  }
0x198: {  	v2 =	vld [tilespmem:s9+$0xFFFFFFE0]  }
0x199: {  	v6 =	vld [tilespmem:s9+$0x0];
	_ =	sdelay $0x3  }
0x19a: {  	v2 =	vmul.f32 v5, v2;
	v4 =	vmul.f32 v3, v5  }
0x19b: {  	s18 =	simm.s32 $0x1;
	s19 =	simm.s32 $0x13D20;
	v3 =	vmul.f32 v1, v5;
	v1 =	vmul.f32 v6, v5  }
.LBB2_25:
0x19c: {  	p1 =	sne.s32 s18, $0x77  }
0x19d: {  	[tilespmem:s9+$0x10] =	vst v4;
	s19 =	sadd.s32 $0x40, s19;
	s10 =	smov.u32 s18;
	s18 =	sadd.s32 $0x1, s18  }
0x19e: {  	[tilespmem:s9+$0xFFFFFFE0] =	vst v2  }
0x19f: {  	s10 =	sand.u32 $0x7F, s10;
	v5 =	vld [tilespmem:s19+$0xFFFFFFF0];
	[tilespmem:s9+$0xFFFFFFF0] =	vst v3  }
0x1a0: {  	s10 =	sor.u32 $0x15F00, s10;
	v3 =	vld [tilespmem:s19+$0x10];
	[tilespmem:s9+$0x0] =	vst v1;
	s9 =	smov.u32 s19  }
0x1a1: {  	v1 =	vld.msk [tilespmem:s10+$0x0 ss:$0x0], $0xffff  }
0x1a2: {  	v2 =	vld [tilespmem:s19+$0xFFFFFFE0]  }
0x1a3: {  	v6 =	vld [tilespmem:s19+$0x0]  }
.Ltmp16:
0x1a4: {  	(pc) =	sbr.rel @p1 .LBB2_25-.Ltmp16, $3  }
0x1a5: {  	_ =	sdelay $0x1  }
0x1a6: {  	v4 =	vmul.f32 v3, v1;
	v2 =	vmul.f32 v1, v2  }
0x1a7: {  	v3 =	vmul.f32 v5, v1;
	v1 =	vmul.f32 v6, v1  }
0x1a8: {  	[tilespmem:s9+$0x10] =	vst v4  }
0x1a9: {  	[tilespmem:s9+$0xFFFFFFE0] =	vst v2  }
0x1aa: {  	[tilespmem:s9+$0xFFFFFFF0] =	vst v3  }
0x1ab: {  	s18 =	rddreg [dreg:$0xd];
	[tilespmem:s9+$0x0] =	vst v1  }
0x1ac: {  	[hbm4b:s18+s4] =	stream.linear.scatter [tilespmem:s0], [sflag:$0xB], $0x1E00, $0x38;
	[tilespmem:$0x1FD88] =	vst v63  }
0x1ad: {  	_ =	swait.ge [sflag:s21], $0x1E00  }
0x1ae: {  	s17 =	sadd.s32 $0x1, s17;
	s19 =	rddreg [dreg:$0xe]  }
0x1af: {  	p1 =	sne.s32 s17, s19  }
.Ltmp17:
0x1b0: {  	_ = 	snop;
	(pc) =	sbr.rel @p1 .LBB2_1-.Ltmp17, $3  }
0x1b1: {  	_ =	sdelay $0x1  }
0x1b2: {  	[sflag:s21] =	ssyncset.done $0x0  }
0x1b3: {  	[sflag:s21] =	ssyncadd.s32 $0xFFFFE200  }
0x1b4: {  	_ =	sfence.sel $0x180000  }
0x1b5: {  	[bflag:$0x0] =	sbarrier.arrive $0xFFFF  }
0x1b6: {  	_ =	strace $0x9000004A  }
0x1b7: {  	s0 =	stileid.u32;
	[bflag:$0x2] =	sbarrier.arrive $0xFFFF  }
0x1b8: {  	p0 =	sne.s32 s0, $0x0;
	s0 =	rddreg [dreg:$0x3]  }
0x1b9: {  	s0 =	sadd.s32 @!p0 $0x100000, s0  }
0x1ba: {  	[sflag:s0] =	ssyncadd.tile.s32 @!p0 $0x1;
	_ =	shalt  }
.Lfunc_end2:
_tile_overlayer_lowered:
.L_overlay_start_2:
0x1bb: {  	(tag) =	ssettag $0x2  }
0x1bc: {  	s0 =	rddreg [dreg:$0x0];
	s2 =	stileid.u32  }
0x1bd: {  	s1 =	rddreg [dreg:$0x1];
	p0 =	sne.s32 s2, $0x0  }
0x1be: {  	s3 =	rddreg [dreg:$0x2];
	[bflag:$0x3] =	sbarrier.arrive $0xFFFF;
	s2 =	simm.s32 @!p0 $0x1C0B  }
0x1bf: {  	[timem:s3], [sflag:s2] =	dma.local @!p0 [hbm:s0], s1  }
0x1c0: {  	s0 =	simm.s32 @!p0 $0xB  }
0x1c1: {  	_ =	swait.ge @!p0 [sflag:s0], s1  }
0x1c2: {  	s1 =	ssub.s32 @!p0 $0x0, s1;
	[sflag:s0] =	ssyncset.done @!p0 $0x0  }
0x1c3: {  	[sflag:s0] =	ssyncadd.s32 @!p0 s1  }
0x1c4: {  	[bflag:$0x3] =	sbarrier.arrive $0xFFFF  }
0x1c5: {  	_ =	shalt  }

// kernel: kernel.14.cloned.1.call-start
scs
__scs_entry_jumppad:
0x0: {  	(pc) =	sbr.rel $0x88, $3  }
0x1: {  	(tag) =	ssettag $0x0;
	lr =	simm.s32 $0x1  }
0x2: {  	[smem:$0x3F9B] =	sst lr;
	_ =	strace $0xD0000000  }
0x3: {  	_ = 	snop  }
0x4: {  	_ = 	snop  }
0x5: {  	_ = 	snop  }
0x6: {  	_ = 	snop  }
0x7: {  	_ = 	snop  }
__scs_overlays_trampoline_lowered:
0x8: {  	[smem:$0x3FAA] =	sst s0  }
0x9: {  	[smem:$0x3FAB] =	sst s1  }
0xa: {  	[smem:$0x3FAC] =	sst s2  }
0xb: {  	[smem:$0x3FAD] =	sst s3  }
0xc: {  	[smem:$0x3FAE] =	sst s4  }
0xd: {  	[smem:$0x3FAF] =	sst s5  }
0xe: {  	[smem:$0x3FB0] =	sst s6  }
0xf: {  	[smem:$0x3FB1] =	sst s7  }
0x10: {  	[smem:$0x3FB2] =	sst s8  }
0x11: {  	[smem:$0x3FB3] =	sst s9;
	s0 =	simm.s32 @!p0 $0x0  }
0x12: {  	s1 =	sld [smem:$0x3F99];
	s0 =	simm.s32 @p0 $0x1  }
0x13: {  	[smem:$0x3FB4] =	sst s0;
	s0 =	simm.s32 @!p1 $0x0  }
0x14: {  	s2 =	sld [smem:$0x3F98];
	s0 =	simm.s32 @p1 $0x1  }
0x15: {  	[smem:$0x3FB5] =	sst s0;
	s0 =	simm.s32 @!p2 $0x0  }
0x16: {  	s3 =	sld [smem:$0x3FDB];
	s0 =	simm.s32 @p2 $0x1  }
0x17: {  	s4 =	simm.s32 $0x1BF5;
	[smem:$0x3FB7] =	sst s0  }
0x18: {  	s0 =	sld [smem:$0x3F9A];
	_ =	swait.ge [sflag:s4], $0x0  }
0x19: {  	s7 =	sld [smem:$0x3F9B]  }
0x1a: {  	s8 =	sadd.s32 $0xFFFFE003, lr  }
0x1b: {  	s9 =	sadd.s32 $0xFFFFFEF7, lr;
	s5 =	simm.s32 $0xFFFFFFFF;
	p2 =	slt.u32 s8, $0xFFFFF086  }
0x1c: {  	p1 =	slt.u32 s9, $0xF7A;
	s5 =	simm.s32 @!p2 $0x0  }
0x1d: {  	s5 =	simm.s32 @p1 $0x1;
	p0 =	seq.s32 s7, s2  }
0x1e: {  	s7 =	smul.u32 @!p0 $0xF7A, s2;
	p2 =	seq.s32 @!p0 s5, $0x0  }
0x1f: {  	s9 =	smul.u32 $0xF7A, s1;
	s8 =	simm.s32 @!p0 $0x1BF5;
	p2 =	por !p2, p0  }
0x20: {  	[sflag:s8] =	ssyncset.s32 @!p0 $0xFFFFF086;
	s6 =	sadd.s32 @!p0 s3, s7;
	s7 =	simm.s32 @!p0 $0x108  }
0x21: {  	s3 =	sadd.s32 s3, s9;
	s6 =	sadd.s32 @!p0 $0x88, s6;
	s7 =	simm.s32 @p2 $0x1082  }
0x22: {  	[simem:s7], [sflag:s8] =	dma.local @!p0 [hbm:s6], $0xF7A  }
0x23: {  	s9 =	sor.u32 $0xD0000000, s2;
	s6 =	simm.s32 $0x108;
	_ =	swait.ge @!p0 [sflag:s8], $0x0  }
0x24: {  	s3 =	sadd.s32 $0x88, s3;
	s6 =	simm.s32 @!p1 $0x1082;
	[sflag:s4] =	ssyncset.s32 $0xFFFFF086  }
0x25: {  	[simem:s6], [sflag:s4] =	dma.local [hbm:s3], $0xF7A  }
0x26: {  	[smem:$0x3F9B] =	sst s1;
	(tag) =	ssettag s2;
	_ =	strace s9  }
0x27: {  	s1 =	sld [smem:$0x3FAB]  }
0x28: {  	s2 =	sld [smem:$0x3FAC]  }
0x29: {  	s4 =	sld [smem:$0x3FAE]  }
0x2a: {  	p0 =	seq.s32 s5, $0x0;
	s5 =	sld [smem:$0x3FAF]  }
0x2b: {  	s6 =	sld [smem:$0x3FB0]  }
0x2c: {  	s7 =	sld [smem:$0x3FB1]  }
0x2d: {  	s3 =	simm.s32 $0x108;
	s8 =	sld [smem:$0x3FB2]  }
0x2e: {  	s3 =	simm.s32 @!p0 $0x1082;
	s9 =	sld [smem:$0x3FB3]  }
0x2f: {  	lr =	sadd.s32 s0, s3;
	s0 =	sld [smem:$0x3FAA]  }
0x30: {  	s3 =	sld [smem:$0x3FAD]  }
0x31: {  	[smem:$0x3FB6] =	sst s10  }
0x32: {  	s10 =	sld [smem:$0x3FB4];
	_ =	sdelay $0x3  }
0x33: {  	p0 =	seq.s32 s10, $0x1;
	s10 =	sld [smem:$0x3FB6];
	_ =	sdelay $0x3  }
0x34: {  	[smem:$0x3FB6] =	sst s10  }
0x35: {  	s10 =	sld [smem:$0x3FB5];
	_ =	sdelay $0x3  }
0x36: {  	p1 =	seq.s32 s10, $0x1;
	s10 =	sld [smem:$0x3FB6];
	_ =	sdelay $0x3  }
0x37: {  	[smem:$0x3FB6] =	sst s10  }
0x38: {  	s10 =	sld [smem:$0x3FB7]  }
0x39: {  	_ = 	snop;
	(pc) =	sbr.ind lr, $3  }
0x3a: {  	_ = 	snop  }
0x3b: {  	_ = 	snop  }
0x3c: {  	p2 =	seq.s32 s10, $0x1;
	s10 =	sld [smem:$0x3FB6]  }
0x3d: {  	_ =	shalt  }
0x3e: {  	_ =	shalt  }
0x3f: {  	_ =	shalt  }
0x40: {  	_ =	shalt  }
0x41: {  	_ =	shalt  }
0x42: {  	_ =	shalt  }
0x43: {  	_ =	shalt  }
0x44: {  	_ =	shalt  }
0x45: {  	_ =	shalt  }
0x46: {  	_ =	shalt  }
0x47: {  	_ =	shalt  }
0x48: {  	_ =	shalt  }
0x49: {  	_ =	shalt  }
0x4a: {  	_ =	shalt  }
0x4b: {  	_ =	shalt  }
0x4c: {  	_ =	shalt  }
0x4d: {  	_ =	shalt  }
0x4e: {  	_ =	shalt  }
0x4f: {  	_ =	shalt  }
0x50: {  	_ =	shalt  }
0x51: {  	_ =	shalt  }
0x52: {  	_ =	shalt  }
0x53: {  	_ =	shalt  }
0x54: {  	_ =	shalt  }
0x55: {  	_ =	shalt  }
0x56: {  	_ =	shalt  }
0x57: {  	_ =	shalt  }
0x58: {  	_ =	shalt  }
0x59: {  	_ =	shalt  }
0x5a: {  	_ =	shalt  }
0x5b: {  	_ =	shalt  }
0x5c: {  	_ =	shalt  }
0x5d: {  	_ =	shalt  }
0x5e: {  	_ =	shalt  }
0x5f: {  	_ =	shalt  }
0x60: {  	_ =	shalt  }
0x61: {  	_ =	shalt  }
0x62: {  	_ =	shalt  }
0x63: {  	_ =	shalt  }
0x64: {  	_ =	shalt  }
0x65: {  	_ =	shalt  }
0x66: {  	_ =	shalt  }
0x67: {  	_ =	shalt  }
0x68: {  	_ =	shalt  }
0x69: {  	_ =	shalt  }
0x6a: {  	_ =	shalt  }
0x6b: {  	_ =	shalt  }
0x6c: {  	_ =	shalt  }
0x6d: {  	_ =	shalt  }
0x6e: {  	_ =	shalt  }
0x6f: {  	_ =	shalt  }
0x70: {  	_ =	shalt  }
0x71: {  	_ =	shalt  }
0x72: {  	_ =	shalt  }
0x73: {  	_ =	shalt  }
0x74: {  	_ =	shalt  }
0x75: {  	_ =	shalt  }
0x76: {  	_ =	shalt  }
0x77: {  	_ =	shalt  }
0x78: {  	_ =	shalt  }
0x79: {  	_ =	shalt  }
0x7a: {  	_ =	shalt  }
0x7b: {  	_ =	shalt  }
0x7c: {  	_ =	shalt  }
0x7d: {  	_ =	shalt  }
0x7e: {  	_ =	shalt  }
0x7f: {  	_ =	shalt  }
0x80: {  	_ =	shalt  }
0x81: {  	_ =	shalt  }
0x82: {  	_ =	shalt  }
0x83: {  	_ =	shalt  }
0x84: {  	_ =	shalt  }
0x85: {  	_ =	shalt  }
0x86: {  	_ =	shalt  }
0x87: {  	_ =	shalt  }
.Lfunc_end0:
.L_simem_size_0:
called_computation.2_lowered:
.L_overlay_start_0:
0x88: {  	s2 =	sld [smem:$0x3FD9]  }
0x89: {  	s3 =	sld [smem:$0x3FFE];
	_ =	sdelay $0x1  }
0x8a: {  	s1 =	srdreg.scid  }
0x8b: {  	s0 =	sand.u32 $0x1, s1  }
0x8c: {  	s17 =	sshll.u32 s0, $0xA;
	s2 =	sadd.s32 s3, s2  }
0x8d: {  	s2 =	sadd.s32 s2, s17  }
0x8e: {  	[smem:$0x3FC2] =	sst s2  }
0x8f: {  	_ = 	snop  }
0x90: {  	s2 =	sld [smem:$0x3FD0];
	(tm) =	ssettm $0x1  }
0x91: {  	s18 =	sld [smem:$0x3FFB];
	_ =	sdelay $0x3  }
0x92: {  	_ =	strace s18  }
0x93: {  	s3 =	sld [smem:$0x3FFC];
	_ =	sdelay $0x3  }
0x94: {  	_ =	strace s3  }
0x95: {  	s3 =	sld [smem:$0x3FFD];
	_ =	sdelay $0x3  }
0x96: {  	_ =	strace s3  }
0x97: {  	_ =	strace $0x8FFFFFFF  }
0x98: {  	s19 =	sld [smem:$0x3FDB];
	_ =	sdelay $0x1  }
0x99: {  	s4 =	simm.s32 $_scs_section_size  }
0x9a: {  	s5 =	simm.s32 $_size__tile_overlayer_lowered;
	s6 =	simm.s32 $_tile_overlayer_lowered  }
0x9b: {  	s22 =	simm.s32 $0x1BFF;
	s21 =	sshll.u32 s6, $0x1;
	s3 =	sadd.s32 s4, s19  }
0x9c: {  	s7 =	simm.s32 $0x0;
	s20 =	sshll.u32 s5, $0x1;
	s5 =	sadd.s32 s21, s3  }
0x9d: {  	[timem:s7], [sflag:s22] =	dma.local [hbm:s5], s20  }
0x9e: {  	_ =	swait.ge [sflag:s22], s20  }
0x9f: {  	s4 =	ssub.s32 $0x0, s20;
	[sflag:s22] =	ssyncset.done $0x0  }
0xa0: {  	[sflag:s22] =	ssyncadd.s32 s4;
	_ =	sdelay $0x1  }
0xa1: {  	s23 =	simm.s32 $0x1B8B  }
0xa2: {  	_ =	swait.ge [sflag:s23], $0x1  }
0xa3: {  	[sflag:s23] =	ssyncset.done $0x0  }
0xa4: {  	s25 =	simm.s32 $0x1B8E;
	s24 =	sld [smem:$0x3FFE];
	[sflag:s23] =	ssyncadd.s32 $0xFFFFFFFF  }
0xa5: {  	s26 =	simm.s32 $execute0_lowered;
	[smem:$0x3FD2] =	sst s25  }
0xa6: {  	s5 =	sshll.u32 s26, $0x1;
	_ =	strace $0x8000004C;
	[dreg:$0x1] =	wrdreg $0xFFFFFFFF  }
0xa7: {  	s28 =	simm.s32 $_size_execute0_lowered;
	s3 =	sadd.s32 s3, s5;
	[dreg:$0x0] =	wrdreg $0x0  }
0xa8: {  	s5 =	sshll.u32 s28, $0x1;
	[dreg:$0x2] =	wrdreg s3  }
0xa9: {  	[dreg:$0x3] =	wrdreg s5  }
0xaa: {  	[dreg:$0x4] =	wrdreg $0xC0  }
0xab: {  	_ =	task [dreg:s7], $0x5FFFF  }
0xac: {  	[dreg:$0x1] =	wrdreg $0xFFFFFFFF  }
0xad: {  	[dreg:$0x0] =	wrdreg $0x60  }
0xae: {  	[dreg:$0x2] =	wrdreg s2  }
0xaf: {  	[dreg:$0x3] =	wrdreg s24  }
0xb0: {  	[dreg:$0x4] =	wrdreg $0x15F880  }
0xb1: {  	[dreg:$0x5] =	wrdreg $0x9  }
0xb2: {  	_ =	task.clear_ibuf [dreg:s7], $0x6FFFF;
	_ =	strace $0x9000004C  }
0xb3: {  	s29 =	simm.s32 $0x9;
	_ =	strace $0x8000004E  }
0xb4: {  	_ =	swait.ge [sflag:s29], $0x1  }
0xb5: {  	[sflag:s29] =	ssyncadd.s32 $0xFFFFFFFF  }
0xb6: {  	_ =	strace $0x9000004E  }
0xb7: {  	_ =	sfence  }
0xb8: {  	s30 =	sld [smem:$0x0];
	_ =	sdelay $0x2  }
0xb9: {  	s31 =	sshll.u32 s1, $0xD;
	s1 =	sshrl.u32 s1, $0x2  }
0xba: {  	s3 =	sand.u32 $0x4000, s31;
	s1 =	sadd.s32 s1, s30  }
0xbb: {  	s0 =	sor.u32 s3, s0;
	s1 =	sshll.u32 s1, $0x11  }
0xbc: {  	s0 =	sor.u32 s1, s0  }
0xbd: {  	s0 =	sadd.s32 $0x8F2B, s0  }
0xbe: {  	[sflag:s0] =	ssyncadd.remote.s32 $0x1  }
0xbf: {  	_ =	sfence.sel $0xFFFF  }
0xc0: {  	[dreg:$0x0] =	wrdreg $0xFFFFFFFF;
	(pc) =	sbr.abs _section_cstart, $3  }
0xc1: {  	[dreg:$0x1] =	wrdreg $0xFFFFFFFF  }
0xc2: {  	_ =	task.clear_ibuf [dreg:s7], $0x2FFFF;
	_ =	strace $0x9FFFFFFF  }
0xc3: {  	(tm) =	ssettm $0x7FFFFFFF  }
tec
execute0_lowered:
.L_overlay_start_1:
0x0: {  	(tag) =	ssettag $0x1  }
0x1: {  	s2 =	rddreg [dreg:$0x0]  }
0x2: {  	s0 =	rddreg [dreg:$0x1]  }
0x3: {  	s3 =	rddreg [dreg:$0x2];
	s10 =	stileid.u32  }
0x4: {  	s4 =	simm.s32 $0x0;
	s5 =	srdreg.scid;
	s29 =	simm.s32 $0xDD00  }
0x5: {  	s31 =	simm.s32 $0xFD00;
	s28 =	simm.s32 $0x2;
	s1 =	smul.u32 $0x9D0, s10  }
0x6: {  	s30 =	simm.s32 $0x7;
	[smem:$0x7FF] =	sst s4;
	s6 =	smul.u32 $0x4F, s10  }
0x7: {  	s7 =	sand.u32 $0x1, s5;
	s5 =	sadd.s32 $0x16200, s0;
	s13 =	smul.u32 $0x9E00, s10  }
0x8: {  	_ =	strace $0x8000004D;
	s8 =	ssub.s32 $0x2, s7;
	p0 =	seq.s32 s7, $0x0  }
0x9: {  	s1 =	sadd.s32 s1, s0;
	s6 =	sadd.s32 s6, s0;
	s9 =	sshrl.u32 s8, $0x1  }
0xa: {  	s0 =	sadd.s32 $0x29E00, s0;
	s17 =	sadd.s32 s13, s3;
	s18 =	sadd.s32 $0x2000, s13  }
0xb: {  	s19 =	sadd.s32 $0x4000, s13;
	s14 =	sadd.s32 $0x6000, s13;
	s8 =	ssub.s32 s8, s9  }
0xc: {  	s15 =	sadd.s32 $0xC400, s1;
	s1 =	sadd.s32 $0x2600, s1;
	[dreg:$0x7] =	wrdreg s17  }
0xd: {  	s16 =	sadd.s32 $0x51600, s6;
	s20 =	sadd.s32 s18, s3;
	[dreg:$0x4] =	wrdreg s15  }
0xe: {  	s11 =	sadd.s32 s19, s3;
	s12 =	sadd.s32 s14, s3;
	[dreg:$0x5] =	wrdreg s1  }
0xf: {  	s6 =	simm.s32 $0x3;
	s17 =	simm.s32 $0x0;
	[dreg:$0x6] =	wrdreg s16  }
0x10: {  	s15 =	smul.u32 $0x9E000, s7;
	[dreg:$0x8] =	wrdreg s20;
	s16 =	sadd.s32 $0x8000, s13  }
0x11: {  	s26 =	smax.u32 s8, $0x1;
	s20 =	smov.u32 s5;
	s8 =	simm.s32 $0x4  }
0x12: {  	[dreg:$0xe] =	wrdreg s26;
	s20 =	smov.u32 @p0 s2;
	p0 =	sne.s32 s7, $0x0  }
0x13: {  	s26 =	simm.s32 $0xBD00;
	s7 =	simm.s32 $0x8;
	s9 =	sadd.s32 s13, s15  }
0x14: {  	s1 =	sadd.s32 s15, s18;
	s13 =	sadd.s32 s16, s3;
	s21 =	sadd.s32 s15, s19  }
0x15: {  	s22 =	sadd.s32 s15, s14;
	s23 =	sadd.s32 s15, s16;
	s14 =	simm.s32 $0x9  }
0x16: {  	s15 =	simm.s32 $0x5;
	s16 =	simm.s32 $0xA;
	s9 =	sshrl.u32 s9, $0x3  }
0x17: {  	s1 =	sshrl.u32 s1, $0x3;
	s24 =	sshrl.u32 s22, $0x3;
	s25 =	sshrl.u32 s23, $0x3  }
0x18: {  	s22 =	simm.s32 $0x1;
	s23 =	simm.s32 $0x6;
	s1 =	sadd.s32 s0, s1  }
0x19: {  	s9 =	sadd.s32 s0, s9;
	[dreg:$0xa] =	wrdreg s1;
	s1 =	sshrl.u32 s21, $0x3  }
0x1a: {  	[dreg:$0x9] =	wrdreg s9;
	s21 =	simm.s32 $0xB;
	s1 =	sadd.s32 s0, s1  }
0x1b: {  	[dreg:$0xb] =	wrdreg s1;
	s1 =	sadd.s32 s0, s24;
	s0 =	sadd.s32 s0, s25  }
0x1c: {  	s24 =	simm.s32 $0x80;
	s25 =	simm.s32 $0x9D00;
	[dreg:$0xc] =	wrdreg s1  }
0x1d: {  	v0 =	vimm.f32 $0.0e+00;
	[dreg:$0xd] =	wrdreg s0;
	s0 =	simm.s32 $0x13D00;
	s1 =	simm.s32 $0x11D00  }
.LBB2_1:
0x1e: {  	s9 =	rddreg [dreg:$0x4]  }
0x1f: {  	[tilespmem:s4], [sflag:$0xB] =	stream.linear.gather [hbm4b:s9+s4], $0x4E80, $0x38;
	[tilespmem:$0x1FD88] =	vst v63  }
0x20: {  	_ =	swait.ge [sflag:s21], $0x4E80  }
0x21: {  	[sflag:s21] =	ssyncset.done $0x0  }
0x22: {  	s10 =	simm.s32 $0x4E80;
	s19 =	rddreg [dreg:$0x5];
	[sflag:s21] =	ssyncadd.s32 $0xFFFFB180  }
0x23: {  	[tilespmem:s10], [sflag:$0xB] =	stream.linear.gather [hbm4b:s19+s4], $0x4E80, $0x38;
	[tilespmem:$0x1FD88] =	vst v63  }
0x24: {  	_ =	swait.ge [sflag:s21], $0x4E80  }
0x25: {  	[sflag:s21] =	ssyncset.done $0x0  }
0x26: {  	s19 =	simm.s32 $0x15D00;
	s18 =	rddreg [dreg:$0x6];
	[sflag:s21] =	ssyncadd.s32 $0xFFFFB180  }
0x27: {  	[tilespmem:s19], [sflag:$0xB] =	stream.linear.gather [hbm4b:s18+s4], $0x278, $0x38;
	[tilespmem:$0x1FD88] =	vst v63  }
0x28: {  	_ =	swait.ge [sflag:s21], $0x278  }
0x29: {  	[sflag:s21] =	ssyncset.done $0x0  }
0x2a: {  	[sflag:s21] =	ssyncadd.s32 $0xFFFFFD88  }
0x2b: {  	[tilespmem:s25], [sflag:$0x1] =	stream.indirect.gather [hbm4b:s20+s24], $0x40, s4, s24, $0xb8;
	[tilespmem:$0x1FD88] =	vst v63  }
0x2c: {  	_ = 	snop  }
0x2d: {  	[tilespmem:s26], [sflag:$0x2] =	stream.indirect.gather [hbm4b:s20+s24], $0x40, s24, s24, $0xb8;
	[tilespmem:$0x1FD88] =	vst v63  }
0x2e: {  	s18 =	simm.s32 $0x100  }
0x2f: {  	[tilespmem:s29], [sflag:$0x3] =	stream.indirect.gather [hbm4b:s20+s24], $0x40, s18, s24, $0xb8;
	[tilespmem:$0x1FD88] =	vst v63  }
0x30: {  	s9 =	simm.s32 $0x0;
	s19 =	simm.s32 $0x180;
	s18 =	simm.s32 $0x100  }
0x31: {  	[tilespmem:s31], [sflag:$0x4] =	stream.indirect.gather [hbm4b:s20+s24], $0x40, s19, s24, $0xb8;
	[tilespmem:$0x1FD88] =	vst v63  }
.LBB2_2:
0x32: {  	p1 =	sne.s32 s18, $0x7F00;
	[tilespmem:s9+$0x13D30] =	vst v0;
	s19 =	smov.u32 s18;
	s18 =	sadd.s32 $0x100, s18  }
.Ltmp0:
0x33: {  	[tilespmem:s9+$0x13D20] =	vst v0;
	(pc) =	sbr.rel @p1 .LBB2_2-.Ltmp0, $3  }
0x34: {  	[tilespmem:s9+$0x13D00] =	vst v0  }
0x35: {  	[tilespmem:s9+$0x13D10] =	vst v0;
	_ =	sdelay $0x1  }
0x36: {  	s9 =	sshra.s32 s19, $0x2  }
0x37: {  	[tilespmem:s9+$0x13D30] =	vst v0  }
0x38: {  	[tilespmem:s9+$0x13D20] =	vst v0  }
0x39: {  	[tilespmem:s9+$0x13D00] =	vst v0  }
0x3a: {  	[tilespmem:s9+$0x13D10] =	vst v0;
	s18 =	rddreg [dreg:$0x7]  }
0x3b: {  	[spmem:s18] =	stream.linear.scatter [tilespmem:s0], [sflag:$0xB], $0x2000, $0x38;
	[tilespmem:$0x1FD88] =	vst v63  }
0x3c: {  	_ =	swait.ge [sflag:s21], $0x2000  }
0x3d: {  	[sflag:s21] =	ssyncset.done $0x0  }
0x3e: {  	s19 =	rddreg [dreg:$0x8];
	[sflag:s21] =	ssyncadd.s32 $0xFFFFE000  }
0x3f: {  	[spmem:s19] =	stream.linear.scatter [tilespmem:s0], [sflag:$0xB], $0x2000, $0x38;
	[tilespmem:$0x1FD88] =	vst v63  }
0x40: {  	_ =	swait.ge [sflag:s21], $0x2000  }
0x41: {  	[sflag:s21] =	ssyncset.done $0x0  }
0x42: {  	[sflag:s21] =	ssyncadd.s32 $0xFFFFE000  }
0x43: {  	[spmem:s11] =	stream.linear.scatter [tilespmem:s0], [sflag:$0xB], $0x2000, $0x38;
	[tilespmem:$0x1FD88] =	vst v63  }
0x44: {  	_ =	swait.ge [sflag:s21], $0x2000  }
0x45: {  	[sflag:s21] =	ssyncset.done $0x0  }
0x46: {  	[sflag:s21] =	ssyncadd.s32 $0xFFFFE000  }
0x47: {  	[spmem:s12] =	stream.linear.scatter [tilespmem:s0], [sflag:$0xB], $0x2000, $0x38;
	[tilespmem:$0x1FD88] =	vst v63  }
0x48: {  	_ =	swait.ge [sflag:s21], $0x2000  }
0x49: {  	[sflag:s21] =	ssyncset.done $0x0  }
0x4a: {  	[sflag:s21] =	ssyncadd.s32 $0xFFFFE000  }
0x4b: {  	[spmem:s13] =	stream.linear.scatter [tilespmem:s0], [sflag:$0xB], $0x1E00, $0x38;
	[tilespmem:$0x1FD88] =	vst v63  }
.Ltmp1:
0x4c: {  	_ =	swait.ge [sflag:s21], $0x1E00;
	(pc) =	sbr.rel @p0 .LBB2_10-.Ltmp1, $4  }
.Ltmp2:
0x4d: {  	[sflag:s21] =	ssyncset.done $0x0;
	(pc) =	sbr.rel @!p0 .LBB2_4-.Ltmp2, $4  }
0x4e: {  	[sflag:s21] =	ssyncadd.s32 $0xFFFFE200  }
0x4f: {  	[bflag:$0x0] =	sbarrier.arrive $0xFFFF  }
0x50: {  	s9 =	simm.s32 $0x0;
	s18 =	simm.s32 $0x0;
	s19 =	simm.s32 $0x0  }
0x51: {  	_ = 	snop  }
.LBB2_7:
0x52: {  	s9 =	sshra.s32 s18, $0x2  }
0x53: {  	s9 =	sadd.s32 $0x200, s9  }
0x54: {  	[tilespmem:s1], [sflag:$0x5] =	stream.indirect.gather [hbm4b:s2+s24], $0x40, s9, s24, $0xb8;
	[tilespmem:$0x1FD88] =	vst v63  }
0x55: {  	s9 =	smov.u32 s18  }
.LBB2_8:
0x56: {  	_ =	swait.ge [sflag:s22], $0x2000  }
0x57: {  	s9 =	sshra.s32 s9, $0x2;
	[sflag:s22] =	ssyncset.done $0x0  }
0x58: {  	s10 =	sadd.s32 $0x4E80, s9;
	[sflag:s22] =	ssyncadd.s32 $0xFFFFE000  }
0x59: {  	[spmem:s3] =	stream.indirect.scatter.add.f32 [tilespmem:s25], [sflag:$0x6], $0x40, s10, s24, $0xb8;
	[tilespmem:$0x1FD88] =	vst v63  }
0x5a: {  	_ =	swait.ge [sflag:s23], $0x2000  }
0x5b: {  	[sflag:s23] =	ssyncset.done $0x0  }
0x5c: {  	s10 =	sadd.s32 $0x280, s9;
	[sflag:s23] =	ssyncadd.s32 $0xFFFFE000  }
0x5d: {  	[tilespmem:s25], [sflag:$0x1] =	stream.indirect.gather [hbm4b:s2+s24], $0x40, s10, s24, $0xb8;
	[tilespmem:$0x1FD88] =	vst v63  }
0x5e: {  	_ =	swait.ge [sflag:s28], $0x2000  }
0x5f: {  	[sflag:s28] =	ssyncset.done $0x0  }
0x60: {  	s10 =	sadd.s32 $0x4F00, s9;
	[sflag:s28] =	ssyncadd.s32 $0xFFFFE000  }
0x61: {  	[spmem:s3] =	stream.indirect.scatter.add.f32 [tilespmem:s26], [sflag:$0x7], $0x40, s10, s24, $0xb8;
	[tilespmem:$0x1FD88] =	vst v63  }
0x62: {  	_ =	swait.ge [sflag:s30], $0x2000  }
0x63: {  	[sflag:s30] =	ssyncset.done $0x0  }
0x64: {  	s10 =	sadd.s32 $0x300, s9;
	[sflag:s30] =	ssyncadd.s32 $0xFFFFE000  }
0x65: {  	[tilespmem:s26], [sflag:$0x2] =	stream.indirect.gather [hbm4b:s2+s24], $0x40, s10, s24, $0xb8;
	[tilespmem:$0x1FD88] =	vst v63  }
0x66: {  	_ =	swait.ge [sflag:s6], $0x2000  }
0x67: {  	[sflag:s6] =	ssyncset.done $0x0  }
0x68: {  	s10 =	sadd.s32 $0x4F80, s9;
	[sflag:s6] =	ssyncadd.s32 $0xFFFFE000  }
0x69: {  	[spmem:s3] =	stream.indirect.scatter.add.f32 [tilespmem:s29], [sflag:$0x8], $0x40, s10, s24, $0xb8;
	[tilespmem:$0x1FD88] =	vst v63  }
0x6a: {  	_ =	swait.ge [sflag:s7], $0x2000  }
0x6b: {  	[sflag:s7] =	ssyncset.done $0x0  }
0x6c: {  	s10 =	sadd.s32 $0x380, s9;
	[sflag:s7] =	ssyncadd.s32 $0xFFFFE000  }
0x6d: {  	[tilespmem:s29], [sflag:$0x3] =	stream.indirect.gather [hbm4b:s2+s24], $0x40, s10, s24, $0xb8;
	[tilespmem:$0x1FD88] =	vst v63  }
0x6e: {  	_ =	swait.ge [sflag:s8], $0x2000  }
0x6f: {  	[sflag:s8] =	ssyncset.done $0x0  }
0x70: {  	s10 =	sadd.s32 $0x5000, s9;
	[sflag:s8] =	ssyncadd.s32 $0xFFFFE000  }
0x71: {  	[spmem:s3] =	stream.indirect.scatter.add.f32 [tilespmem:s31], [sflag:$0x9], $0x40, s10, s24, $0xb8;
	[tilespmem:$0x1FD88] =	vst v63  }
0x72: {  	_ =	swait.ge [sflag:s14], $0x2000  }
0x73: {  	s18 =	sadd.s32 $0xA00, s18;
	[sflag:s14] =	ssyncset.done $0x0  }
0x74: {  	p1 =	seq.s32 s18, $0x12C00;
	s10 =	sadd.s32 $0x400, s9;
	[sflag:s14] =	ssyncadd.s32 $0xFFFFE000  }
0x75: {  	[tilespmem:s31], [sflag:$0x4] =	stream.indirect.gather [hbm4b:s2+s24], $0x40, s10, s24, $0xb8;
	[tilespmem:$0x1FD88] =	vst v63  }
.Ltmp3:
0x76: {  	_ = 	snop;
	(pc) =	sbr.rel @p1 .LBB2_9-.Ltmp3, $4  }
0x77: {  	_ =	swait.ge [sflag:s15], $0x2000  }
0x78: {  	[sflag:s15] =	ssyncset.done $0x0  }
0x79: {  	s19 =	sadd.s32 $0x1, s19;
	s9 =	sadd.s32 $0x5080, s9;
	[sflag:s15] =	ssyncadd.s32 $0xFFFFE000  }
0x7a: {  	[spmem:s3] =	stream.indirect.scatter.add.f32 [tilespmem:s1], [sflag:$0xA], $0x40, s9, s24, $0xb8;
	[tilespmem:$0x1FD88] =	vst v63  }
.LBB2_4:
0x7b: {  	p1 =	seq.s32 s19, $0x0  }
.Ltmp4:
0x7c: {  	_ = 	snop;
	(pc) =	sbr.rel @p1 .LBB2_7-.Ltmp4, $1  }
0x7d: {  	_ =	sdelay $0x3  }
0x7e: {  	p1 =	seq.s32 s19, $0x1F  }
.Ltmp5:
0x7f: {  	_ = 	snop;
	(pc) =	sbr.rel @p1 .LBB2_8-.Ltmp5, $2  }
0x80: {  	_ =	sdelay $0x2  }
0x81: {  	s9 =	simm.s32 $0x13600  }
.Ltmp6:
0x82: {  	(pc) =	sbr.rel .LBB2_7-.Ltmp6, $4  }
0x83: {  	_ = 	snop  }
0x84: {  	_ =	swait.ge [sflag:s16], $0x2000  }
0x85: {  	[sflag:s16] =	ssyncset.done $0x0  }
0x86: {  	[sflag:s16] =	ssyncadd.s32 $0xFFFFE000  }
.LBB2_13:
0x87: {  	s10 =	sshra.s32 s18, $0x2  }
0x88: {  	s19 =	smov.u32 s18;
	s10 =	sadd.s32 $0x200, s10  }
0x89: {  	[tilespmem:s1], [sflag:$0x5] =	stream.indirect.gather [hbm4b:s5+s24], $0x40, s10, s24, $0xb8;
	[tilespmem:$0x1FD88] =	vst v63  }
.LBB2_14:
0x8a: {  	_ =	swait.ge [sflag:s22], $0x2000  }
0x8b: {  	s10 =	sshra.s32 s19, $0x2;
	[sflag:s22] =	ssyncset.done $0x0  }
0x8c: {  	s19 =	sadd.s32 $0x4E80, s10;
	[sflag:s22] =	ssyncadd.s32 $0xFFFFE000  }
0x8d: {  	[spmem:s3] =	stream.indirect.scatter.add.f32 [tilespmem:s25], [sflag:$0x6], $0x40, s19, s24, $0xb8;
	[tilespmem:$0x1FD88] =	vst v63  }
0x8e: {  	_ =	swait.ge [sflag:s23], $0x2000  }
0x8f: {  	[sflag:s23] =	ssyncset.done $0x0  }
0x90: {  	s19 =	sadd.s32 $0x280, s10;
	[sflag:s23] =	ssyncadd.s32 $0xFFFFE000  }
0x91: {  	[tilespmem:s25], [sflag:$0x1] =	stream.indirect.gather [hbm4b:s5+s24], $0x40, s19, s24, $0xb8;
	[tilespmem:$0x1FD88] =	vst v63  }
0x92: {  	_ =	swait.ge [sflag:s28], $0x2000  }
0x93: {  	[sflag:s28] =	ssyncset.done $0x0  }
0x94: {  	s19 =	sadd.s32 $0x4F00, s10;
	[sflag:s28] =	ssyncadd.s32 $0xFFFFE000  }
0x95: {  	[spmem:s3] =	stream.indirect.scatter.add.f32 [tilespmem:s26], [sflag:$0x7], $0x40, s19, s24, $0xb8;
	[tilespmem:$0x1FD88] =	vst v63  }
0x96: {  	_ =	swait.ge [sflag:s30], $0x2000  }
0x97: {  	[sflag:s30] =	ssyncset.done $0x0  }
0x98: {  	s19 =	sadd.s32 $0x300, s10;
	[sflag:s30] =	ssyncadd.s32 $0xFFFFE000  }
0x99: {  	[tilespmem:s26], [sflag:$0x2] =	stream.indirect.gather [hbm4b:s5+s24], $0x40, s19, s24, $0xb8;
	[tilespmem:$0x1FD88] =	vst v63  }
0x9a: {  	_ =	swait.ge [sflag:s6], $0x2000  }
0x9b: {  	[sflag:s6] =	ssyncset.done $0x0  }
0x9c: {  	s19 =	sadd.s32 $0x4F80, s10;
	[sflag:s6] =	ssyncadd.s32 $0xFFFFE000  }
0x9d: {  	[spmem:s3] =	stream.indirect.scatter.add.f32 [tilespmem:s29], [sflag:$0x8], $0x40, s19, s24, $0xb8;
	[tilespmem:$0x1FD88] =	vst v63  }
0x9e: {  	_ =	swait.ge [sflag:s7], $0x2000  }
0x9f: {  	[sflag:s7] =	ssyncset.done $0x0  }
0xa0: {  	s19 =	sadd.s32 $0x380, s10;
	[sflag:s7] =	ssyncadd.s32 $0xFFFFE000  }
0xa1: {  	[tilespmem:s29], [sflag:$0x3] =	stream.indirect.gather [hbm4b:s5+s24], $0x40, s19, s24, $0xb8;
	[tilespmem:$0x1FD88] =	vst v63  }
0xa2: {  	_ =	swait.ge [sflag:s8], $0x2000  }
0xa3: {  	[sflag:s8] =	ssyncset.done $0x0  }
0xa4: {  	s19 =	sadd.s32 $0x5000, s10;
	[sflag:s8] =	ssyncadd.s32 $0xFFFFE000  }
0xa5: {  	[spmem:s3] =	stream.indirect.scatter.add.f32 [tilespmem:s31], [sflag:$0x9], $0x40, s19, s24, $0xb8;
	[tilespmem:$0x1FD88] =	vst v63  }
0xa6: {  	_ =	swait.ge [sflag:s14], $0x2000  }
0xa7: {  	s18 =	sadd.s32 $0xA00, s18;
	[sflag:s14] =	ssyncset.done $0x0  }
0xa8: {  	p1 =	seq.s32 s18, $0x12C00;
	s19 =	sadd.s32 $0x400, s10;
	[sflag:s14] =	ssyncadd.s32 $0xFFFFE000  }
0xa9: {  	[tilespmem:s31], [sflag:$0x4] =	stream.indirect.gather [hbm4b:s5+s24], $0x40, s19, s24, $0xb8;
	[tilespmem:$0x1FD88] =	vst v63  }
.Ltmp7:
0xaa: {  	_ = 	snop;
	(pc) =	sbr.rel @p1 .LBB2_15-.Ltmp7, $4  }
0xab: {  	_ =	swait.ge [sflag:s15], $0x2000  }
0xac: {  	[sflag:s15] =	ssyncset.done $0x0  }
0xad: {  	s9 =	sadd.s32 $0x1, s9;
	s10 =	sadd.s32 $0x5080, s10;
	[sflag:s15] =	ssyncadd.s32 $0xFFFFE000  }
0xae: {  	[spmem:s3] =	stream.indirect.scatter.add.f32 [tilespmem:s1], [sflag:$0xA], $0x40, s10, s24, $0xb8;
	[tilespmem:$0x1FD88] =	vst v63  }
.LBB2_10:
0xaf: {  	p1 =	seq.s32 s9, $0x0  }
.Ltmp8:
0xb0: {  	_ = 	snop;
	(pc) =	sbr.rel @p1 .LBB2_13-.Ltmp8, $1  }
0xb1: {  	_ =	sdelay $0x3  }
0xb2: {  	p1 =	seq.s32 s9, $0x1F  }
.Ltmp9:
0xb3: {  	_ = 	snop;
	(pc) =	sbr.rel @p1 .LBB2_14-.Ltmp9, $2  }
0xb4: {  	_ =	sdelay $0x2  }
0xb5: {  	s19 =	simm.s32 $0x13600  }
.Ltmp10:
0xb6: {  	(pc) =	sbr.rel .LBB2_13-.Ltmp10, $4  }
0xb7: {  	_ = 	snop  }
0xb8: {  	_ =	swait.ge [sflag:s16], $0x2000  }
0xb9: {  	[sflag:s16] =	ssyncset.done $0x0  }
0xba: {  	[sflag:s16] =	ssyncadd.s32 $0xFFFFE000  }
.LBB2_9:
0xbb: {  	_ =	swait.ge [sflag:s16], $0x2000  }
0xbc: {  	s9 =	sshra.s32 s18, $0x2;
	[sflag:s16] =	ssyncset.done $0x0  }
0xbd: {  	s10 =	sadd.s32 $0x200, s9;
	[sflag:s16] =	ssyncadd.s32 $0xFFFFE000  }
0xbe: {  	[tilespmem:s1], [sflag:$0x5] =	stream.indirect.gather [hbm4b:s2+s24], $0x40, s10, s24, $0xb8;
	[tilespmem:$0x1FD88] =	vst v63  }
0xbf: {  	_ =	swait.ge [sflag:s22], $0x2000  }
0xc0: {  	[sflag:s22] =	ssyncset.done $0x0  }
0xc1: {  	s18 =	sadd.s32 $0x4E80, s9;
	[sflag:s22] =	ssyncadd.s32 $0xFFFFE000  }
0xc2: {  	[spmem:s3] =	stream.indirect.scatter.add.f32 [tilespmem:s25], [sflag:$0x6], $0x40, s18, s24, $0xb8;
	[tilespmem:$0x1FD88] =	vst v63  }
0xc3: {  	_ =	swait.ge [sflag:s23], $0x2000  }
0xc4: {  	[sflag:s23] =	ssyncset.done $0x0  }
0xc5: {  	s19 =	sadd.s32 $0x280, s9;
	[sflag:s23] =	ssyncadd.s32 $0xFFFFE000  }
0xc6: {  	[tilespmem:s25], [sflag:$0x1] =	stream.indirect.gather [hbm4b:s2+s24], $0x40, s19, s24, $0xb8;
	[tilespmem:$0x1FD88] =	vst v63  }
0xc7: {  	_ =	swait.ge [sflag:s28], $0x2000  }
0xc8: {  	[sflag:s28] =	ssyncset.done $0x0  }
0xc9: {  	s18 =	sadd.s32 $0x4F00, s9;
	[sflag:s28] =	ssyncadd.s32 $0xFFFFE000  }
0xca: {  	[spmem:s3] =	stream.indirect.scatter.add.f32 [tilespmem:s26], [sflag:$0x7], $0x40, s18, s24, $0xb8;
	[tilespmem:$0x1FD88] =	vst v63  }
0xcb: {  	_ =	swait.ge [sflag:s30], $0x2000  }
0xcc: {  	[sflag:s30] =	ssyncset.done $0x0  }
0xcd: {  	s19 =	sadd.s32 $0x300, s9;
	[sflag:s30] =	ssyncadd.s32 $0xFFFFE000  }
0xce: {  	[tilespmem:s26], [sflag:$0x2] =	stream.indirect.gather [hbm4b:s2+s24], $0x40, s19, s24, $0xb8;
	[tilespmem:$0x1FD88] =	vst v63  }
0xcf: {  	_ =	swait.ge [sflag:s6], $0x2000  }
0xd0: {  	[sflag:s6] =	ssyncset.done $0x0  }
0xd1: {  	s18 =	sadd.s32 $0x4F80, s9;
	[sflag:s6] =	ssyncadd.s32 $0xFFFFE000  }
0xd2: {  	[spmem:s3] =	stream.indirect.scatter.add.f32 [tilespmem:s29], [sflag:$0x8], $0x40, s18, s24, $0xb8;
	[tilespmem:$0x1FD88] =	vst v63  }
0xd3: {  	_ =	swait.ge [sflag:s8], $0x2000  }
0xd4: {  	[sflag:s8] =	ssyncset.done $0x0  }
0xd5: {  	s19 =	sadd.s32 $0x5000, s9;
	[sflag:s8] =	ssyncadd.s32 $0xFFFFE000  }
0xd6: {  	[spmem:s3] =	stream.indirect.scatter.add.f32 [tilespmem:s31], [sflag:$0x9], $0x40, s19, s24, $0xb8;
	[tilespmem:$0x1FD88] =	vst v63  }
.Ltmp11:
0xd7: {  	_ = 	snop;
	(pc) =	sbr.rel .LBB2_16-.Ltmp11, $4  }
0xd8: {  	_ =	swait.ge [sflag:s15], $0x2000  }
0xd9: {  	[sflag:s15] =	ssyncset.done $0x0  }
0xda: {  	s9 =	sadd.s32 $0x5080, s9;
	[sflag:s15] =	ssyncadd.s32 $0xFFFFE000  }
0xdb: {  	[spmem:s3] =	stream.indirect.scatter.add.f32 [tilespmem:s1], [sflag:$0xA], $0x40, s9, s24, $0xb8;
	[tilespmem:$0x1FD88] =	vst v63  }
.LBB2_15:
0xdc: {  	_ =	swait.ge [sflag:s16], $0x2000  }
0xdd: {  	s9 =	sshra.s32 s18, $0x2;
	[sflag:s16] =	ssyncset.done $0x0  }
0xde: {  	s10 =	sadd.s32 $0x200, s9;
	[sflag:s16] =	ssyncadd.s32 $0xFFFFE000  }
0xdf: {  	[tilespmem:s1], [sflag:$0x5] =	stream.indirect.gather [hbm4b:s5+s24], $0x40, s10, s24, $0xb8;
	[tilespmem:$0x1FD88] =	vst v63  }
0xe0: {  	_ =	swait.ge [sflag:s22], $0x2000  }
0xe1: {  	[sflag:s22] =	ssyncset.done $0x0  }
0xe2: {  	s18 =	sadd.s32 $0x4E80, s9;
	[sflag:s22] =	ssyncadd.s32 $0xFFFFE000  }
0xe3: {  	[spmem:s3] =	stream.indirect.scatter.add.f32 [tilespmem:s25], [sflag:$0x6], $0x40, s18, s24, $0xb8;
	[tilespmem:$0x1FD88] =	vst v63  }
0xe4: {  	_ =	swait.ge [sflag:s23], $0x2000  }
0xe5: {  	[sflag:s23] =	ssyncset.done $0x0  }
0xe6: {  	s19 =	sadd.s32 $0x280, s9;
	[sflag:s23] =	ssyncadd.s32 $0xFFFFE000  }
0xe7: {  	[tilespmem:s25], [sflag:$0x1] =	stream.indirect.gather [hbm4b:s5+s24], $0x40, s19, s24, $0xb8;
	[tilespmem:$0x1FD88] =	vst v63  }
0xe8: {  	_ =	swait.ge [sflag:s28], $0x2000  }
0xe9: {  	[sflag:s28] =	ssyncset.done $0x0  }
0xea: {  	s18 =	sadd.s32 $0x4F00, s9;
	[sflag:s28] =	ssyncadd.s32 $0xFFFFE000  }
0xeb: {  	[spmem:s3] =	stream.indirect.scatter.add.f32 [tilespmem:s26], [sflag:$0x7], $0x40, s18, s24, $0xb8;
	[tilespmem:$0x1FD88] =	vst v63  }
0xec: {  	_ =	swait.ge [sflag:s30], $0x2000  }
0xed: {  	[sflag:s30] =	ssyncset.done $0x0  }
0xee: {  	s19 =	sadd.s32 $0x300, s9;
	[sflag:s30] =	ssyncadd.s32 $0xFFFFE000  }
0xef: {  	[tilespmem:s26], [sflag:$0x2] =	stream.indirect.gather [hbm4b:s5+s24], $0x40, s19, s24, $0xb8;
	[tilespmem:$0x1FD88] =	vst v63  }
0xf0: {  	_ =	swait.ge [sflag:s6], $0x2000  }
0xf1: {  	[sflag:s6] =	ssyncset.done $0x0  }
0xf2: {  	s18 =	sadd.s32 $0x4F80, s9;
	[sflag:s6] =	ssyncadd.s32 $0xFFFFE000  }
0xf3: {  	[spmem:s3] =	stream.indirect.scatter.add.f32 [tilespmem:s29], [sflag:$0x8], $0x40, s18, s24, $0xb8;
	[tilespmem:$0x1FD88] =	vst v63  }
0xf4: {  	_ =	swait.ge [sflag:s8], $0x2000  }
0xf5: {  	[sflag:s8] =	ssyncset.done $0x0  }
0xf6: {  	s19 =	sadd.s32 $0x5000, s9;
	[sflag:s8] =	ssyncadd.s32 $0xFFFFE000  }
0xf7: {  	[spmem:s3] =	stream.indirect.scatter.add.f32 [tilespmem:s31], [sflag:$0x9], $0x40, s19, s24, $0xb8;
	[tilespmem:$0x1FD88] =	vst v63  }
0xf8: {  	_ =	swait.ge [sflag:s15], $0x2000  }
0xf9: {  	[sflag:s15] =	ssyncset.done $0x0  }
0xfa: {  	s9 =	sadd.s32 $0x5080, s9;
	[sflag:s15] =	ssyncadd.s32 $0xFFFFE000  }
0xfb: {  	[spmem:s3] =	stream.indirect.scatter.add.f32 [tilespmem:s1], [sflag:$0xA], $0x40, s9, s24, $0xb8;
	[tilespmem:$0x1FD88] =	vst v63  }
.LBB2_16:
0xfc: {  	_ =	swait.ge [sflag:s22], $0x2000  }
0xfd: {  	[sflag:s22] =	ssyncset.done $0x0  }
0xfe: {  	s9 =	simm.s32 $0x9C00;
	[sflag:s22] =	ssyncadd.s32 $0xFFFFE000  }
0xff: {  	[spmem:s3] =	stream.indirect.scatter.add.f32 [tilespmem:s25], [sflag:$0x6], $0x40, s9, s24, $0xb8;
	[tilespmem:$0x1FD88] =	vst v63  }
0x100: {  	_ =	swait.ge [sflag:s28], $0x2000  }
0x101: {  	[sflag:s28] =	ssyncset.done $0x0  }
0x102: {  	s18 =	simm.s32 $0x9C80;
	[sflag:s28] =	ssyncadd.s32 $0xFFFFE000  }
0x103: {  	[spmem:s3] =	stream.indirect.scatter.add.f32 [tilespmem:s26], [sflag:$0x7], $0x40, s18, s24, $0xb8;
	[tilespmem:$0x1FD88] =	vst v63  }
0x104: {  	_ =	swait.ge [sflag:s23], $0x2000  }
0x105: {  	[sflag:s23] =	ssyncset.done $0x0  }
0x106: {  	[sflag:s23] =	ssyncadd.s32 $0xFFFFE000  }
0x107: {  	_ =	swait.ge [sflag:s30], $0x2000  }
0x108: {  	[sflag:s30] =	ssyncset.done $0x0  }
0x109: {  	[sflag:s30] =	ssyncadd.s32 $0xFFFFE000  }
0x10a: {  	_ =	swait.ge [sflag:s7], $0x2000  }
0x10b: {  	[sflag:s7] =	ssyncset.done $0x0  }
0x10c: {  	[sflag:s7] =	ssyncadd.s32 $0xFFFFE000  }
0x10d: {  	_ =	swait.ge [sflag:s14], $0x2000  }
0x10e: {  	[sflag:s14] =	ssyncset.done $0x0  }
0x10f: {  	[sflag:s14] =	ssyncadd.s32 $0xFFFFE000  }
0x110: {  	_ =	swait.ge [sflag:s16], $0x2000  }
0x111: {  	[sflag:s16] =	ssyncset.done $0x0  }
0x112: {  	[sflag:s16] =	ssyncadd.s32 $0xFFFFE000  }
0x113: {  	[bflag:$0x0] =	sbarrier.arrive $0xFFFF  }
0x114: {  	s19 =	rddreg [dreg:$0x7]  }
0x115: {  	[tilespmem:s0], [sflag:$0xB] =	stream.linear.gather [spmem:s19], $0x2000, $0x38;
	[tilespmem:$0x1FD88] =	vst v63  }
0x116: {  	_ =	swait.ge [sflag:s21], $0x2000  }
0x117: {  	[sflag:s21] =	ssyncset.done $0x0  }
0x118: {  	s9 =	simm.s32 $0x13D20;
	[sflag:s21] =	ssyncadd.s32 $0xFFFFE000  }
0x119: {  	v1 =	vld [tilespmem:s9+$0xFFFFFFF0]  }
0x11a: {  	s10 =	simm.s32 $0x0;
	v3 =	vld [tilespmem:s9+$0x10]  }
0x11b: {  	v5 =	vld.msk [tilespmem:s10+$0x15D00 ss:$0x0], $0xffff  }
0x11c: {  	v2 =	vld [tilespmem:s9+$0xFFFFFFE0]  }
0x11d: {  	v6 =	vld [tilespmem:s9+$0x0];
	_ =	sdelay $0x3  }
0x11e: {  	v2 =	vmul.f32 v5, v2;
	v4 =	vmul.f32 v3, v5  }
0x11f: {  	s18 =	simm.s32 $0x4;
	s19 =	simm.s32 $0x13D20;
	v3 =	vmul.f32 v1, v5;
	v1 =	vmul.f32 v6, v5  }
.LBB2_17:
0x120: {  	p1 =	sne.s32 s18, $0x1FC  }
0x121: {  	[tilespmem:s9+$0x10] =	vst v4;
	s19 =	sadd.s32 $0x40, s19;
	s10 =	smov.u32 s18;
	s18 =	sadd.s32 $0x4, s18  }
0x122: {  	[tilespmem:s9+$0xFFFFFFE0] =	vst v2  }
0x123: {  	v5 =	vld [tilespmem:s19+$0xFFFFFFF0];
	[tilespmem:s9+$0xFFFFFFF0] =	vst v3  }
0x124: {  	s10 =	sshra.s32 s10, $0x2;
	v3 =	vld [tilespmem:s19+$0x10];
	[tilespmem:s9+$0x0] =	vst v1;
	s9 =	smov.u32 s19  }
0x125: {  	v1 =	vld.msk [tilespmem:s10+$0x15D00 ss:$0x0], $0xffff  }
0x126: {  	v2 =	vld [tilespmem:s19+$0xFFFFFFE0]  }
0x127: {  	v6 =	vld [tilespmem:s19+$0x0]  }
.Ltmp12:
0x128: {  	(pc) =	sbr.rel @p1 .LBB2_17-.Ltmp12, $3  }
0x129: {  	_ =	sdelay $0x1  }
0x12a: {  	v4 =	vmul.f32 v3, v1;
	v2 =	vmul.f32 v1, v2  }
0x12b: {  	v3 =	vmul.f32 v5, v1;
	v1 =	vmul.f32 v6, v1  }
0x12c: {  	[tilespmem:s9+$0x10] =	vst v4  }
0x12d: {  	[tilespmem:s9+$0xFFFFFFE0] =	vst v2  }
0x12e: {  	[tilespmem:s9+$0xFFFFFFF0] =	vst v3  }
0x12f: {  	s10 =	simm.s32 $0x0;
	s18 =	rddreg [dreg:$0x9];
	[tilespmem:s9+$0x0] =	vst v1  }
0x130: {  	[hbm4b:s18+s10] =	stream.linear.scatter [tilespmem:s0], [sflag:$0xB], $0x2000, $0x38;
	[tilespmem:$0x1FD88] =	vst v63  }
0x131: {  	_ =	swait.ge [sflag:s21], $0x2000  }
0x132: {  	[sflag:s21] =	ssyncset.done $0x0  }
0x133: {  	s19 =	rddreg [dreg:$0x8];
	[sflag:s21] =	ssyncadd.s32 $0xFFFFE000  }
0x134: {  	[tilespmem:s0], [sflag:$0xB] =	stream.linear.gather [spmem:s19], $0x2000, $0x38;
	[tilespmem:$0x1FD88] =	vst v63  }
0x135: {  	_ =	swait.ge [sflag:s21], $0x2000  }
0x136: {  	[sflag:s21] =	ssyncset.done $0x0  }
0x137: {  	s9 =	simm.s32 $0x13D20;
	[sflag:s21] =	ssyncadd.s32 $0xFFFFE000  }
0x138: {  	s10 =	sand.u32 $0x7F, s10;
	v1 =	vld [tilespmem:s9+$0xFFFFFFF0]  }
0x139: {  	s10 =	sor.u32 $0x15D80, s10;
	v3 =	vld [tilespmem:s9+$0x10]  }
0x13a: {  	v5 =	vld.msk [tilespmem:s10+$0x0 ss:$0x0], $0xffff  }
0x13b: {  	v2 =	vld [tilespmem:s9+$0xFFFFFFE0]  }
0x13c: {  	v6 =	vld [tilespmem:s9+$0x0];
	_ =	sdelay $0x3  }
0x13d: {  	v2 =	vmul.f32 v5, v2;
	v4 =	vmul.f32 v3, v5  }
0x13e: {  	s18 =	simm.s32 $0x1;
	s19 =	simm.s32 $0x13D20;
	v3 =	vmul.f32 v1, v5;
	v1 =	vmul.f32 v6, v5  }
.LBB2_19:
0x13f: {  	p1 =	sne.s32 s18, $0x7F  }
0x140: {  	[tilespmem:s9+$0x10] =	vst v4;
	s19 =	sadd.s32 $0x40, s19;
	s10 =	smov.u32 s18;
	s18 =	sadd.s32 $0x1, s18  }
0x141: {  	[tilespmem:s9+$0xFFFFFFE0] =	vst v2  }
0x142: {  	s10 =	sand.u32 $0x7F, s10;
	v5 =	vld [tilespmem:s19+$0xFFFFFFF0];
	[tilespmem:s9+$0xFFFFFFF0] =	vst v3  }
0x143: {  	s10 =	sor.u32 $0x15D80, s10;
	v3 =	vld [tilespmem:s19+$0x10];
	[tilespmem:s9+$0x0] =	vst v1;
	s9 =	smov.u32 s19  }
0x144: {  	v1 =	vld.msk [tilespmem:s10+$0x0 ss:$0x0], $0xffff  }
0x145: {  	v2 =	vld [tilespmem:s19+$0xFFFFFFE0]  }
0x146: {  	v6 =	vld [tilespmem:s19+$0x0]  }
.Ltmp13:
0x147: {  	(pc) =	sbr.rel @p1 .LBB2_19-.Ltmp13, $3  }
0x148: {  	_ =	sdelay $0x1  }
0x149: {  	v4 =	vmul.f32 v3, v1;
	v2 =	vmul.f32 v1, v2  }
0x14a: {  	v3 =	vmul.f32 v5, v1;
	v1 =	vmul.f32 v6, v1  }
0x14b: {  	[tilespmem:s9+$0x10] =	vst v4  }
0x14c: {  	[tilespmem:s9+$0xFFFFFFE0] =	vst v2  }
0x14d: {  	[tilespmem:s9+$0xFFFFFFF0] =	vst v3  }
0x14e: {  	s10 =	simm.s32 $0x0;
	s19 =	rddreg [dreg:$0xa];
	[tilespmem:s9+$0x0] =	vst v1  }
0x14f: {  	[hbm4b:s19+s10] =	stream.linear.scatter [tilespmem:s0], [sflag:$0xB], $0x2000, $0x38;
	[tilespmem:$0x1FD88] =	vst v63  }
0x150: {  	_ =	swait.ge [sflag:s21], $0x2000  }
0x151: {  	[sflag:s21] =	ssyncset.done $0x0  }
0x152: {  	[sflag:s21] =	ssyncadd.s32 $0xFFFFE000  }
0x153: {  	[tilespmem:s0], [sflag:$0xB] =	stream.linear.gather [spmem:s11], $0x2000, $0x38;
	[tilespmem:$0x1FD88] =	vst v63  }
0x154: {  	_ =	swait.ge [sflag:s21], $0x2000  }
0x155: {  	[sflag:s21] =	ssyncset.done $0x0  }
0x156: {  	s9 =	simm.s32 $0x13D20;
	[sflag:s21] =	ssyncadd.s32 $0xFFFFE000  }
0x157: {  	s10 =	sand.u32 $0x7F, s10;
	v1 =	vld [tilespmem:s9+$0xFFFFFFF0]  }
0x158: {  	s10 =	sor.u32 $0x15E00, s10;
	v3 =	vld [tilespmem:s9+$0x10]  }
0x159: {  	v5 =	vld.msk [tilespmem:s10+$0x0 ss:$0x0], $0xffff  }
0x15a: {  	v2 =	vld [tilespmem:s9+$0xFFFFFFE0]  }
0x15b: {  	v6 =	vld [tilespmem:s9+$0x0];
	_ =	sdelay $0x3  }
0x15c: {  	v2 =	vmul.f32 v5, v2;
	v4 =	vmul.f32 v3, v5  }
0x15d: {  	s18 =	simm.s32 $0x1;
	s19 =	simm.s32 $0x13D20;
	v3 =	vmul.f32 v1, v5;
	v1 =	vmul.f32 v6, v5  }
.LBB2_21:
0x15e: {  	p1 =	sne.s32 s18, $0x7F  }
0x15f: {  	[tilespmem:s9+$0x10] =	vst v4;
	s19 =	sadd.s32 $0x40, s19;
	s10 =	smov.u32 s18;
	s18 =	sadd.s32 $0x1, s18  }
0x160: {  	[tilespmem:s9+$0xFFFFFFE0] =	vst v2  }
0x161: {  	s10 =	sand.u32 $0x7F, s10;
	v5 =	vld [tilespmem:s19+$0xFFFFFFF0];
	[tilespmem:s9+$0xFFFFFFF0] =	vst v3  }
0x162: {  	s10 =	sor.u32 $0x15E00, s10;
	v3 =	vld [tilespmem:s19+$0x10];
	[tilespmem:s9+$0x0] =	vst v1;
	s9 =	smov.u32 s19  }
0x163: {  	v1 =	vld.msk [tilespmem:s10+$0x0 ss:$0x0], $0xffff  }
0x164: {  	v2 =	vld [tilespmem:s19+$0xFFFFFFE0]  }
0x165: {  	v6 =	vld [tilespmem:s19+$0x0]  }
.Ltmp14:
0x166: {  	(pc) =	sbr.rel @p1 .LBB2_21-.Ltmp14, $3  }
0x167: {  	_ =	sdelay $0x1  }
0x168: {  	v4 =	vmul.f32 v3, v1;
	v2 =	vmul.f32 v1, v2  }
0x169: {  	v3 =	vmul.f32 v5, v1;
	v1 =	vmul.f32 v6, v1  }
0x16a: {  	[tilespmem:s9+$0x10] =	vst v4  }
0x16b: {  	[tilespmem:s9+$0xFFFFFFE0] =	vst v2  }
0x16c: {  	[tilespmem:s9+$0xFFFFFFF0] =	vst v3  }
0x16d: {  	s10 =	simm.s32 $0x0;
	s19 =	rddreg [dreg:$0xb];
	[tilespmem:s9+$0x0] =	vst v1  }
0x16e: {  	[hbm4b:s19+s10] =	stream.linear.scatter [tilespmem:s0], [sflag:$0xB], $0x2000, $0x38;
	[tilespmem:$0x1FD88] =	vst v63  }
0x16f: {  	_ =	swait.ge [sflag:s21], $0x2000  }
0x170: {  	[sflag:s21] =	ssyncset.done $0x0  }
0x171: {  	[sflag:s21] =	ssyncadd.s32 $0xFFFFE000  }
0x172: {  	[tilespmem:s0], [sflag:$0xB] =	stream.linear.gather [spmem:s12], $0x2000, $0x38;
	[tilespmem:$0x1FD88] =	vst v63  }
0x173: {  	_ =	swait.ge [sflag:s21], $0x2000  }
0x174: {  	[sflag:s21] =	ssyncset.done $0x0  }
0x175: {  	s9 =	simm.s32 $0x13D20;
	[sflag:s21] =	ssyncadd.s32 $0xFFFFE000  }
0x176: {  	s10 =	sand.u32 $0x7F, s10;
	v1 =	vld [tilespmem:s9+$0xFFFFFFF0]  }
0x177: {  	s10 =	sor.u32 $0x15E80, s10;
	v3 =	vld [tilespmem:s9+$0x10]  }
0x178: {  	v5 =	vld.msk [tilespmem:s10+$0x0 ss:$0x0], $0xffff  }
0x179: {  	v2 =	vld [tilespmem:s9+$0xFFFFFFE0]  }
0x17a: {  	v6 =	vld [tilespmem:s9+$0x0];
	_ =	sdelay $0x3  }
0x17b: {  	v2 =	vmul.f32 v5, v2;
	v4 =	vmul.f32 v3, v5  }
0x17c: {  	s18 =	simm.s32 $0x1;
	s19 =	simm.s32 $0x13D20;
	v3 =	vmul.f32 v1, v5;
	v1 =	vmul.f32 v6, v5  }
.LBB2_23:
0x17d: {  	p1 =	sne.s32 s18, $0x7F  }
0x17e: {  	[tilespmem:s9+$0x10] =	vst v4;
	s19 =	sadd.s32 $0x40, s19;
	s10 =	smov.u32 s18;
	s18 =	sadd.s32 $0x1, s18  }
0x17f: {  	[tilespmem:s9+$0xFFFFFFE0] =	vst v2  }
0x180: {  	s10 =	sand.u32 $0x7F, s10;
	v5 =	vld [tilespmem:s19+$0xFFFFFFF0];
	[tilespmem:s9+$0xFFFFFFF0] =	vst v3  }
0x181: {  	s10 =	sor.u32 $0x15E80, s10;
	v3 =	vld [tilespmem:s19+$0x10];
	[tilespmem:s9+$0x0] =	vst v1;
	s9 =	smov.u32 s19  }
0x182: {  	v1 =	vld.msk [tilespmem:s10+$0x0 ss:$0x0], $0xffff  }
0x183: {  	v2 =	vld [tilespmem:s19+$0xFFFFFFE0]  }
0x184: {  	v6 =	vld [tilespmem:s19+$0x0]  }
.Ltmp15:
0x185: {  	(pc) =	sbr.rel @p1 .LBB2_23-.Ltmp15, $3  }
0x186: {  	_ =	sdelay $0x1  }
0x187: {  	v4 =	vmul.f32 v3, v1;
	v2 =	vmul.f32 v1, v2  }
0x188: {  	v3 =	vmul.f32 v5, v1;
	v1 =	vmul.f32 v6, v1  }
0x189: {  	[tilespmem:s9+$0x10] =	vst v4  }
0x18a: {  	[tilespmem:s9+$0xFFFFFFE0] =	vst v2  }
0x18b: {  	[tilespmem:s9+$0xFFFFFFF0] =	vst v3  }
0x18c: {  	s10 =	simm.s32 $0x0;
	s19 =	rddreg [dreg:$0xc];
	[tilespmem:s9+$0x0] =	vst v1  }
0x18d: {  	[hbm4b:s19+s10] =	stream.linear.scatter [tilespmem:s0], [sflag:$0xB], $0x2000, $0x38;
	[tilespmem:$0x1FD88] =	vst v63  }
0x18e: {  	_ =	swait.ge [sflag:s21], $0x2000  }
0x18f: {  	[sflag:s21] =	ssyncset.done $0x0  }
0x190: {  	[sflag:s21] =	ssyncadd.s32 $0xFFFFE000  }
0x191: {  	[tilespmem:s0], [sflag:$0xB] =	stream.linear.gather [spmem:s13], $0x1E00, $0x38;
	[tilespmem:$0x1FD88] =	vst v63  }
0x192: {  	_ =	swait.ge [sflag:s21], $0x1E00  }
0x193: {  	[sflag:s21] =	ssyncset.done $0x0  }
0x194: {  	s9 =	simm.s32 $0x13D20;
	[sflag:s21] =	ssyncadd.s32 $0xFFFFE200  }
0x195: {  	s10 =	sand.u32 $0x7F, s10;
	v1 =	vld [tilespmem:s9+$0xFFFFFFF0]  }
0x196: {  	s10 =	sor.u32 $0x15F00, s10;
	v3 =	vld [tilespmem:s9+$0x10]  }
0x197: {  	v5 =	vld.msk [tilespmem:s10+$0x0 ss:$0x0], $0xffff  }
0x198: {  	v2 =	vld [tilespmem:s9+$0xFFFFFFE0]  }
0x199: {  	v6 =	vld [tilespmem:s9+$0x0];
	_ =	sdelay $0x3  }
0x19a: {  	v2 =	vmul.f32 v5, v2;
	v4 =	vmul.f32 v3, v5  }
0x19b: {  	s18 =	simm.s32 $0x1;
	s19 =	simm.s32 $0x13D20;
	v3 =	vmul.f32 v1, v5;
	v1 =	vmul.f32 v6, v5  }
.LBB2_25:
0x19c: {  	p1 =	sne.s32 s18, $0x77  }
0x19d: {  	[tilespmem:s9+$0x10] =	vst v4;
	s19 =	sadd.s32 $0x40, s19;
	s10 =	smov.u32 s18;
	s18 =	sadd.s32 $0x1, s18  }
0x19e: {  	[tilespmem:s9+$0xFFFFFFE0] =	vst v2  }
0x19f: {  	s10 =	sand.u32 $0x7F, s10;
	v5 =	vld [tilespmem:s19+$0xFFFFFFF0];
	[tilespmem:s9+$0xFFFFFFF0] =	vst v3  }
0x1a0: {  	s10 =	sor.u32 $0x15F00, s10;
	v3 =	vld [tilespmem:s19+$0x10];
	[tilespmem:s9+$0x0] =	vst v1;
	s9 =	smov.u32 s19  }
0x1a1: {  	v1 =	vld.msk [tilespmem:s10+$0x0 ss:$0x0], $0xffff  }
0x1a2: {  	v2 =	vld [tilespmem:s19+$0xFFFFFFE0]  }
0x1a3: {  	v6 =	vld [tilespmem:s19+$0x0]  }
.Ltmp16:
0x1a4: {  	(pc) =	sbr.rel @p1 .LBB2_25-.Ltmp16, $3  }
0x1a5: {  	_ =	sdelay $0x1  }
0x1a6: {  	v4 =	vmul.f32 v3, v1;
	v2 =	vmul.f32 v1, v2  }
0x1a7: {  	v3 =	vmul.f32 v5, v1;
	v1 =	vmul.f32 v6, v1  }
0x1a8: {  	[tilespmem:s9+$0x10] =	vst v4  }
0x1a9: {  	[tilespmem:s9+$0xFFFFFFE0] =	vst v2  }
0x1aa: {  	[tilespmem:s9+$0xFFFFFFF0] =	vst v3  }
0x1ab: {  	s18 =	rddreg [dreg:$0xd];
	[tilespmem:s9+$0x0] =	vst v1  }
0x1ac: {  	[hbm4b:s18+s4] =	stream.linear.scatter [tilespmem:s0], [sflag:$0xB], $0x1E00, $0x38;
	[tilespmem:$0x1FD88] =	vst v63  }
0x1ad: {  	_ =	swait.ge [sflag:s21], $0x1E00  }
0x1ae: {  	s17 =	sadd.s32 $0x1, s17;
	s19 =	rddreg [dreg:$0xe]  }
0x1af: {  	p1 =	sne.s32 s17, s19  }
.Ltmp17:
0x1b0: {  	_ = 	snop;
	(pc) =	sbr.rel @p1 .LBB2_1-.Ltmp17, $3  }
0x1b1: {  	_ =	sdelay $0x1  }
0x1b2: {  	[sflag:s21] =	ssyncset.done $0x0  }
0x1b3: {  	[sflag:s21] =	ssyncadd.s32 $0xFFFFE200  }
0x1b4: {  	_ =	sfence.sel $0x180000  }
0x1b5: {  	[bflag:$0x0] =	sbarrier.arrive $0xFFFF  }
0x1b6: {  	_ =	strace $0x9000004D  }
0x1b7: {  	s0 =	stileid.u32;
	[bflag:$0x2] =	sbarrier.arrive $0xFFFF  }
0x1b8: {  	p0 =	sne.s32 s0, $0x0;
	s0 =	rddreg [dreg:$0x3]  }
0x1b9: {  	s0 =	sadd.s32 @!p0 $0x100000, s0  }
0x1ba: {  	[sflag:s0] =	ssyncadd.tile.s32 @!p0 $0x1;
	_ =	shalt  }
.Lfunc_end2:
_tile_overlayer_lowered:
.L_overlay_start_2:
0x1bb: {  	(tag) =	ssettag $0x2  }
0x1bc: {  	s0 =	rddreg [dreg:$0x0];
	s2 =	stileid.u32  }
0x1bd: {  	s1 =	rddreg [dreg:$0x1];
	p0 =	sne.s32 s2, $0x0  }
0x1be: {  	s3 =	rddreg [dreg:$0x2];
	[bflag:$0x3] =	sbarrier.arrive $0xFFFF;
	s2 =	simm.s32 @!p0 $0x1C0B  }
0x1bf: {  	[timem:s3], [sflag:s2] =	dma.local @!p0 [hbm:s0], s1  }
0x1c0: {  	s0 =	simm.s32 @!p0 $0xB  }
0x1c1: {  	_ =	swait.ge @!p0 [sflag:s0], s1  }
0x1c2: {  	s1 =	ssub.s32 @!p0 $0x0, s1;
	[sflag:s0] =	ssyncset.done @!p0 $0x0  }
0x1c3: {  	[sflag:s0] =	ssyncadd.s32 @!p0 s1  }
0x1c4: {  	[bflag:$0x3] =	sbarrier.arrive $0xFFFF  }
0x1c5: {  	_ =	shalt  }

// kernel: kernel.8.cloned.1.call-start
scs
__scs_entry_jumppad:
0x0: {  	(pc) =	sbr.rel $0x88, $3  }
0x1: {  	(tag) =	ssettag $0x0;
	lr =	simm.s32 $0x1  }
0x2: {  	[smem:$0x3F9B] =	sst lr;
	_ =	strace $0xD0000000  }
0x3: {  	_ = 	snop  }
0x4: {  	_ = 	snop  }
0x5: {  	_ = 	snop  }
0x6: {  	_ = 	snop  }
0x7: {  	_ = 	snop  }
__scs_overlays_trampoline_lowered:
0x8: {  	[smem:$0x3FAA] =	sst s0  }
0x9: {  	[smem:$0x3FAB] =	sst s1  }
0xa: {  	[smem:$0x3FAC] =	sst s2  }
0xb: {  	[smem:$0x3FAD] =	sst s3  }
0xc: {  	[smem:$0x3FAE] =	sst s4  }
0xd: {  	[smem:$0x3FAF] =	sst s5  }
0xe: {  	[smem:$0x3FB0] =	sst s6  }
0xf: {  	[smem:$0x3FB1] =	sst s7  }
0x10: {  	[smem:$0x3FB2] =	sst s8  }
0x11: {  	[smem:$0x3FB3] =	sst s9;
	s0 =	simm.s32 @!p0 $0x0  }
0x12: {  	s1 =	sld [smem:$0x3F99];
	s0 =	simm.s32 @p0 $0x1  }
0x13: {  	[smem:$0x3FB4] =	sst s0;
	s0 =	simm.s32 @!p1 $0x0  }
0x14: {  	s2 =	sld [smem:$0x3F98];
	s0 =	simm.s32 @p1 $0x1  }
0x15: {  	[smem:$0x3FB5] =	sst s0;
	s0 =	simm.s32 @!p2 $0x0  }
0x16: {  	s3 =	sld [smem:$0x3FDB];
	s0 =	simm.s32 @p2 $0x1  }
0x17: {  	s4 =	simm.s32 $0x1BF5;
	[smem:$0x3FB7] =	sst s0  }
0x18: {  	s0 =	sld [smem:$0x3F9A];
	_ =	swait.ge [sflag:s4], $0x0  }
0x19: {  	s7 =	sld [smem:$0x3F9B]  }
0x1a: {  	s8 =	sadd.s32 $0xFFFFE003, lr  }
0x1b: {  	s9 =	sadd.s32 $0xFFFFFEF7, lr;
	s5 =	simm.s32 $0xFFFFFFFF;
	p2 =	slt.u32 s8, $0xFFFFF086  }
0x1c: {  	p1 =	slt.u32 s9, $0xF7A;
	s5 =	simm.s32 @!p2 $0x0  }
0x1d: {  	s5 =	simm.s32 @p1 $0x1;
	p0 =	seq.s32 s7, s2  }
0x1e: {  	s7 =	smul.u32 @!p0 $0xF7A, s2;
	p2 =	seq.s32 @!p0 s5, $0x0  }
0x1f: {  	s9 =	smul.u32 $0xF7A, s1;
	s8 =	simm.s32 @!p0 $0x1BF5;
	p2 =	por !p2, p0  }
0x20: {  	[sflag:s8] =	ssyncset.s32 @!p0 $0xFFFFF086;
	s6 =	sadd.s32 @!p0 s3, s7;
	s7 =	simm.s32 @!p0 $0x108  }
0x21: {  	s3 =	sadd.s32 s3, s9;
	s6 =	sadd.s32 @!p0 $0x88, s6;
	s7 =	simm.s32 @p2 $0x1082  }
0x22: {  	[simem:s7], [sflag:s8] =	dma.local @!p0 [hbm:s6], $0xF7A  }
0x23: {  	s9 =	sor.u32 $0xD0000000, s2;
	s6 =	simm.s32 $0x108;
	_ =	swait.ge @!p0 [sflag:s8], $0x0  }
0x24: {  	s3 =	sadd.s32 $0x88, s3;
	s6 =	simm.s32 @!p1 $0x1082;
	[sflag:s4] =	ssyncset.s32 $0xFFFFF086  }
0x25: {  	[simem:s6], [sflag:s4] =	dma.local [hbm:s3], $0xF7A  }
0x26: {  	[smem:$0x3F9B] =	sst s1;
	(tag) =	ssettag s2;
	_ =	strace s9  }
0x27: {  	s1 =	sld [smem:$0x3FAB]  }
0x28: {  	s2 =	sld [smem:$0x3FAC]  }
0x29: {  	s4 =	sld [smem:$0x3FAE]  }
0x2a: {  	p0 =	seq.s32 s5, $0x0;
	s5 =	sld [smem:$0x3FAF]  }
0x2b: {  	s6 =	sld [smem:$0x3FB0]  }
0x2c: {  	s7 =	sld [smem:$0x3FB1]  }
0x2d: {  	s3 =	simm.s32 $0x108;
	s8 =	sld [smem:$0x3FB2]  }
0x2e: {  	s3 =	simm.s32 @!p0 $0x1082;
	s9 =	sld [smem:$0x3FB3]  }
0x2f: {  	lr =	sadd.s32 s0, s3;
	s0 =	sld [smem:$0x3FAA]  }
0x30: {  	s3 =	sld [smem:$0x3FAD]  }
0x31: {  	[smem:$0x3FB6] =	sst s10  }
0x32: {  	s10 =	sld [smem:$0x3FB4];
	_ =	sdelay $0x3  }
0x33: {  	p0 =	seq.s32 s10, $0x1;
	s10 =	sld [smem:$0x3FB6];
	_ =	sdelay $0x3  }
0x34: {  	[smem:$0x3FB6] =	sst s10  }
0x35: {  	s10 =	sld [smem:$0x3FB5];
	_ =	sdelay $0x3  }
0x36: {  	p1 =	seq.s32 s10, $0x1;
	s10 =	sld [smem:$0x3FB6];
	_ =	sdelay $0x3  }
0x37: {  	[smem:$0x3FB6] =	sst s10  }
0x38: {  	s10 =	sld [smem:$0x3FB7]  }
0x39: {  	_ = 	snop;
	(pc) =	sbr.ind lr, $3  }
0x3a: {  	_ = 	snop  }
0x3b: {  	_ = 	snop  }
0x3c: {  	p2 =	seq.s32 s10, $0x1;
	s10 =	sld [smem:$0x3FB6]  }
0x3d: {  	_ =	shalt  }
0x3e: {  	_ =	shalt  }
0x3f: {  	_ =	shalt  }
0x40: {  	_ =	shalt  }
0x41: {  	_ =	shalt  }
0x42: {  	_ =	shalt  }
0x43: {  	_ =	shalt  }
0x44: {  	_ =	shalt  }
0x45: {  	_ =	shalt  }
0x46: {  	_ =	shalt  }
0x47: {  	_ =	shalt  }
0x48: {  	_ =	shalt  }
0x49: {  	_ =	shalt  }
0x4a: {  	_ =	shalt  }
0x4b: {  	_ =	shalt  }
0x4c: {  	_ =	shalt  }
0x4d: {  	_ =	shalt  }
0x4e: {  	_ =	shalt  }
0x4f: {  	_ =	shalt  }
0x50: {  	_ =	shalt  }
0x51: {  	_ =	shalt  }
0x52: {  	_ =	shalt  }
0x53: {  	_ =	shalt  }
0x54: {  	_ =	shalt  }
0x55: {  	_ =	shalt  }
0x56: {  	_ =	shalt  }
0x57: {  	_ =	shalt  }
0x58: {  	_ =	shalt  }
0x59: {  	_ =	shalt  }
0x5a: {  	_ =	shalt  }
0x5b: {  	_ =	shalt  }
0x5c: {  	_ =	shalt  }
0x5d: {  	_ =	shalt  }
0x5e: {  	_ =	shalt  }
0x5f: {  	_ =	shalt  }
0x60: {  	_ =	shalt  }
0x61: {  	_ =	shalt  }
0x62: {  	_ =	shalt  }
0x63: {  	_ =	shalt  }
0x64: {  	_ =	shalt  }
0x65: {  	_ =	shalt  }
0x66: {  	_ =	shalt  }
0x67: {  	_ =	shalt  }
0x68: {  	_ =	shalt  }
0x69: {  	_ =	shalt  }
0x6a: {  	_ =	shalt  }
0x6b: {  	_ =	shalt  }
0x6c: {  	_ =	shalt  }
0x6d: {  	_ =	shalt  }
0x6e: {  	_ =	shalt  }
0x6f: {  	_ =	shalt  }
0x70: {  	_ =	shalt  }
0x71: {  	_ =	shalt  }
0x72: {  	_ =	shalt  }
0x73: {  	_ =	shalt  }
0x74: {  	_ =	shalt  }
0x75: {  	_ =	shalt  }
0x76: {  	_ =	shalt  }
0x77: {  	_ =	shalt  }
0x78: {  	_ =	shalt  }
0x79: {  	_ =	shalt  }
0x7a: {  	_ =	shalt  }
0x7b: {  	_ =	shalt  }
0x7c: {  	_ =	shalt  }
0x7d: {  	_ =	shalt  }
0x7e: {  	_ =	shalt  }
0x7f: {  	_ =	shalt  }
0x80: {  	_ =	shalt  }
0x81: {  	_ =	shalt  }
0x82: {  	_ =	shalt  }
0x83: {  	_ =	shalt  }
0x84: {  	_ =	shalt  }
0x85: {  	_ =	shalt  }
0x86: {  	_ =	shalt  }
0x87: {  	_ =	shalt  }
.Lfunc_end0:
.L_simem_size_0:
called_computation_lowered:
.L_overlay_start_0:
0x88: {  	s2 =	sld [smem:$0x3FD9]  }
0x89: {  	s3 =	sld [smem:$0x3FFE];
	_ =	sdelay $0x1  }
0x8a: {  	s1 =	srdreg.scid  }
0x8b: {  	s0 =	sand.u32 $0x1, s1  }
0x8c: {  	s17 =	sshll.u32 s0, $0xA;
	s2 =	sadd.s32 s3, s2  }
0x8d: {  	s2 =	sadd.s32 s2, s17  }
0x8e: {  	[smem:$0x3FC2] =	sst s2  }
0x8f: {  	_ = 	snop  }
0x90: {  	s2 =	sld [smem:$0x3FD0];
	(tm) =	ssettm $0x1  }
0x91: {  	s18 =	sld [smem:$0x3FFB];
	_ =	sdelay $0x3  }
0x92: {  	_ =	strace s18  }
0x93: {  	s3 =	sld [smem:$0x3FFC];
	_ =	sdelay $0x3  }
0x94: {  	_ =	strace s3  }
0x95: {  	s3 =	sld [smem:$0x3FFD];
	_ =	sdelay $0x3  }
0x96: {  	_ =	strace s3  }
0x97: {  	_ =	strace $0x8FFFFFFF  }
0x98: {  	s19 =	sld [smem:$0x3FDB];
	_ =	sdelay $0x1  }
0x99: {  	s4 =	simm.s32 $_scs_section_size  }
0x9a: {  	s5 =	simm.s32 $_size__tile_overlayer_lowered;
	s6 =	simm.s32 $_tile_overlayer_lowered  }
0x9b: {  	s22 =	simm.s32 $0x1BFF;
	s21 =	sshll.u32 s6, $0x1;
	s3 =	sadd.s32 s4, s19  }
0x9c: {  	s7 =	simm.s32 $0x0;
	s20 =	sshll.u32 s5, $0x1;
	s5 =	sadd.s32 s21, s3  }
0x9d: {  	[timem:s7], [sflag:s22] =	dma.local [hbm:s5], s20  }
0x9e: {  	_ =	swait.ge [sflag:s22], s20  }
0x9f: {  	s4 =	ssub.s32 $0x0, s20;
	[sflag:s22] =	ssyncset.done $0x0  }
0xa0: {  	[sflag:s22] =	ssyncadd.s32 s4;
	_ =	sdelay $0x1  }
0xa1: {  	s23 =	simm.s32 $0x1B8B  }
0xa2: {  	_ =	swait.ge [sflag:s23], $0x1  }
0xa3: {  	[sflag:s23] =	ssyncset.done $0x0  }
0xa4: {  	s25 =	simm.s32 $0x1B8E;
	s24 =	sld [smem:$0x3FFE];
	[sflag:s23] =	ssyncadd.s32 $0xFFFFFFFF  }
0xa5: {  	s26 =	simm.s32 $execute0_lowered;
	[smem:$0x3FD2] =	sst s25  }
0xa6: {  	s5 =	sshll.u32 s26, $0x1;
	_ =	strace $0x80000046;
	[dreg:$0x1] =	wrdreg $0xFFFFFFFF  }
0xa7: {  	s28 =	simm.s32 $_size_execute0_lowered;
	s3 =	sadd.s32 s3, s5;
	[dreg:$0x0] =	wrdreg $0x0  }
0xa8: {  	s5 =	sshll.u32 s28, $0x1;
	[dreg:$0x2] =	wrdreg s3  }
0xa9: {  	[dreg:$0x3] =	wrdreg s5  }
0xaa: {  	[dreg:$0x4] =	wrdreg $0xC0  }
0xab: {  	_ =	task [dreg:s7], $0x5FFFF  }
0xac: {  	[dreg:$0x1] =	wrdreg $0xFFFFFFFF  }
0xad: {  	[dreg:$0x0] =	wrdreg $0x60  }
0xae: {  	[dreg:$0x2] =	wrdreg s24  }
0xaf: {  	[dreg:$0x3] =	wrdreg s2  }
0xb0: {  	[dreg:$0x4] =	wrdreg $0x4F800  }
0xb1: {  	[dreg:$0x5] =	wrdreg $0x9  }
0xb2: {  	_ =	task.clear_ibuf [dreg:s7], $0x6FFFF;
	_ =	strace $0x90000046  }
0xb3: {  	s29 =	simm.s32 $0x9;
	_ =	strace $0x80000048  }
0xb4: {  	_ =	swait.ge [sflag:s29], $0x1  }
0xb5: {  	[sflag:s29] =	ssyncadd.s32 $0xFFFFFFFF  }
0xb6: {  	_ =	strace $0x90000048  }
0xb7: {  	_ =	sfence  }
0xb8: {  	s30 =	sld [smem:$0x0];
	_ =	sdelay $0x2  }
0xb9: {  	s31 =	sshll.u32 s1, $0xD;
	s1 =	sshrl.u32 s1, $0x2  }
0xba: {  	s3 =	sand.u32 $0x4000, s31;
	s1 =	sadd.s32 s1, s30  }
0xbb: {  	s0 =	sor.u32 s3, s0;
	s1 =	sshll.u32 s1, $0x11  }
0xbc: {  	s0 =	sor.u32 s1, s0  }
0xbd: {  	s0 =	sadd.s32 $0x8F2B, s0  }
0xbe: {  	[sflag:s0] =	ssyncadd.remote.s32 $0x1  }
0xbf: {  	_ =	sfence.sel $0xFFFF  }
0xc0: {  	[dreg:$0x0] =	wrdreg $0xFFFFFFFF;
	(pc) =	sbr.abs _section_cstart, $3  }
0xc1: {  	[dreg:$0x1] =	wrdreg $0xFFFFFFFF  }
0xc2: {  	_ =	task.clear_ibuf [dreg:s7], $0x2FFFF;
	_ =	strace $0x9FFFFFFF  }
0xc3: {  	(tm) =	ssettm $0x7FFFFFFF  }
tec
execute0_lowered:
.L_overlay_start_1:
0x0: {  	(tag) =	ssettag $0x1  }
0x1: {  	s15 =	rddreg [dreg:$0x0]  }
0x2: {  	s13 =	rddreg [dreg:$0x1]  }
0x3: {  	s2 =	rddreg [dreg:$0x2];
	s3 =	srdreg.scid  }
0x4: {  	s0 =	rddreg [dreg:$0x3];
	s1 =	stileid.u32  }
0x5: {  	s20 =	simm.s32 $0x0;
	s9 =	sand.u32 $0x1, s3;
	s10 =	smul.u32 $0x278, s1  }
0x6: {  	s3 =	simm.s32 $0x0;
	s19 =	smul.u32 $0x9D0, s1;
	s4 =	ssub.s32 $0x2, s9  }
0x7: {  	[smem:$0x7FF] =	sst s3;
	s18 =	smul.u32 $0x2780, s9;
	p0 =	seq.s32 s9, $0x1  }
0x8: {  	s5 =	sshrl.u32 s4, $0x1;
	_ =	strace $0x80000047;
	s11 =	sadd.s32 $0x80, s10  }
0x9: {  	s12 =	sadd.s32 $0x100, s10;
	s16 =	sadd.s32 $0x180, s10;
	s17 =	sadd.s32 $0x200, s10  }
0xa: {  	s14 =	ssub.s32 s4, s5;
	s4 =	sadd.s32 s10, s2;
	s5 =	sadd.s32 s11, s2  }
0xb: {  	s6 =	sadd.s32 s12, s2;
	s7 =	sadd.s32 s16, s2;
	s8 =	sadd.s32 s17, s2  }
0xc: {  	s26 =	sadd.s32 s10, s18;
	s28 =	sadd.s32 s18, s11;
	s29 =	sadd.s32 s18, s12  }
0xd: {  	s30 =	sadd.s32 s18, s16;
	s31 =	sadd.s32 s18, s17;
	s17 =	simm.s32 $0x2600  }
0xe: {  	s18 =	simm.s32 $0x80;
	s9 =	sshrl.u32 s26, $0x3;
	s10 =	sshrl.u32 s28, $0x3  }
0xf: {  	s11 =	sshrl.u32 s29, $0x3;
	s12 =	sshrl.u32 s30, $0x3;
	s16 =	sshrl.u32 s31, $0x3  }
0x10: {  	s17 =	simm.s32 @!p0 $0xC400;
	s14 =	smax.u32 s14, $0x1;
	s9 =	sadd.s32 s13, s9  }
0x11: {  	s10 =	sadd.s32 s13, s10;
	s11 =	sadd.s32 s13, s11;
	s12 =	sadd.s32 s13, s12  }
0x12: {  	s13 =	sadd.s32 s13, s16;
	s15 =	sadd.s32 s17, s15;
	s16 =	simm.s32 $0x4F00  }
0x13: {  	v0 =	vimm.f32 $1.000000000e+00;
	v1 =	vimm.f32 $0.0e+00;
	s17 =	simm.s32 $0x1;
	s15 =	sadd.s32 s15, s19;
	s19 =	simm.s32 $0x4E80  }
.LBB2_1:
0x14: {  	[tilespmem:$0x4E80] =	vst v0  }
0x15: {  	[tilespmem:$0x4F00] =	vst v1  }
0x16: {  	[tilespmem:$0x4E90] =	vst v0  }
0x17: {  	[tilespmem:$0x4F10] =	vst v1  }
0x18: {  	[tilespmem:$0x4EA0] =	vst v0  }
0x19: {  	[tilespmem:$0x4F20] =	vst v1  }
0x1a: {  	[tilespmem:$0x4EB0] =	vst v0  }
0x1b: {  	[tilespmem:$0x4F30] =	vst v1  }
0x1c: {  	[tilespmem:$0x4EC0] =	vst v0  }
0x1d: {  	[tilespmem:$0x4F40] =	vst v1  }
0x1e: {  	[tilespmem:$0x4ED0] =	vst v0  }
0x1f: {  	[tilespmem:$0x4F50] =	vst v1  }
0x20: {  	[tilespmem:$0x4EE0] =	vst v0  }
0x21: {  	[tilespmem:$0x4F60] =	vst v1  }
0x22: {  	[tilespmem:$0x4EF0] =	vst v0  }
0x23: {  	[tilespmem:$0x4F70] =	vst v1  }
0x24: {  	[spmem:s4] =	stream.linear.scatter [tilespmem:s16], [sflag:$0x1], $0x80, $0x38;
	[tilespmem:$0x51F8] =	vst v63  }
0x25: {  	_ =	swait.ge [sflag:s17], $0x80  }
0x26: {  	[sflag:s17] =	ssyncset.done $0x0  }
0x27: {  	[sflag:s17] =	ssyncadd.s32 $0xFFFFFF80  }
0x28: {  	[spmem:s5] =	stream.linear.scatter [tilespmem:s16], [sflag:$0x1], $0x80, $0x38;
	[tilespmem:$0x51F8] =	vst v63  }
0x29: {  	_ =	swait.ge [sflag:s17], $0x80  }
0x2a: {  	[sflag:s17] =	ssyncset.done $0x0  }
0x2b: {  	[sflag:s17] =	ssyncadd.s32 $0xFFFFFF80  }
0x2c: {  	[spmem:s6] =	stream.linear.scatter [tilespmem:s16], [sflag:$0x1], $0x80, $0x38;
	[tilespmem:$0x51F8] =	vst v63  }
0x2d: {  	_ =	swait.ge [sflag:s17], $0x80  }
0x2e: {  	[sflag:s17] =	ssyncset.done $0x0  }
0x2f: {  	[sflag:s17] =	ssyncadd.s32 $0xFFFFFF80  }
0x30: {  	[spmem:s7] =	stream.linear.scatter [tilespmem:s16], [sflag:$0x1], $0x80, $0x38;
	[tilespmem:$0x51F8] =	vst v63  }
0x31: {  	_ =	swait.ge [sflag:s17], $0x80  }
0x32: {  	[sflag:s17] =	ssyncset.done $0x0  }
0x33: {  	[sflag:s17] =	ssyncadd.s32 $0xFFFFFF80  }
0x34: {  	[spmem:s8] =	stream.linear.scatter [tilespmem:s16], [sflag:$0x1], $0x78, $0x38;
	[tilespmem:$0x51F8] =	vst v63  }
0x35: {  	_ =	swait.ge [sflag:s17], $0x78  }
0x36: {  	[sflag:s17] =	ssyncset.done $0x0  }
0x37: {  	[sflag:s17] =	ssyncadd.s32 $0xFFFFFF88  }
0x38: {  	[tilespmem:s3], [sflag:$0x1] =	stream.linear.gather [hbm4b:s15+s3], $0x4E80, $0x38;
	[tilespmem:$0x51F8] =	vst v63  }
0x39: {  	_ =	swait.ge [sflag:s17], $0x4E80  }
0x3a: {  	[sflag:s17] =	ssyncset.done $0x0  }
0x3b: {  	[sflag:s17] =	ssyncadd.s32 $0xFFFFB180  }
0x3c: {  	s21 =	simm.s32 $0x0;
	[bflag:$0x0] =	sbarrier.arrive $0xFFFF  }
0x3d: {  	[spmem:s2] =	stream.indirect.scatter.add.f32 [tilespmem:s19], [sflag:$0x1], $0x1, s21, s18, $0xb8;
	[tilespmem:$0x51F8] =	vst v63  }
0x3e: {  	_ =	swait.ge [sflag:s17], $0x80  }
0x3f: {  	s21 =	simm.s32 $0x200;
	[sflag:s17] =	ssyncset.done $0x0  }
.LBB2_2:
0x40: {  	s22 =	sshra.s32 s21, $0x2;
	[sflag:s17] =	ssyncadd.s32 $0xFFFFFF80;
	p0 =	sne.s32 s21, $0x13800  }
0x41: {  	[spmem:s2] =	stream.indirect.scatter.add.f32 [tilespmem:s19], [sflag:$0x1], $0x1, s22, s18, $0xb8;
	[tilespmem:$0x51F8] =	vst v63  }
.Ltmp0:
0x42: {  	_ = 	snop;
	(pc) =	sbr.rel @p0 .LBB2_2-.Ltmp0, $4  }
0x43: {  	_ = 	snop  }
0x44: {  	s21 =	sadd.s32 $0x200, s21  }
0x45: {  	_ =	swait.ge [sflag:s17], $0x80  }
0x46: {  	[sflag:s17] =	ssyncset.done $0x0  }
0x47: {  	[sflag:s17] =	ssyncadd.s32 $0xFFFFFF80  }
0x48: {  	[bflag:$0x0] =	sbarrier.arrive $0xFFFF  }
0x49: {  	[tilespmem:s16], [sflag:$0x1] =	stream.linear.gather [spmem:s4], $0x80, $0x38;
	[tilespmem:$0x51F8] =	vst v63  }
0x4a: {  	_ =	swait.ge [sflag:s17], $0x80  }
0x4b: {  	[sflag:s17] =	ssyncset.done $0x0  }
0x4c: {  	[sflag:s17] =	ssyncadd.s32 $0xFFFFFF80  }
0x4d: {  	[hbm4b:s9+s3] =	stream.linear.scatter [tilespmem:s16], [sflag:$0x1], $0x80, $0x38;
	[tilespmem:$0x51F8] =	vst v63  }
0x4e: {  	_ =	swait.ge [sflag:s17], $0x80  }
0x4f: {  	[sflag:s17] =	ssyncset.done $0x0  }
0x50: {  	[sflag:s17] =	ssyncadd.s32 $0xFFFFFF80  }
0x51: {  	[tilespmem:s16], [sflag:$0x1] =	stream.linear.gather [spmem:s5], $0x80, $0x38;
	[tilespmem:$0x51F8] =	vst v63  }
0x52: {  	_ =	swait.ge [sflag:s17], $0x80  }
0x53: {  	[sflag:s17] =	ssyncset.done $0x0  }
0x54: {  	[sflag:s17] =	ssyncadd.s32 $0xFFFFFF80  }
0x55: {  	[hbm4b:s10+s3] =	stream.linear.scatter [tilespmem:s16], [sflag:$0x1], $0x80, $0x38;
	[tilespmem:$0x51F8] =	vst v63  }
0x56: {  	_ =	swait.ge [sflag:s17], $0x80  }
0x57: {  	[sflag:s17] =	ssyncset.done $0x0  }
0x58: {  	[sflag:s17] =	ssyncadd.s32 $0xFFFFFF80  }
0x59: {  	[tilespmem:s16], [sflag:$0x1] =	stream.linear.gather [spmem:s6], $0x80, $0x38;
	[tilespmem:$0x51F8] =	vst v63  }
0x5a: {  	_ =	swait.ge [sflag:s17], $0x80  }
0x5b: {  	[sflag:s17] =	ssyncset.done $0x0  }
0x5c: {  	[sflag:s17] =	ssyncadd.s32 $0xFFFFFF80  }
0x5d: {  	[hbm4b:s11+s3] =	stream.linear.scatter [tilespmem:s16], [sflag:$0x1], $0x80, $0x38;
	[tilespmem:$0x51F8] =	vst v63  }
0x5e: {  	_ =	swait.ge [sflag:s17], $0x80  }
0x5f: {  	[sflag:s17] =	ssyncset.done $0x0  }
0x60: {  	[sflag:s17] =	ssyncadd.s32 $0xFFFFFF80  }
0x61: {  	[tilespmem:s16], [sflag:$0x1] =	stream.linear.gather [spmem:s7], $0x80, $0x38;
	[tilespmem:$0x51F8] =	vst v63  }
0x62: {  	_ =	swait.ge [sflag:s17], $0x80  }
0x63: {  	[sflag:s17] =	ssyncset.done $0x0  }
0x64: {  	[sflag:s17] =	ssyncadd.s32 $0xFFFFFF80  }
0x65: {  	[hbm4b:s12+s3] =	stream.linear.scatter [tilespmem:s16], [sflag:$0x1], $0x80, $0x38;
	[tilespmem:$0x51F8] =	vst v63  }
0x66: {  	_ =	swait.ge [sflag:s17], $0x80  }
0x67: {  	[sflag:s17] =	ssyncset.done $0x0  }
0x68: {  	[sflag:s17] =	ssyncadd.s32 $0xFFFFFF80  }
0x69: {  	[tilespmem:s16], [sflag:$0x1] =	stream.linear.gather [spmem:s8], $0x78, $0x38;
	[tilespmem:$0x51F8] =	vst v63  }
0x6a: {  	s20 =	sadd.s32 $0x1, s20;
	_ =	swait.ge [sflag:s17], $0x78  }
0x6b: {  	p0 =	sne.s32 s20, s14;
	[sflag:s17] =	ssyncset.done $0x0  }
.Ltmp1:
0x6c: {  	[sflag:s17] =	ssyncadd.s32 $0xFFFFFF88;
	(pc) =	sbr.rel @p0 .LBB2_1-.Ltmp1, $4  }
0x6d: {  	[hbm4b:s13+s3] =	stream.linear.scatter [tilespmem:s16], [sflag:$0x1], $0x78, $0x38;
	[tilespmem:$0x51F8] =	vst v63  }
0x6e: {  	_ =	swait.ge [sflag:s17], $0x78  }
0x6f: {  	[sflag:s17] =	ssyncset.done $0x0  }
0x70: {  	[sflag:s17] =	ssyncadd.s32 $0xFFFFFF88  }
0x71: {  	_ =	sfence.sel $0x180000  }
0x72: {  	[bflag:$0x0] =	sbarrier.arrive $0xFFFF  }
0x73: {  	p0 =	sne.s32 s1, $0x0;
	_ =	strace $0x90000047  }
0x74: {  	s0 =	sadd.s32 @!p0 $0x100000, s0;
	[bflag:$0x2] =	sbarrier.arrive $0xFFFF  }
0x75: {  	[sflag:s0] =	ssyncadd.tile.s32 @!p0 $0x1;
	_ =	shalt  }
.Lfunc_end2:
_tile_overlayer_lowered:
.L_overlay_start_2:
0x76: {  	(tag) =	ssettag $0x2  }
0x77: {  	s0 =	rddreg [dreg:$0x0];
	s2 =	stileid.u32  }
0x78: {  	s1 =	rddreg [dreg:$0x1];
	p0 =	sne.s32 s2, $0x0  }
0x79: {  	s3 =	rddreg [dreg:$0x2];
	[bflag:$0x3] =	sbarrier.arrive $0xFFFF;
	s2 =	simm.s32 @!p0 $0x1C01  }
0x7a: {  	[timem:s3], [sflag:s2] =	dma.local @!p0 [hbm:s0], s1  }
0x7b: {  	s0 =	simm.s32 @!p0 $0x1  }
0x7c: {  	_ =	swait.ge @!p0 [sflag:s0], s1  }
0x7d: {  	s1 =	ssub.s32 @!p0 $0x0, s1;
	[sflag:s0] =	ssyncset.done @!p0 $0x0  }
0x7e: {  	[sflag:s0] =	ssyncadd.s32 @!p0 s1  }
0x7f: {  	[bflag:$0x3] =	sbarrier.arrive $0xFFFF  }
0x80: {  	_ =	shalt  }

</sc_bundles>
